<compile_context>
chip_gen: v7x
topology: tpu7x:2x2x1
jax: 0.10.2.dev20260603
libtpu: 0.0.44.dev20260713+nightly
codegen_flags: <defaults>
</compile_context>

<pallas_src>
import functools

import jax
import jax.numpy as jnp
from jax import lax
from jax.experimental import pallas as pl
from jax.experimental.pallas import tpu as pltpu
from jax.experimental.pallas import tpu_sc as plsc

D = 64
L_SEQ = 200
NUM_CORES = 2
NUM_SUBCORES = 16
NW = NUM_CORES * NUM_SUBCORES
LANES = 16
GCHUNKS = ((0, 104), (104, 96))
NBUF = 4


def _sc_user_gather(user_ids, user_table, token):
    B = user_ids.shape[0]
    b_per_w = B // NW

    mesh = plsc.VectorSubcoreMesh(
        core_axis_name="c", subcore_axis_name="s",
        num_cores=NUM_CORES, num_subcores=NUM_SUBCORES)

    @functools.partial(
        pl.kernel,
        out_type=jax.ShapeDtypeStruct((B, D), jnp.float32),
        mesh=mesh,
        compiler_params=pltpu.CompilerParams(use_tc_tiling_on_sc=False),
        scratch_types=[
            pltpu.VMEM((b_per_w,), jnp.int32),
            pltpu.VMEM((b_per_w, D), jnp.float32),
            pltpu.SemaphoreType.DMA,
        ],
    )
    def u_kernel(uid_hbm, utab_hbm, tok_hbm, u_out, uidx, ubuf, usem):
        del tok_hbm
        wid = lax.axis_index("s") * NUM_CORES + lax.axis_index("c")
        base = wid * b_per_w
        pltpu.sync_copy(uid_hbm.at[pl.ds(base, b_per_w)], uidx)
        udescs = [
            pltpu.make_async_copy(
                utab_hbm.at[uidx.at[pl.ds(c * 128, 128)]],
                ubuf.at[pl.ds(c * 128, 128), :],
                usem)
            for c in range(b_per_w // 128)
        ]
        for d_ in udescs:
            d_.start()
        for d_ in udescs:
            d_.wait()
        pltpu.sync_copy(ubuf, u_out.at[pl.ds(base, b_per_w), :])

    return u_kernel(user_ids, user_table, token)


def _sc_seq_pool(seq, item_table):
    B = seq.shape[0]
    assert B % NW == 0
    b_per_w = B // NW
    half = 128
    nblk = b_per_w // half

    mesh = plsc.VectorSubcoreMesh(
        core_axis_name="c", subcore_axis_name="s",
        num_cores=NUM_CORES, num_subcores=NUM_SUBCORES)

    @functools.partial(
        pl.kernel,
        out_type=jax.ShapeDtypeStruct((B, D), jnp.float32),
        mesh=mesh,
        compiler_params=pltpu.CompilerParams(use_tc_tiling_on_sc=False),
        scratch_types=[
            pltpu.VMEM((half, L_SEQ), jnp.int32),
            pltpu.VMEM((NBUF, L_SEQ, D), jnp.float32),
            pltpu.VMEM((half, D), jnp.float32),
            pltpu.SemaphoreType.DMA,
            pltpu.SemaphoreType.DMA,
        ],
    )
    def sc_kernel(seq_hbm, itab_hbm, ssum_out, idx_v, gbuf, ostage,
                  gsem_a, gsem_b):
        wid = lax.axis_index("s") * NUM_CORES + lax.axis_index("c")
        base = wid * b_per_w

        def descs(r, slot):
            return [
                pltpu.make_async_copy(
                    itab_hbm.at[idx_v.at[r, pl.ds(off, n)]],
                    gbuf.at[slot, pl.ds(off, n), :],
                    sem)
                for (off, n), sem in zip(GCHUNKS, (gsem_a, gsem_b))
            ]

        def acc_rows(slot, lo, hi, acc):
            def acc_body(l, a):
                return tuple(
                    a[k] + gbuf[slot, l, pl.ds(k * LANES, LANES)]
                    for k in range(D // LANES))
            return lax.fori_loop(lo, hi, acc_body, acc, unroll=8)

        zeros4 = tuple(jnp.zeros((LANES,), jnp.float32)
                       for _ in range(D // LANES))

        for blk in range(nblk):
            row0 = base + blk * half
            pltpu.sync_copy(seq_hbm.at[pl.ds(row0, half), :], idx_v)
            for p in range(NBUF - 1):
                for d_ in descs(p, p):
                    d_.start()

            def row_body(r, carry):
                slot = lax.rem(r, NBUF)
                da, db = descs(r, slot)
                da.wait()

                nxt = r + NBUF - 1

                @pl.when(nxt < half)
                def _():
                    for d_ in descs(nxt, lax.rem(nxt, NBUF)):
                        d_.start()

                acc = acc_rows(slot, 0, GCHUNKS[0][1], zeros4)
                db.wait()
                acc = acc_rows(slot, GCHUNKS[0][1], L_SEQ, acc)
                for k in range(D // LANES):
                    ostage[r, pl.ds(k * LANES, LANES)] = acc[k]
                return carry

            lax.fori_loop(0, half, row_body, 0)
            pltpu.sync_copy(ostage, ssum_out.at[pl.ds(row0, half), :])

    return sc_kernel(seq, item_table)


def _mlp_kernel(u_ref, s_ref, seq_ref, slen_ref, e0_ref,
                w1a_ref, w1b_ref, w1c_ref, b1_ref, w2_ref, b2_ref, o_ref):
    seqblk = seq_ref[...]
    n0 = jnp.sum((seqblk == 0).astype(jnp.float32), axis=1, keepdims=True)
    cnt = jnp.float32(L_SEQ) - n0
    s = s_ref[...] - n0 * e0_ref[...]
    seq_vec = jnp.where(cnt > 0.0, s / (cnt + 1e-9), 0.0)
    slen = slen_ref[...].astype(jnp.float32)
    hp = jax.lax.Precision.HIGHEST
    h = (jnp.dot(u_ref[...], w1a_ref[...], precision=hp)
         + jnp.dot(seq_vec, w1b_ref[...], precision=hp)
         + slen * w1c_ref[...] + b1_ref[...])
    h = jnp.maximum(h, 0.0)
    o_ref[...] = (lax.dot_general(w2_ref[...], h, (((0,), (1,)), ((), ())),
                                  precision=hp)
                  + b2_ref[...])


def kernel(user_ids, seq, seq_len, user_table, item_table, W1, b1, W2, b2):
    B = user_ids.shape[0]
    user_ids = user_ids.astype(jnp.int32)
    ssum = _sc_seq_pool(seq, item_table)
    token = jnp.zeros((8,), jnp.float32) + ssum[0, :8]
    u_emb = _sc_user_gather(user_ids, user_table, token)

    e0 = item_table[0:1, :]
    w1a = W1[0:D, :]
    w1b = W1[D:2 * D, :]
    w1c = W1[2 * D:2 * D + 1, :]
    b1r = b1.reshape(1, -1)
    b2r = b2.reshape(-1, 1)
    slen = seq_len.reshape(B, 1).astype(jnp.int32)

    TB = 1024
    grid = (B // TB,)
    H = W1.shape[1]

    def row_spec(w):
        return pl.BlockSpec((TB, w), lambda i: (i, 0))

    def col_spec(hgt):
        return pl.BlockSpec((hgt, TB), lambda i: (0, i))

    def full_spec(a, b):
        return pl.BlockSpec((a, b), lambda i: (0, 0))

    out_t = pl.pallas_call(
        _mlp_kernel,
        grid=grid,
        in_specs=[
            row_spec(D), row_spec(D), row_spec(L_SEQ), row_spec(1),
            full_spec(1, D),
            full_spec(D, H), full_spec(D, H), full_spec(1, H),
            full_spec(1, H), full_spec(H, D), full_spec(D, 1),
        ],
        out_specs=col_spec(D),
        out_shape=jax.ShapeDtypeStruct((D, B), jnp.float32),
    )(u_emb, ssum, seq, slen, e0, w1a, w1b, w1c, b1r, W2, b2r)
    return out_t.T

# --- scband reference (transcript-rebuilt; emitter-appended) ---
"""Pipeline reference for scband-user-tower-20770461843613 (READ-ONLY COPY).

The authoritative reference and input builder live on the scoring server;
editing this copy changes nothing except your own understanding.
"""

import jax, jax.numpy as jnp
import numpy as np

NUM_USERS = 1000000
NUM_ITEMS = 1000000
EMBED_DIM = 64
B = 16384
L = 200

def setup_inputs(seed: int = 0) -> dict:
    key = jax.random.key(seed)
    ks = jax.random.split(key, 9)
    user_ids = jax.random.randint(ks[0], (B,), 0, NUM_USERS, dtype=jnp.int64) if jax.config.jax_enable_x64 else jax.random.randint(ks[0], (B,), 0, NUM_USERS, dtype=jnp.int32)
    seq = jax.random.randint(ks[1], (B, L), 0, NUM_ITEMS, dtype=jnp.int32)
    seq_len = jax.random.randint(ks[2], (B,), 0, L, dtype=jnp.int32)
    user_table = jax.random.normal(ks[3], (NUM_USERS + 1, EMBED_DIM), dtype=jnp.float32) * 0.01
    item_table = jax.random.normal(ks[4], (NUM_ITEMS + 1, EMBED_DIM), dtype=jnp.float32) * 0.01
    W1 = jax.random.normal(ks[5], (EMBED_DIM * 2 + 1, 128), dtype=jnp.float32) * 0.05
    b1 = jnp.zeros((128,), dtype=jnp.float32)
    W2 = jax.random.normal(ks[6], (128, EMBED_DIM), dtype=jnp.float32) * 0.05
    b2 = jnp.zeros((EMBED_DIM,), dtype=jnp.float32)
    return {"user_ids": user_ids, "seq": seq, "seq_len": seq_len,
            "user_table": user_table, "item_table": item_table,
            "W1": W1, "b1": b1, "W2": W2, "b2": b2}

def reference(user_ids, seq, seq_len, user_table, item_table, W1, b1, W2, b2):
    u_emb = jnp.take(user_table, user_ids, axis=0)            # [B, D]
    seq_emb = jnp.take(item_table, seq, axis=0)               # [B, L, D]
    mask = (seq != 0).astype(jnp.float32)[..., None]          # [B, L, 1]
    seq_sum = (seq_emb * mask).sum(axis=1)                    # [B, D]
    seq_cnt = mask.sum(axis=1) + 1e-9                         # [B, 1]
    seq_vec_nonzero = seq_sum / seq_cnt
    seq_vec = jnp.where(mask.sum() > 0, seq_vec_nonzero, jnp.zeros_like(u_emb))
    seq_len_feat = seq_len[:, None].astype(jnp.float32)       # [B, 1]
    x = jnp.concatenate([u_emb, seq_vec, seq_len_feat], axis=-1)
    h = jax.nn.relu(x @ W1 + b1)
    user_vec = h @ W2 + b2
    return user_vec

if __name__ == "__main__":
    import jax
    _d = setup_inputs()
    print(jax.jit(kernel)(*tuple(_d.values())))

</pallas_src>

<mosaic_0001>
#map = affine_map<(d0, d1) -> (0)>
#map1 = affine_map<(d0, d1) -> (0, 0)>
module attributes {stable_mosaic.version = 14 : i64} {
  func.func @u_kernel(%arg0: i32, %arg1: i32, %arg2: memref<16384xi32, #tpu.memory_space<hbm>>, %arg3: memref<1000001x64xf32, #tpu.memory_space<hbm>>, %arg4: memref<8xf32, #tpu.memory_space<hbm>>, %arg5: memref<16384x64xf32, #tpu.memory_space<hbm>>, %arg6: memref<512xi32, #tpu.memory_space<vmem>>, %arg7: memref<512x64xf32, #tpu.memory_space<vmem>>, %arg8: memref<!tpu.dma_semaphore, #tpu.memory_space<semaphore_mem>>) attributes {dimension_semantics = [#tpu.dimension_semantics<core_parallel>, #tpu.dimension_semantics<subcore_parallel>], iteration_bounds = array<i64: 2, 16>, scalar_prefetch = 0 : i64, scratch_operands = 3 : i64, tpu.core_type = #tpu.core_type<sc_vector_subcore>, window_params = [{transform_indices = #map}, {transform_indices = #map1}, {transform_indices = #map}, {transform_indices = #map1}]} {
    %mul3A = arith.constant 2 : i32
    %mul3A_0 = arith.muli %arg1, %mul3A : i32
    %add3A = arith.addi %mul3A_0, %arg0 : i32
    %mul3A_1 = arith.constant 512 : i32
    %mul3A_2 = arith.muli %add3A, %mul3A_1 : i32
    "tpu.region"() ({
      %run_scoped3A = tpu.sem_alloc : memref<!tpu.dma_semaphore, #tpu.memory_space<semaphore_mem>>
      %dma_start3A_65 = tpu.memref_slice %arg2[%mul3A_2] : memref<16384xi32, #tpu.memory_space<hbm>> -> memref<512xi32, #tpu.memory_space<hbm>>
      %dma_start3A_66 = tpu.memref_slice %arg2[%mul3A_2] : memref<16384xi32, #tpu.memory_space<hbm>> -> memref<512xi32, #tpu.memory_space<hbm>>
      tpu.enqueue_dma source(%dma_start3A_66 : memref<512xi32, #tpu.memory_space<hbm>>) target(%arg6 : memref<512xi32, #tpu.memory_space<vmem>>) target_semaphore(%run_scoped3A : memref<!tpu.dma_semaphore, #tpu.memory_space<semaphore_mem>>)
      %dma_wait3A_67 = tpu.memref_slice %arg2[%mul3A_2] : memref<16384xi32, #tpu.memory_space<hbm>> -> memref<512xi32, #tpu.memory_space<hbm>>
      %dma_wait3A_68 = tpu.memref_slice %arg2[%mul3A_2] : memref<16384xi32, #tpu.memory_space<hbm>> -> memref<512xi32, #tpu.memory_space<hbm>>
      tpu.wait_dma2 semaphore(%run_scoped3A : memref<!tpu.dma_semaphore, #tpu.memory_space<semaphore_mem>>) src(%dma_wait3A_68 : memref<512xi32, #tpu.memory_space<hbm>>) dst(%arg6 : memref<512xi32, #tpu.memory_space<vmem>>)
      tpu.yield
    }) : () -> ()
    %dma_start3A = arith.constant 0 : i32
    %dma_start3A_3 = arith.constant 0 : i32
    %dma_start3A_4 = tpu.memref_slice %arg7[%dma_start3A, %dma_start3A_3] : memref<512x64xf32, #tpu.memory_space<vmem>> -> memref<128x64xf32, #tpu.memory_space<vmem>>
    %dma_start3A_5 = arith.constant 0 : i32
    %dma_start3A_6 = tpu.memref_slice %arg6[%dma_start3A_5] : memref<512xi32, #tpu.memory_space<vmem>> -> memref<128xi32, #tpu.memory_space<vmem>>
    %dma_start3A_7 = arith.constant 0 : i32
    %dma_start3A_8 = arith.constant 0 : i32
    %dma_start3A_9 = tpu.memref_slice %arg3[%dma_start3A_7, %dma_start3A_8] : memref<1000001x64xf32, #tpu.memory_space<hbm>> -> memref<1000001x64xf32, #tpu.memory_space<hbm>>
    tpu.enqueue_indirect_dma source(%dma_start3A_9 : memref<1000001x64xf32, #tpu.memory_space<hbm>>) target(%dma_start3A_4 : memref<128x64xf32, #tpu.memory_space<vmem>>) offsets(%dma_start3A_6 : memref<128xi32, #tpu.memory_space<vmem>>) semaphore(%arg8 : memref<!tpu.dma_semaphore, #tpu.memory_space<semaphore_mem>>)
    %dma_start3A_10 = arith.constant 128 : i32
    %dma_start3A_11 = arith.constant 0 : i32
    %dma_start3A_12 = tpu.memref_slice %arg7[%dma_start3A_10, %dma_start3A_11] : memref<512x64xf32, #tpu.memory_space<vmem>> -> memref<128x64xf32, #tpu.memory_space<vmem>>
    %dma_start3A_13 = arith.constant 128 : i32
    %dma_start3A_14 = tpu.memref_slice %arg6[%dma_start3A_13] : memref<512xi32, #tpu.memory_space<vmem>> -> memref<128xi32, #tpu.memory_space<vmem>>
    %dma_start3A_15 = arith.constant 0 : i32
    %dma_start3A_16 = arith.constant 0 : i32
    %dma_start3A_17 = tpu.memref_slice %arg3[%dma_start3A_15, %dma_start3A_16] : memref<1000001x64xf32, #tpu.memory_space<hbm>> -> memref<1000001x64xf32, #tpu.memory_space<hbm>>
    tpu.enqueue_indirect_dma source(%dma_start3A_17 : memref<1000001x64xf32, #tpu.memory_space<hbm>>) target(%dma_start3A_12 : memref<128x64xf32, #tpu.memory_space<vmem>>) offsets(%dma_start3A_14 : memref<128xi32, #tpu.memory_space<vmem>>) semaphore(%arg8 : memref<!tpu.dma_semaphore, #tpu.memory_space<semaphore_mem>>)
    %dma_start3A_18 = arith.constant 256 : i32
    %dma_start3A_19 = arith.constant 0 : i32
    %dma_start3A_20 = tpu.memref_slice %arg7[%dma_start3A_18, %dma_start3A_19] : memref<512x64xf32, #tpu.memory_space<vmem>> -> memref<128x64xf32, #tpu.memory_space<vmem>>
    %dma_start3A_21 = arith.constant 256 : i32
    %dma_start3A_22 = tpu.memref_slice %arg6[%dma_start3A_21] : memref<512xi32, #tpu.memory_space<vmem>> -> memref<128xi32, #tpu.memory_space<vmem>>
    %dma_start3A_23 = arith.constant 0 : i32
    %dma_start3A_24 = arith.constant 0 : i32
    %dma_start3A_25 = tpu.memref_slice %arg3[%dma_start3A_23, %dma_start3A_24] : memref<1000001x64xf32, #tpu.memory_space<hbm>> -> memref<1000001x64xf32, #tpu.memory_space<hbm>>
    tpu.enqueue_indirect_dma source(%dma_start3A_25 : memref<1000001x64xf32, #tpu.memory_space<hbm>>) target(%dma_start3A_20 : memref<128x64xf32, #tpu.memory_space<vmem>>) offsets(%dma_start3A_22 : memref<128xi32, #tpu.memory_space<vmem>>) semaphore(%arg8 : memref<!tpu.dma_semaphore, #tpu.memory_space<semaphore_mem>>)
    %dma_start3A_26 = arith.constant 384 : i32
    %dma_start3A_27 = arith.constant 0 : i32
    %dma_start3A_28 = tpu.memref_slice %arg7[%dma_start3A_26, %dma_start3A_27] : memref<512x64xf32, #tpu.memory_space<vmem>> -> memref<128x64xf32, #tpu.memory_space<vmem>>
    %dma_start3A_29 = arith.constant 384 : i32
    %dma_start3A_30 = tpu.memref_slice %arg6[%dma_start3A_29] : memref<512xi32, #tpu.memory_space<vmem>> -> memref<128xi32, #tpu.memory_space<vmem>>
    %dma_start3A_31 = arith.constant 0 : i32
    %dma_start3A_32 = arith.constant 0 : i32
    %dma_start3A_33 = tpu.memref_slice %arg3[%dma_start3A_31, %dma_start3A_32] : memref<1000001x64xf32, #tpu.memory_space<hbm>> -> memref<1000001x64xf32, #tpu.memory_space<hbm>>
    tpu.enqueue_indirect_dma source(%dma_start3A_33 : memref<1000001x64xf32, #tpu.memory_space<hbm>>) target(%dma_start3A_28 : memref<128x64xf32, #tpu.memory_space<vmem>>) offsets(%dma_start3A_30 : memref<128xi32, #tpu.memory_space<vmem>>) semaphore(%arg8 : memref<!tpu.dma_semaphore, #tpu.memory_space<semaphore_mem>>)
    %dma_wait3A = arith.constant 0 : i32
    %dma_wait3A_34 = arith.constant 0 : i32
    %dma_wait3A_35 = tpu.memref_slice %arg7[%dma_wait3A, %dma_wait3A_34] : memref<512x64xf32, #tpu.memory_space<vmem>> -> memref<128x64xf32, #tpu.memory_space<vmem>>
    %dma_wait3A_36 = arith.constant 0 : i32
    %dma_wait3A_37 = tpu.memref_slice %arg6[%dma_wait3A_36] : memref<512xi32, #tpu.memory_space<vmem>> -> memref<128xi32, #tpu.memory_space<vmem>>
    %dma_wait3A_38 = arith.constant 0 : i32
    %dma_wait3A_39 = arith.constant 0 : i32
    %dma_wait3A_40 = tpu.memref_slice %arg3[%dma_wait3A_38, %dma_wait3A_39] : memref<1000001x64xf32, #tpu.memory_space<hbm>> -> memref<1000001x64xf32, #tpu.memory_space<hbm>>
    tpu.wait_indirect_dma semaphore(%arg8 : memref<!tpu.dma_semaphore, #tpu.memory_space<semaphore_mem>>) src(%dma_wait3A_40 : memref<1000001x64xf32, #tpu.memory_space<hbm>>) dst(%dma_wait3A_35 : memref<128x64xf32, #tpu.memory_space<vmem>>)
    %dma_wait3A_41 = arith.constant 128 : i32
    %dma_wait3A_42 = arith.constant 0 : i32
    %dma_wait3A_43 = tpu.memref_slice %arg7[%dma_wait3A_41, %dma_wait3A_42] : memref<512x64xf32, #tpu.memory_space<vmem>> -> memref<128x64xf32, #tpu.memory_space<vmem>>
    %dma_wait3A_44 = arith.constant 128 : i32
    %dma_wait3A_45 = tpu.memref_slice %arg6[%dma_wait3A_44] : memref<512xi32, #tpu.memory_space<vmem>> -> memref<128xi32, #tpu.memory_space<vmem>>
    %dma_wait3A_46 = arith.constant 0 : i32
    %dma_wait3A_47 = arith.constant 0 : i32
    %dma_wait3A_48 = tpu.memref_slice %arg3[%dma_wait3A_46, %dma_wait3A_47] : memref<1000001x64xf32, #tpu.memory_space<hbm>> -> memref<1000001x64xf32, #tpu.memory_space<hbm>>
    tpu.wait_indirect_dma semaphore(%arg8 : memref<!tpu.dma_semaphore, #tpu.memory_space<semaphore_mem>>) src(%dma_wait3A_48 : memref<1000001x64xf32, #tpu.memory_space<hbm>>) dst(%dma_wait3A_43 : memref<128x64xf32, #tpu.memory_space<vmem>>)
    %dma_wait3A_49 = arith.constant 256 : i32
    %dma_wait3A_50 = arith.constant 0 : i32
    %dma_wait3A_51 = tpu.memref_slice %arg7[%dma_wait3A_49, %dma_wait3A_50] : memref<512x64xf32, #tpu.memory_space<vmem>> -> memref<128x64xf32, #tpu.memory_space<vmem>>
    %dma_wait3A_52 = arith.constant 256 : i32
    %dma_wait3A_53 = tpu.memref_slice %arg6[%dma_wait3A_52] : memref<512xi32, #tpu.memory_space<vmem>> -> memref<128xi32, #tpu.memory_space<vmem>>
    %dma_wait3A_54 = arith.constant 0 : i32
    %dma_wait3A_55 = arith.constant 0 : i32
    %dma_wait3A_56 = tpu.memref_slice %arg3[%dma_wait3A_54, %dma_wait3A_55] : memref<1000001x64xf32, #tpu.memory_space<hbm>> -> memref<1000001x64xf32, #tpu.memory_space<hbm>>
    tpu.wait_indirect_dma semaphore(%arg8 : memref<!tpu.dma_semaphore, #tpu.memory_space<semaphore_mem>>) src(%dma_wait3A_56 : memref<1000001x64xf32, #tpu.memory_space<hbm>>) dst(%dma_wait3A_51 : memref<128x64xf32, #tpu.memory_space<vmem>>)
    %dma_wait3A_57 = arith.constant 384 : i32
    %dma_wait3A_58 = arith.constant 0 : i32
    %dma_wait3A_59 = tpu.memref_slice %arg7[%dma_wait3A_57, %dma_wait3A_58] : memref<512x64xf32, #tpu.memory_space<vmem>> -> memref<128x64xf32, #tpu.memory_space<vmem>>
    %dma_wait3A_60 = arith.constant 384 : i32
    %dma_wait3A_61 = tpu.memref_slice %arg6[%dma_wait3A_60] : memref<512xi32, #tpu.memory_space<vmem>> -> memref<128xi32, #tpu.memory_space<vmem>>
    %dma_wait3A_62 = arith.constant 0 : i32
    %dma_wait3A_63 = arith.constant 0 : i32
    %dma_wait3A_64 = tpu.memref_slice %arg3[%dma_wait3A_62, %dma_wait3A_63] : memref<1000001x64xf32, #tpu.memory_space<hbm>> -> memref<1000001x64xf32, #tpu.memory_space<hbm>>
    tpu.wait_indirect_dma semaphore(%arg8 : memref<!tpu.dma_semaphore, #tpu.memory_space<semaphore_mem>>) src(%dma_wait3A_64 : memref<1000001x64xf32, #tpu.memory_space<hbm>>) dst(%dma_wait3A_59 : memref<128x64xf32, #tpu.memory_space<vmem>>)
    "tpu.region"() ({
      %run_scoped3A = tpu.sem_alloc : memref<!tpu.dma_semaphore, #tpu.memory_space<semaphore_mem>>
      %dma_start3A_65 = arith.constant 0 : i32
      %dma_start3A_66 = tpu.memref_slice %arg5[%mul3A_2, %dma_start3A_65] : memref<16384x64xf32, #tpu.memory_space<hbm>> -> memref<512x64xf32, #tpu.memory_space<hbm>>
      %dma_start3A_67 = arith.constant 0 : i32
      %dma_start3A_68 = tpu.memref_slice %arg5[%mul3A_2, %dma_start3A_67] : memref<16384x64xf32, #tpu.memory_space<hbm>> -> memref<512x64xf32, #tpu.memory_space<hbm>>
      tpu.enqueue_dma source(%arg7 : memref<512x64xf32, #tpu.memory_space<vmem>>) target(%dma_start3A_68 : memref<512x64xf32, #tpu.memory_space<hbm>>) target_semaphore(%run_scoped3A : memref<!tpu.dma_semaphore, #tpu.memory_space<semaphore_mem>>)
      %dma_wait3A_69 = arith.constant 0 : i32
      %dma_wait3A_70 = tpu.memref_slice %arg5[%mul3A_2, %dma_wait3A_69] : memref<16384x64xf32, #tpu.memory_space<hbm>> -> memref<512x64xf32, #tpu.memory_space<hbm>>
      %dma_wait3A_71 = arith.constant 0 : i32
      %dma_wait3A_72 = tpu.memref_slice %arg5[%mul3A_2, %dma_wait3A_71] : memref<16384x64xf32, #tpu.memory_space<hbm>> -> memref<512x64xf32, #tpu.memory_space<hbm>>
      tpu.wait_dma2 semaphore(%run_scoped3A : memref<!tpu.dma_semaphore, #tpu.memory_space<semaphore_mem>>) src(%arg7 : memref<512x64xf32, #tpu.memory_space<vmem>>) dst(%dma_wait3A_72 : memref<512x64xf32, #tpu.memory_space<hbm>>)
      tpu.yield
    }) : () -> ()
    return
  }
}

#map = affine_map<(d0, d1) -> (0, 0)>
module attributes {stable_mosaic.version = 14 : i64} {
  func.func @sc_kernel(%arg0: i32, %arg1: i32, %arg2: memref<16384x200xi32, #tpu.memory_space<hbm>>, %arg3: memref<1000001x64xf32, #tpu.memory_space<hbm>>, %arg4: memref<16384x64xf32, #tpu.memory_space<hbm>>, %arg5: memref<128x200xi32, #tpu.memory_space<vmem>>, %arg6: memref<4x200x64xf32, #tpu.memory_space<vmem>>, %arg7: memref<128x64xf32, #tpu.memory_space<vmem>>, %arg8: memref<!tpu.dma_semaphore, #tpu.memory_space<semaphore_mem>>, %arg9: memref<!tpu.dma_semaphore, #tpu.memory_space<semaphore_mem>>) attributes {dimension_semantics = [#tpu.dimension_semantics<core_parallel>, #tpu.dimension_semantics<subcore_parallel>], iteration_bounds = array<i64: 2, 16>, scalar_prefetch = 0 : i64, scratch_operands = 5 : i64, tpu.core_type = #tpu.core_type<sc_vector_subcore>, window_params = [{transform_indices = #map}, {transform_indices = #map}, {transform_indices = #map}]} {
    %mul3A = arith.constant 2 : i32
    %mul3A_0 = arith.muli %arg1, %mul3A : i32
    %add3A = arith.addi %mul3A_0, %arg0 : i32
    %mul3A_1 = arith.constant 512 : i32
    %mul3A_2 = arith.muli %add3A, %mul3A_1 : i32
    %broadcast_in_dim3A = arith.constant 0.000000e+00 : f32
    %broadcast_in_dim3A_3 = vector.broadcast %broadcast_in_dim3A : f32 to vector<16xf32>
    %broadcast_in_dim3A_4 = arith.constant 0.000000e+00 : f32
    %broadcast_in_dim3A_5 = vector.broadcast %broadcast_in_dim3A_4 : f32 to vector<16xf32>
    %broadcast_in_dim3A_6 = arith.constant 0.000000e+00 : f32
    %broadcast_in_dim3A_7 = vector.broadcast %broadcast_in_dim3A_6 : f32 to vector<16xf32>
    %broadcast_in_dim3A_8 = arith.constant 0.000000e+00 : f32
    %broadcast_in_dim3A_9 = vector.broadcast %broadcast_in_dim3A_8 : f32 to vector<16xf32>
    %add3A_10 = arith.constant 0 : i32
    %add3A_11 = arith.addi %mul3A_2, %add3A_10 : i32
    "tpu.region"() ({
      %run_scoped3A = tpu.sem_alloc : memref<!tpu.dma_semaphore, #tpu.memory_space<semaphore_mem>>
      %dma_start3A_328 = arith.constant 0 : i32
      %dma_start3A_329 = tpu.memref_slice %arg2[%add3A_11, %dma_start3A_328] : memref<16384x200xi32, #tpu.memory_space<hbm>> -> memref<128x200xi32, #tpu.memory_space<hbm>>
      %dma_start3A_330 = arith.constant 0 : i32
      %dma_start3A_331 = tpu.memref_slice %arg2[%add3A_11, %dma_start3A_330] : memref<16384x200xi32, #tpu.memory_space<hbm>> -> memref<128x200xi32, #tpu.memory_space<hbm>>
      tpu.enqueue_dma source(%dma_start3A_331 : memref<128x200xi32, #tpu.memory_space<hbm>>) target(%arg5 : memref<128x200xi32, #tpu.memory_space<vmem>>) target_semaphore(%run_scoped3A : memref<!tpu.dma_semaphore, #tpu.memory_space<semaphore_mem>>)
      %dma_wait3A = arith.constant 0 : i32
      %dma_wait3A_332 = tpu.memref_slice %arg2[%add3A_11, %dma_wait3A] : memref<16384x200xi32, #tpu.memory_space<hbm>> -> memref<128x200xi32, #tpu.memory_space<hbm>>
      %dma_wait3A_333 = arith.constant 0 : i32
      %dma_wait3A_334 = tpu.memref_slice %arg2[%add3A_11, %dma_wait3A_333] : memref<16384x200xi32, #tpu.memory_space<hbm>> -> memref<128x200xi32, #tpu.memory_space<hbm>>
      tpu.wait_dma2 semaphore(%run_scoped3A : memref<!tpu.dma_semaphore, #tpu.memory_space<semaphore_mem>>) src(%dma_wait3A_334 : memref<128x200xi32, #tpu.memory_space<hbm>>) dst(%arg5 : memref<128x200xi32, #tpu.memory_space<vmem>>)
      tpu.yield
    }) : () -> ()
    %dma_start3A = arith.constant 0 : i32
    %dma_start3A_12 = arith.constant 0 : i32
    %dma_start3A_13 = arith.constant 0 : i32
    %dma_start3A_14 = arith.constant 0 : i32
    %dma_start3A_15 = tpu.memref_slice %arg6[%dma_start3A_12, %dma_start3A_13, %dma_start3A_14] : memref<4x200x64xf32, #tpu.memory_space<vmem>> -> memref<1x104x64xf32, #tpu.memory_space<vmem>>
    %dma_start3A_16 = tpu.memref_squeeze %dma_start3A_15 : memref<1x104x64xf32, #tpu.memory_space<vmem>> -> memref<104x64xf32, #tpu.memory_space<vmem>>
    %dma_start3A_17 = arith.constant 0 : i32
    %dma_start3A_18 = tpu.memref_slice %arg5[%dma_start3A, %dma_start3A_17] : memref<128x200xi32, #tpu.memory_space<vmem>> -> memref<1x104xi32, #tpu.memory_space<vmem>>
    %dma_start3A_19 = tpu.memref_squeeze %dma_start3A_18 : memref<1x104xi32, #tpu.memory_space<vmem>> -> memref<104xi32, #tpu.memory_space<vmem>>
    %dma_start3A_20 = arith.constant 0 : i32
    %dma_start3A_21 = arith.constant 0 : i32
    %dma_start3A_22 = tpu.memref_slice %arg3[%dma_start3A_20, %dma_start3A_21] : memref<1000001x64xf32, #tpu.memory_space<hbm>> -> memref<1000001x64xf32, #tpu.memory_space<hbm>>
    tpu.enqueue_indirect_dma source(%dma_start3A_22 : memref<1000001x64xf32, #tpu.memory_space<hbm>>) target(%dma_start3A_16 : memref<104x64xf32, #tpu.memory_space<vmem>>) offsets(%dma_start3A_19 : memref<104xi32, #tpu.memory_space<vmem>>) semaphore(%arg8 : memref<!tpu.dma_semaphore, #tpu.memory_space<semaphore_mem>>)
    %dma_start3A_23 = arith.constant 0 : i32
    %dma_start3A_24 = arith.constant 0 : i32
    %dma_start3A_25 = arith.constant 104 : i32
    %dma_start3A_26 = arith.constant 0 : i32
    %dma_start3A_27 = tpu.memref_slice %arg6[%dma_start3A_24, %dma_start3A_25, %dma_start3A_26] : memref<4x200x64xf32, #tpu.memory_space<vmem>> -> memref<1x96x64xf32, #tpu.memory_space<vmem>>
    %dma_start3A_28 = tpu.memref_squeeze %dma_start3A_27 : memref<1x96x64xf32, #tpu.memory_space<vmem>> -> memref<96x64xf32, #tpu.memory_space<vmem>>
    %dma_start3A_29 = arith.constant 104 : i32
    %dma_start3A_30 = tpu.memref_slice %arg5[%dma_start3A_23, %dma_start3A_29] : memref<128x200xi32, #tpu.memory_space<vmem>> -> memref<1x96xi32, #tpu.memory_space<vmem>>
    %dma_start3A_31 = tpu.memref_squeeze %dma_start3A_30 : memref<1x96xi32, #tpu.memory_space<vmem>> -> memref<96xi32, #tpu.memory_space<vmem>>
    %dma_start3A_32 = arith.constant 0 : i32
    %dma_start3A_33 = arith.constant 0 : i32
    %dma_start3A_34 = tpu.memref_slice %arg3[%dma_start3A_32, %dma_start3A_33] : memref<1000001x64xf32, #tpu.memory_space<hbm>> -> memref<1000001x64xf32, #tpu.memory_space<hbm>>
    tpu.enqueue_indirect_dma source(%dma_start3A_34 : memref<1000001x64xf32, #tpu.memory_space<hbm>>) target(%dma_start3A_28 : memref<96x64xf32, #tpu.memory_space<vmem>>) offsets(%dma_start3A_31 : memref<96xi32, #tpu.memory_space<vmem>>) semaphore(%arg9 : memref<!tpu.dma_semaphore, #tpu.memory_space<semaphore_mem>>)
    %dma_start3A_35 = arith.constant 1 : i32
    %dma_start3A_36 = arith.constant 1 : i32
    %dma_start3A_37 = arith.constant 0 : i32
    %dma_start3A_38 = arith.constant 0 : i32
    %dma_start3A_39 = tpu.memref_slice %arg6[%dma_start3A_36, %dma_start3A_37, %dma_start3A_38] : memref<4x200x64xf32, #tpu.memory_space<vmem>> -> memref<1x104x64xf32, #tpu.memory_space<vmem>>
    %dma_start3A_40 = tpu.memref_squeeze %dma_start3A_39 : memref<1x104x64xf32, #tpu.memory_space<vmem>> -> memref<104x64xf32, #tpu.memory_space<vmem>>
    %dma_start3A_41 = arith.constant 0 : i32
    %dma_start3A_42 = tpu.memref_slice %arg5[%dma_start3A_35, %dma_start3A_41] : memref<128x200xi32, #tpu.memory_space<vmem>> -> memref<1x104xi32, #tpu.memory_space<vmem>>
    %dma_start3A_43 = tpu.memref_squeeze %dma_start3A_42 : memref<1x104xi32, #tpu.memory_space<vmem>> -> memref<104xi32, #tpu.memory_space<vmem>>
    %dma_start3A_44 = arith.constant 0 : i32
    %dma_start3A_45 = arith.constant 0 : i32
    %dma_start3A_46 = tpu.memref_slice %arg3[%dma_start3A_44, %dma_start3A_45] : memref<1000001x64xf32, #tpu.memory_space<hbm>> -> memref<1000001x64xf32, #tpu.memory_space<hbm>>
    tpu.enqueue_indirect_dma source(%dma_start3A_46 : memref<1000001x64xf32, #tpu.memory_space<hbm>>) target(%dma_start3A_40 : memref<104x64xf32, #tpu.memory_space<vmem>>) offsets(%dma_start3A_43 : memref<104xi32, #tpu.memory_space<vmem>>) semaphore(%arg8 : memref<!tpu.dma_semaphore, #tpu.memory_space<semaphore_mem>>)
    %dma_start3A_47 = arith.constant 1 : i32
    %dma_start3A_48 = arith.constant 1 : i32
    %dma_start3A_49 = arith.constant 104 : i32
    %dma_start3A_50 = arith.constant 0 : i32
    %dma_start3A_51 = tpu.memref_slice %arg6[%dma_start3A_48, %dma_start3A_49, %dma_start3A_50] : memref<4x200x64xf32, #tpu.memory_space<vmem>> -> memref<1x96x64xf32, #tpu.memory_space<vmem>>
    %dma_start3A_52 = tpu.memref_squeeze %dma_start3A_51 : memref<1x96x64xf32, #tpu.memory_space<vmem>> -> memref<96x64xf32, #tpu.memory_space<vmem>>
    %dma_start3A_53 = arith.constant 104 : i32
    %dma_start3A_54 = tpu.memref_slice %arg5[%dma_start3A_47, %dma_start3A_53] : memref<128x200xi32, #tpu.memory_space<vmem>> -> memref<1x96xi32, #tpu.memory_space<vmem>>
    %dma_start3A_55 = tpu.memref_squeeze %dma_start3A_54 : memref<1x96xi32, #tpu.memory_space<vmem>> -> memref<96xi32, #tpu.memory_space<vmem>>
    %dma_start3A_56 = arith.constant 0 : i32
    %dma_start3A_57 = arith.constant 0 : i32
    %dma_start3A_58 = tpu.memref_slice %arg3[%dma_start3A_56, %dma_start3A_57] : memref<1000001x64xf32, #tpu.memory_space<hbm>> -> memref<1000001x64xf32, #tpu.memory_space<hbm>>
    tpu.enqueue_indirect_dma source(%dma_start3A_58 : memref<1000001x64xf32, #tpu.memory_space<hbm>>) target(%dma_start3A_52 : memref<96x64xf32, #tpu.memory_space<vmem>>) offsets(%dma_start3A_55 : memref<96xi32, #tpu.memory_space<vmem>>) semaphore(%arg9 : memref<!tpu.dma_semaphore, #tpu.memory_space<semaphore_mem>>)
    %dma_start3A_59 = arith.constant 2 : i32
    %dma_start3A_60 = arith.constant 2 : i32
    %dma_start3A_61 = arith.constant 0 : i32
    %dma_start3A_62 = arith.constant 0 : i32
    %dma_start3A_63 = tpu.memref_slice %arg6[%dma_start3A_60, %dma_start3A_61, %dma_start3A_62] : memref<4x200x64xf32, #tpu.memory_space<vmem>> -> memref<1x104x64xf32, #tpu.memory_space<vmem>>
    %dma_start3A_64 = tpu.memref_squeeze %dma_start3A_63 : memref<1x104x64xf32, #tpu.memory_space<vmem>> -> memref<104x64xf32, #tpu.memory_space<vmem>>
    %dma_start3A_65 = arith.constant 0 : i32
    %dma_start3A_66 = tpu.memref_slice %arg5[%dma_start3A_59, %dma_start3A_65] : memref<128x200xi32, #tpu.memory_space<vmem>> -> memref<1x104xi32, #tpu.memory_space<vmem>>
    %dma_start3A_67 = tpu.memref_squeeze %dma_start3A_66 : memref<1x104xi32, #tpu.memory_space<vmem>> -> memref<104xi32, #tpu.memory_space<vmem>>
    %dma_start3A_68 = arith.constant 0 : i32
    %dma_start3A_69 = arith.constant 0 : i32
    %dma_start3A_70 = tpu.memref_slice %arg3[%dma_start3A_68, %dma_start3A_69] : memref<1000001x64xf32, #tpu.memory_space<hbm>> -> memref<1000001x64xf32, #tpu.memory_space<hbm>>
    tpu.enqueue_indirect_dma source(%dma_start3A_70 : memref<1000001x64xf32, #tpu.memory_space<hbm>>) target(%dma_start3A_64 : memref<104x64xf32, #tpu.memory_space<vmem>>) offsets(%dma_start3A_67 : memref<104xi32, #tpu.memory_space<vmem>>) semaphore(%arg8 : memref<!tpu.dma_semaphore, #tpu.memory_space<semaphore_mem>>)
    %dma_start3A_71 = arith.constant 2 : i32
    %dma_start3A_72 = arith.constant 2 : i32
    %dma_start3A_73 = arith.constant 104 : i32
    %dma_start3A_74 = arith.constant 0 : i32
    %dma_start3A_75 = tpu.memref_slice %arg6[%dma_start3A_72, %dma_start3A_73, %dma_start3A_74] : memref<4x200x64xf32, #tpu.memory_space<vmem>> -> memref<1x96x64xf32, #tpu.memory_space<vmem>>
    %dma_start3A_76 = tpu.memref_squeeze %dma_start3A_75 : memref<1x96x64xf32, #tpu.memory_space<vmem>> -> memref<96x64xf32, #tpu.memory_space<vmem>>
    %dma_start3A_77 = arith.constant 104 : i32
    %dma_start3A_78 = tpu.memref_slice %arg5[%dma_start3A_71, %dma_start3A_77] : memref<128x200xi32, #tpu.memory_space<vmem>> -> memref<1x96xi32, #tpu.memory_space<vmem>>
    %dma_start3A_79 = tpu.memref_squeeze %dma_start3A_78 : memref<1x96xi32, #tpu.memory_space<vmem>> -> memref<96xi32, #tpu.memory_space<vmem>>
    %dma_start3A_80 = arith.constant 0 : i32
    %dma_start3A_81 = arith.constant 0 : i32
    %dma_start3A_82 = tpu.memref_slice %arg3[%dma_start3A_80, %dma_start3A_81] : memref<1000001x64xf32, #tpu.memory_space<hbm>> -> memref<1000001x64xf32, #tpu.memory_space<hbm>>
    tpu.enqueue_indirect_dma source(%dma_start3A_82 : memref<1000001x64xf32, #tpu.memory_space<hbm>>) target(%dma_start3A_76 : memref<96x64xf32, #tpu.memory_space<vmem>>) offsets(%dma_start3A_79 : memref<96xi32, #tpu.memory_space<vmem>>) semaphore(%arg9 : memref<!tpu.dma_semaphore, #tpu.memory_space<semaphore_mem>>)
    %scan3A = arith.constant 0 : i32
    %scan3A_83 = arith.constant 0 : i32
    %scan3A_84 = arith.constant 128 : i32
    %scan3A_85 = arith.addi %scan3A_83, %scan3A_84 : i32
    %scan3A_86 = arith.constant 1 : i32
    scf.for %scan3A_328 = %scan3A_83 to %scan3A_85 step %scan3A_86  : i32 {
      %rem3A = arith.constant 4 : i32
      %rem3A_329 = arith.remsi %scan3A_328, %rem3A : i32
      %dma_wait3A = arith.constant 0 : i32
      %dma_wait3A_330 = arith.constant 0 : i32
      %dma_wait3A_331 = tpu.memref_slice %arg6[%rem3A_329, %dma_wait3A, %dma_wait3A_330] : memref<4x200x64xf32, #tpu.memory_space<vmem>> -> memref<1x104x64xf32, #tpu.memory_space<vmem>>
      %dma_wait3A_332 = tpu.memref_squeeze %dma_wait3A_331 : memref<1x104x64xf32, #tpu.memory_space<vmem>> -> memref<104x64xf32, #tpu.memory_space<vmem>>
      %dma_wait3A_333 = arith.constant 0 : i32
      %dma_wait3A_334 = tpu.memref_slice %arg5[%scan3A_328, %dma_wait3A_333] : memref<128x200xi32, #tpu.memory_space<vmem>> -> memref<1x104xi32, #tpu.memory_space<vmem>>
      %dma_wait3A_335 = tpu.memref_squeeze %dma_wait3A_334 : memref<1x104xi32, #tpu.memory_space<vmem>> -> memref<104xi32, #tpu.memory_space<vmem>>
      %dma_wait3A_336 = arith.constant 0 : i32
      %dma_wait3A_337 = arith.constant 0 : i32
      %dma_wait3A_338 = tpu.memref_slice %arg3[%dma_wait3A_336, %dma_wait3A_337] : memref<1000001x64xf32, #tpu.memory_space<hbm>> -> memref<1000001x64xf32, #tpu.memory_space<hbm>>
      tpu.wait_indirect_dma semaphore(%arg8 : memref<!tpu.dma_semaphore, #tpu.memory_space<semaphore_mem>>) src(%dma_wait3A_338 : memref<1000001x64xf32, #tpu.memory_space<hbm>>) dst(%dma_wait3A_332 : memref<104x64xf32, #tpu.memory_space<vmem>>)
      %add3A_339 = arith.constant 4 : i32
      %add3A_340 = arith.addi %scan3A_328, %add3A_339 : i32
      %sub3A = arith.constant 1 : i32
      %sub3A_341 = arith.subi %add3A_340, %sub3A : i32
      %lt3A = arith.constant 128 : i32
      %lt3A_342 = arith.cmpi slt, %sub3A_341, %lt3A : i32
      %convert_element_type3A = arith.extui %lt3A_342 : i1 to i32
      %cond3A = arith.constant 0 : i32
      %cond3A_343 = arith.cmpi ne, %convert_element_type3A, %cond3A : i32
      scf.if %cond3A_343 {
        %rem3A_385 = arith.constant 4 : i32
        %rem3A_386 = arith.remsi %sub3A_341, %rem3A_385 : i32
        %dma_start3A_387 = arith.constant 0 : i32
        %dma_start3A_388 = arith.constant 0 : i32
        %dma_start3A_389 = tpu.memref_slice %arg6[%rem3A_386, %dma_start3A_387, %dma_start3A_388] : memref<4x200x64xf32, #tpu.memory_space<vmem>> -> memref<1x104x64xf32, #tpu.memory_space<vmem>>
        %dma_start3A_390 = tpu.memref_squeeze %dma_start3A_389 : memref<1x104x64xf32, #tpu.memory_space<vmem>> -> memref<104x64xf32, #tpu.memory_space<vmem>>
        %dma_start3A_391 = arith.constant 0 : i32
        %dma_start3A_392 = tpu.memref_slice %arg5[%sub3A_341, %dma_start3A_391] : memref<128x200xi32, #tpu.memory_space<vmem>> -> memref<1x104xi32, #tpu.memory_space<vmem>>
        %dma_start3A_393 = tpu.memref_squeeze %dma_start3A_392 : memref<1x104xi32, #tpu.memory_space<vmem>> -> memref<104xi32, #tpu.memory_space<vmem>>
        %dma_start3A_394 = arith.constant 0 : i32
        %dma_start3A_395 = arith.constant 0 : i32
        %dma_start3A_396 = tpu.memref_slice %arg3[%dma_start3A_394, %dma_start3A_395] : memref<1000001x64xf32, #tpu.memory_space<hbm>> -> memref<1000001x64xf32, #tpu.memory_space<hbm>>
        tpu.enqueue_indirect_dma source(%dma_start3A_396 : memref<1000001x64xf32, #tpu.memory_space<hbm>>) target(%dma_start3A_390 : memref<104x64xf32, #tpu.memory_space<vmem>>) offsets(%dma_start3A_393 : memref<104xi32, #tpu.memory_space<vmem>>) semaphore(%arg8 : memref<!tpu.dma_semaphore, #tpu.memory_space<semaphore_mem>>)
        %dma_start3A_397 = arith.constant 104 : i32
        %dma_start3A_398 = arith.constant 0 : i32
        %dma_start3A_399 = tpu.memref_slice %arg6[%rem3A_386, %dma_start3A_397, %dma_start3A_398] : memref<4x200x64xf32, #tpu.memory_space<vmem>> -> memref<1x96x64xf32, #tpu.memory_space<vmem>>
        %dma_start3A_400 = tpu.memref_squeeze %dma_start3A_399 : memref<1x96x64xf32, #tpu.memory_space<vmem>> -> memref<96x64xf32, #tpu.memory_space<vmem>>
        %dma_start3A_401 = arith.constant 104 : i32
        %dma_start3A_402 = tpu.memref_slice %arg5[%sub3A_341, %dma_start3A_401] : memref<128x200xi32, #tpu.memory_space<vmem>> -> memref<1x96xi32, #tpu.memory_space<vmem>>
        %dma_start3A_403 = tpu.memref_squeeze %dma_start3A_402 : memref<1x96xi32, #tpu.memory_space<vmem>> -> memref<96xi32, #tpu.memory_space<vmem>>
        %dma_start3A_404 = arith.constant 0 : i32
        %dma_start3A_405 = arith.constant 0 : i32
        %dma_start3A_406 = tpu.memref_slice %arg3[%dma_start3A_404, %dma_start3A_405] : memref<1000001x64xf32, #tpu.memory_space<hbm>> -> memref<1000001x64xf32, #tpu.memory_space<hbm>>
        tpu.enqueue_indirect_dma source(%dma_start3A_406 : memref<1000001x64xf32, #tpu.memory_space<hbm>>) target(%dma_start3A_400 : memref<96x64xf32, #tpu.memory_space<vmem>>) offsets(%dma_start3A_403 : memref<96xi32, #tpu.memory_space<vmem>>) semaphore(%arg9 : memref<!tpu.dma_semaphore, #tpu.memory_space<semaphore_mem>>)
      } else {
      }
      %scan3A_344 = arith.constant 0 : i32
      %scan3A_345 = arith.constant 104 : i32
      %scan3A_346 = arith.addi %scan3A_344, %scan3A_345 : i32
      %scan3A_347 = arith.constant 8 : i32
      %scan3A_348:4 = scf.for %scan3A_385 = %scan3A_344 to %scan3A_346 step %scan3A_347 iter_args(%scan3A_386 = %broadcast_in_dim3A_3, %scan3A_387 = %broadcast_in_dim3A_5, %scan3A_388 = %broadcast_in_dim3A_7, %scan3A_389 = %broadcast_in_dim3A_9) -> (vector<16xf32>, vector<16xf32>, vector<16xf32>, vector<16xf32>)  : i32 {
        %get3A = arith.index_cast %rem3A_329 : i32 to index
        %get3A_390 = arith.index_cast %scan3A_385 : i32 to index
        %get3A_391 = arith.constant 0 : index
        %get3A_392 = tpu.vector_load %arg6[%get3A, %get3A_390, %get3A_391] {strides = array<i32>} : memref<4x200x64xf32, #tpu.memory_space<vmem>>, vector<1x1x16xf32>,
        %get3A_393 = vector.shape_cast %get3A_392 : vector<1x1x16xf32> to vector<16xf32>
        %add3A_394 = arith.addf %scan3A_386, %get3A_393 : vector<16xf32>
        %get3A_395 = arith.index_cast %rem3A_329 : i32 to index
        %get3A_396 = arith.index_cast %scan3A_385 : i32 to index
        %get3A_397 = arith.constant 16 : index
        %get3A_398 = tpu.vector_load %arg6[%get3A_395, %get3A_396, %get3A_397] {strides = array<i32>} : memref<4x200x64xf32, #tpu.memory_space<vmem>>, vector<1x1x16xf32>,
        %get3A_399 = vector.shape_cast %get3A_398 : vector<1x1x16xf32> to vector<16xf32>
        %add3A_400 = arith.addf %scan3A_387, %get3A_399 : vector<16xf32>
        %get3A_401 = arith.index_cast %rem3A_329 : i32 to index
        %get3A_402 = arith.index_cast %scan3A_385 : i32 to index
        %get3A_403 = arith.constant 32 : index
        %get3A_404 = tpu.vector_load %arg6[%get3A_401, %get3A_402, %get3A_403] {strides = array<i32>} : memref<4x200x64xf32, #tpu.memory_space<vmem>>, vector<1x1x16xf32>,
        %get3A_405 = vector.shape_cast %get3A_404 : vector<1x1x16xf32> to vector<16xf32>
        %add3A_406 = arith.addf %scan3A_388, %get3A_405 : vector<16xf32>
        %get3A_407 = arith.index_cast %rem3A_329 : i32 to index
        %get3A_408 = arith.index_cast %scan3A_385 : i32 to index
        %get3A_409 = arith.constant 48 : index
        %get3A_410 = tpu.vector_load %arg6[%get3A_407, %get3A_408, %get3A_409] {strides = array<i32>} : memref<4x200x64xf32, #tpu.memory_space<vmem>>, vector<1x1x16xf32>,
        %get3A_411 = vector.shape_cast %get3A_410 : vector<1x1x16xf32> to vector<16xf32>
        %add3A_412 = arith.addf %scan3A_389, %get3A_411 : vector<16xf32>
        %scan3A_413 = arith.constant 1 : i32
        %scan3A_414 = arith.addi %scan3A_385, %scan3A_413 : i32
        %get3A_415 = arith.index_cast %rem3A_329 : i32 to index
        %get3A_416 = arith.index_cast %scan3A_414 : i32 to index
        %get3A_417 = arith.constant 0 : index
        %get3A_418 = tpu.vector_load %arg6[%get3A_415, %get3A_416, %get3A_417] {strides = array<i32>} : memref<4x200x64xf32, #tpu.memory_space<vmem>>, vector<1x1x16xf32>,
        %get3A_419 = vector.shape_cast %get3A_418 : vector<1x1x16xf32> to vector<16xf32>
        %add3A_420 = arith.addf %add3A_394, %get3A_419 : vector<16xf32>
        %get3A_421 = arith.index_cast %rem3A_329 : i32 to index
        %get3A_422 = arith.index_cast %scan3A_414 : i32 to index
        %get3A_423 = arith.constant 16 : index
        %get3A_424 = tpu.vector_load %arg6[%get3A_421, %get3A_422, %get3A_423] {strides = array<i32>} : memref<4x200x64xf32, #tpu.memory_space<vmem>>, vector<1x1x16xf32>,
        %get3A_425 = vector.shape_cast %get3A_424 : vector<1x1x16xf32> to vector<16xf32>
        %add3A_426 = arith.addf %add3A_400, %get3A_425 : vector<16xf32>
        %get3A_427 = arith.index_cast %rem3A_329 : i32 to index
        %get3A_428 = arith.index_cast %scan3A_414 : i32 to index
        %get3A_429 = arith.constant 32 : index
        %get3A_430 = tpu.vector_load %arg6[%get3A_427, %get3A_428, %get3A_429] {strides = array<i32>} : memref<4x200x64xf32, #tpu.memory_space<vmem>>, vector<1x1x16xf32>,
        %get3A_431 = vector.shape_cast %get3A_430 : vector<1x1x16xf32> to vector<16xf32>
        %add3A_432 = arith.addf %add3A_406, %get3A_431 : vector<16xf32>
        %get3A_433 = arith.index_cast %rem3A_329 : i32 to index
        %get3A_434 = arith.index_cast %scan3A_414 : i32 to index
        %get3A_435 = arith.constant 48 : index
        %get3A_436 = tpu.vector_load %arg6[%get3A_433, %get3A_434, %get3A_435] {strides = array<i32>} : memref<4x200x64xf32, #tpu.memory_space<vmem>>, vector<1x1x16xf32>,
        %get3A_437 = vector.shape_cast %get3A_436 : vector<1x1x16xf32> to vector<16xf32>
        %add3A_438 = arith.addf %add3A_412, %get3A_437 : vector<16xf32>
        %scan3A_439 = arith.constant 2 : i32
        %scan3A_440 = arith.addi %scan3A_385, %scan3A_439 : i32
        %get3A_441 = arith.index_cast %rem3A_329 : i32 to index
        %get3A_442 = arith.index_cast %scan3A_440 : i32 to index
        %get3A_443 = arith.constant 0 : index
        %get3A_444 = tpu.vector_load %arg6[%get3A_441, %get3A_442, %get3A_443] {strides = array<i32>} : memref<4x200x64xf32, #tpu.memory_space<vmem>>, vector<1x1x16xf32>,
        %get3A_445 = vector.shape_cast %get3A_444 : vector<1x1x16xf32> to vector<16xf32>
        %add3A_446 = arith.addf %add3A_420, %get3A_445 : vector<16xf32>
        %get3A_447 = arith.index_cast %rem3A_329 : i32 to index
        %get3A_448 = arith.index_cast %scan3A_440 : i32 to index
        %get3A_449 = arith.constant 16 : index
        %get3A_450 = tpu.vector_load %arg6[%get3A_447, %get3A_448, %get3A_449] {strides = array<i32>} : memref<4x200x64xf32, #tpu.memory_space<vmem>>, vector<1x1x16xf32>,
        %get3A_451 = vector.shape_cast %get3A_450 : vector<1x1x16xf32> to vector<16xf32>
        %add3A_452 = arith.addf %add3A_426, %get3A_451 : vector<16xf32>
        %get3A_453 = arith.index_cast %rem3A_329 : i32 to index
        %get3A_454 = arith.index_cast %scan3A_440 : i32 to index
        %get3A_455 = arith.constant 32 : index
        %get3A_456 = tpu.vector_load %arg6[%get3A_453, %get3A_454, %get3A_455] {strides = array<i32>} : memref<4x200x64xf32, #tpu.memory_space<vmem>>, vector<1x1x16xf32>,
        %get3A_457 = vector.shape_cast %get3A_456 : vector<1x1x16xf32> to vector<16xf32>
        %add3A_458 = arith.addf %add3A_432, %get3A_457 : vector<16xf32>
        %get3A_459 = arith.index_cast %rem3A_329 : i32 to index
        %get3A_460 = arith.index_cast %scan3A_440 : i32 to index
        %get3A_461 = arith.constant 48 : index
        %get3A_462 = tpu.vector_load %arg6[%get3A_459, %get3A_460, %get3A_461] {strides = array<i32>} : memref<4x200x64xf32, #tpu.memory_space<vmem>>, vector<1x1x16xf32>,
        %get3A_463 = vector.shape_cast %get3A_462 : vector<1x1x16xf32> to vector<16xf32>
        %add3A_464 = arith.addf %add3A_438, %get3A_463 : vector<16xf32>
        %scan3A_465 = arith.constant 3 : i32
        %scan3A_466 = arith.addi %scan3A_385, %scan3A_465 : i32
        %get3A_467 = arith.index_cast %rem3A_329 : i32 to index
        %get3A_468 = arith.index_cast %scan3A_466 : i32 to index
        %get3A_469 = arith.constant 0 : index
        %get3A_470 = tpu.vector_load %arg6[%get3A_467, %get3A_468, %get3A_469] {strides = array<i32>} : memref<4x200x64xf32, #tpu.memory_space<vmem>>, vector<1x1x16xf32>,
        %get3A_471 = vector.shape_cast %get3A_470 : vector<1x1x16xf32> to vector<16xf32>
        %add3A_472 = arith.addf %add3A_446, %get3A_471 : vector<16xf32>
        %get3A_473 = arith.index_cast %rem3A_329 : i32 to index
        %get3A_474 = arith.index_cast %scan3A_466 : i32 to index
        %get3A_475 = arith.constant 16 : index
        %get3A_476 = tpu.vector_load %arg6[%get3A_473, %get3A_474, %get3A_475] {strides = array<i32>} : memref<4x200x64xf32, #tpu.memory_space<vmem>>, vector<1x1x16xf32>,
        %get3A_477 = vector.shape_cast %get3A_476 : vector<1x1x16xf32> to vector<16xf32>
        %add3A_478 = arith.addf %add3A_452, %get3A_477 : vector<16xf32>
        %get3A_479 = arith.index_cast %rem3A_329 : i32 to index
        %get3A_480 = arith.index_cast %scan3A_466 : i32 to index
        %get3A_481 = arith.constant 32 : index
        %get3A_482 = tpu.vector_load %arg6[%get3A_479, %get3A_480, %get3A_481] {strides = array<i32>} : memref<4x200x64xf32, #tpu.memory_space<vmem>>, vector<1x1x16xf32>,
        %get3A_483 = vector.shape_cast %get3A_482 : vector<1x1x16xf32> to vector<16xf32>
        %add3A_484 = arith.addf %add3A_458, %get3A_483 : vector<16xf32>
        %get3A_485 = arith.index_cast %rem3A_329 : i32 to index
        %get3A_486 = arith.index_cast %scan3A_466 : i32 to index
        %get3A_487 = arith.constant 48 : index
        %get3A_488 = tpu.vector_load %arg6[%get3A_485, %get3A_486, %get3A_487] {strides = array<i32>} : memref<4x200x64xf32, #tpu.memory_space<vmem>>, vector<1x1x16xf32>,
        %get3A_489 = vector.shape_cast %get3A_488 : vector<1x1x16xf32> to vector<16xf32>
        %add3A_490 = arith.addf %add3A_464, %get3A_489 : vector<16xf32>
        %scan3A_491 = arith.constant 4 : i32
        %scan3A_492 = arith.addi %scan3A_385, %scan3A_491 : i32
        %get3A_493 = arith.index_cast %rem3A_329 : i32 to index
        %get3A_494 = arith.index_cast %scan3A_492 : i32 to index
        %get3A_495 = arith.constant 0 : index
        %get3A_496 = tpu.vector_load %arg6[%get3A_493, %get3A_494, %get3A_495] {strides = array<i32>} : memref<4x200x64xf32, #tpu.memory_space<vmem>>, vector<1x1x16xf32>,
        %get3A_497 = vector.shape_cast %get3A_496 : vector<1x1x16xf32> to vector<16xf32>
        %add3A_498 = arith.addf %add3A_472, %get3A_497 : vector<16xf32>
        %get3A_499 = arith.index_cast %rem3A_329 : i32 to index
        %get3A_500 = arith.index_cast %scan3A_492 : i32 to index
        %get3A_501 = arith.constant 16 : index
        %get3A_502 = tpu.vector_load %arg6[%get3A_499, %get3A_500, %get3A_501] {strides = array<i32>} : memref<4x200x64xf32, #tpu.memory_space<vmem>>, vector<1x1x16xf32>,
        %get3A_503 = vector.shape_cast %get3A_502 : vector<1x1x16xf32> to vector<16xf32>
        %add3A_504 = arith.addf %add3A_478, %get3A_503 : vector<16xf32>
        %get3A_505 = arith.index_cast %rem3A_329 : i32 to index
        %get3A_506 = arith.index_cast %scan3A_492 : i32 to index
        %get3A_507 = arith.constant 32 : index
        %get3A_508 = tpu.vector_load %arg6[%get3A_505, %get3A_506, %get3A_507] {strides = array<i32>} : memref<4x200x64xf32, #tpu.memory_space<vmem>>, vector<1x1x16xf32>,
        %get3A_509 = vector.shape_cast %get3A_508 : vector<1x1x16xf32> to vector<16xf32>
        %add3A_510 = arith.addf %add3A_484, %get3A_509 : vector<16xf32>
        %get3A_511 = arith.index_cast %rem3A_329 : i32 to index
        %get3A_512 = arith.index_cast %scan3A_492 : i32 to index
        %get3A_513 = arith.constant 48 : index
        %get3A_514 = tpu.vector_load %arg6[%get3A_511, %get3A_512, %get3A_513] {strides = array<i32>} : memref<4x200x64xf32, #tpu.memory_space<vmem>>, vector<1x1x16xf32>,
        %get3A_515 = vector.shape_cast %get3A_514 : vector<1x1x16xf32> to vector<16xf32>
        %add3A_516 = arith.addf %add3A_490, %get3A_515 : vector<16xf32>
        %scan3A_517 = arith.constant 5 : i32
        %scan3A_518 = arith.addi %scan3A_385, %scan3A_517 : i32
        %get3A_519 = arith.index_cast %rem3A_329 : i32 to index
        %get3A_520 = arith.index_cast %scan3A_518 : i32 to index
        %get3A_521 = arith.constant 0 : index
        %get3A_522 = tpu.vector_load %arg6[%get3A_519, %get3A_520, %get3A_521] {strides = array<i32>} : memref<4x200x64xf32, #tpu.memory_space<vmem>>, vector<1x1x16xf32>,
        %get3A_523 = vector.shape_cast %get3A_522 : vector<1x1x16xf32> to vector<16xf32>
        %add3A_524 = arith.addf %add3A_498, %get3A_523 : vector<16xf32>
        %get3A_525 = arith.index_cast %rem3A_329 : i32 to index
        %get3A_526 = arith.index_cast %scan3A_518 : i32 to index
        %get3A_527 = arith.constant 16 : index
        %get3A_528 = tpu.vector_load %arg6[%get3A_525, %get3A_526, %get3A_527] {strides = array<i32>} : memref<4x200x64xf32, #tpu.memory_space<vmem>>, vector<1x1x16xf32>,
        %get3A_529 = vector.shape_cast %get3A_528 : vector<1x1x16xf32> to vector<16xf32>
        %add3A_530 = arith.addf %add3A_504, %get3A_529 : vector<16xf32>
        %get3A_531 = arith.index_cast %rem3A_329 : i32 to index
        %get3A_532 = arith.index_cast %scan3A_518 : i32 to index
        %get3A_533 = arith.constant 32 : index
        %get3A_534 = tpu.vector_load %arg6[%get3A_531, %get3A_532, %get3A_533] {strides = array<i32>} : memref<4x200x64xf32, #tpu.memory_space<vmem>>, vector<1x1x16xf32>,
        %get3A_535 = vector.shape_cast %get3A_534 : vector<1x1x16xf32> to vector<16xf32>
        %add3A_536 = arith.addf %add3A_510, %get3A_535 : vector<16xf32>
        %get3A_537 = arith.index_cast %rem3A_329 : i32 to index
        %get3A_538 = arith.index_cast %scan3A_518 : i32 to index
        %get3A_539 = arith.constant 48 : index
        %get3A_540 = tpu.vector_load %arg6[%get3A_537, %get3A_538, %get3A_539] {strides = array<i32>} : memref<4x200x64xf32, #tpu.memory_space<vmem>>, vector<1x1x16xf32>,
        %get3A_541 = vector.shape_cast %get3A_540 : vector<1x1x16xf32> to vector<16xf32>
        %add3A_542 = arith.addf %add3A_516, %get3A_541 : vector<16xf32>
        %scan3A_543 = arith.constant 6 : i32
        %scan3A_544 = arith.addi %scan3A_385, %scan3A_543 : i32
        %get3A_545 = arith.index_cast %rem3A_329 : i32 to index
        %get3A_546 = arith.index_cast %scan3A_544 : i32 to index
        %get3A_547 = arith.constant 0 : index
        %get3A_548 = tpu.vector_load %arg6[%get3A_545, %get3A_546, %get3A_547] {strides = array<i32>} : memref<4x200x64xf32, #tpu.memory_space<vmem>>, vector<1x1x16xf32>,
        %get3A_549 = vector.shape_cast %get3A_548 : vector<1x1x16xf32> to vector<16xf32>
        %add3A_550 = arith.addf %add3A_524, %get3A_549 : vector<16xf32>
        %get3A_551 = arith.index_cast %rem3A_329 : i32 to index
        %get3A_552 = arith.index_cast %scan3A_544 : i32 to index
        %get3A_553 = arith.constant 16 : index
        %get3A_554 = tpu.vector_load %arg6[%get3A_551, %get3A_552, %get3A_553] {strides = array<i32>} : memref<4x200x64xf32, #tpu.memory_space<vmem>>, vector<1x1x16xf32>,
        %get3A_555 = vector.shape_cast %get3A_554 : vector<1x1x16xf32> to vector<16xf32>
        %add3A_556 = arith.addf %add3A_530, %get3A_555 : vector<16xf32>
        %get3A_557 = arith.index_cast %rem3A_329 : i32 to index
        %get3A_558 = arith.index_cast %scan3A_544 : i32 to index
        %get3A_559 = arith.constant 32 : index
        %get3A_560 = tpu.vector_load %arg6[%get3A_557, %get3A_558, %get3A_559] {strides = array<i32>} : memref<4x200x64xf32, #tpu.memory_space<vmem>>, vector<1x1x16xf32>,
        %get3A_561 = vector.shape_cast %get3A_560 : vector<1x1x16xf32> to vector<16xf32>
        %add3A_562 = arith.addf %add3A_536, %get3A_561 : vector<16xf32>
        %get3A_563 = arith.index_cast %rem3A_329 : i32 to index
        %get3A_564 = arith.index_cast %scan3A_544 : i32 to index
        %get3A_565 = arith.constant 48 : index
        %get3A_566 = tpu.vector_load %arg6[%get3A_563, %get3A_564, %get3A_565] {strides = array<i32>} : memref<4x200x64xf32, #tpu.memory_space<vmem>>, vector<1x1x16xf32>,
        %get3A_567 = vector.shape_cast %get3A_566 : vector<1x1x16xf32> to vector<16xf32>
        %add3A_568 = arith.addf %add3A_542, %get3A_567 : vector<16xf32>
        %scan3A_569 = arith.constant 7 : i32
        %scan3A_570 = arith.addi %scan3A_385, %scan3A_569 : i32
        %get3A_571 = arith.index_cast %rem3A_329 : i32 to index
        %get3A_572 = arith.index_cast %scan3A_570 : i32 to index
        %get3A_573 = arith.constant 0 : index
        %get3A_574 = tpu.vector_load %arg6[%get3A_571, %get3A_572, %get3A_573] {strides = array<i32>} : memref<4x200x64xf32, #tpu.memory_space<vmem>>, vector<1x1x16xf32>,
        %get3A_575 = vector.shape_cast %get3A_574 : vector<1x1x16xf32> to vector<16xf32>
        %add3A_576 = arith.addf %add3A_550, %get3A_575 : vector<16xf32>
        %get3A_577 = arith.index_cast %rem3A_329 : i32 to index
        %get3A_578 = arith.index_cast %scan3A_570 : i32 to index
        %get3A_579 = arith.constant 16 : index
        %get3A_580 = tpu.vector_load %arg6[%get3A_577, %get3A_578, %get3A_579] {strides = array<i32>} : memref<4x200x64xf32, #tpu.memory_space<vmem>>, vector<1x1x16xf32>,
        %get3A_581 = vector.shape_cast %get3A_580 : vector<1x1x16xf32> to vector<16xf32>
        %add3A_582 = arith.addf %add3A_556, %get3A_581 : vector<16xf32>
        %get3A_583 = arith.index_cast %rem3A_329 : i32 to index
        %get3A_584 = arith.index_cast %scan3A_570 : i32 to index
        %get3A_585 = arith.constant 32 : index
        %get3A_586 = tpu.vector_load %arg6[%get3A_583, %get3A_584, %get3A_585] {strides = array<i32>} : memref<4x200x64xf32, #tpu.memory_space<vmem>>, vector<1x1x16xf32>,
        %get3A_587 = vector.shape_cast %get3A_586 : vector<1x1x16xf32> to vector<16xf32>
        %add3A_588 = arith.addf %add3A_562, %get3A_587 : vector<16xf32>
        %get3A_589 = arith.index_cast %rem3A_329 : i32 to index
        %get3A_590 = arith.index_cast %scan3A_570 : i32 to index
        %get3A_591 = arith.constant 48 : index
        %get3A_592 = tpu.vector_load %arg6[%get3A_589, %get3A_590, %get3A_591] {strides = array<i32>} : memref<4x200x64xf32, #tpu.memory_space<vmem>>, vector<1x1x16xf32>,
        %get3A_593 = vector.shape_cast %get3A_592 : vector<1x1x16xf32> to vector<16xf32>
        %add3A_594 = arith.addf %add3A_568, %get3A_593 : vector<16xf32>
        scf.yield %add3A_576, %add3A_582, %add3A_588, %add3A_594 : vector<16xf32>, vector<16xf32>, vector<16xf32>, vector<16xf32>
      }
      %scan3A_349 = arith.constant 104 : i32
      %dma_wait3A_350 = arith.constant 104 : i32
      %dma_wait3A_351 = arith.constant 0 : i32
      %dma_wait3A_352 = tpu.memref_slice %arg6[%rem3A_329, %dma_wait3A_350, %dma_wait3A_351] : memref<4x200x64xf32, #tpu.memory_space<vmem>> -> memref<1x96x64xf32, #tpu.memory_space<vmem>>
      %dma_wait3A_353 = tpu.memref_squeeze %dma_wait3A_352 : memref<1x96x64xf32, #tpu.memory_space<vmem>> -> memref<96x64xf32, #tpu.memory_space<vmem>>
      %dma_wait3A_354 = arith.constant 104 : i32
      %dma_wait3A_355 = tpu.memref_slice %arg5[%scan3A_328, %dma_wait3A_354] : memref<128x200xi32, #tpu.memory_space<vmem>> -> memref<1x96xi32, #tpu.memory_space<vmem>>
      %dma_wait3A_356 = tpu.memref_squeeze %dma_wait3A_355 : memref<1x96xi32, #tpu.memory_space<vmem>> -> memref<96xi32, #tpu.memory_space<vmem>>
      %dma_wait3A_357 = arith.constant 0 : i32
      %dma_wait3A_358 = arith.constant 0 : i32
      %dma_wait3A_359 = tpu.memref_slice %arg3[%dma_wait3A_357, %dma_wait3A_358] : memref<1000001x64xf32, #tpu.memory_space<hbm>> -> memref<1000001x64xf32, #tpu.memory_space<hbm>>
      tpu.wait_indirect_dma semaphore(%arg9 : memref<!tpu.dma_semaphore, #tpu.memory_space<semaphore_mem>>) src(%dma_wait3A_359 : memref<1000001x64xf32, #tpu.memory_space<hbm>>) dst(%dma_wait3A_353 : memref<96x64xf32, #tpu.memory_space<vmem>>)
      %scan3A_360 = arith.constant 104 : i32
      %scan3A_361 = arith.constant 96 : i32
      %scan3A_362 = arith.addi %scan3A_360, %scan3A_361 : i32
      %scan3A_363 = arith.constant 8 : i32
      %scan3A_364:4 = scf.for %scan3A_385 = %scan3A_360 to %scan3A_362 step %scan3A_363 iter_args(%scan3A_386 = %scan3A_348#0, %scan3A_387 = %scan3A_348#1, %scan3A_388 = %scan3A_348#2, %scan3A_389 = %scan3A_348#3) -> (vector<16xf32>, vector<16xf32>, vector<16xf32>, vector<16xf32>)  : i32 {
        %get3A = arith.index_cast %rem3A_329 : i32 to index
        %get3A_390 = arith.index_cast %scan3A_385 : i32 to index
        %get3A_391 = arith.constant 0 : index
        %get3A_392 = tpu.vector_load %arg6[%get3A, %get3A_390, %get3A_391] {strides = array<i32>} : memref<4x200x64xf32, #tpu.memory_space<vmem>>, vector<1x1x16xf32>,
        %get3A_393 = vector.shape_cast %get3A_392 : vector<1x1x16xf32> to vector<16xf32>
        %add3A_394 = arith.addf %scan3A_386, %get3A_393 : vector<16xf32>
        %get3A_395 = arith.index_cast %rem3A_329 : i32 to index
        %get3A_396 = arith.index_cast %scan3A_385 : i32 to index
        %get3A_397 = arith.constant 16 : index
        %get3A_398 = tpu.vector_load %arg6[%get3A_395, %get3A_396, %get3A_397] {strides = array<i32>} : memref<4x200x64xf32, #tpu.memory_space<vmem>>, vector<1x1x16xf32>,
        %get3A_399 = vector.shape_cast %get3A_398 : vector<1x1x16xf32> to vector<16xf32>
        %add3A_400 = arith.addf %scan3A_387, %get3A_399 : vector<16xf32>
        %get3A_401 = arith.index_cast %rem3A_329 : i32 to index
        %get3A_402 = arith.index_cast %scan3A_385 : i32 to index
        %get3A_403 = arith.constant 32 : index
        %get3A_404 = tpu.vector_load %arg6[%get3A_401, %get3A_402, %get3A_403] {strides = array<i32>} : memref<4x200x64xf32, #tpu.memory_space<vmem>>, vector<1x1x16xf32>,
        %get3A_405 = vector.shape_cast %get3A_404 : vector<1x1x16xf32> to vector<16xf32>
        %add3A_406 = arith.addf %scan3A_388, %get3A_405 : vector<16xf32>
        %get3A_407 = arith.index_cast %rem3A_329 : i32 to index
        %get3A_408 = arith.index_cast %scan3A_385 : i32 to index
        %get3A_409 = arith.constant 48 : index
        %get3A_410 = tpu.vector_load %arg6[%get3A_407, %get3A_408, %get3A_409] {strides = array<i32>} : memref<4x200x64xf32, #tpu.memory_space<vmem>>, vector<1x1x16xf32>,
        %get3A_411 = vector.shape_cast %get3A_410 : vector<1x1x16xf32> to vector<16xf32>
        %add3A_412 = arith.addf %scan3A_389, %get3A_411 : vector<16xf32>
        %scan3A_413 = arith.constant 1 : i32
        %scan3A_414 = arith.addi %scan3A_385, %scan3A_413 : i32
        %get3A_415 = arith.index_cast %rem3A_329 : i32 to index
        %get3A_416 = arith.index_cast %scan3A_414 : i32 to index
        %get3A_417 = arith.constant 0 : index
        %get3A_418 = tpu.vector_load %arg6[%get3A_415, %get3A_416, %get3A_417] {strides = array<i32>} : memref<4x200x64xf32, #tpu.memory_space<vmem>>, vector<1x1x16xf32>,
        %get3A_419 = vector.shape_cast %get3A_418 : vector<1x1x16xf32> to vector<16xf32>
        %add3A_420 = arith.addf %add3A_394, %get3A_419 : vector<16xf32>
        %get3A_421 = arith.index_cast %rem3A_329 : i32 to index
        %get3A_422 = arith.index_cast %scan3A_414 : i32 to index
        %get3A_423 = arith.constant 16 : index
        %get3A_424 = tpu.vector_load %arg6[%get3A_421, %get3A_422, %get3A_423] {strides = array<i32>} : memref<4x200x64xf32, #tpu.memory_space<vmem>>, vector<1x1x16xf32>,
        %get3A_425 = vector.shape_cast %get3A_424 : vector<1x1x16xf32> to vector<16xf32>
        %add3A_426 = arith.addf %add3A_400, %get3A_425 : vector<16xf32>
        %get3A_427 = arith.index_cast %rem3A_329 : i32 to index
        %get3A_428 = arith.index_cast %scan3A_414 : i32 to index
        %get3A_429 = arith.constant 32 : index
        %get3A_430 = tpu.vector_load %arg6[%get3A_427, %get3A_428, %get3A_429] {strides = array<i32>} : memref<4x200x64xf32, #tpu.memory_space<vmem>>, vector<1x1x16xf32>,
        %get3A_431 = vector.shape_cast %get3A_430 : vector<1x1x16xf32> to vector<16xf32>
        %add3A_432 = arith.addf %add3A_406, %get3A_431 : vector<16xf32>
        %get3A_433 = arith.index_cast %rem3A_329 : i32 to index
        %get3A_434 = arith.index_cast %scan3A_414 : i32 to index
        %get3A_435 = arith.constant 48 : index
        %get3A_436 = tpu.vector_load %arg6[%get3A_433, %get3A_434, %get3A_435] {strides = array<i32>} : memref<4x200x64xf32, #tpu.memory_space<vmem>>, vector<1x1x16xf32>,
        %get3A_437 = vector.shape_cast %get3A_436 : vector<1x1x16xf32> to vector<16xf32>
        %add3A_438 = arith.addf %add3A_412, %get3A_437 : vector<16xf32>
        %scan3A_439 = arith.constant 2 : i32
        %scan3A_440 = arith.addi %scan3A_385, %scan3A_439 : i32
        %get3A_441 = arith.index_cast %rem3A_329 : i32 to index
        %get3A_442 = arith.index_cast %scan3A_440 : i32 to index
        %get3A_443 = arith.constant 0 : index
        %get3A_444 = tpu.vector_load %arg6[%get3A_441, %get3A_442, %get3A_443] {strides = array<i32>} : memref<4x200x64xf32, #tpu.memory_space<vmem>>, vector<1x1x16xf32>,
        %get3A_445 = vector.shape_cast %get3A_444 : vector<1x1x16xf32> to vector<16xf32>
        %add3A_446 = arith.addf %add3A_420, %get3A_445 : vector<16xf32>
        %get3A_447 = arith.index_cast %rem3A_329 : i32 to index
        %get3A_448 = arith.index_cast %scan3A_440 : i32 to index
        %get3A_449 = arith.constant 16 : index
        %get3A_450 = tpu.vector_load %arg6[%get3A_447, %get3A_448, %get3A_449] {strides = array<i32>} : memref<4x200x64xf32, #tpu.memory_space<vmem>>, vector<1x1x16xf32>,
        %get3A_451 = vector.shape_cast %get3A_450 : vector<1x1x16xf32> to vector<16xf32>
        %add3A_452 = arith.addf %add3A_426, %get3A_451 : vector<16xf32>
        %get3A_453 = arith.index_cast %rem3A_329 : i32 to index
        %get3A_454 = arith.index_cast %scan3A_440 : i32 to index
        %get3A_455 = arith.constant 32 : index
        %get3A_456 = tpu.vector_load %arg6[%get3A_453, %get3A_454, %get3A_455] {strides = array<i32>} : memref<4x200x64xf32, #tpu.memory_space<vmem>>, vector<1x1x16xf32>,
        %get3A_457 = vector.shape_cast %get3A_456 : vector<1x1x16xf32> to vector<16xf32>
        %add3A_458 = arith.addf %add3A_432, %get3A_457 : vector<16xf32>
        %get3A_459 = arith.index_cast %rem3A_329 : i32 to index
        %get3A_460 = arith.index_cast %scan3A_440 : i32 to index
        %get3A_461 = arith.constant 48 : index
        %get3A_462 = tpu.vector_load %arg6[%get3A_459, %get3A_460, %get3A_461] {strides = array<i32>} : memref<4x200x64xf32, #tpu.memory_space<vmem>>, vector<1x1x16xf32>,
        %get3A_463 = vector.shape_cast %get3A_462 : vector<1x1x16xf32> to vector<16xf32>
        %add3A_464 = arith.addf %add3A_438, %get3A_463 : vector<16xf32>
        %scan3A_465 = arith.constant 3 : i32
        %scan3A_466 = arith.addi %scan3A_385, %scan3A_465 : i32
        %get3A_467 = arith.index_cast %rem3A_329 : i32 to index
        %get3A_468 = arith.index_cast %scan3A_466 : i32 to index
        %get3A_469 = arith.constant 0 : index
        %get3A_470 = tpu.vector_load %arg6[%get3A_467, %get3A_468, %get3A_469] {strides = array<i32>} : memref<4x200x64xf32, #tpu.memory_space<vmem>>, vector<1x1x16xf32>,
        %get3A_471 = vector.shape_cast %get3A_470 : vector<1x1x16xf32> to vector<16xf32>
        %add3A_472 = arith.addf %add3A_446, %get3A_471 : vector<16xf32>
        %get3A_473 = arith.index_cast %rem3A_329 : i32 to index
        %get3A_474 = arith.index_cast %scan3A_466 : i32 to index
        %get3A_475 = arith.constant 16 : index
        %get3A_476 = tpu.vector_load %arg6[%get3A_473, %get3A_474, %get3A_475] {strides = array<i32>} : memref<4x200x64xf32, #tpu.memory_space<vmem>>, vector<1x1x16xf32>,
        %get3A_477 = vector.shape_cast %get3A_476 : vector<1x1x16xf32> to vector<16xf32>
        %add3A_478 = arith.addf %add3A_452, %get3A_477 : vector<16xf32>
        %get3A_479 = arith.index_cast %rem3A_329 : i32 to index
        %get3A_480 = arith.index_cast %scan3A_466 : i32 to index
        %get3A_481 = arith.constant 32 : index
        %get3A_482 = tpu.vector_load %arg6[%get3A_479, %get3A_480, %get3A_481] {strides = array<i32>} : memref<4x200x64xf32, #tpu.memory_space<vmem>>, vector<1x1x16xf32>,
        %get3A_483 = vector.shape_cast %get3A_482 : vector<1x1x16xf32> to vector<16xf32>
        %add3A_484 = arith.addf %add3A_458, %get3A_483 : vector<16xf32>
        %get3A_485 = arith.index_cast %rem3A_329 : i32 to index
        %get3A_486 = arith.index_cast %scan3A_466 : i32 to index
        %get3A_487 = arith.constant 48 : index
        %get3A_488 = tpu.vector_load %arg6[%get3A_485, %get3A_486, %get3A_487] {strides = array<i32>} : memref<4x200x64xf32, #tpu.memory_space<vmem>>, vector<1x1x16xf32>,
        %get3A_489 = vector.shape_cast %get3A_488 : vector<1x1x16xf32> to vector<16xf32>
        %add3A_490 = arith.addf %add3A_464, %get3A_489 : vector<16xf32>
        %scan3A_491 = arith.constant 4 : i32
        %scan3A_492 = arith.addi %scan3A_385, %scan3A_491 : i32
        %get3A_493 = arith.index_cast %rem3A_329 : i32 to index
        %get3A_494 = arith.index_cast %scan3A_492 : i32 to index
        %get3A_495 = arith.constant 0 : index
        %get3A_496 = tpu.vector_load %arg6[%get3A_493, %get3A_494, %get3A_495] {strides = array<i32>} : memref<4x200x64xf32, #tpu.memory_space<vmem>>, vector<1x1x16xf32>,
        %get3A_497 = vector.shape_cast %get3A_496 : vector<1x1x16xf32> to vector<16xf32>
        %add3A_498 = arith.addf %add3A_472, %get3A_497 : vector<16xf32>
        %get3A_499 = arith.index_cast %rem3A_329 : i32 to index
        %get3A_500 = arith.index_cast %scan3A_492 : i32 to index
        %get3A_501 = arith.constant 16 : index
        %get3A_502 = tpu.vector_load %arg6[%get3A_499, %get3A_500, %get3A_501] {strides = array<i32>} : memref<4x200x64xf32, #tpu.memory_space<vmem>>, vector<1x1x16xf32>,
        %get3A_503 = vector.shape_cast %get3A_502 : vector<1x1x16xf32> to vector<16xf32>
        %add3A_504 = arith.addf %add3A_478, %get3A_503 : vector<16xf32>
        %get3A_505 = arith.index_cast %rem3A_329 : i32 to index
        %get3A_506 = arith.index_cast %scan3A_492 : i32 to index
        %get3A_507 = arith.constant 32 : index
        %get3A_508 = tpu.vector_load %arg6[%get3A_505, %get3A_506, %get3A_507] {strides = array<i32>} : memref<4x200x64xf32, #tpu.memory_space<vmem>>, vector<1x1x16xf32>,
        %get3A_509 = vector.shape_cast %get3A_508 : vector<1x1x16xf32> to vector<16xf32>
        %add3A_510 = arith.addf %add3A_484, %get3A_509 : vector<16xf32>
        %get3A_511 = arith.index_cast %rem3A_329 : i32 to index
        %get3A_512 = arith.index_cast %scan3A_492 : i32 to index
        %get3A_513 = arith.constant 48 : index
        %get3A_514 = tpu.vector_load %arg6[%get3A_511, %get3A_512, %get3A_513] {strides = array<i32>} : memref<4x200x64xf32, #tpu.memory_space<vmem>>, vector<1x1x16xf32>,
        %get3A_515 = vector.shape_cast %get3A_514 : vector<1x1x16xf32> to vector<16xf32>
        %add3A_516 = arith.addf %add3A_490, %get3A_515 : vector<16xf32>
        %scan3A_517 = arith.constant 5 : i32
        %scan3A_518 = arith.addi %scan3A_385, %scan3A_517 : i32
        %get3A_519 = arith.index_cast %rem3A_329 : i32 to index
        %get3A_520 = arith.index_cast %scan3A_518 : i32 to index
        %get3A_521 = arith.constant 0 : index
        %get3A_522 = tpu.vector_load %arg6[%get3A_519, %get3A_520, %get3A_521] {strides = array<i32>} : memref<4x200x64xf32, #tpu.memory_space<vmem>>, vector<1x1x16xf32>,
        %get3A_523 = vector.shape_cast %get3A_522 : vector<1x1x16xf32> to vector<16xf32>
        %add3A_524 = arith.addf %add3A_498, %get3A_523 : vector<16xf32>
        %get3A_525 = arith.index_cast %rem3A_329 : i32 to index
        %get3A_526 = arith.index_cast %scan3A_518 : i32 to index
        %get3A_527 = arith.constant 16 : index
        %get3A_528 = tpu.vector_load %arg6[%get3A_525, %get3A_526, %get3A_527] {strides = array<i32>} : memref<4x200x64xf32, #tpu.memory_space<vmem>>, vector<1x1x16xf32>,
        %get3A_529 = vector.shape_cast %get3A_528 : vector<1x1x16xf32> to vector<16xf32>
        %add3A_530 = arith.addf %add3A_504, %get3A_529 : vector<16xf32>
        %get3A_531 = arith.index_cast %rem3A_329 : i32 to index
        %get3A_532 = arith.index_cast %scan3A_518 : i32 to index
        %get3A_533 = arith.constant 32 : index
        %get3A_534 = tpu.vector_load %arg6[%get3A_531, %get3A_532, %get3A_533] {strides = array<i32>} : memref<4x200x64xf32, #tpu.memory_space<vmem>>, vector<1x1x16xf32>,
        %get3A_535 = vector.shape_cast %get3A_534 : vector<1x1x16xf32> to vector<16xf32>
        %add3A_536 = arith.addf %add3A_510, %get3A_535 : vector<16xf32>
        %get3A_537 = arith.index_cast %rem3A_329 : i32 to index
        %get3A_538 = arith.index_cast %scan3A_518 : i32 to index
        %get3A_539 = arith.constant 48 : index
        %get3A_540 = tpu.vector_load %arg6[%get3A_537, %get3A_538, %get3A_539] {strides = array<i32>} : memref<4x200x64xf32, #tpu.memory_space<vmem>>, vector<1x1x16xf32>,
        %get3A_541 = vector.shape_cast %get3A_540 : vector<1x1x16xf32> to vector<16xf32>
        %add3A_542 = arith.addf %add3A_516, %get3A_541 : vector<16xf32>
        %scan3A_543 = arith.constant 6 : i32
        %scan3A_544 = arith.addi %scan3A_385, %scan3A_543 : i32
        %get3A_545 = arith.index_cast %rem3A_329 : i32 to index
        %get3A_546 = arith.index_cast %scan3A_544 : i32 to index
        %get3A_547 = arith.constant 0 : index
        %get3A_548 = tpu.vector_load %arg6[%get3A_545, %get3A_546, %get3A_547] {strides = array<i32>} : memref<4x200x64xf32, #tpu.memory_space<vmem>>, vector<1x1x16xf32>,
        %get3A_549 = vector.shape_cast %get3A_548 : vector<1x1x16xf32> to vector<16xf32>
        %add3A_550 = arith.addf %add3A_524, %get3A_549 : vector<16xf32>
        %get3A_551 = arith.index_cast %rem3A_329 : i32 to index
        %get3A_552 = arith.index_cast %scan3A_544 : i32 to index
        %get3A_553 = arith.constant 16 : index
        %get3A_554 = tpu.vector_load %arg6[%get3A_551, %get3A_552, %get3A_553] {strides = array<i32>} : memref<4x200x64xf32, #tpu.memory_space<vmem>>, vector<1x1x16xf32>,
        %get3A_555 = vector.shape_cast %get3A_554 : vector<1x1x16xf32> to vector<16xf32>
        %add3A_556 = arith.addf %add3A_530, %get3A_555 : vector<16xf32>
        %get3A_557 = arith.index_cast %rem3A_329 : i32 to index
        %get3A_558 = arith.index_cast %scan3A_544 : i32 to index
        %get3A_559 = arith.constant 32 : index
        %get3A_560 = tpu.vector_load %arg6[%get3A_557, %get3A_558, %get3A_559] {strides = array<i32>} : memref<4x200x64xf32, #tpu.memory_space<vmem>>, vector<1x1x16xf32>,
        %get3A_561 = vector.shape_cast %get3A_560 : vector<1x1x16xf32> to vector<16xf32>
        %add3A_562 = arith.addf %add3A_536, %get3A_561 : vector<16xf32>
        %get3A_563 = arith.index_cast %rem3A_329 : i32 to index
        %get3A_564 = arith.index_cast %scan3A_544 : i32 to index
        %get3A_565 = arith.constant 48 : index
        %get3A_566 = tpu.vector_load %arg6[%get3A_563, %get3A_564, %get3A_565] {strides = array<i32>} : memref<4x200x64xf32, #tpu.memory_space<vmem>>, vector<1x1x16xf32>,
        %get3A_567 = vector.shape_cast %get3A_566 : vector<1x1x16xf32> to vector<16xf32>
        %add3A_568 = arith.addf %add3A_542, %get3A_567 : vector<16xf32>
        %scan3A_569 = arith.constant 7 : i32
        %scan3A_570 = arith.addi %scan3A_385, %scan3A_569 : i32
        %get3A_571 = arith.index_cast %rem3A_329 : i32 to index
        %get3A_572 = arith.index_cast %scan3A_570 : i32 to index
        %get3A_573 = arith.constant 0 : index
        %get3A_574 = tpu.vector_load %arg6[%get3A_571, %get3A_572, %get3A_573] {strides = array<i32>} : memref<4x200x64xf32, #tpu.memory_space<vmem>>, vector<1x1x16xf32>,
        %get3A_575 = vector.shape_cast %get3A_574 : vector<1x1x16xf32> to vector<16xf32>
        %add3A_576 = arith.addf %add3A_550, %get3A_575 : vector<16xf32>
        %get3A_577 = arith.index_cast %rem3A_329 : i32 to index
        %get3A_578 = arith.index_cast %scan3A_570 : i32 to index
        %get3A_579 = arith.constant 16 : index
        %get3A_580 = tpu.vector_load %arg6[%get3A_577, %get3A_578, %get3A_579] {strides = array<i32>} : memref<4x200x64xf32, #tpu.memory_space<vmem>>, vector<1x1x16xf32>,
        %get3A_581 = vector.shape_cast %get3A_580 : vector<1x1x16xf32> to vector<16xf32>
        %add3A_582 = arith.addf %add3A_556, %get3A_581 : vector<16xf32>
        %get3A_583 = arith.index_cast %rem3A_329 : i32 to index
        %get3A_584 = arith.index_cast %scan3A_570 : i32 to index
        %get3A_585 = arith.constant 32 : index
        %get3A_586 = tpu.vector_load %arg6[%get3A_583, %get3A_584, %get3A_585] {strides = array<i32>} : memref<4x200x64xf32, #tpu.memory_space<vmem>>, vector<1x1x16xf32>,
        %get3A_587 = vector.shape_cast %get3A_586 : vector<1x1x16xf32> to vector<16xf32>
        %add3A_588 = arith.addf %add3A_562, %get3A_587 : vector<16xf32>
        %get3A_589 = arith.index_cast %rem3A_329 : i32 to index
        %get3A_590 = arith.index_cast %scan3A_570 : i32 to index
        %get3A_591 = arith.constant 48 : index
        %get3A_592 = tpu.vector_load %arg6[%get3A_589, %get3A_590, %get3A_591] {strides = array<i32>} : memref<4x200x64xf32, #tpu.memory_space<vmem>>, vector<1x1x16xf32>,
        %get3A_593 = vector.shape_cast %get3A_592 : vector<1x1x16xf32> to vector<16xf32>
        %add3A_594 = arith.addf %add3A_568, %get3A_593 : vector<16xf32>
        scf.yield %add3A_576, %add3A_582, %add3A_588, %add3A_594 : vector<16xf32>, vector<16xf32>, vector<16xf32>, vector<16xf32>
      }
      %scan3A_365 = arith.constant 96 : i32
      %swap3A = arith.index_cast %scan3A_328 : i32 to index
      %swap3A_366 = arith.constant 0 : index
      %swap3A_367 = tpu.vector_load %arg7[%swap3A, %swap3A_366] {strides = array<i32>} : memref<128x64xf32, #tpu.memory_space<vmem>>, vector<1x16xf32>,
      %swap3A_368 = vector.shape_cast %swap3A_367 : vector<1x16xf32> to vector<16xf32>
      %swap3A_369 = vector.shape_cast %scan3A_364#0 : vector<16xf32> to vector<1x16xf32>
      tpu.vector_store %arg7[%swap3A, %swap3A_366], %swap3A_369 {strides = array<i32>} : memref<128x64xf32, #tpu.memory_space<vmem>>, vector<1x16xf32>,
      %swap3A_370 = arith.index_cast %scan3A_328 : i32 to index
      %swap3A_371 = arith.constant 16 : index
      %swap3A_372 = tpu.vector_load %arg7[%swap3A_370, %swap3A_371] {strides = array<i32>} : memref<128x64xf32, #tpu.memory_space<vmem>>, vector<1x16xf32>,
      %swap3A_373 = vector.shape_cast %swap3A_372 : vector<1x16xf32> to vector<16xf32>
      %swap3A_374 = vector.shape_cast %scan3A_364#1 : vector<16xf32> to vector<1x16xf32>
      tpu.vector_store %arg7[%swap3A_370, %swap3A_371], %swap3A_374 {strides = array<i32>} : memref<128x64xf32, #tpu.memory_space<vmem>>, vector<1x16xf32>,
      %swap3A_375 = arith.index_cast %scan3A_328 : i32 to index
      %swap3A_376 = arith.constant 32 : index
      %swap3A_377 = tpu.vector_load %arg7[%swap3A_375, %swap3A_376] {strides = array<i32>} : memref<128x64xf32, #tpu.memory_space<vmem>>, vector<1x16xf32>,
      %swap3A_378 = vector.shape_cast %swap3A_377 : vector<1x16xf32> to vector<16xf32>
      %swap3A_379 = vector.shape_cast %scan3A_364#2 : vector<16xf32> to vector<1x16xf32>
      tpu.vector_store %arg7[%swap3A_375, %swap3A_376], %swap3A_379 {strides = array<i32>} : memref<128x64xf32, #tpu.memory_space<vmem>>, vector<1x16xf32>,
      %swap3A_380 = arith.index_cast %scan3A_328 : i32 to index
      %swap3A_381 = arith.constant 48 : index
      %swap3A_382 = tpu.vector_load %arg7[%swap3A_380, %swap3A_381] {strides = array<i32>} : memref<128x64xf32, #tpu.memory_space<vmem>>, vector<1x16xf32>,
      %swap3A_383 = vector.shape_cast %swap3A_382 : vector<1x16xf32> to vector<16xf32>
      %swap3A_384 = vector.shape_cast %scan3A_364#3 : vector<16xf32> to vector<1x16xf32>
      tpu.vector_store %arg7[%swap3A_380, %swap3A_381], %swap3A_384 {strides = array<i32>} : memref<128x64xf32, #tpu.memory_space<vmem>>, vector<1x16xf32>,
    }
    %scan3A_87 = arith.constant 128 : i32
    "tpu.region"() ({
      %run_scoped3A = tpu.sem_alloc : memref<!tpu.dma_semaphore, #tpu.memory_space<semaphore_mem>>
      %dma_start3A_328 = arith.constant 0 : i32
      %dma_start3A_329 = tpu.memref_slice %arg4[%add3A_11, %dma_start3A_328] : memref<16384x64xf32, #tpu.memory_space<hbm>> -> memref<128x64xf32, #tpu.memory_space<hbm>>
      %dma_start3A_330 = arith.constant 0 : i32
      %dma_start3A_331 = tpu.memref_slice %arg4[%add3A_11, %dma_start3A_330] : memref<16384x64xf32, #tpu.memory_space<hbm>> -> memref<128x64xf32, #tpu.memory_space<hbm>>
      tpu.enqueue_dma source(%arg7 : memref<128x64xf32, #tpu.memory_space<vmem>>) target(%dma_start3A_331 : memref<128x64xf32, #tpu.memory_space<hbm>>) target_semaphore(%run_scoped3A : memref<!tpu.dma_semaphore, #tpu.memory_space<semaphore_mem>>)
      %dma_wait3A = arith.constant 0 : i32
      %dma_wait3A_332 = tpu.memref_slice %arg4[%add3A_11, %dma_wait3A] : memref<16384x64xf32, #tpu.memory_space<hbm>> -> memref<128x64xf32, #tpu.memory_space<hbm>>
      %dma_wait3A_333 = arith.constant 0 : i32
      %dma_wait3A_334 = tpu.memref_slice %arg4[%add3A_11, %dma_wait3A_333] : memref<16384x64xf32, #tpu.memory_space<hbm>> -> memref<128x64xf32, #tpu.memory_space<hbm>>
      tpu.wait_dma2 semaphore(%run_scoped3A : memref<!tpu.dma_semaphore, #tpu.memory_space<semaphore_mem>>) src(%arg7 : memref<128x64xf32, #tpu.memory_space<vmem>>) dst(%dma_wait3A_334 : memref<128x64xf32, #tpu.memory_space<hbm>>)
      tpu.yield
    }) : () -> ()
    %add3A_88 = arith.constant 128 : i32
    %add3A_89 = arith.addi %mul3A_2, %add3A_88 : i32
    "tpu.region"() ({
      %run_scoped3A = tpu.sem_alloc : memref<!tpu.dma_semaphore, #tpu.memory_space<semaphore_mem>>
      %dma_start3A_328 = arith.constant 0 : i32
      %dma_start3A_329 = tpu.memref_slice %arg2[%add3A_89, %dma_start3A_328] : memref<16384x200xi32, #tpu.memory_space<hbm>> -> memref<128x200xi32, #tpu.memory_space<hbm>>
      %dma_start3A_330 = arith.constant 0 : i32
      %dma_start3A_331 = tpu.memref_slice %arg2[%add3A_89, %dma_start3A_330] : memref<16384x200xi32, #tpu.memory_space<hbm>> -> memref<128x200xi32, #tpu.memory_space<hbm>>
      tpu.enqueue_dma source(%dma_start3A_331 : memref<128x200xi32, #tpu.memory_space<hbm>>) target(%arg5 : memref<128x200xi32, #tpu.memory_space<vmem>>) target_semaphore(%run_scoped3A : memref<!tpu.dma_semaphore, #tpu.memory_space<semaphore_mem>>)
      %dma_wait3A = arith.constant 0 : i32
      %dma_wait3A_332 = tpu.memref_slice %arg2[%add3A_89, %dma_wait3A] : memref<16384x200xi32, #tpu.memory_space<hbm>> -> memref<128x200xi32, #tpu.memory_space<hbm>>
      %dma_wait3A_333 = arith.constant 0 : i32
      %dma_wait3A_334 = tpu.memref_slice %arg2[%add3A_89, %dma_wait3A_333] : memref<16384x200xi32, #tpu.memory_space<hbm>> -> memref<128x200xi32, #tpu.memory_space<hbm>>
      tpu.wait_dma2 semaphore(%run_scoped3A : memref<!tpu.dma_semaphore, #tpu.memory_space<semaphore_mem>>) src(%dma_wait3A_334 : memref<128x200xi32, #tpu.memory_space<hbm>>) dst(%arg5 : memref<128x200xi32, #tpu.memory_space<vmem>>)
      tpu.yield
    }) : () -> ()
    %dma_start3A_90 = arith.constant 0 : i32
    %dma_start3A_91 = arith.constant 0 : i32
    %dma_start3A_92 = arith.constant 0 : i32
    %dma_start3A_93 = arith.constant 0 : i32
    %dma_start3A_94 = tpu.memref_slice %arg6[%dma_start3A_91, %dma_start3A_92, %dma_start3A_93] : memref<4x200x64xf32, #tpu.memory_space<vmem>> -> memref<1x104x64xf32, #tpu.memory_space<vmem>>
    %dma_start3A_95 = tpu.memref_squeeze %dma_start3A_94 : memref<1x104x64xf32, #tpu.memory_space<vmem>> -> memref<104x64xf32, #tpu.memory_space<vmem>>
    %dma_start3A_96 = arith.constant 0 : i32
    %dma_start3A_97 = tpu.memref_slice %arg5[%dma_start3A_90, %dma_start3A_96] : memref<128x200xi32, #tpu.memory_space<vmem>> -> memref<1x104xi32, #tpu.memory_space<vmem>>
    %dma_start3A_98 = tpu.memref_squeeze %dma_start3A_97 : memref<1x104xi32, #tpu.memory_space<vmem>> -> memref<104xi32, #tpu.memory_space<vmem>>
    %dma_start3A_99 = arith.constant 0 : i32
    %dma_start3A_100 = arith.constant 0 : i32
    %dma_start3A_101 = tpu.memref_slice %arg3[%dma_start3A_99, %dma_start3A_100] : memref<1000001x64xf32, #tpu.memory_space<hbm>> -> memref<1000001x64xf32, #tpu.memory_space<hbm>>
    tpu.enqueue_indirect_dma source(%dma_start3A_101 : memref<1000001x64xf32, #tpu.memory_space<hbm>>) target(%dma_start3A_95 : memref<104x64xf32, #tpu.memory_space<vmem>>) offsets(%dma_start3A_98 : memref<104xi32, #tpu.memory_space<vmem>>) semaphore(%arg8 : memref<!tpu.dma_semaphore, #tpu.memory_space<semaphore_mem>>)
    %dma_start3A_102 = arith.constant 0 : i32
    %dma_start3A_103 = arith.constant 0 : i32
    %dma_start3A_104 = arith.constant 104 : i32
    %dma_start3A_105 = arith.constant 0 : i32
    %dma_start3A_106 = tpu.memref_slice %arg6[%dma_start3A_103, %dma_start3A_104, %dma_start3A_105] : memref<4x200x64xf32, #tpu.memory_space<vmem>> -> memref<1x96x64xf32, #tpu.memory_space<vmem>>
    %dma_start3A_107 = tpu.memref_squeeze %dma_start3A_106 : memref<1x96x64xf32, #tpu.memory_space<vmem>> -> memref<96x64xf32, #tpu.memory_space<vmem>>
    %dma_start3A_108 = arith.constant 104 : i32
    %dma_start3A_109 = tpu.memref_slice %arg5[%dma_start3A_102, %dma_start3A_108] : memref<128x200xi32, #tpu.memory_space<vmem>> -> memref<1x96xi32, #tpu.memory_space<vmem>>
    %dma_start3A_110 = tpu.memref_squeeze %dma_start3A_109 : memref<1x96xi32, #tpu.memory_space<vmem>> -> memref<96xi32, #tpu.memory_space<vmem>>
    %dma_start3A_111 = arith.constant 0 : i32
    %dma_start3A_112 = arith.constant 0 : i32
    %dma_start3A_113 = tpu.memref_slice %arg3[%dma_start3A_111, %dma_start3A_112] : memref<1000001x64xf32, #tpu.memory_space<hbm>> -> memref<1000001x64xf32, #tpu.memory_space<hbm>>
    tpu.enqueue_indirect_dma source(%dma_start3A_113 : memref<1000001x64xf32, #tpu.memory_space<hbm>>) target(%dma_start3A_107 : memref<96x64xf32, #tpu.memory_space<vmem>>) offsets(%dma_start3A_110 : memref<96xi32, #tpu.memory_space<vmem>>) semaphore(%arg9 : memref<!tpu.dma_semaphore, #tpu.memory_space<semaphore_mem>>)
    %dma_start3A_114 = arith.constant 1 : i32
    %dma_start3A_115 = arith.constant 1 : i32
    %dma_start3A_116 = arith.constant 0 : i32
    %dma_start3A_117 = arith.constant 0 : i32
    %dma_start3A_118 = tpu.memref_slice %arg6[%dma_start3A_115, %dma_start3A_116, %dma_start3A_117] : memref<4x200x64xf32, #tpu.memory_space<vmem>> -> memref<1x104x64xf32, #tpu.memory_space<vmem>>
    %dma_start3A_119 = tpu.memref_squeeze %dma_start3A_118 : memref<1x104x64xf32, #tpu.memory_space<vmem>> -> memref<104x64xf32, #tpu.memory_space<vmem>>
    %dma_start3A_120 = arith.constant 0 : i32
    %dma_start3A_121 = tpu.memref_slice %arg5[%dma_start3A_114, %dma_start3A_120] : memref<128x200xi32, #tpu.memory_space<vmem>> -> memref<1x104xi32, #tpu.memory_space<vmem>>
    %dma_start3A_122 = tpu.memref_squeeze %dma_start3A_121 : memref<1x104xi32, #tpu.memory_space<vmem>> -> memref<104xi32, #tpu.memory_space<vmem>>
    %dma_start3A_123 = arith.constant 0 : i32
    %dma_start3A_124 = arith.constant 0 : i32
    %dma_start3A_125 = tpu.memref_slice %arg3[%dma_start3A_123, %dma_start3A_124] : memref<1000001x64xf32, #tpu.memory_space<hbm>> -> memref<1000001x64xf32, #tpu.memory_space<hbm>>
    tpu.enqueue_indirect_dma source(%dma_start3A_125 : memref<1000001x64xf32, #tpu.memory_space<hbm>>) target(%dma_start3A_119 : memref<104x64xf32, #tpu.memory_space<vmem>>) offsets(%dma_start3A_122 : memref<104xi32, #tpu.memory_space<vmem>>) semaphore(%arg8 : memref<!tpu.dma_semaphore, #tpu.memory_space<semaphore_mem>>)
    %dma_start3A_126 = arith.constant 1 : i32
    %dma_start3A_127 = arith.constant 1 : i32
    %dma_start3A_128 = arith.constant 104 : i32
    %dma_start3A_129 = arith.constant 0 : i32
    %dma_start3A_130 = tpu.memref_slice %arg6[%dma_start3A_127, %dma_start3A_128, %dma_start3A_129] : memref<4x200x64xf32, #tpu.memory_space<vmem>> -> memref<1x96x64xf32, #tpu.memory_space<vmem>>
    %dma_start3A_131 = tpu.memref_squeeze %dma_start3A_130 : memref<1x96x64xf32, #tpu.memory_space<vmem>> -> memref<96x64xf32, #tpu.memory_space<vmem>>
    %dma_start3A_132 = arith.constant 104 : i32
    %dma_start3A_133 = tpu.memref_slice %arg5[%dma_start3A_126, %dma_start3A_132] : memref<128x200xi32, #tpu.memory_space<vmem>> -> memref<1x96xi32, #tpu.memory_space<vmem>>
    %dma_start3A_134 = tpu.memref_squeeze %dma_start3A_133 : memref<1x96xi32, #tpu.memory_space<vmem>> -> memref<96xi32, #tpu.memory_space<vmem>>
    %dma_start3A_135 = arith.constant 0 : i32
    %dma_start3A_136 = arith.constant 0 : i32
    %dma_start3A_137 = tpu.memref_slice %arg3[%dma_start3A_135, %dma_start3A_136] : memref<1000001x64xf32, #tpu.memory_space<hbm>> -> memref<1000001x64xf32, #tpu.memory_space<hbm>>
    tpu.enqueue_indirect_dma source(%dma_start3A_137 : memref<1000001x64xf32, #tpu.memory_space<hbm>>) target(%dma_start3A_131 : memref<96x64xf32, #tpu.memory_space<vmem>>) offsets(%dma_start3A_134 : memref<96xi32, #tpu.memory_space<vmem>>) semaphore(%arg9 : memref<!tpu.dma_semaphore, #tpu.memory_space<semaphore_mem>>)
    %dma_start3A_138 = arith.constant 2 : i32
    %dma_start3A_139 = arith.constant 2 : i32
    %dma_start3A_140 = arith.constant 0 : i32
    %dma_start3A_141 = arith.constant 0 : i32
    %dma_start3A_142 = tpu.memref_slice %arg6[%dma_start3A_139, %dma_start3A_140, %dma_start3A_141] : memref<4x200x64xf32, #tpu.memory_space<vmem>> -> memref<1x104x64xf32, #tpu.memory_space<vmem>>
    %dma_start3A_143 = tpu.memref_squeeze %dma_start3A_142 : memref<1x104x64xf32, #tpu.memory_space<vmem>> -> memref<104x64xf32, #tpu.memory_space<vmem>>
    %dma_start3A_144 = arith.constant 0 : i32
    %dma_start3A_145 = tpu.memref_slice %arg5[%dma_start3A_138, %dma_start3A_144] : memref<128x200xi32, #tpu.memory_space<vmem>> -> memref<1x104xi32, #tpu.memory_space<vmem>>
    %dma_start3A_146 = tpu.memref_squeeze %dma_start3A_145 : memref<1x104xi32, #tpu.memory_space<vmem>> -> memref<104xi32, #tpu.memory_space<vmem>>
    %dma_start3A_147 = arith.constant 0 : i32
    %dma_start3A_148 = arith.constant 0 : i32
    %dma_start3A_149 = tpu.memref_slice %arg3[%dma_start3A_147, %dma_start3A_148] : memref<1000001x64xf32, #tpu.memory_space<hbm>> -> memref<1000001x64xf32, #tpu.memory_space<hbm>>
    tpu.enqueue_indirect_dma source(%dma_start3A_149 : memref<1000001x64xf32, #tpu.memory_space<hbm>>) target(%dma_start3A_143 : memref<104x64xf32, #tpu.memory_space<vmem>>) offsets(%dma_start3A_146 : memref<104xi32, #tpu.memory_space<vmem>>) semaphore(%arg8 : memref<!tpu.dma_semaphore, #tpu.memory_space<semaphore_mem>>)
    %dma_start3A_150 = arith.constant 2 : i32
    %dma_start3A_151 = arith.constant 2 : i32
    %dma_start3A_152 = arith.constant 104 : i32
    %dma_start3A_153 = arith.constant 0 : i32
    %dma_start3A_154 = tpu.memref_slice %arg6[%dma_start3A_151, %dma_start3A_152, %dma_start3A_153] : memref<4x200x64xf32, #tpu.memory_space<vmem>> -> memref<1x96x64xf32, #tpu.memory_space<vmem>>
    %dma_start3A_155 = tpu.memref_squeeze %dma_start3A_154 : memref<1x96x64xf32, #tpu.memory_space<vmem>> -> memref<96x64xf32, #tpu.memory_space<vmem>>
    %dma_start3A_156 = arith.constant 104 : i32
    %dma_start3A_157 = tpu.memref_slice %arg5[%dma_start3A_150, %dma_start3A_156] : memref<128x200xi32, #tpu.memory_space<vmem>> -> memref<1x96xi32, #tpu.memory_space<vmem>>
    %dma_start3A_158 = tpu.memref_squeeze %dma_start3A_157 : memref<1x96xi32, #tpu.memory_space<vmem>> -> memref<96xi32, #tpu.memory_space<vmem>>
    %dma_start3A_159 = arith.constant 0 : i32
    %dma_start3A_160 = arith.constant 0 : i32
    %dma_start3A_161 = tpu.memref_slice %arg3[%dma_start3A_159, %dma_start3A_160] : memref<1000001x64xf32, #tpu.memory_space<hbm>> -> memref<1000001x64xf32, #tpu.memory_space<hbm>>
    tpu.enqueue_indirect_dma source(%dma_start3A_161 : memref<1000001x64xf32, #tpu.memory_space<hbm>>) target(%dma_start3A_155 : memref<96x64xf32, #tpu.memory_space<vmem>>) offsets(%dma_start3A_158 : memref<96xi32, #tpu.memory_space<vmem>>) semaphore(%arg9 : memref<!tpu.dma_semaphore, #tpu.memory_space<semaphore_mem>>)
    %scan3A_162 = arith.constant 0 : i32
    %scan3A_163 = arith.constant 0 : i32
    %scan3A_164 = arith.constant 128 : i32
    %scan3A_165 = arith.addi %scan3A_163, %scan3A_164 : i32
    %scan3A_166 = arith.constant 1 : i32
    scf.for %scan3A_328 = %scan3A_163 to %scan3A_165 step %scan3A_166  : i32 {
      %rem3A = arith.constant 4 : i32
      %rem3A_329 = arith.remsi %scan3A_328, %rem3A : i32
      %dma_wait3A = arith.constant 0 : i32
      %dma_wait3A_330 = arith.constant 0 : i32
      %dma_wait3A_331 = tpu.memref_slice %arg6[%rem3A_329, %dma_wait3A, %dma_wait3A_330] : memref<4x200x64xf32, #tpu.memory_space<vmem>> -> memref<1x104x64xf32, #tpu.memory_space<vmem>>
      %dma_wait3A_332 = tpu.memref_squeeze %dma_wait3A_331 : memref<1x104x64xf32, #tpu.memory_space<vmem>> -> memref<104x64xf32, #tpu.memory_space<vmem>>
      %dma_wait3A_333 = arith.constant 0 : i32
      %dma_wait3A_334 = tpu.memref_slice %arg5[%scan3A_328, %dma_wait3A_333] : memref<128x200xi32, #tpu.memory_space<vmem>> -> memref<1x104xi32, #tpu.memory_space<vmem>>
      %dma_wait3A_335 = tpu.memref_squeeze %dma_wait3A_334 : memref<1x104xi32, #tpu.memory_space<vmem>> -> memref<104xi32, #tpu.memory_space<vmem>>
      %dma_wait3A_336 = arith.constant 0 : i32
      %dma_wait3A_337 = arith.constant 0 : i32
      %dma_wait3A_338 = tpu.memref_slice %arg3[%dma_wait3A_336, %dma_wait3A_337] : memref<1000001x64xf32, #tpu.memory_space<hbm>> -> memref<1000001x64xf32, #tpu.memory_space<hbm>>
      tpu.wait_indirect_dma semaphore(%arg8 : memref<!tpu.dma_semaphore, #tpu.memory_space<semaphore_mem>>) src(%dma_wait3A_338 : memref<1000001x64xf32, #tpu.memory_space<hbm>>) dst(%dma_wait3A_332 : memref<104x64xf32, #tpu.memory_space<vmem>>)
      %add3A_339 = arith.constant 4 : i32
      %add3A_340 = arith.addi %scan3A_328, %add3A_339 : i32
      %sub3A = arith.constant 1 : i32
      %sub3A_341 = arith.subi %add3A_340, %sub3A : i32
      %lt3A = arith.constant 128 : i32
      %lt3A_342 = arith.cmpi slt, %sub3A_341, %lt3A : i32
      %convert_element_type3A = arith.extui %lt3A_342 : i1 to i32
      %cond3A = arith.constant 0 : i32
      %cond3A_343 = arith.cmpi ne, %convert_element_type3A, %cond3A : i32
      scf.if %cond3A_343 {
        %rem3A_385 = arith.constant 4 : i32
        %rem3A_386 = arith.remsi %sub3A_341, %rem3A_385 : i32
        %dma_start3A_387 = arith.constant 0 : i32
        %dma_start3A_388 = arith.constant 0 : i32
        %dma_start3A_389 = tpu.memref_slice %arg6[%rem3A_386, %dma_start3A_387, %dma_start3A_388] : memref<4x200x64xf32, #tpu.memory_space<vmem>> -> memref<1x104x64xf32, #tpu.memory_space<vmem>>
        %dma_start3A_390 = tpu.memref_squeeze %dma_start3A_389 : memref<1x104x64xf32, #tpu.memory_space<vmem>> -> memref<104x64xf32, #tpu.memory_space<vmem>>
        %dma_start3A_391 = arith.constant 0 : i32
        %dma_start3A_392 = tpu.memref_slice %arg5[%sub3A_341, %dma_start3A_391] : memref<128x200xi32, #tpu.memory_space<vmem>> -> memref<1x104xi32, #tpu.memory_space<vmem>>
        %dma_start3A_393 = tpu.memref_squeeze %dma_start3A_392 : memref<1x104xi32, #tpu.memory_space<vmem>> -> memref<104xi32, #tpu.memory_space<vmem>>
        %dma_start3A_394 = arith.constant 0 : i32
        %dma_start3A_395 = arith.constant 0 : i32
        %dma_start3A_396 = tpu.memref_slice %arg3[%dma_start3A_394, %dma_start3A_395] : memref<1000001x64xf32, #tpu.memory_space<hbm>> -> memref<1000001x64xf32, #tpu.memory_space<hbm>>
        tpu.enqueue_indirect_dma source(%dma_start3A_396 : memref<1000001x64xf32, #tpu.memory_space<hbm>>) target(%dma_start3A_390 : memref<104x64xf32, #tpu.memory_space<vmem>>) offsets(%dma_start3A_393 : memref<104xi32, #tpu.memory_space<vmem>>) semaphore(%arg8 : memref<!tpu.dma_semaphore, #tpu.memory_space<semaphore_mem>>)
        %dma_start3A_397 = arith.constant 104 : i32
        %dma_start3A_398 = arith.constant 0 : i32
        %dma_start3A_399 = tpu.memref_slice %arg6[%rem3A_386, %dma_start3A_397, %dma_start3A_398] : memref<4x200x64xf32, #tpu.memory_space<vmem>> -> memref<1x96x64xf32, #tpu.memory_space<vmem>>
        %dma_start3A_400 = tpu.memref_squeeze %dma_start3A_399 : memref<1x96x64xf32, #tpu.memory_space<vmem>> -> memref<96x64xf32, #tpu.memory_space<vmem>>
        %dma_start3A_401 = arith.constant 104 : i32
        %dma_start3A_402 = tpu.memref_slice %arg5[%sub3A_341, %dma_start3A_401] : memref<128x200xi32, #tpu.memory_space<vmem>> -> memref<1x96xi32, #tpu.memory_space<vmem>>
        %dma_start3A_403 = tpu.memref_squeeze %dma_start3A_402 : memref<1x96xi32, #tpu.memory_space<vmem>> -> memref<96xi32, #tpu.memory_space<vmem>>
        %dma_start3A_404 = arith.constant 0 : i32
        %dma_start3A_405 = arith.constant 0 : i32
        %dma_start3A_406 = tpu.memref_slice %arg3[%dma_start3A_404, %dma_start3A_405] : memref<1000001x64xf32, #tpu.memory_space<hbm>> -> memref<1000001x64xf32, #tpu.memory_space<hbm>>
        tpu.enqueue_indirect_dma source(%dma_start3A_406 : memref<1000001x64xf32, #tpu.memory_space<hbm>>) target(%dma_start3A_400 : memref<96x64xf32, #tpu.memory_space<vmem>>) offsets(%dma_start3A_403 : memref<96xi32, #tpu.memory_space<vmem>>) semaphore(%arg9 : memref<!tpu.dma_semaphore, #tpu.memory_space<semaphore_mem>>)
      } else {
      }
      %scan3A_344 = arith.constant 0 : i32
      %scan3A_345 = arith.constant 104 : i32
      %scan3A_346 = arith.addi %scan3A_344, %scan3A_345 : i32
      %scan3A_347 = arith.constant 8 : i32
      %scan3A_348:4 = scf.for %scan3A_385 = %scan3A_344 to %scan3A_346 step %scan3A_347 iter_args(%scan3A_386 = %broadcast_in_dim3A_3, %scan3A_387 = %broadcast_in_dim3A_5, %scan3A_388 = %broadcast_in_dim3A_7, %scan3A_389 = %broadcast_in_dim3A_9) -> (vector<16xf32>, vector<16xf32>, vector<16xf32>, vector<16xf32>)  : i32 {
        %get3A = arith.index_cast %rem3A_329 : i32 to index
        %get3A_390 = arith.index_cast %scan3A_385 : i32 to index
        %get3A_391 = arith.constant 0 : index
        %get3A_392 = tpu.vector_load %arg6[%get3A, %get3A_390, %get3A_391] {strides = array<i32>} : memref<4x200x64xf32, #tpu.memory_space<vmem>>, vector<1x1x16xf32>,
        %get3A_393 = vector.shape_cast %get3A_392 : vector<1x1x16xf32> to vector<16xf32>
        %add3A_394 = arith.addf %scan3A_386, %get3A_393 : vector<16xf32>
        %get3A_395 = arith.index_cast %rem3A_329 : i32 to index
        %get3A_396 = arith.index_cast %scan3A_385 : i32 to index
        %get3A_397 = arith.constant 16 : index
        %get3A_398 = tpu.vector_load %arg6[%get3A_395, %get3A_396, %get3A_397] {strides = array<i32>} : memref<4x200x64xf32, #tpu.memory_space<vmem>>, vector<1x1x16xf32>,
        %get3A_399 = vector.shape_cast %get3A_398 : vector<1x1x16xf32> to vector<16xf32>
        %add3A_400 = arith.addf %scan3A_387, %get3A_399 : vector<16xf32>
        %get3A_401 = arith.index_cast %rem3A_329 : i32 to index
        %get3A_402 = arith.index_cast %scan3A_385 : i32 to index
        %get3A_403 = arith.constant 32 : index
        %get3A_404 = tpu.vector_load %arg6[%get3A_401, %get3A_402, %get3A_403] {strides = array<i32>} : memref<4x200x64xf32, #tpu.memory_space<vmem>>, vector<1x1x16xf32>,
        %get3A_405 = vector.shape_cast %get3A_404 : vector<1x1x16xf32> to vector<16xf32>
        %add3A_406 = arith.addf %scan3A_388, %get3A_405 : vector<16xf32>
        %get3A_407 = arith.index_cast %rem3A_329 : i32 to index
        %get3A_408 = arith.index_cast %scan3A_385 : i32 to index
        %get3A_409 = arith.constant 48 : index
        %get3A_410 = tpu.vector_load %arg6[%get3A_407, %get3A_408, %get3A_409] {strides = array<i32>} : memref<4x200x64xf32, #tpu.memory_space<vmem>>, vector<1x1x16xf32>,
        %get3A_411 = vector.shape_cast %get3A_410 : vector<1x1x16xf32> to vector<16xf32>
        %add3A_412 = arith.addf %scan3A_389, %get3A_411 : vector<16xf32>
        %scan3A_413 = arith.constant 1 : i32
        %scan3A_414 = arith.addi %scan3A_385, %scan3A_413 : i32
        %get3A_415 = arith.index_cast %rem3A_329 : i32 to index
        %get3A_416 = arith.index_cast %scan3A_414 : i32 to index
        %get3A_417 = arith.constant 0 : index
        %get3A_418 = tpu.vector_load %arg6[%get3A_415, %get3A_416, %get3A_417] {strides = array<i32>} : memref<4x200x64xf32, #tpu.memory_space<vmem>>, vector<1x1x16xf32>,
        %get3A_419 = vector.shape_cast %get3A_418 : vector<1x1x16xf32> to vector<16xf32>
        %add3A_420 = arith.addf %add3A_394, %get3A_419 : vector<16xf32>
        %get3A_421 = arith.index_cast %rem3A_329 : i32 to index
        %get3A_422 = arith.index_cast %scan3A_414 : i32 to index
        %get3A_423 = arith.constant 16 : index
        %get3A_424 = tpu.vector_load %arg6[%get3A_421, %get3A_422, %get3A_423] {strides = array<i32>} : memref<4x200x64xf32, #tpu.memory_space<vmem>>, vector<1x1x16xf32>,
        %get3A_425 = vector.shape_cast %get3A_424 : vector<1x1x16xf32> to vector<16xf32>
        %add3A_426 = arith.addf %add3A_400, %get3A_425 : vector<16xf32>
        %get3A_427 = arith.index_cast %rem3A_329 : i32 to index
        %get3A_428 = arith.index_cast %scan3A_414 : i32 to index
        %get3A_429 = arith.constant 32 : index
        %get3A_430 = tpu.vector_load %arg6[%get3A_427, %get3A_428, %get3A_429] {strides = array<i32>} : memref<4x200x64xf32, #tpu.memory_space<vmem>>, vector<1x1x16xf32>,
        %get3A_431 = vector.shape_cast %get3A_430 : vector<1x1x16xf32> to vector<16xf32>
        %add3A_432 = arith.addf %add3A_406, %get3A_431 : vector<16xf32>
        %get3A_433 = arith.index_cast %rem3A_329 : i32 to index
        %get3A_434 = arith.index_cast %scan3A_414 : i32 to index
        %get3A_435 = arith.constant 48 : index
        %get3A_436 = tpu.vector_load %arg6[%get3A_433, %get3A_434, %get3A_435] {strides = array<i32>} : memref<4x200x64xf32, #tpu.memory_space<vmem>>, vector<1x1x16xf32>,
        %get3A_437 = vector.shape_cast %get3A_436 : vector<1x1x16xf32> to vector<16xf32>
        %add3A_438 = arith.addf %add3A_412, %get3A_437 : vector<16xf32>
        %scan3A_439 = arith.constant 2 : i32
        %scan3A_440 = arith.addi %scan3A_385, %scan3A_439 : i32
        %get3A_441 = arith.index_cast %rem3A_329 : i32 to index
        %get3A_442 = arith.index_cast %scan3A_440 : i32 to index
        %get3A_443 = arith.constant 0 : index
        %get3A_444 = tpu.vector_load %arg6[%get3A_441, %get3A_442, %get3A_443] {strides = array<i32>} : memref<4x200x64xf32, #tpu.memory_space<vmem>>, vector<1x1x16xf32>,
        %get3A_445 = vector.shape_cast %get3A_444 : vector<1x1x16xf32> to vector<16xf32>
        %add3A_446 = arith.addf %add3A_420, %get3A_445 : vector<16xf32>
        %get3A_447 = arith.index_cast %rem3A_329 : i32 to index
        %get3A_448 = arith.index_cast %scan3A_440 : i32 to index
        %get3A_449 = arith.constant 16 : index
        %get3A_450 = tpu.vector_load %arg6[%get3A_447, %get3A_448, %get3A_449] {strides = array<i32>} : memref<4x200x64xf32, #tpu.memory_space<vmem>>, vector<1x1x16xf32>,
        %get3A_451 = vector.shape_cast %get3A_450 : vector<1x1x16xf32> to vector<16xf32>
        %add3A_452 = arith.addf %add3A_426, %get3A_451 : vector<16xf32>
        %get3A_453 = arith.index_cast %rem3A_329 : i32 to index
        %get3A_454 = arith.index_cast %scan3A_440 : i32 to index
        %get3A_455 = arith.constant 32 : index
        %get3A_456 = tpu.vector_load %arg6[%get3A_453, %get3A_454, %get3A_455] {strides = array<i32>} : memref<4x200x64xf32, #tpu.memory_space<vmem>>, vector<1x1x16xf32>,
        %get3A_457 = vector.shape_cast %get3A_456 : vector<1x1x16xf32> to vector<16xf32>
        %add3A_458 = arith.addf %add3A_432, %get3A_457 : vector<16xf32>
        %get3A_459 = arith.index_cast %rem3A_329 : i32 to index
        %get3A_460 = arith.index_cast %scan3A_440 : i32 to index
        %get3A_461 = arith.constant 48 : index
        %get3A_462 = tpu.vector_load %arg6[%get3A_459, %get3A_460, %get3A_461] {strides = array<i32>} : memref<4x200x64xf32, #tpu.memory_space<vmem>>, vector<1x1x16xf32>,
        %get3A_463 = vector.shape_cast %get3A_462 : vector<1x1x16xf32> to vector<16xf32>
        %add3A_464 = arith.addf %add3A_438, %get3A_463 : vector<16xf32>
        %scan3A_465 = arith.constant 3 : i32
        %scan3A_466 = arith.addi %scan3A_385, %scan3A_465 : i32
        %get3A_467 = arith.index_cast %rem3A_329 : i32 to index
        %get3A_468 = arith.index_cast %scan3A_466 : i32 to index
        %get3A_469 = arith.constant 0 : index
        %get3A_470 = tpu.vector_load %arg6[%get3A_467, %get3A_468, %get3A_469] {strides = array<i32>} : memref<4x200x64xf32, #tpu.memory_space<vmem>>, vector<1x1x16xf32>,
        %get3A_471 = vector.shape_cast %get3A_470 : vector<1x1x16xf32> to vector<16xf32>
        %add3A_472 = arith.addf %add3A_446, %get3A_471 : vector<16xf32>
        %get3A_473 = arith.index_cast %rem3A_329 : i32 to index
        %get3A_474 = arith.index_cast %scan3A_466 : i32 to index
        %get3A_475 = arith.constant 16 : index
        %get3A_476 = tpu.vector_load %arg6[%get3A_473, %get3A_474, %get3A_475] {strides = array<i32>} : memref<4x200x64xf32, #tpu.memory_space<vmem>>, vector<1x1x16xf32>,
        %get3A_477 = vector.shape_cast %get3A_476 : vector<1x1x16xf32> to vector<16xf32>
        %add3A_478 = arith.addf %add3A_452, %get3A_477 : vector<16xf32>
        %get3A_479 = arith.index_cast %rem3A_329 : i32 to index
        %get3A_480 = arith.index_cast %scan3A_466 : i32 to index
        %get3A_481 = arith.constant 32 : index
        %get3A_482 = tpu.vector_load %arg6[%get3A_479, %get3A_480, %get3A_481] {strides = array<i32>} : memref<4x200x64xf32, #tpu.memory_space<vmem>>, vector<1x1x16xf32>,
        %get3A_483 = vector.shape_cast %get3A_482 : vector<1x1x16xf32> to vector<16xf32>
        %add3A_484 = arith.addf %add3A_458, %get3A_483 : vector<16xf32>
        %get3A_485 = arith.index_cast %rem3A_329 : i32 to index
        %get3A_486 = arith.index_cast %scan3A_466 : i32 to index
        %get3A_487 = arith.constant 48 : index
        %get3A_488 = tpu.vector_load %arg6[%get3A_485, %get3A_486, %get3A_487] {strides = array<i32>} : memref<4x200x64xf32, #tpu.memory_space<vmem>>, vector<1x1x16xf32>,
        %get3A_489 = vector.shape_cast %get3A_488 : vector<1x1x16xf32> to vector<16xf32>
        %add3A_490 = arith.addf %add3A_464, %get3A_489 : vector<16xf32>
        %scan3A_491 = arith.constant 4 : i32
        %scan3A_492 = arith.addi %scan3A_385, %scan3A_491 : i32
        %get3A_493 = arith.index_cast %rem3A_329 : i32 to index
        %get3A_494 = arith.index_cast %scan3A_492 : i32 to index
        %get3A_495 = arith.constant 0 : index
        %get3A_496 = tpu.vector_load %arg6[%get3A_493, %get3A_494, %get3A_495] {strides = array<i32>} : memref<4x200x64xf32, #tpu.memory_space<vmem>>, vector<1x1x16xf32>,
        %get3A_497 = vector.shape_cast %get3A_496 : vector<1x1x16xf32> to vector<16xf32>
        %add3A_498 = arith.addf %add3A_472, %get3A_497 : vector<16xf32>
        %get3A_499 = arith.index_cast %rem3A_329 : i32 to index
        %get3A_500 = arith.index_cast %scan3A_492 : i32 to index
        %get3A_501 = arith.constant 16 : index
        %get3A_502 = tpu.vector_load %arg6[%get3A_499, %get3A_500, %get3A_501] {strides = array<i32>} : memref<4x200x64xf32, #tpu.memory_space<vmem>>, vector<1x1x16xf32>,
        %get3A_503 = vector.shape_cast %get3A_502 : vector<1x1x16xf32> to vector<16xf32>
        %add3A_504 = arith.addf %add3A_478, %get3A_503 : vector<16xf32>
        %get3A_505 = arith.index_cast %rem3A_329 : i32 to index
        %get3A_506 = arith.index_cast %scan3A_492 : i32 to index
        %get3A_507 = arith.constant 32 : index
        %get3A_508 = tpu.vector_load %arg6[%get3A_505, %get3A_506, %get3A_507] {strides = array<i32>} : memref<4x200x64xf32, #tpu.memory_space<vmem>>, vector<1x1x16xf32>,
        %get3A_509 = vector.shape_cast %get3A_508 : vector<1x1x16xf32> to vector<16xf32>
        %add3A_510 = arith.addf %add3A_484, %get3A_509 : vector<16xf32>
        %get3A_511 = arith.index_cast %rem3A_329 : i32 to index
        %get3A_512 = arith.index_cast %scan3A_492 : i32 to index
        %get3A_513 = arith.constant 48 : index
        %get3A_514 = tpu.vector_load %arg6[%get3A_511, %get3A_512, %get3A_513] {strides = array<i32>} : memref<4x200x64xf32, #tpu.memory_space<vmem>>, vector<1x1x16xf32>,
        %get3A_515 = vector.shape_cast %get3A_514 : vector<1x1x16xf32> to vector<16xf32>
        %add3A_516 = arith.addf %add3A_490, %get3A_515 : vector<16xf32>
        %scan3A_517 = arith.constant 5 : i32
        %scan3A_518 = arith.addi %scan3A_385, %scan3A_517 : i32
        %get3A_519 = arith.index_cast %rem3A_329 : i32 to index
        %get3A_520 = arith.index_cast %scan3A_518 : i32 to index
        %get3A_521 = arith.constant 0 : index
        %get3A_522 = tpu.vector_load %arg6[%get3A_519, %get3A_520, %get3A_521] {strides = array<i32>} : memref<4x200x64xf32, #tpu.memory_space<vmem>>, vector<1x1x16xf32>,
        %get3A_523 = vector.shape_cast %get3A_522 : vector<1x1x16xf32> to vector<16xf32>
        %add3A_524 = arith.addf %add3A_498, %get3A_523 : vector<16xf32>
        %get3A_525 = arith.index_cast %rem3A_329 : i32 to index
        %get3A_526 = arith.index_cast %scan3A_518 : i32 to index
        %get3A_527 = arith.constant 16 : index
        %get3A_528 = tpu.vector_load %arg6[%get3A_525, %get3A_526, %get3A_527] {strides = array<i32>} : memref<4x200x64xf32, #tpu.memory_space<vmem>>, vector<1x1x16xf32>,
        %get3A_529 = vector.shape_cast %get3A_528 : vector<1x1x16xf32> to vector<16xf32>
        %add3A_530 = arith.addf %add3A_504, %get3A_529 : vector<16xf32>
        %get3A_531 = arith.index_cast %rem3A_329 : i32 to index
        %get3A_532 = arith.index_cast %scan3A_518 : i32 to index
        %get3A_533 = arith.constant 32 : index
        %get3A_534 = tpu.vector_load %arg6[%get3A_531, %get3A_532, %get3A_533] {strides = array<i32>} : memref<4x200x64xf32, #tpu.memory_space<vmem>>, vector<1x1x16xf32>,
        %get3A_535 = vector.shape_cast %get3A_534 : vector<1x1x16xf32> to vector<16xf32>
        %add3A_536 = arith.addf %add3A_510, %get3A_535 : vector<16xf32>
        %get3A_537 = arith.index_cast %rem3A_329 : i32 to index
        %get3A_538 = arith.index_cast %scan3A_518 : i32 to index
        %get3A_539 = arith.constant 48 : index
        %get3A_540 = tpu.vector_load %arg6[%get3A_537, %get3A_538, %get3A_539] {strides = array<i32>} : memref<4x200x64xf32, #tpu.memory_space<vmem>>, vector<1x1x16xf32>,
        %get3A_541 = vector.shape_cast %get3A_540 : vector<1x1x16xf32> to vector<16xf32>
        %add3A_542 = arith.addf %add3A_516, %get3A_541 : vector<16xf32>
        %scan3A_543 = arith.constant 6 : i32
        %scan3A_544 = arith.addi %scan3A_385, %scan3A_543 : i32
        %get3A_545 = arith.index_cast %rem3A_329 : i32 to index
        %get3A_546 = arith.index_cast %scan3A_544 : i32 to index
        %get3A_547 = arith.constant 0 : index
        %get3A_548 = tpu.vector_load %arg6[%get3A_545, %get3A_546, %get3A_547] {strides = array<i32>} : memref<4x200x64xf32, #tpu.memory_space<vmem>>, vector<1x1x16xf32>,
        %get3A_549 = vector.shape_cast %get3A_548 : vector<1x1x16xf32> to vector<16xf32>
        %add3A_550 = arith.addf %add3A_524, %get3A_549 : vector<16xf32>
        %get3A_551 = arith.index_cast %rem3A_329 : i32 to index
        %get3A_552 = arith.index_cast %scan3A_544 : i32 to index
        %get3A_553 = arith.constant 16 : index
        %get3A_554 = tpu.vector_load %arg6[%get3A_551, %get3A_552, %get3A_553] {strides = array<i32>} : memref<4x200x64xf32, #tpu.memory_space<vmem>>, vector<1x1x16xf32>,
        %get3A_555 = vector.shape_cast %get3A_554 : vector<1x1x16xf32> to vector<16xf32>
        %add3A_556 = arith.addf %add3A_530, %get3A_555 : vector<16xf32>
        %get3A_557 = arith.index_cast %rem3A_329 : i32 to index
        %get3A_558 = arith.index_cast %scan3A_544 : i32 to index
        %get3A_559 = arith.constant 32 : index
        %get3A_560 = tpu.vector_load %arg6[%get3A_557, %get3A_558, %get3A_559] {strides = array<i32>} : memref<4x200x64xf32, #tpu.memory_space<vmem>>, vector<1x1x16xf32>,
        %get3A_561 = vector.shape_cast %get3A_560 : vector<1x1x16xf32> to vector<16xf32>
        %add3A_562 = arith.addf %add3A_536, %get3A_561 : vector<16xf32>
        %get3A_563 = arith.index_cast %rem3A_329 : i32 to index
        %get3A_564 = arith.index_cast %scan3A_544 : i32 to index
        %get3A_565 = arith.constant 48 : index
        %get3A_566 = tpu.vector_load %arg6[%get3A_563, %get3A_564, %get3A_565] {strides = array<i32>} : memref<4x200x64xf32, #tpu.memory_space<vmem>>, vector<1x1x16xf32>,
        %get3A_567 = vector.shape_cast %get3A_566 : vector<1x1x16xf32> to vector<16xf32>
        %add3A_568 = arith.addf %add3A_542, %get3A_567 : vector<16xf32>
        %scan3A_569 = arith.constant 7 : i32
        %scan3A_570 = arith.addi %scan3A_385, %scan3A_569 : i32
        %get3A_571 = arith.index_cast %rem3A_329 : i32 to index
        %get3A_572 = arith.index_cast %scan3A_570 : i32 to index
        %get3A_573 = arith.constant 0 : index
        %get3A_574 = tpu.vector_load %arg6[%get3A_571, %get3A_572, %get3A_573] {strides = array<i32>} : memref<4x200x64xf32, #tpu.memory_space<vmem>>, vector<1x1x16xf32>,
        %get3A_575 = vector.shape_cast %get3A_574 : vector<1x1x16xf32> to vector<16xf32>
        %add3A_576 = arith.addf %add3A_550, %get3A_575 : vector<16xf32>
        %get3A_577 = arith.index_cast %rem3A_329 : i32 to index
        %get3A_578 = arith.index_cast %scan3A_570 : i32 to index
        %get3A_579 = arith.constant 16 : index
        %get3A_580 = tpu.vector_load %arg6[%get3A_577, %get3A_578, %get3A_579] {strides = array<i32>} : memref<4x200x64xf32, #tpu.memory_space<vmem>>, vector<1x1x16xf32>,
        %get3A_581 = vector.shape_cast %get3A_580 : vector<1x1x16xf32> to vector<16xf32>
        %add3A_582 = arith.addf %add3A_556, %get3A_581 : vector<16xf32>
        %get3A_583 = arith.index_cast %rem3A_329 : i32 to index
        %get3A_584 = arith.index_cast %scan3A_570 : i32 to index
        %get3A_585 = arith.constant 32 : index
        %get3A_586 = tpu.vector_load %arg6[%get3A_583, %get3A_584, %get3A_585] {strides = array<i32>} : memref<4x200x64xf32, #tpu.memory_space<vmem>>, vector<1x1x16xf32>,
        %get3A_587 = vector.shape_cast %get3A_586 : vector<1x1x16xf32> to vector<16xf32>
        %add3A_588 = arith.addf %add3A_562, %get3A_587 : vector<16xf32>
        %get3A_589 = arith.index_cast %rem3A_329 : i32 to index
        %get3A_590 = arith.index_cast %scan3A_570 : i32 to index
        %get3A_591 = arith.constant 48 : index
        %get3A_592 = tpu.vector_load %arg6[%get3A_589, %get3A_590, %get3A_591] {strides = array<i32>} : memref<4x200x64xf32, #tpu.memory_space<vmem>>, vector<1x1x16xf32>,
        %get3A_593 = vector.shape_cast %get3A_592 : vector<1x1x16xf32> to vector<16xf32>
        %add3A_594 = arith.addf %add3A_568, %get3A_593 : vector<16xf32>
        scf.yield %add3A_576, %add3A_582, %add3A_588, %add3A_594 : vector<16xf32>, vector<16xf32>, vector<16xf32>, vector<16xf32>
      }
      %scan3A_349 = arith.constant 104 : i32
      %dma_wait3A_350 = arith.constant 104 : i32
      %dma_wait3A_351 = arith.constant 0 : i32
      %dma_wait3A_352 = tpu.memref_slice %arg6[%rem3A_329, %dma_wait3A_350, %dma_wait3A_351] : memref<4x200x64xf32, #tpu.memory_space<vmem>> -> memref<1x96x64xf32, #tpu.memory_space<vmem>>
      %dma_wait3A_353 = tpu.memref_squeeze %dma_wait3A_352 : memref<1x96x64xf32, #tpu.memory_space<vmem>> -> memref<96x64xf32, #tpu.memory_space<vmem>>
      %dma_wait3A_354 = arith.constant 104 : i32
      %dma_wait3A_355 = tpu.memref_slice %arg5[%scan3A_328, %dma_wait3A_354] : memref<128x200xi32, #tpu.memory_space<vmem>> -> memref<1x96xi32, #tpu.memory_space<vmem>>
      %dma_wait3A_356 = tpu.memref_squeeze %dma_wait3A_355 : memref<1x96xi32, #tpu.memory_space<vmem>> -> memref<96xi32, #tpu.memory_space<vmem>>
      %dma_wait3A_357 = arith.constant 0 : i32
      %dma_wait3A_358 = arith.constant 0 : i32
      %dma_wait3A_359 = tpu.memref_slice %arg3[%dma_wait3A_357, %dma_wait3A_358] : memref<1000001x64xf32, #tpu.memory_space<hbm>> -> memref<1000001x64xf32, #tpu.memory_space<hbm>>
      tpu.wait_indirect_dma semaphore(%arg9 : memref<!tpu.dma_semaphore, #tpu.memory_space<semaphore_mem>>) src(%dma_wait3A_359 : memref<1000001x64xf32, #tpu.memory_space<hbm>>) dst(%dma_wait3A_353 : memref<96x64xf32, #tpu.memory_space<vmem>>)
      %scan3A_360 = arith.constant 104 : i32
      %scan3A_361 = arith.constant 96 : i32
      %scan3A_362 = arith.addi %scan3A_360, %scan3A_361 : i32
      %scan3A_363 = arith.constant 8 : i32
      %scan3A_364:4 = scf.for %scan3A_385 = %scan3A_360 to %scan3A_362 step %scan3A_363 iter_args(%scan3A_386 = %scan3A_348#0, %scan3A_387 = %scan3A_348#1, %scan3A_388 = %scan3A_348#2, %scan3A_389 = %scan3A_348#3) -> (vector<16xf32>, vector<16xf32>, vector<16xf32>, vector<16xf32>)  : i32 {
        %get3A = arith.index_cast %rem3A_329 : i32 to index
        %get3A_390 = arith.index_cast %scan3A_385 : i32 to index
        %get3A_391 = arith.constant 0 : index
        %get3A_392 = tpu.vector_load %arg6[%get3A, %get3A_390, %get3A_391] {strides = array<i32>} : memref<4x200x64xf32, #tpu.memory_space<vmem>>, vector<1x1x16xf32>,
        %get3A_393 = vector.shape_cast %get3A_392 : vector<1x1x16xf32> to vector<16xf32>
        %add3A_394 = arith.addf %scan3A_386, %get3A_393 : vector<16xf32>
        %get3A_395 = arith.index_cast %rem3A_329 : i32 to index
        %get3A_396 = arith.index_cast %scan3A_385 : i32 to index
        %get3A_397 = arith.constant 16 : index
        %get3A_398 = tpu.vector_load %arg6[%get3A_395, %get3A_396, %get3A_397] {strides = array<i32>} : memref<4x200x64xf32, #tpu.memory_space<vmem>>, vector<1x1x16xf32>,
        %get3A_399 = vector.shape_cast %get3A_398 : vector<1x1x16xf32> to vector<16xf32>
        %add3A_400 = arith.addf %scan3A_387, %get3A_399 : vector<16xf32>
        %get3A_401 = arith.index_cast %rem3A_329 : i32 to index
        %get3A_402 = arith.index_cast %scan3A_385 : i32 to index
        %get3A_403 = arith.constant 32 : index
        %get3A_404 = tpu.vector_load %arg6[%get3A_401, %get3A_402, %get3A_403] {strides = array<i32>} : memref<4x200x64xf32, #tpu.memory_space<vmem>>, vector<1x1x16xf32>,
        %get3A_405 = vector.shape_cast %get3A_404 : vector<1x1x16xf32> to vector<16xf32>
        %add3A_406 = arith.addf %scan3A_388, %get3A_405 : vector<16xf32>
        %get3A_407 = arith.index_cast %rem3A_329 : i32 to index
        %get3A_408 = arith.index_cast %scan3A_385 : i32 to index
        %get3A_409 = arith.constant 48 : index
        %get3A_410 = tpu.vector_load %arg6[%get3A_407, %get3A_408, %get3A_409] {strides = array<i32>} : memref<4x200x64xf32, #tpu.memory_space<vmem>>, vector<1x1x16xf32>,
        %get3A_411 = vector.shape_cast %get3A_410 : vector<1x1x16xf32> to vector<16xf32>
        %add3A_412 = arith.addf %scan3A_389, %get3A_411 : vector<16xf32>
        %scan3A_413 = arith.constant 1 : i32
        %scan3A_414 = arith.addi %scan3A_385, %scan3A_413 : i32
        %get3A_415 = arith.index_cast %rem3A_329 : i32 to index
        %get3A_416 = arith.index_cast %scan3A_414 : i32 to index
        %get3A_417 = arith.constant 0 : index
        %get3A_418 = tpu.vector_load %arg6[%get3A_415, %get3A_416, %get3A_417] {strides = array<i32>} : memref<4x200x64xf32, #tpu.memory_space<vmem>>, vector<1x1x16xf32>,
        %get3A_419 = vector.shape_cast %get3A_418 : vector<1x1x16xf32> to vector<16xf32>
        %add3A_420 = arith.addf %add3A_394, %get3A_419 : vector<16xf32>
        %get3A_421 = arith.index_cast %rem3A_329 : i32 to index
        %get3A_422 = arith.index_cast %scan3A_414 : i32 to index
        %get3A_423 = arith.constant 16 : index
        %get3A_424 = tpu.vector_load %arg6[%get3A_421, %get3A_422, %get3A_423] {strides = array<i32>} : memref<4x200x64xf32, #tpu.memory_space<vmem>>, vector<1x1x16xf32>,
        %get3A_425 = vector.shape_cast %get3A_424 : vector<1x1x16xf32> to vector<16xf32>
        %add3A_426 = arith.addf %add3A_400, %get3A_425 : vector<16xf32>
        %get3A_427 = arith.index_cast %rem3A_329 : i32 to index
        %get3A_428 = arith.index_cast %scan3A_414 : i32 to index
        %get3A_429 = arith.constant 32 : index
        %get3A_430 = tpu.vector_load %arg6[%get3A_427, %get3A_428, %get3A_429] {strides = array<i32>} : memref<4x200x64xf32, #tpu.memory_space<vmem>>, vector<1x1x16xf32>,
        %get3A_431 = vector.shape_cast %get3A_430 : vector<1x1x16xf32> to vector<16xf32>
        %add3A_432 = arith.addf %add3A_406, %get3A_431 : vector<16xf32>
        %get3A_433 = arith.index_cast %rem3A_329 : i32 to index
        %get3A_434 = arith.index_cast %scan3A_414 : i32 to index
        %get3A_435 = arith.constant 48 : index
        %get3A_436 = tpu.vector_load %arg6[%get3A_433, %get3A_434, %get3A_435] {strides = array<i32>} : memref<4x200x64xf32, #tpu.memory_space<vmem>>, vector<1x1x16xf32>,
        %get3A_437 = vector.shape_cast %get3A_436 : vector<1x1x16xf32> to vector<16xf32>
        %add3A_438 = arith.addf %add3A_412, %get3A_437 : vector<16xf32>
        %scan3A_439 = arith.constant 2 : i32
        %scan3A_440 = arith.addi %scan3A_385, %scan3A_439 : i32
        %get3A_441 = arith.index_cast %rem3A_329 : i32 to index
        %get3A_442 = arith.index_cast %scan3A_440 : i32 to index
        %get3A_443 = arith.constant 0 : index
        %get3A_444 = tpu.vector_load %arg6[%get3A_441, %get3A_442, %get3A_443] {strides = array<i32>} : memref<4x200x64xf32, #tpu.memory_space<vmem>>, vector<1x1x16xf32>,
        %get3A_445 = vector.shape_cast %get3A_444 : vector<1x1x16xf32> to vector<16xf32>
        %add3A_446 = arith.addf %add3A_420, %get3A_445 : vector<16xf32>
        %get3A_447 = arith.index_cast %rem3A_329 : i32 to index
        %get3A_448 = arith.index_cast %scan3A_440 : i32 to index
        %get3A_449 = arith.constant 16 : index
        %get3A_450 = tpu.vector_load %arg6[%get3A_447, %get3A_448, %get3A_449] {strides = array<i32>} : memref<4x200x64xf32, #tpu.memory_space<vmem>>, vector<1x1x16xf32>,
        %get3A_451 = vector.shape_cast %get3A_450 : vector<1x1x16xf32> to vector<16xf32>
        %add3A_452 = arith.addf %add3A_426, %get3A_451 : vector<16xf32>
        %get3A_453 = arith.index_cast %rem3A_329 : i32 to index
        %get3A_454 = arith.index_cast %scan3A_440 : i32 to index
        %get3A_455 = arith.constant 32 : index
        %get3A_456 = tpu.vector_load %arg6[%get3A_453, %get3A_454, %get3A_455] {strides = array<i32>} : memref<4x200x64xf32, #tpu.memory_space<vmem>>, vector<1x1x16xf32>,
        %get3A_457 = vector.shape_cast %get3A_456 : vector<1x1x16xf32> to vector<16xf32>
        %add3A_458 = arith.addf %add3A_432, %get3A_457 : vector<16xf32>
        %get3A_459 = arith.index_cast %rem3A_329 : i32 to index
        %get3A_460 = arith.index_cast %scan3A_440 : i32 to index
        %get3A_461 = arith.constant 48 : index
        %get3A_462 = tpu.vector_load %arg6[%get3A_459, %get3A_460, %get3A_461] {strides = array<i32>} : memref<4x200x64xf32, #tpu.memory_space<vmem>>, vector<1x1x16xf32>,
        %get3A_463 = vector.shape_cast %get3A_462 : vector<1x1x16xf32> to vector<16xf32>
        %add3A_464 = arith.addf %add3A_438, %get3A_463 : vector<16xf32>
        %scan3A_465 = arith.constant 3 : i32
        %scan3A_466 = arith.addi %scan3A_385, %scan3A_465 : i32
        %get3A_467 = arith.index_cast %rem3A_329 : i32 to index
        %get3A_468 = arith.index_cast %scan3A_466 : i32 to index
        %get3A_469 = arith.constant 0 : index
        %get3A_470 = tpu.vector_load %arg6[%get3A_467, %get3A_468, %get3A_469] {strides = array<i32>} : memref<4x200x64xf32, #tpu.memory_space<vmem>>, vector<1x1x16xf32>,
        %get3A_471 = vector.shape_cast %get3A_470 : vector<1x1x16xf32> to vector<16xf32>
        %add3A_472 = arith.addf %add3A_446, %get3A_471 : vector<16xf32>
        %get3A_473 = arith.index_cast %rem3A_329 : i32 to index
        %get3A_474 = arith.index_cast %scan3A_466 : i32 to index
        %get3A_475 = arith.constant 16 : index
        %get3A_476 = tpu.vector_load %arg6[%get3A_473, %get3A_474, %get3A_475] {strides = array<i32>} : memref<4x200x64xf32, #tpu.memory_space<vmem>>, vector<1x1x16xf32>,
        %get3A_477 = vector.shape_cast %get3A_476 : vector<1x1x16xf32> to vector<16xf32>
        %add3A_478 = arith.addf %add3A_452, %get3A_477 : vector<16xf32>
        %get3A_479 = arith.index_cast %rem3A_329 : i32 to index
        %get3A_480 = arith.index_cast %scan3A_466 : i32 to index
        %get3A_481 = arith.constant 32 : index
        %get3A_482 = tpu.vector_load %arg6[%get3A_479, %get3A_480, %get3A_481] {strides = array<i32>} : memref<4x200x64xf32, #tpu.memory_space<vmem>>, vector<1x1x16xf32>,
        %get3A_483 = vector.shape_cast %get3A_482 : vector<1x1x16xf32> to vector<16xf32>
        %add3A_484 = arith.addf %add3A_458, %get3A_483 : vector<16xf32>
        %get3A_485 = arith.index_cast %rem3A_329 : i32 to index
        %get3A_486 = arith.index_cast %scan3A_466 : i32 to index
        %get3A_487 = arith.constant 48 : index
        %get3A_488 = tpu.vector_load %arg6[%get3A_485, %get3A_486, %get3A_487] {strides = array<i32>} : memref<4x200x64xf32, #tpu.memory_space<vmem>>, vector<1x1x16xf32>,
        %get3A_489 = vector.shape_cast %get3A_488 : vector<1x1x16xf32> to vector<16xf32>
        %add3A_490 = arith.addf %add3A_464, %get3A_489 : vector<16xf32>
        %scan3A_491 = arith.constant 4 : i32
        %scan3A_492 = arith.addi %scan3A_385, %scan3A_491 : i32
        %get3A_493 = arith.index_cast %rem3A_329 : i32 to index
        %get3A_494 = arith.index_cast %scan3A_492 : i32 to index
        %get3A_495 = arith.constant 0 : index
        %get3A_496 = tpu.vector_load %arg6[%get3A_493, %get3A_494, %get3A_495] {strides = array<i32>} : memref<4x200x64xf32, #tpu.memory_space<vmem>>, vector<1x1x16xf32>,
        %get3A_497 = vector.shape_cast %get3A_496 : vector<1x1x16xf32> to vector<16xf32>
        %add3A_498 = arith.addf %add3A_472, %get3A_497 : vector<16xf32>
        %get3A_499 = arith.index_cast %rem3A_329 : i32 to index
        %get3A_500 = arith.index_cast %scan3A_492 : i32 to index
        %get3A_501 = arith.constant 16 : index
        %get3A_502 = tpu.vector_load %arg6[%get3A_499, %get3A_500, %get3A_501] {strides = array<i32>} : memref<4x200x64xf32, #tpu.memory_space<vmem>>, vector<1x1x16xf32>,
        %get3A_503 = vector.shape_cast %get3A_502 : vector<1x1x16xf32> to vector<16xf32>
        %add3A_504 = arith.addf %add3A_478, %get3A_503 : vector<16xf32>
        %get3A_505 = arith.index_cast %rem3A_329 : i32 to index
        %get3A_506 = arith.index_cast %scan3A_492 : i32 to index
        %get3A_507 = arith.constant 32 : index
        %get3A_508 = tpu.vector_load %arg6[%get3A_505, %get3A_506, %get3A_507] {strides = array<i32>} : memref<4x200x64xf32, #tpu.memory_space<vmem>>, vector<1x1x16xf32>,
        %get3A_509 = vector.shape_cast %get3A_508 : vector<1x1x16xf32> to vector<16xf32>
        %add3A_510 = arith.addf %add3A_484, %get3A_509 : vector<16xf32>
        %get3A_511 = arith.index_cast %rem3A_329 : i32 to index
        %get3A_512 = arith.index_cast %scan3A_492 : i32 to index
        %get3A_513 = arith.constant 48 : index
        %get3A_514 = tpu.vector_load %arg6[%get3A_511, %get3A_512, %get3A_513] {strides = array<i32>} : memref<4x200x64xf32, #tpu.memory_space<vmem>>, vector<1x1x16xf32>,
        %get3A_515 = vector.shape_cast %get3A_514 : vector<1x1x16xf32> to vector<16xf32>
        %add3A_516 = arith.addf %add3A_490, %get3A_515 : vector<16xf32>
        %scan3A_517 = arith.constant 5 : i32
        %scan3A_518 = arith.addi %scan3A_385, %scan3A_517 : i32
        %get3A_519 = arith.index_cast %rem3A_329 : i32 to index
        %get3A_520 = arith.index_cast %scan3A_518 : i32 to index
        %get3A_521 = arith.constant 0 : index
        %get3A_522 = tpu.vector_load %arg6[%get3A_519, %get3A_520, %get3A_521] {strides = array<i32>} : memref<4x200x64xf32, #tpu.memory_space<vmem>>, vector<1x1x16xf32>,
        %get3A_523 = vector.shape_cast %get3A_522 : vector<1x1x16xf32> to vector<16xf32>
        %add3A_524 = arith.addf %add3A_498, %get3A_523 : vector<16xf32>
        %get3A_525 = arith.index_cast %rem3A_329 : i32 to index
        %get3A_526 = arith.index_cast %scan3A_518 : i32 to index
        %get3A_527 = arith.constant 16 : index
        %get3A_528 = tpu.vector_load %arg6[%get3A_525, %get3A_526, %get3A_527] {strides = array<i32>} : memref<4x200x64xf32, #tpu.memory_space<vmem>>, vector<1x1x16xf32>,
        %get3A_529 = vector.shape_cast %get3A_528 : vector<1x1x16xf32> to vector<16xf32>
        %add3A_530 = arith.addf %add3A_504, %get3A_529 : vector<16xf32>
        %get3A_531 = arith.index_cast %rem3A_329 : i32 to index
        %get3A_532 = arith.index_cast %scan3A_518 : i32 to index
        %get3A_533 = arith.constant 32 : index
        %get3A_534 = tpu.vector_load %arg6[%get3A_531, %get3A_532, %get3A_533] {strides = array<i32>} : memref<4x200x64xf32, #tpu.memory_space<vmem>>, vector<1x1x16xf32>,
        %get3A_535 = vector.shape_cast %get3A_534 : vector<1x1x16xf32> to vector<16xf32>
        %add3A_536 = arith.addf %add3A_510, %get3A_535 : vector<16xf32>
        %get3A_537 = arith.index_cast %rem3A_329 : i32 to index
        %get3A_538 = arith.index_cast %scan3A_518 : i32 to index
        %get3A_539 = arith.constant 48 : index
        %get3A_540 = tpu.vector_load %arg6[%get3A_537, %get3A_538, %get3A_539] {strides = array<i32>} : memref<4x200x64xf32, #tpu.memory_space<vmem>>, vector<1x1x16xf32>,
        %get3A_541 = vector.shape_cast %get3A_540 : vector<1x1x16xf32> to vector<16xf32>
        %add3A_542 = arith.addf %add3A_516, %get3A_541 : vector<16xf32>
        %scan3A_543 = arith.constant 6 : i32
        %scan3A_544 = arith.addi %scan3A_385, %scan3A_543 : i32
        %get3A_545 = arith.index_cast %rem3A_329 : i32 to index
        %get3A_546 = arith.index_cast %scan3A_544 : i32 to index
        %get3A_547 = arith.constant 0 : index
        %get3A_548 = tpu.vector_load %arg6[%get3A_545, %get3A_546, %get3A_547] {strides = array<i32>} : memref<4x200x64xf32, #tpu.memory_space<vmem>>, vector<1x1x16xf32>,
        %get3A_549 = vector.shape_cast %get3A_548 : vector<1x1x16xf32> to vector<16xf32>
        %add3A_550 = arith.addf %add3A_524, %get3A_549 : vector<16xf32>
        %get3A_551 = arith.index_cast %rem3A_329 : i32 to index
        %get3A_552 = arith.index_cast %scan3A_544 : i32 to index
        %get3A_553 = arith.constant 16 : index
        %get3A_554 = tpu.vector_load %arg6[%get3A_551, %get3A_552, %get3A_553] {strides = array<i32>} : memref<4x200x64xf32, #tpu.memory_space<vmem>>, vector<1x1x16xf32>,
        %get3A_555 = vector.shape_cast %get3A_554 : vector<1x1x16xf32> to vector<16xf32>
        %add3A_556 = arith.addf %add3A_530, %get3A_555 : vector<16xf32>
        %get3A_557 = arith.index_cast %rem3A_329 : i32 to index
        %get3A_558 = arith.index_cast %scan3A_544 : i32 to index
        %get3A_559 = arith.constant 32 : index
        %get3A_560 = tpu.vector_load %arg6[%get3A_557, %get3A_558, %get3A_559] {strides = array<i32>} : memref<4x200x64xf32, #tpu.memory_space<vmem>>, vector<1x1x16xf32>,
        %get3A_561 = vector.shape_cast %get3A_560 : vector<1x1x16xf32> to vector<16xf32>
        %add3A_562 = arith.addf %add3A_536, %get3A_561 : vector<16xf32>
        %get3A_563 = arith.index_cast %rem3A_329 : i32 to index
        %get3A_564 = arith.index_cast %scan3A_544 : i32 to index
        %get3A_565 = arith.constant 48 : index
        %get3A_566 = tpu.vector_load %arg6[%get3A_563, %get3A_564, %get3A_565] {strides = array<i32>} : memref<4x200x64xf32, #tpu.memory_space<vmem>>, vector<1x1x16xf32>,
        %get3A_567 = vector.shape_cast %get3A_566 : vector<1x1x16xf32> to vector<16xf32>
        %add3A_568 = arith.addf %add3A_542, %get3A_567 : vector<16xf32>
        %scan3A_569 = arith.constant 7 : i32
        %scan3A_570 = arith.addi %scan3A_385, %scan3A_569 : i32
        %get3A_571 = arith.index_cast %rem3A_329 : i32 to index
        %get3A_572 = arith.index_cast %scan3A_570 : i32 to index
        %get3A_573 = arith.constant 0 : index
        %get3A_574 = tpu.vector_load %arg6[%get3A_571, %get3A_572, %get3A_573] {strides = array<i32>} : memref<4x200x64xf32, #tpu.memory_space<vmem>>, vector<1x1x16xf32>,
        %get3A_575 = vector.shape_cast %get3A_574 : vector<1x1x16xf32> to vector<16xf32>
        %add3A_576 = arith.addf %add3A_550, %get3A_575 : vector<16xf32>
        %get3A_577 = arith.index_cast %rem3A_329 : i32 to index
        %get3A_578 = arith.index_cast %scan3A_570 : i32 to index
        %get3A_579 = arith.constant 16 : index
        %get3A_580 = tpu.vector_load %arg6[%get3A_577, %get3A_578, %get3A_579] {strides = array<i32>} : memref<4x200x64xf32, #tpu.memory_space<vmem>>, vector<1x1x16xf32>,
        %get3A_581 = vector.shape_cast %get3A_580 : vector<1x1x16xf32> to vector<16xf32>
        %add3A_582 = arith.addf %add3A_556, %get3A_581 : vector<16xf32>
        %get3A_583 = arith.index_cast %rem3A_329 : i32 to index
        %get3A_584 = arith.index_cast %scan3A_570 : i32 to index
        %get3A_585 = arith.constant 32 : index
        %get3A_586 = tpu.vector_load %arg6[%get3A_583, %get3A_584, %get3A_585] {strides = array<i32>} : memref<4x200x64xf32, #tpu.memory_space<vmem>>, vector<1x1x16xf32>,
        %get3A_587 = vector.shape_cast %get3A_586 : vector<1x1x16xf32> to vector<16xf32>
        %add3A_588 = arith.addf %add3A_562, %get3A_587 : vector<16xf32>
        %get3A_589 = arith.index_cast %rem3A_329 : i32 to index
        %get3A_590 = arith.index_cast %scan3A_570 : i32 to index
        %get3A_591 = arith.constant 48 : index
        %get3A_592 = tpu.vector_load %arg6[%get3A_589, %get3A_590, %get3A_591] {strides = array<i32>} : memref<4x200x64xf32, #tpu.memory_space<vmem>>, vector<1x1x16xf32>,
        %get3A_593 = vector.shape_cast %get3A_592 : vector<1x1x16xf32> to vector<16xf32>
        %add3A_594 = arith.addf %add3A_568, %get3A_593 : vector<16xf32>
        scf.yield %add3A_576, %add3A_582, %add3A_588, %add3A_594 : vector<16xf32>, vector<16xf32>, vector<16xf32>, vector<16xf32>
      }
      %scan3A_365 = arith.constant 96 : i32
      %swap3A = arith.index_cast %scan3A_328 : i32 to index
      %swap3A_366 = arith.constant 0 : index
      %swap3A_367 = tpu.vector_load %arg7[%swap3A, %swap3A_366] {strides = array<i32>} : memref<128x64xf32, #tpu.memory_space<vmem>>, vector<1x16xf32>,
      %swap3A_368 = vector.shape_cast %swap3A_367 : vector<1x16xf32> to vector<16xf32>
      %swap3A_369 = vector.shape_cast %scan3A_364#0 : vector<16xf32> to vector<1x16xf32>
      tpu.vector_store %arg7[%swap3A, %swap3A_366], %swap3A_369 {strides = array<i32>} : memref<128x64xf32, #tpu.memory_space<vmem>>, vector<1x16xf32>,
      %swap3A_370 = arith.index_cast %scan3A_328 : i32 to index
      %swap3A_371 = arith.constant 16 : index
      %swap3A_372 = tpu.vector_load %arg7[%swap3A_370, %swap3A_371] {strides = array<i32>} : memref<128x64xf32, #tpu.memory_space<vmem>>, vector<1x16xf32>,
      %swap3A_373 = vector.shape_cast %swap3A_372 : vector<1x16xf32> to vector<16xf32>
      %swap3A_374 = vector.shape_cast %scan3A_364#1 : vector<16xf32> to vector<1x16xf32>
      tpu.vector_store %arg7[%swap3A_370, %swap3A_371], %swap3A_374 {strides = array<i32>} : memref<128x64xf32, #tpu.memory_space<vmem>>, vector<1x16xf32>,
      %swap3A_375 = arith.index_cast %scan3A_328 : i32 to index
      %swap3A_376 = arith.constant 32 : index
      %swap3A_377 = tpu.vector_load %arg7[%swap3A_375, %swap3A_376] {strides = array<i32>} : memref<128x64xf32, #tpu.memory_space<vmem>>, vector<1x16xf32>,
      %swap3A_378 = vector.shape_cast %swap3A_377 : vector<1x16xf32> to vector<16xf32>
      %swap3A_379 = vector.shape_cast %scan3A_364#2 : vector<16xf32> to vector<1x16xf32>
      tpu.vector_store %arg7[%swap3A_375, %swap3A_376], %swap3A_379 {strides = array<i32>} : memref<128x64xf32, #tpu.memory_space<vmem>>, vector<1x16xf32>,
      %swap3A_380 = arith.index_cast %scan3A_328 : i32 to index
      %swap3A_381 = arith.constant 48 : index
      %swap3A_382 = tpu.vector_load %arg7[%swap3A_380, %swap3A_381] {strides = array<i32>} : memref<128x64xf32, #tpu.memory_space<vmem>>, vector<1x16xf32>,
      %swap3A_383 = vector.shape_cast %swap3A_382 : vector<1x16xf32> to vector<16xf32>
      %swap3A_384 = vector.shape_cast %scan3A_364#3 : vector<16xf32> to vector<1x16xf32>
      tpu.vector_store %arg7[%swap3A_380, %swap3A_381], %swap3A_384 {strides = array<i32>} : memref<128x64xf32, #tpu.memory_space<vmem>>, vector<1x16xf32>,
    }
    %scan3A_167 = arith.constant 128 : i32
    "tpu.region"() ({
      %run_scoped3A = tpu.sem_alloc : memref<!tpu.dma_semaphore, #tpu.memory_space<semaphore_mem>>
      %dma_start3A_328 = arith.constant 0 : i32
      %dma_start3A_329 = tpu.memref_slice %arg4[%add3A_89, %dma_start3A_328] : memref<16384x64xf32, #tpu.memory_space<hbm>> -> memref<128x64xf32, #tpu.memory_space<hbm>>
      %dma_start3A_330 = arith.constant 0 : i32
      %dma_start3A_331 = tpu.memref_slice %arg4[%add3A_89, %dma_start3A_330] : memref<16384x64xf32, #tpu.memory_space<hbm>> -> memref<128x64xf32, #tpu.memory_space<hbm>>
      tpu.enqueue_dma source(%arg7 : memref<128x64xf32, #tpu.memory_space<vmem>>) target(%dma_start3A_331 : memref<128x64xf32, #tpu.memory_space<hbm>>) target_semaphore(%run_scoped3A : memref<!tpu.dma_semaphore, #tpu.memory_space<semaphore_mem>>)
      %dma_wait3A = arith.constant 0 : i32
      %dma_wait3A_332 = tpu.memref_slice %arg4[%add3A_89, %dma_wait3A] : memref<16384x64xf32, #tpu.memory_space<hbm>> -> memref<128x64xf32, #tpu.memory_space<hbm>>
      %dma_wait3A_333 = arith.constant 0 : i32
      %dma_wait3A_334 = tpu.memref_slice %arg4[%add3A_89, %dma_wait3A_333] : memref<16384x64xf32, #tpu.memory_space<hbm>> -> memref<128x64xf32, #tpu.memory_space<hbm>>
      tpu.wait_dma2 semaphore(%run_scoped3A : memref<!tpu.dma_semaphore, #tpu.memory_space<semaphore_mem>>) src(%arg7 : memref<128x64xf32, #tpu.memory_space<vmem>>) dst(%dma_wait3A_334 : memref<128x64xf32, #tpu.memory_space<hbm>>)
      tpu.yield
    }) : () -> ()
    %add3A_168 = arith.constant 256 : i32
    %add3A_169 = arith.addi %mul3A_2, %add3A_168 : i32
    "tpu.region"() ({
      %run_scoped3A = tpu.sem_alloc : memref<!tpu.dma_semaphore, #tpu.memory_space<semaphore_mem>>
      %dma_start3A_328 = arith.constant 0 : i32
      %dma_start3A_329 = tpu.memref_slice %arg2[%add3A_169, %dma_start3A_328] : memref<16384x200xi32, #tpu.memory_space<hbm>> -> memref<128x200xi32, #tpu.memory_space<hbm>>
      %dma_start3A_330 = arith.constant 0 : i32
      %dma_start3A_331 = tpu.memref_slice %arg2[%add3A_169, %dma_start3A_330] : memref<16384x200xi32, #tpu.memory_space<hbm>> -> memref<128x200xi32, #tpu.memory_space<hbm>>
      tpu.enqueue_dma source(%dma_start3A_331 : memref<128x200xi32, #tpu.memory_space<hbm>>) target(%arg5 : memref<128x200xi32, #tpu.memory_space<vmem>>) target_semaphore(%run_scoped3A : memref<!tpu.dma_semaphore, #tpu.memory_space<semaphore_mem>>)
      %dma_wait3A = arith.constant 0 : i32
      %dma_wait3A_332 = tpu.memref_slice %arg2[%add3A_169, %dma_wait3A] : memref<16384x200xi32, #tpu.memory_space<hbm>> -> memref<128x200xi32, #tpu.memory_space<hbm>>
      %dma_wait3A_333 = arith.constant 0 : i32
      %dma_wait3A_334 = tpu.memref_slice %arg2[%add3A_169, %dma_wait3A_333] : memref<16384x200xi32, #tpu.memory_space<hbm>> -> memref<128x200xi32, #tpu.memory_space<hbm>>
      tpu.wait_dma2 semaphore(%run_scoped3A : memref<!tpu.dma_semaphore, #tpu.memory_space<semaphore_mem>>) src(%dma_wait3A_334 : memref<128x200xi32, #tpu.memory_space<hbm>>) dst(%arg5 : memref<128x200xi32, #tpu.memory_space<vmem>>)
      tpu.yield
    }) : () -> ()
    %dma_start3A_170 = arith.constant 0 : i32
    %dma_start3A_171 = arith.constant 0 : i32
    %dma_start3A_172 = arith.constant 0 : i32
    %dma_start3A_173 = arith.constant 0 : i32
    %dma_start3A_174 = tpu.memref_slice %arg6[%dma_start3A_171, %dma_start3A_172, %dma_start3A_173] : memref<4x200x64xf32, #tpu.memory_space<vmem>> -> memref<1x104x64xf32, #tpu.memory_space<vmem>>
    %dma_start3A_175 = tpu.memref_squeeze %dma_start3A_174 : memref<1x104x64xf32, #tpu.memory_space<vmem>> -> memref<104x64xf32, #tpu.memory_space<vmem>>
    %dma_start3A_176 = arith.constant 0 : i32
    %dma_start3A_177 = tpu.memref_slice %arg5[%dma_start3A_170, %dma_start3A_176] : memref<128x200xi32, #tpu.memory_space<vmem>> -> memref<1x104xi32, #tpu.memory_space<vmem>>
    %dma_start3A_178 = tpu.memref_squeeze %dma_start3A_177 : memref<1x104xi32, #tpu.memory_space<vmem>> -> memref<104xi32, #tpu.memory_space<vmem>>
    %dma_start3A_179 = arith.constant 0 : i32
    %dma_start3A_180 = arith.constant 0 : i32
    %dma_start3A_181 = tpu.memref_slice %arg3[%dma_start3A_179, %dma_start3A_180] : memref<1000001x64xf32, #tpu.memory_space<hbm>> -> memref<1000001x64xf32, #tpu.memory_space<hbm>>
    tpu.enqueue_indirect_dma source(%dma_start3A_181 : memref<1000001x64xf32, #tpu.memory_space<hbm>>) target(%dma_start3A_175 : memref<104x64xf32, #tpu.memory_space<vmem>>) offsets(%dma_start3A_178 : memref<104xi32, #tpu.memory_space<vmem>>) semaphore(%arg8 : memref<!tpu.dma_semaphore, #tpu.memory_space<semaphore_mem>>)
    %dma_start3A_182 = arith.constant 0 : i32
    %dma_start3A_183 = arith.constant 0 : i32
    %dma_start3A_184 = arith.constant 104 : i32
    %dma_start3A_185 = arith.constant 0 : i32
    %dma_start3A_186 = tpu.memref_slice %arg6[%dma_start3A_183, %dma_start3A_184, %dma_start3A_185] : memref<4x200x64xf32, #tpu.memory_space<vmem>> -> memref<1x96x64xf32, #tpu.memory_space<vmem>>
    %dma_start3A_187 = tpu.memref_squeeze %dma_start3A_186 : memref<1x96x64xf32, #tpu.memory_space<vmem>> -> memref<96x64xf32, #tpu.memory_space<vmem>>
    %dma_start3A_188 = arith.constant 104 : i32
    %dma_start3A_189 = tpu.memref_slice %arg5[%dma_start3A_182, %dma_start3A_188] : memref<128x200xi32, #tpu.memory_space<vmem>> -> memref<1x96xi32, #tpu.memory_space<vmem>>
    %dma_start3A_190 = tpu.memref_squeeze %dma_start3A_189 : memref<1x96xi32, #tpu.memory_space<vmem>> -> memref<96xi32, #tpu.memory_space<vmem>>
    %dma_start3A_191 = arith.constant 0 : i32
    %dma_start3A_192 = arith.constant 0 : i32
    %dma_start3A_193 = tpu.memref_slice %arg3[%dma_start3A_191, %dma_start3A_192] : memref<1000001x64xf32, #tpu.memory_space<hbm>> -> memref<1000001x64xf32, #tpu.memory_space<hbm>>
    tpu.enqueue_indirect_dma source(%dma_start3A_193 : memref<1000001x64xf32, #tpu.memory_space<hbm>>) target(%dma_start3A_187 : memref<96x64xf32, #tpu.memory_space<vmem>>) offsets(%dma_start3A_190 : memref<96xi32, #tpu.memory_space<vmem>>) semaphore(%arg9 : memref<!tpu.dma_semaphore, #tpu.memory_space<semaphore_mem>>)
    %dma_start3A_194 = arith.constant 1 : i32
    %dma_start3A_195 = arith.constant 1 : i32
    %dma_start3A_196 = arith.constant 0 : i32
    %dma_start3A_197 = arith.constant 0 : i32
    %dma_start3A_198 = tpu.memref_slice %arg6[%dma_start3A_195, %dma_start3A_196, %dma_start3A_197] : memref<4x200x64xf32, #tpu.memory_space<vmem>> -> memref<1x104x64xf32, #tpu.memory_space<vmem>>
    %dma_start3A_199 = tpu.memref_squeeze %dma_start3A_198 : memref<1x104x64xf32, #tpu.memory_space<vmem>> -> memref<104x64xf32, #tpu.memory_space<vmem>>
    %dma_start3A_200 = arith.constant 0 : i32
    %dma_start3A_201 = tpu.memref_slice %arg5[%dma_start3A_194, %dma_start3A_200] : memref<128x200xi32, #tpu.memory_space<vmem>> -> memref<1x104xi32, #tpu.memory_space<vmem>>
    %dma_start3A_202 = tpu.memref_squeeze %dma_start3A_201 : memref<1x104xi32, #tpu.memory_space<vmem>> -> memref<104xi32, #tpu.memory_space<vmem>>
    %dma_start3A_203 = arith.constant 0 : i32
    %dma_start3A_204 = arith.constant 0 : i32
    %dma_start3A_205 = tpu.memref_slice %arg3[%dma_start3A_203, %dma_start3A_204] : memref<1000001x64xf32, #tpu.memory_space<hbm>> -> memref<1000001x64xf32, #tpu.memory_space<hbm>>
    tpu.enqueue_indirect_dma source(%dma_start3A_205 : memref<1000001x64xf32, #tpu.memory_space<hbm>>) target(%dma_start3A_199 : memref<104x64xf32, #tpu.memory_space<vmem>>) offsets(%dma_start3A_202 : memref<104xi32, #tpu.memory_space<vmem>>) semaphore(%arg8 : memref<!tpu.dma_semaphore, #tpu.memory_space<semaphore_mem>>)
    %dma_start3A_206 = arith.constant 1 : i32
    %dma_start3A_207 = arith.constant 1 : i32
    %dma_start3A_208 = arith.constant 104 : i32
    %dma_start3A_209 = arith.constant 0 : i32
    %dma_start3A_210 = tpu.memref_slice %arg6[%dma_start3A_207, %dma_start3A_208, %dma_start3A_209] : memref<4x200x64xf32, #tpu.memory_space<vmem>> -> memref<1x96x64xf32, #tpu.memory_space<vmem>>
    %dma_start3A_211 = tpu.memref_squeeze %dma_start3A_210 : memref<1x96x64xf32, #tpu.memory_space<vmem>> -> memref<96x64xf32, #tpu.memory_space<vmem>>
    %dma_start3A_212 = arith.constant 104 : i32
    %dma_start3A_213 = tpu.memref_slice %arg5[%dma_start3A_206, %dma_start3A_212] : memref<128x200xi32, #tpu.memory_space<vmem>> -> memref<1x96xi32, #tpu.memory_space<vmem>>
    %dma_start3A_214 = tpu.memref_squeeze %dma_start3A_213 : memref<1x96xi32, #tpu.memory_space<vmem>> -> memref<96xi32, #tpu.memory_space<vmem>>
    %dma_start3A_215 = arith.constant 0 : i32
    %dma_start3A_216 = arith.constant 0 : i32
    %dma_start3A_217 = tpu.memref_slice %arg3[%dma_start3A_215, %dma_start3A_216] : memref<1000001x64xf32, #tpu.memory_space<hbm>> -> memref<1000001x64xf32, #tpu.memory_space<hbm>>
    tpu.enqueue_indirect_dma source(%dma_start3A_217 : memref<1000001x64xf32, #tpu.memory_space<hbm>>) target(%dma_start3A_211 : memref<96x64xf32, #tpu.memory_space<vmem>>) offsets(%dma_start3A_214 : memref<96xi32, #tpu.memory_space<vmem>>) semaphore(%arg9 : memref<!tpu.dma_semaphore, #tpu.memory_space<semaphore_mem>>)
    %dma_start3A_218 = arith.constant 2 : i32
    %dma_start3A_219 = arith.constant 2 : i32
    %dma_start3A_220 = arith.constant 0 : i32
    %dma_start3A_221 = arith.constant 0 : i32
    %dma_start3A_222 = tpu.memref_slice %arg6[%dma_start3A_219, %dma_start3A_220, %dma_start3A_221] : memref<4x200x64xf32, #tpu.memory_space<vmem>> -> memref<1x104x64xf32, #tpu.memory_space<vmem>>
    %dma_start3A_223 = tpu.memref_squeeze %dma_start3A_222 : memref<1x104x64xf32, #tpu.memory_space<vmem>> -> memref<104x64xf32, #tpu.memory_space<vmem>>
    %dma_start3A_224 = arith.constant 0 : i32
    %dma_start3A_225 = tpu.memref_slice %arg5[%dma_start3A_218, %dma_start3A_224] : memref<128x200xi32, #tpu.memory_space<vmem>> -> memref<1x104xi32, #tpu.memory_space<vmem>>
    %dma_start3A_226 = tpu.memref_squeeze %dma_start3A_225 : memref<1x104xi32, #tpu.memory_space<vmem>> -> memref<104xi32, #tpu.memory_space<vmem>>
    %dma_start3A_227 = arith.constant 0 : i32
    %dma_start3A_228 = arith.constant 0 : i32
    %dma_start3A_229 = tpu.memref_slice %arg3[%dma_start3A_227, %dma_start3A_228] : memref<1000001x64xf32, #tpu.memory_space<hbm>> -> memref<1000001x64xf32, #tpu.memory_space<hbm>>
    tpu.enqueue_indirect_dma source(%dma_start3A_229 : memref<1000001x64xf32, #tpu.memory_space<hbm>>) target(%dma_start3A_223 : memref<104x64xf32, #tpu.memory_space<vmem>>) offsets(%dma_start3A_226 : memref<104xi32, #tpu.memory_space<vmem>>) semaphore(%arg8 : memref<!tpu.dma_semaphore, #tpu.memory_space<semaphore_mem>>)
    %dma_start3A_230 = arith.constant 2 : i32
    %dma_start3A_231 = arith.constant 2 : i32
    %dma_start3A_232 = arith.constant 104 : i32
    %dma_start3A_233 = arith.constant 0 : i32
    %dma_start3A_234 = tpu.memref_slice %arg6[%dma_start3A_231, %dma_start3A_232, %dma_start3A_233] : memref<4x200x64xf32, #tpu.memory_space<vmem>> -> memref<1x96x64xf32, #tpu.memory_space<vmem>>
    %dma_start3A_235 = tpu.memref_squeeze %dma_start3A_234 : memref<1x96x64xf32, #tpu.memory_space<vmem>> -> memref<96x64xf32, #tpu.memory_space<vmem>>
    %dma_start3A_236 = arith.constant 104 : i32
    %dma_start3A_237 = tpu.memref_slice %arg5[%dma_start3A_230, %dma_start3A_236] : memref<128x200xi32, #tpu.memory_space<vmem>> -> memref<1x96xi32, #tpu.memory_space<vmem>>
    %dma_start3A_238 = tpu.memref_squeeze %dma_start3A_237 : memref<1x96xi32, #tpu.memory_space<vmem>> -> memref<96xi32, #tpu.memory_space<vmem>>
    %dma_start3A_239 = arith.constant 0 : i32
    %dma_start3A_240 = arith.constant 0 : i32
    %dma_start3A_241 = tpu.memref_slice %arg3[%dma_start3A_239, %dma_start3A_240] : memref<1000001x64xf32, #tpu.memory_space<hbm>> -> memref<1000001x64xf32, #tpu.memory_space<hbm>>
    tpu.enqueue_indirect_dma source(%dma_start3A_241 : memref<1000001x64xf32, #tpu.memory_space<hbm>>) target(%dma_start3A_235 : memref<96x64xf32, #tpu.memory_space<vmem>>) offsets(%dma_start3A_238 : memref<96xi32, #tpu.memory_space<vmem>>) semaphore(%arg9 : memref<!tpu.dma_semaphore, #tpu.memory_space<semaphore_mem>>)
    %scan3A_242 = arith.constant 0 : i32
    %scan3A_243 = arith.constant 0 : i32
    %scan3A_244 = arith.constant 128 : i32
    %scan3A_245 = arith.addi %scan3A_243, %scan3A_244 : i32
    %scan3A_246 = arith.constant 1 : i32
    scf.for %scan3A_328 = %scan3A_243 to %scan3A_245 step %scan3A_246  : i32 {
      %rem3A = arith.constant 4 : i32
      %rem3A_329 = arith.remsi %scan3A_328, %rem3A : i32
      %dma_wait3A = arith.constant 0 : i32
      %dma_wait3A_330 = arith.constant 0 : i32
      %dma_wait3A_331 = tpu.memref_slice %arg6[%rem3A_329, %dma_wait3A, %dma_wait3A_330] : memref<4x200x64xf32, #tpu.memory_space<vmem>> -> memref<1x104x64xf32, #tpu.memory_space<vmem>>
      %dma_wait3A_332 = tpu.memref_squeeze %dma_wait3A_331 : memref<1x104x64xf32, #tpu.memory_space<vmem>> -> memref<104x64xf32, #tpu.memory_space<vmem>>
      %dma_wait3A_333 = arith.constant 0 : i32
      %dma_wait3A_334 = tpu.memref_slice %arg5[%scan3A_328, %dma_wait3A_333] : memref<128x200xi32, #tpu.memory_space<vmem>> -> memref<1x104xi32, #tpu.memory_space<vmem>>
      %dma_wait3A_335 = tpu.memref_squeeze %dma_wait3A_334 : memref<1x104xi32, #tpu.memory_space<vmem>> -> memref<104xi32, #tpu.memory_space<vmem>>
      %dma_wait3A_336 = arith.constant 0 : i32
      %dma_wait3A_337 = arith.constant 0 : i32
      %dma_wait3A_338 = tpu.memref_slice %arg3[%dma_wait3A_336, %dma_wait3A_337] : memref<1000001x64xf32, #tpu.memory_space<hbm>> -> memref<1000001x64xf32, #tpu.memory_space<hbm>>
      tpu.wait_indirect_dma semaphore(%arg8 : memref<!tpu.dma_semaphore, #tpu.memory_space<semaphore_mem>>) src(%dma_wait3A_338 : memref<1000001x64xf32, #tpu.memory_space<hbm>>) dst(%dma_wait3A_332 : memref<104x64xf32, #tpu.memory_space<vmem>>)
      %add3A_339 = arith.constant 4 : i32
      %add3A_340 = arith.addi %scan3A_328, %add3A_339 : i32
      %sub3A = arith.constant 1 : i32
      %sub3A_341 = arith.subi %add3A_340, %sub3A : i32
      %lt3A = arith.constant 128 : i32
      %lt3A_342 = arith.cmpi slt, %sub3A_341, %lt3A : i32
      %convert_element_type3A = arith.extui %lt3A_342 : i1 to i32
      %cond3A = arith.constant 0 : i32
      %cond3A_343 = arith.cmpi ne, %convert_element_type3A, %cond3A : i32
      scf.if %cond3A_343 {
        %rem3A_385 = arith.constant 4 : i32
        %rem3A_386 = arith.remsi %sub3A_341, %rem3A_385 : i32
        %dma_start3A_387 = arith.constant 0 : i32
        %dma_start3A_388 = arith.constant 0 : i32
        %dma_start3A_389 = tpu.memref_slice %arg6[%rem3A_386, %dma_start3A_387, %dma_start3A_388] : memref<4x200x64xf32, #tpu.memory_space<vmem>> -> memref<1x104x64xf32, #tpu.memory_space<vmem>>
        %dma_start3A_390 = tpu.memref_squeeze %dma_start3A_389 : memref<1x104x64xf32, #tpu.memory_space<vmem>> -> memref<104x64xf32, #tpu.memory_space<vmem>>
        %dma_start3A_391 = arith.constant 0 : i32
        %dma_start3A_392 = tpu.memref_slice %arg5[%sub3A_341, %dma_start3A_391] : memref<128x200xi32, #tpu.memory_space<vmem>> -> memref<1x104xi32, #tpu.memory_space<vmem>>
        %dma_start3A_393 = tpu.memref_squeeze %dma_start3A_392 : memref<1x104xi32, #tpu.memory_space<vmem>> -> memref<104xi32, #tpu.memory_space<vmem>>
        %dma_start3A_394 = arith.constant 0 : i32
        %dma_start3A_395 = arith.constant 0 : i32
        %dma_start3A_396 = tpu.memref_slice %arg3[%dma_start3A_394, %dma_start3A_395] : memref<1000001x64xf32, #tpu.memory_space<hbm>> -> memref<1000001x64xf32, #tpu.memory_space<hbm>>
        tpu.enqueue_indirect_dma source(%dma_start3A_396 : memref<1000001x64xf32, #tpu.memory_space<hbm>>) target(%dma_start3A_390 : memref<104x64xf32, #tpu.memory_space<vmem>>) offsets(%dma_start3A_393 : memref<104xi32, #tpu.memory_space<vmem>>) semaphore(%arg8 : memref<!tpu.dma_semaphore, #tpu.memory_space<semaphore_mem>>)
        %dma_start3A_397 = arith.constant 104 : i32
        %dma_start3A_398 = arith.constant 0 : i32
        %dma_start3A_399 = tpu.memref_slice %arg6[%rem3A_386, %dma_start3A_397, %dma_start3A_398] : memref<4x200x64xf32, #tpu.memory_space<vmem>> -> memref<1x96x64xf32, #tpu.memory_space<vmem>>
        %dma_start3A_400 = tpu.memref_squeeze %dma_start3A_399 : memref<1x96x64xf32, #tpu.memory_space<vmem>> -> memref<96x64xf32, #tpu.memory_space<vmem>>
        %dma_start3A_401 = arith.constant 104 : i32
        %dma_start3A_402 = tpu.memref_slice %arg5[%sub3A_341, %dma_start3A_401] : memref<128x200xi32, #tpu.memory_space<vmem>> -> memref<1x96xi32, #tpu.memory_space<vmem>>
        %dma_start3A_403 = tpu.memref_squeeze %dma_start3A_402 : memref<1x96xi32, #tpu.memory_space<vmem>> -> memref<96xi32, #tpu.memory_space<vmem>>
        %dma_start3A_404 = arith.constant 0 : i32
        %dma_start3A_405 = arith.constant 0 : i32
        %dma_start3A_406 = tpu.memref_slice %arg3[%dma_start3A_404, %dma_start3A_405] : memref<1000001x64xf32, #tpu.memory_space<hbm>> -> memref<1000001x64xf32, #tpu.memory_space<hbm>>
        tpu.enqueue_indirect_dma source(%dma_start3A_406 : memref<1000001x64xf32, #tpu.memory_space<hbm>>) target(%dma_start3A_400 : memref<96x64xf32, #tpu.memory_space<vmem>>) offsets(%dma_start3A_403 : memref<96xi32, #tpu.memory_space<vmem>>) semaphore(%arg9 : memref<!tpu.dma_semaphore, #tpu.memory_space<semaphore_mem>>)
      } else {
      }
      %scan3A_344 = arith.constant 0 : i32
      %scan3A_345 = arith.constant 104 : i32
      %scan3A_346 = arith.addi %scan3A_344, %scan3A_345 : i32
      %scan3A_347 = arith.constant 8 : i32
      %scan3A_348:4 = scf.for %scan3A_385 = %scan3A_344 to %scan3A_346 step %scan3A_347 iter_args(%scan3A_386 = %broadcast_in_dim3A_3, %scan3A_387 = %broadcast_in_dim3A_5, %scan3A_388 = %broadcast_in_dim3A_7, %scan3A_389 = %broadcast_in_dim3A_9) -> (vector<16xf32>, vector<16xf32>, vector<16xf32>, vector<16xf32>)  : i32 {
        %get3A = arith.index_cast %rem3A_329 : i32 to index
        %get3A_390 = arith.index_cast %scan3A_385 : i32 to index
        %get3A_391 = arith.constant 0 : index
        %get3A_392 = tpu.vector_load %arg6[%get3A, %get3A_390, %get3A_391] {strides = array<i32>} : memref<4x200x64xf32, #tpu.memory_space<vmem>>, vector<1x1x16xf32>,
        %get3A_393 = vector.shape_cast %get3A_392 : vector<1x1x16xf32> to vector<16xf32>
        %add3A_394 = arith.addf %scan3A_386, %get3A_393 : vector<16xf32>
        %get3A_395 = arith.index_cast %rem3A_329 : i32 to index
        %get3A_396 = arith.index_cast %scan3A_385 : i32 to index
        %get3A_397 = arith.constant 16 : index
        %get3A_398 = tpu.vector_load %arg6[%get3A_395, %get3A_396, %get3A_397] {strides = array<i32>} : memref<4x200x64xf32, #tpu.memory_space<vmem>>, vector<1x1x16xf32>,
        %get3A_399 = vector.shape_cast %get3A_398 : vector<1x1x16xf32> to vector<16xf32>
        %add3A_400 = arith.addf %scan3A_387, %get3A_399 : vector<16xf32>
        %get3A_401 = arith.index_cast %rem3A_329 : i32 to index
        %get3A_402 = arith.index_cast %scan3A_385 : i32 to index
        %get3A_403 = arith.constant 32 : index
        %get3A_404 = tpu.vector_load %arg6[%get3A_401, %get3A_402, %get3A_403] {strides = array<i32>} : memref<4x200x64xf32, #tpu.memory_space<vmem>>, vector<1x1x16xf32>,
        %get3A_405 = vector.shape_cast %get3A_404 : vector<1x1x16xf32> to vector<16xf32>
        %add3A_406 = arith.addf %scan3A_388, %get3A_405 : vector<16xf32>
        %get3A_407 = arith.index_cast %rem3A_329 : i32 to index
        %get3A_408 = arith.index_cast %scan3A_385 : i32 to index
        %get3A_409 = arith.constant 48 : index
        %get3A_410 = tpu.vector_load %arg6[%get3A_407, %get3A_408, %get3A_409] {strides = array<i32>} : memref<4x200x64xf32, #tpu.memory_space<vmem>>, vector<1x1x16xf32>,
        %get3A_411 = vector.shape_cast %get3A_410 : vector<1x1x16xf32> to vector<16xf32>
        %add3A_412 = arith.addf %scan3A_389, %get3A_411 : vector<16xf32>
        %scan3A_413 = arith.constant 1 : i32
        %scan3A_414 = arith.addi %scan3A_385, %scan3A_413 : i32
        %get3A_415 = arith.index_cast %rem3A_329 : i32 to index
        %get3A_416 = arith.index_cast %scan3A_414 : i32 to index
        %get3A_417 = arith.constant 0 : index
        %get3A_418 = tpu.vector_load %arg6[%get3A_415, %get3A_416, %get3A_417] {strides = array<i32>} : memref<4x200x64xf32, #tpu.memory_space<vmem>>, vector<1x1x16xf32>,
        %get3A_419 = vector.shape_cast %get3A_418 : vector<1x1x16xf32> to vector<16xf32>
        %add3A_420 = arith.addf %add3A_394, %get3A_419 : vector<16xf32>
        %get3A_421 = arith.index_cast %rem3A_329 : i32 to index
        %get3A_422 = arith.index_cast %scan3A_414 : i32 to index
        %get3A_423 = arith.constant 16 : index
        %get3A_424 = tpu.vector_load %arg6[%get3A_421, %get3A_422, %get3A_423] {strides = array<i32>} : memref<4x200x64xf32, #tpu.memory_space<vmem>>, vector<1x1x16xf32>,
        %get3A_425 = vector.shape_cast %get3A_424 : vector<1x1x16xf32> to vector<16xf32>
        %add3A_426 = arith.addf %add3A_400, %get3A_425 : vector<16xf32>
        %get3A_427 = arith.index_cast %rem3A_329 : i32 to index
        %get3A_428 = arith.index_cast %scan3A_414 : i32 to index
        %get3A_429 = arith.constant 32 : index
        %get3A_430 = tpu.vector_load %arg6[%get3A_427, %get3A_428, %get3A_429] {strides = array<i32>} : memref<4x200x64xf32, #tpu.memory_space<vmem>>, vector<1x1x16xf32>,
        %get3A_431 = vector.shape_cast %get3A_430 : vector<1x1x16xf32> to vector<16xf32>
        %add3A_432 = arith.addf %add3A_406, %get3A_431 : vector<16xf32>
        %get3A_433 = arith.index_cast %rem3A_329 : i32 to index
        %get3A_434 = arith.index_cast %scan3A_414 : i32 to index
        %get3A_435 = arith.constant 48 : index
        %get3A_436 = tpu.vector_load %arg6[%get3A_433, %get3A_434, %get3A_435] {strides = array<i32>} : memref<4x200x64xf32, #tpu.memory_space<vmem>>, vector<1x1x16xf32>,
        %get3A_437 = vector.shape_cast %get3A_436 : vector<1x1x16xf32> to vector<16xf32>
        %add3A_438 = arith.addf %add3A_412, %get3A_437 : vector<16xf32>
        %scan3A_439 = arith.constant 2 : i32
        %scan3A_440 = arith.addi %scan3A_385, %scan3A_439 : i32
        %get3A_441 = arith.index_cast %rem3A_329 : i32 to index
        %get3A_442 = arith.index_cast %scan3A_440 : i32 to index
        %get3A_443 = arith.constant 0 : index
        %get3A_444 = tpu.vector_load %arg6[%get3A_441, %get3A_442, %get3A_443] {strides = array<i32>} : memref<4x200x64xf32, #tpu.memory_space<vmem>>, vector<1x1x16xf32>,
        %get3A_445 = vector.shape_cast %get3A_444 : vector<1x1x16xf32> to vector<16xf32>
        %add3A_446 = arith.addf %add3A_420, %get3A_445 : vector<16xf32>
        %get3A_447 = arith.index_cast %rem3A_329 : i32 to index
        %get3A_448 = arith.index_cast %scan3A_440 : i32 to index
        %get3A_449 = arith.constant 16 : index
        %get3A_450 = tpu.vector_load %arg6[%get3A_447, %get3A_448, %get3A_449] {strides = array<i32>} : memref<4x200x64xf32, #tpu.memory_space<vmem>>, vector<1x1x16xf32>,
        %get3A_451 = vector.shape_cast %get3A_450 : vector<1x1x16xf32> to vector<16xf32>
        %add3A_452 = arith.addf %add3A_426, %get3A_451 : vector<16xf32>
        %get3A_453 = arith.index_cast %rem3A_329 : i32 to index
        %get3A_454 = arith.index_cast %scan3A_440 : i32 to index
        %get3A_455 = arith.constant 32 : index
        %get3A_456 = tpu.vector_load %arg6[%get3A_453, %get3A_454, %get3A_455] {strides = array<i32>} : memref<4x200x64xf32, #tpu.memory_space<vmem>>, vector<1x1x16xf32>,
        %get3A_457 = vector.shape_cast %get3A_456 : vector<1x1x16xf32> to vector<16xf32>
        %add3A_458 = arith.addf %add3A_432, %get3A_457 : vector<16xf32>
        %get3A_459 = arith.index_cast %rem3A_329 : i32 to index
        %get3A_460 = arith.index_cast %scan3A_440 : i32 to index
        %get3A_461 = arith.constant 48 : index
        %get3A_462 = tpu.vector_load %arg6[%get3A_459, %get3A_460, %get3A_461] {strides = array<i32>} : memref<4x200x64xf32, #tpu.memory_space<vmem>>, vector<1x1x16xf32>,
        %get3A_463 = vector.shape_cast %get3A_462 : vector<1x1x16xf32> to vector<16xf32>
        %add3A_464 = arith.addf %add3A_438, %get3A_463 : vector<16xf32>
        %scan3A_465 = arith.constant 3 : i32
        %scan3A_466 = arith.addi %scan3A_385, %scan3A_465 : i32
        %get3A_467 = arith.index_cast %rem3A_329 : i32 to index
        %get3A_468 = arith.index_cast %scan3A_466 : i32 to index
        %get3A_469 = arith.constant 0 : index
        %get3A_470 = tpu.vector_load %arg6[%get3A_467, %get3A_468, %get3A_469] {strides = array<i32>} : memref<4x200x64xf32, #tpu.memory_space<vmem>>, vector<1x1x16xf32>,
        %get3A_471 = vector.shape_cast %get3A_470 : vector<1x1x16xf32> to vector<16xf32>
        %add3A_472 = arith.addf %add3A_446, %get3A_471 : vector<16xf32>
        %get3A_473 = arith.index_cast %rem3A_329 : i32 to index
        %get3A_474 = arith.index_cast %scan3A_466 : i32 to index
        %get3A_475 = arith.constant 16 : index
        %get3A_476 = tpu.vector_load %arg6[%get3A_473, %get3A_474, %get3A_475] {strides = array<i32>} : memref<4x200x64xf32, #tpu.memory_space<vmem>>, vector<1x1x16xf32>,
        %get3A_477 = vector.shape_cast %get3A_476 : vector<1x1x16xf32> to vector<16xf32>
        %add3A_478 = arith.addf %add3A_452, %get3A_477 : vector<16xf32>
        %get3A_479 = arith.index_cast %rem3A_329 : i32 to index
        %get3A_480 = arith.index_cast %scan3A_466 : i32 to index
        %get3A_481 = arith.constant 32 : index
        %get3A_482 = tpu.vector_load %arg6[%get3A_479, %get3A_480, %get3A_481] {strides = array<i32>} : memref<4x200x64xf32, #tpu.memory_space<vmem>>, vector<1x1x16xf32>,
        %get3A_483 = vector.shape_cast %get3A_482 : vector<1x1x16xf32> to vector<16xf32>
        %add3A_484 = arith.addf %add3A_458, %get3A_483 : vector<16xf32>
        %get3A_485 = arith.index_cast %rem3A_329 : i32 to index
        %get3A_486 = arith.index_cast %scan3A_466 : i32 to index
        %get3A_487 = arith.constant 48 : index
        %get3A_488 = tpu.vector_load %arg6[%get3A_485, %get3A_486, %get3A_487] {strides = array<i32>} : memref<4x200x64xf32, #tpu.memory_space<vmem>>, vector<1x1x16xf32>,
        %get3A_489 = vector.shape_cast %get3A_488 : vector<1x1x16xf32> to vector<16xf32>
        %add3A_490 = arith.addf %add3A_464, %get3A_489 : vector<16xf32>
        %scan3A_491 = arith.constant 4 : i32
        %scan3A_492 = arith.addi %scan3A_385, %scan3A_491 : i32
        %get3A_493 = arith.index_cast %rem3A_329 : i32 to index
        %get3A_494 = arith.index_cast %scan3A_492 : i32 to index
        %get3A_495 = arith.constant 0 : index
        %get3A_496 = tpu.vector_load %arg6[%get3A_493, %get3A_494, %get3A_495] {strides = array<i32>} : memref<4x200x64xf32, #tpu.memory_space<vmem>>, vector<1x1x16xf32>,
        %get3A_497 = vector.shape_cast %get3A_496 : vector<1x1x16xf32> to vector<16xf32>
        %add3A_498 = arith.addf %add3A_472, %get3A_497 : vector<16xf32>
        %get3A_499 = arith.index_cast %rem3A_329 : i32 to index
        %get3A_500 = arith.index_cast %scan3A_492 : i32 to index
        %get3A_501 = arith.constant 16 : index
        %get3A_502 = tpu.vector_load %arg6[%get3A_499, %get3A_500, %get3A_501] {strides = array<i32>} : memref<4x200x64xf32, #tpu.memory_space<vmem>>, vector<1x1x16xf32>,
        %get3A_503 = vector.shape_cast %get3A_502 : vector<1x1x16xf32> to vector<16xf32>
        %add3A_504 = arith.addf %add3A_478, %get3A_503 : vector<16xf32>
        %get3A_505 = arith.index_cast %rem3A_329 : i32 to index
        %get3A_506 = arith.index_cast %scan3A_492 : i32 to index
        %get3A_507 = arith.constant 32 : index
        %get3A_508 = tpu.vector_load %arg6[%get3A_505, %get3A_506, %get3A_507] {strides = array<i32>} : memref<4x200x64xf32, #tpu.memory_space<vmem>>, vector<1x1x16xf32>,
        %get3A_509 = vector.shape_cast %get3A_508 : vector<1x1x16xf32> to vector<16xf32>
        %add3A_510 = arith.addf %add3A_484, %get3A_509 : vector<16xf32>
        %get3A_511 = arith.index_cast %rem3A_329 : i32 to index
        %get3A_512 = arith.index_cast %scan3A_492 : i32 to index
        %get3A_513 = arith.constant 48 : index
        %get3A_514 = tpu.vector_load %arg6[%get3A_511, %get3A_512, %get3A_513] {strides = array<i32>} : memref<4x200x64xf32, #tpu.memory_space<vmem>>, vector<1x1x16xf32>,
        %get3A_515 = vector.shape_cast %get3A_514 : vector<1x1x16xf32> to vector<16xf32>
        %add3A_516 = arith.addf %add3A_490, %get3A_515 : vector<16xf32>
        %scan3A_517 = arith.constant 5 : i32
        %scan3A_518 = arith.addi %scan3A_385, %scan3A_517 : i32
        %get3A_519 = arith.index_cast %rem3A_329 : i32 to index
        %get3A_520 = arith.index_cast %scan3A_518 : i32 to index
        %get3A_521 = arith.constant 0 : index
        %get3A_522 = tpu.vector_load %arg6[%get3A_519, %get3A_520, %get3A_521] {strides = array<i32>} : memref<4x200x64xf32, #tpu.memory_space<vmem>>, vector<1x1x16xf32>,
        %get3A_523 = vector.shape_cast %get3A_522 : vector<1x1x16xf32> to vector<16xf32>
        %add3A_524 = arith.addf %add3A_498, %get3A_523 : vector<16xf32>
        %get3A_525 = arith.index_cast %rem3A_329 : i32 to index
        %get3A_526 = arith.index_cast %scan3A_518 : i32 to index
        %get3A_527 = arith.constant 16 : index
        %get3A_528 = tpu.vector_load %arg6[%get3A_525, %get3A_526, %get3A_527] {strides = array<i32>} : memref<4x200x64xf32, #tpu.memory_space<vmem>>, vector<1x1x16xf32>,
        %get3A_529 = vector.shape_cast %get3A_528 : vector<1x1x16xf32> to vector<16xf32>
        %add3A_530 = arith.addf %add3A_504, %get3A_529 : vector<16xf32>
        %get3A_531 = arith.index_cast %rem3A_329 : i32 to index
        %get3A_532 = arith.index_cast %scan3A_518 : i32 to index
        %get3A_533 = arith.constant 32 : index
        %get3A_534 = tpu.vector_load %arg6[%get3A_531, %get3A_532, %get3A_533] {strides = array<i32>} : memref<4x200x64xf32, #tpu.memory_space<vmem>>, vector<1x1x16xf32>,
        %get3A_535 = vector.shape_cast %get3A_534 : vector<1x1x16xf32> to vector<16xf32>
        %add3A_536 = arith.addf %add3A_510, %get3A_535 : vector<16xf32>
        %get3A_537 = arith.index_cast %rem3A_329 : i32 to index
        %get3A_538 = arith.index_cast %scan3A_518 : i32 to index
        %get3A_539 = arith.constant 48 : index
        %get3A_540 = tpu.vector_load %arg6[%get3A_537, %get3A_538, %get3A_539] {strides = array<i32>} : memref<4x200x64xf32, #tpu.memory_space<vmem>>, vector<1x1x16xf32>,
        %get3A_541 = vector.shape_cast %get3A_540 : vector<1x1x16xf32> to vector<16xf32>
        %add3A_542 = arith.addf %add3A_516, %get3A_541 : vector<16xf32>
        %scan3A_543 = arith.constant 6 : i32
        %scan3A_544 = arith.addi %scan3A_385, %scan3A_543 : i32
        %get3A_545 = arith.index_cast %rem3A_329 : i32 to index
        %get3A_546 = arith.index_cast %scan3A_544 : i32 to index
        %get3A_547 = arith.constant 0 : index
        %get3A_548 = tpu.vector_load %arg6[%get3A_545, %get3A_546, %get3A_547] {strides = array<i32>} : memref<4x200x64xf32, #tpu.memory_space<vmem>>, vector<1x1x16xf32>,
        %get3A_549 = vector.shape_cast %get3A_548 : vector<1x1x16xf32> to vector<16xf32>
        %add3A_550 = arith.addf %add3A_524, %get3A_549 : vector<16xf32>
        %get3A_551 = arith.index_cast %rem3A_329 : i32 to index
        %get3A_552 = arith.index_cast %scan3A_544 : i32 to index
        %get3A_553 = arith.constant 16 : index
        %get3A_554 = tpu.vector_load %arg6[%get3A_551, %get3A_552, %get3A_553] {strides = array<i32>} : memref<4x200x64xf32, #tpu.memory_space<vmem>>, vector<1x1x16xf32>,
        %get3A_555 = vector.shape_cast %get3A_554 : vector<1x1x16xf32> to vector<16xf32>
        %add3A_556 = arith.addf %add3A_530, %get3A_555 : vector<16xf32>
        %get3A_557 = arith.index_cast %rem3A_329 : i32 to index
        %get3A_558 = arith.index_cast %scan3A_544 : i32 to index
        %get3A_559 = arith.constant 32 : index
        %get3A_560 = tpu.vector_load %arg6[%get3A_557, %get3A_558, %get3A_559] {strides = array<i32>} : memref<4x200x64xf32, #tpu.memory_space<vmem>>, vector<1x1x16xf32>,
        %get3A_561 = vector.shape_cast %get3A_560 : vector<1x1x16xf32> to vector<16xf32>
        %add3A_562 = arith.addf %add3A_536, %get3A_561 : vector<16xf32>
        %get3A_563 = arith.index_cast %rem3A_329 : i32 to index
        %get3A_564 = arith.index_cast %scan3A_544 : i32 to index
        %get3A_565 = arith.constant 48 : index
        %get3A_566 = tpu.vector_load %arg6[%get3A_563, %get3A_564, %get3A_565] {strides = array<i32>} : memref<4x200x64xf32, #tpu.memory_space<vmem>>, vector<1x1x16xf32>,
        %get3A_567 = vector.shape_cast %get3A_566 : vector<1x1x16xf32> to vector<16xf32>
        %add3A_568 = arith.addf %add3A_542, %get3A_567 : vector<16xf32>
        %scan3A_569 = arith.constant 7 : i32
        %scan3A_570 = arith.addi %scan3A_385, %scan3A_569 : i32
        %get3A_571 = arith.index_cast %rem3A_329 : i32 to index
        %get3A_572 = arith.index_cast %scan3A_570 : i32 to index
        %get3A_573 = arith.constant 0 : index
        %get3A_574 = tpu.vector_load %arg6[%get3A_571, %get3A_572, %get3A_573] {strides = array<i32>} : memref<4x200x64xf32, #tpu.memory_space<vmem>>, vector<1x1x16xf32>,
        %get3A_575 = vector.shape_cast %get3A_574 : vector<1x1x16xf32> to vector<16xf32>
        %add3A_576 = arith.addf %add3A_550, %get3A_575 : vector<16xf32>
        %get3A_577 = arith.index_cast %rem3A_329 : i32 to index
        %get3A_578 = arith.index_cast %scan3A_570 : i32 to index
        %get3A_579 = arith.constant 16 : index
        %get3A_580 = tpu.vector_load %arg6[%get3A_577, %get3A_578, %get3A_579] {strides = array<i32>} : memref<4x200x64xf32, #tpu.memory_space<vmem>>, vector<1x1x16xf32>,
        %get3A_581 = vector.shape_cast %get3A_580 : vector<1x1x16xf32> to vector<16xf32>
        %add3A_582 = arith.addf %add3A_556, %get3A_581 : vector<16xf32>
        %get3A_583 = arith.index_cast %rem3A_329 : i32 to index
        %get3A_584 = arith.index_cast %scan3A_570 : i32 to index
        %get3A_585 = arith.constant 32 : index
        %get3A_586 = tpu.vector_load %arg6[%get3A_583, %get3A_584, %get3A_585] {strides = array<i32>} : memref<4x200x64xf32, #tpu.memory_space<vmem>>, vector<1x1x16xf32>,
        %get3A_587 = vector.shape_cast %get3A_586 : vector<1x1x16xf32> to vector<16xf32>
        %add3A_588 = arith.addf %add3A_562, %get3A_587 : vector<16xf32>
        %get3A_589 = arith.index_cast %rem3A_329 : i32 to index
        %get3A_590 = arith.index_cast %scan3A_570 : i32 to index
        %get3A_591 = arith.constant 48 : index
        %get3A_592 = tpu.vector_load %arg6[%get3A_589, %get3A_590, %get3A_591] {strides = array<i32>} : memref<4x200x64xf32, #tpu.memory_space<vmem>>, vector<1x1x16xf32>,
        %get3A_593 = vector.shape_cast %get3A_592 : vector<1x1x16xf32> to vector<16xf32>
        %add3A_594 = arith.addf %add3A_568, %get3A_593 : vector<16xf32>
        scf.yield %add3A_576, %add3A_582, %add3A_588, %add3A_594 : vector<16xf32>, vector<16xf32>, vector<16xf32>, vector<16xf32>
      }
      %scan3A_349 = arith.constant 104 : i32
      %dma_wait3A_350 = arith.constant 104 : i32
      %dma_wait3A_351 = arith.constant 0 : i32
      %dma_wait3A_352 = tpu.memref_slice %arg6[%rem3A_329, %dma_wait3A_350, %dma_wait3A_351] : memref<4x200x64xf32, #tpu.memory_space<vmem>> -> memref<1x96x64xf32, #tpu.memory_space<vmem>>
      %dma_wait3A_353 = tpu.memref_squeeze %dma_wait3A_352 : memref<1x96x64xf32, #tpu.memory_space<vmem>> -> memref<96x64xf32, #tpu.memory_space<vmem>>
      %dma_wait3A_354 = arith.constant 104 : i32
      %dma_wait3A_355 = tpu.memref_slice %arg5[%scan3A_328, %dma_wait3A_354] : memref<128x200xi32, #tpu.memory_space<vmem>> -> memref<1x96xi32, #tpu.memory_space<vmem>>
      %dma_wait3A_356 = tpu.memref_squeeze %dma_wait3A_355 : memref<1x96xi32, #tpu.memory_space<vmem>> -> memref<96xi32, #tpu.memory_space<vmem>>
      %dma_wait3A_357 = arith.constant 0 : i32
      %dma_wait3A_358 = arith.constant 0 : i32
      %dma_wait3A_359 = tpu.memref_slice %arg3[%dma_wait3A_357, %dma_wait3A_358] : memref<1000001x64xf32, #tpu.memory_space<hbm>> -> memref<1000001x64xf32, #tpu.memory_space<hbm>>
      tpu.wait_indirect_dma semaphore(%arg9 : memref<!tpu.dma_semaphore, #tpu.memory_space<semaphore_mem>>) src(%dma_wait3A_359 : memref<1000001x64xf32, #tpu.memory_space<hbm>>) dst(%dma_wait3A_353 : memref<96x64xf32, #tpu.memory_space<vmem>>)
      %scan3A_360 = arith.constant 104 : i32
      %scan3A_361 = arith.constant 96 : i32
      %scan3A_362 = arith.addi %scan3A_360, %scan3A_361 : i32
      %scan3A_363 = arith.constant 8 : i32
      %scan3A_364:4 = scf.for %scan3A_385 = %scan3A_360 to %scan3A_362 step %scan3A_363 iter_args(%scan3A_386 = %scan3A_348#0, %scan3A_387 = %scan3A_348#1, %scan3A_388 = %scan3A_348#2, %scan3A_389 = %scan3A_348#3) -> (vector<16xf32>, vector<16xf32>, vector<16xf32>, vector<16xf32>)  : i32 {
        %get3A = arith.index_cast %rem3A_329 : i32 to index
        %get3A_390 = arith.index_cast %scan3A_385 : i32 to index
        %get3A_391 = arith.constant 0 : index
        %get3A_392 = tpu.vector_load %arg6[%get3A, %get3A_390, %get3A_391] {strides = array<i32>} : memref<4x200x64xf32, #tpu.memory_space<vmem>>, vector<1x1x16xf32>,
        %get3A_393 = vector.shape_cast %get3A_392 : vector<1x1x16xf32> to vector<16xf32>
        %add3A_394 = arith.addf %scan3A_386, %get3A_393 : vector<16xf32>
        %get3A_395 = arith.index_cast %rem3A_329 : i32 to index
        %get3A_396 = arith.index_cast %scan3A_385 : i32 to index
        %get3A_397 = arith.constant 16 : index
        %get3A_398 = tpu.vector_load %arg6[%get3A_395, %get3A_396, %get3A_397] {strides = array<i32>} : memref<4x200x64xf32, #tpu.memory_space<vmem>>, vector<1x1x16xf32>,
        %get3A_399 = vector.shape_cast %get3A_398 : vector<1x1x16xf32> to vector<16xf32>
        %add3A_400 = arith.addf %scan3A_387, %get3A_399 : vector<16xf32>
        %get3A_401 = arith.index_cast %rem3A_329 : i32 to index
        %get3A_402 = arith.index_cast %scan3A_385 : i32 to index
        %get3A_403 = arith.constant 32 : index
        %get3A_404 = tpu.vector_load %arg6[%get3A_401, %get3A_402, %get3A_403] {strides = array<i32>} : memref<4x200x64xf32, #tpu.memory_space<vmem>>, vector<1x1x16xf32>,
        %get3A_405 = vector.shape_cast %get3A_404 : vector<1x1x16xf32> to vector<16xf32>
        %add3A_406 = arith.addf %scan3A_388, %get3A_405 : vector<16xf32>
        %get3A_407 = arith.index_cast %rem3A_329 : i32 to index
        %get3A_408 = arith.index_cast %scan3A_385 : i32 to index
        %get3A_409 = arith.constant 48 : index
        %get3A_410 = tpu.vector_load %arg6[%get3A_407, %get3A_408, %get3A_409] {strides = array<i32>} : memref<4x200x64xf32, #tpu.memory_space<vmem>>, vector<1x1x16xf32>,
        %get3A_411 = vector.shape_cast %get3A_410 : vector<1x1x16xf32> to vector<16xf32>
        %add3A_412 = arith.addf %scan3A_389, %get3A_411 : vector<16xf32>
        %scan3A_413 = arith.constant 1 : i32
        %scan3A_414 = arith.addi %scan3A_385, %scan3A_413 : i32
        %get3A_415 = arith.index_cast %rem3A_329 : i32 to index
        %get3A_416 = arith.index_cast %scan3A_414 : i32 to index
        %get3A_417 = arith.constant 0 : index
        %get3A_418 = tpu.vector_load %arg6[%get3A_415, %get3A_416, %get3A_417] {strides = array<i32>} : memref<4x200x64xf32, #tpu.memory_space<vmem>>, vector<1x1x16xf32>,
        %get3A_419 = vector.shape_cast %get3A_418 : vector<1x1x16xf32> to vector<16xf32>
        %add3A_420 = arith.addf %add3A_394, %get3A_419 : vector<16xf32>
        %get3A_421 = arith.index_cast %rem3A_329 : i32 to index
        %get3A_422 = arith.index_cast %scan3A_414 : i32 to index
        %get3A_423 = arith.constant 16 : index
        %get3A_424 = tpu.vector_load %arg6[%get3A_421, %get3A_422, %get3A_423] {strides = array<i32>} : memref<4x200x64xf32, #tpu.memory_space<vmem>>, vector<1x1x16xf32>,
        %get3A_425 = vector.shape_cast %get3A_424 : vector<1x1x16xf32> to vector<16xf32>
        %add3A_426 = arith.addf %add3A_400, %get3A_425 : vector<16xf32>
        %get3A_427 = arith.index_cast %rem3A_329 : i32 to index
        %get3A_428 = arith.index_cast %scan3A_414 : i32 to index
        %get3A_429 = arith.constant 32 : index
        %get3A_430 = tpu.vector_load %arg6[%get3A_427, %get3A_428, %get3A_429] {strides = array<i32>} : memref<4x200x64xf32, #tpu.memory_space<vmem>>, vector<1x1x16xf32>,
        %get3A_431 = vector.shape_cast %get3A_430 : vector<1x1x16xf32> to vector<16xf32>
        %add3A_432 = arith.addf %add3A_406, %get3A_431 : vector<16xf32>
        %get3A_433 = arith.index_cast %rem3A_329 : i32 to index
        %get3A_434 = arith.index_cast %scan3A_414 : i32 to index
        %get3A_435 = arith.constant 48 : index
        %get3A_436 = tpu.vector_load %arg6[%get3A_433, %get3A_434, %get3A_435] {strides = array<i32>} : memref<4x200x64xf32, #tpu.memory_space<vmem>>, vector<1x1x16xf32>,
        %get3A_437 = vector.shape_cast %get3A_436 : vector<1x1x16xf32> to vector<16xf32>
        %add3A_438 = arith.addf %add3A_412, %get3A_437 : vector<16xf32>
        %scan3A_439 = arith.constant 2 : i32
        %scan3A_440 = arith.addi %scan3A_385, %scan3A_439 : i32
        %get3A_441 = arith.index_cast %rem3A_329 : i32 to index
        %get3A_442 = arith.index_cast %scan3A_440 : i32 to index
        %get3A_443 = arith.constant 0 : index
        %get3A_444 = tpu.vector_load %arg6[%get3A_441, %get3A_442, %get3A_443] {strides = array<i32>} : memref<4x200x64xf32, #tpu.memory_space<vmem>>, vector<1x1x16xf32>,
        %get3A_445 = vector.shape_cast %get3A_444 : vector<1x1x16xf32> to vector<16xf32>
        %add3A_446 = arith.addf %add3A_420, %get3A_445 : vector<16xf32>
        %get3A_447 = arith.index_cast %rem3A_329 : i32 to index
        %get3A_448 = arith.index_cast %scan3A_440 : i32 to index
        %get3A_449 = arith.constant 16 : index
        %get3A_450 = tpu.vector_load %arg6[%get3A_447, %get3A_448, %get3A_449] {strides = array<i32>} : memref<4x200x64xf32, #tpu.memory_space<vmem>>, vector<1x1x16xf32>,
        %get3A_451 = vector.shape_cast %get3A_450 : vector<1x1x16xf32> to vector<16xf32>
        %add3A_452 = arith.addf %add3A_426, %get3A_451 : vector<16xf32>
        %get3A_453 = arith.index_cast %rem3A_329 : i32 to index
        %get3A_454 = arith.index_cast %scan3A_440 : i32 to index
        %get3A_455 = arith.constant 32 : index
        %get3A_456 = tpu.vector_load %arg6[%get3A_453, %get3A_454, %get3A_455] {strides = array<i32>} : memref<4x200x64xf32, #tpu.memory_space<vmem>>, vector<1x1x16xf32>,
        %get3A_457 = vector.shape_cast %get3A_456 : vector<1x1x16xf32> to vector<16xf32>
        %add3A_458 = arith.addf %add3A_432, %get3A_457 : vector<16xf32>
        %get3A_459 = arith.index_cast %rem3A_329 : i32 to index
        %get3A_460 = arith.index_cast %scan3A_440 : i32 to index
        %get3A_461 = arith.constant 48 : index
        %get3A_462 = tpu.vector_load %arg6[%get3A_459, %get3A_460, %get3A_461] {strides = array<i32>} : memref<4x200x64xf32, #tpu.memory_space<vmem>>, vector<1x1x16xf32>,
        %get3A_463 = vector.shape_cast %get3A_462 : vector<1x1x16xf32> to vector<16xf32>
        %add3A_464 = arith.addf %add3A_438, %get3A_463 : vector<16xf32>
        %scan3A_465 = arith.constant 3 : i32
        %scan3A_466 = arith.addi %scan3A_385, %scan3A_465 : i32
        %get3A_467 = arith.index_cast %rem3A_329 : i32 to index
        %get3A_468 = arith.index_cast %scan3A_466 : i32 to index
        %get3A_469 = arith.constant 0 : index
        %get3A_470 = tpu.vector_load %arg6[%get3A_467, %get3A_468, %get3A_469] {strides = array<i32>} : memref<4x200x64xf32, #tpu.memory_space<vmem>>, vector<1x1x16xf32>,
        %get3A_471 = vector.shape_cast %get3A_470 : vector<1x1x16xf32> to vector<16xf32>
        %add3A_472 = arith.addf %add3A_446, %get3A_471 : vector<16xf32>
        %get3A_473 = arith.index_cast %rem3A_329 : i32 to index
        %get3A_474 = arith.index_cast %scan3A_466 : i32 to index
        %get3A_475 = arith.constant 16 : index
        %get3A_476 = tpu.vector_load %arg6[%get3A_473, %get3A_474, %get3A_475] {strides = array<i32>} : memref<4x200x64xf32, #tpu.memory_space<vmem>>, vector<1x1x16xf32>,
        %get3A_477 = vector.shape_cast %get3A_476 : vector<1x1x16xf32> to vector<16xf32>
        %add3A_478 = arith.addf %add3A_452, %get3A_477 : vector<16xf32>
        %get3A_479 = arith.index_cast %rem3A_329 : i32 to index
        %get3A_480 = arith.index_cast %scan3A_466 : i32 to index
        %get3A_481 = arith.constant 32 : index
        %get3A_482 = tpu.vector_load %arg6[%get3A_479, %get3A_480, %get3A_481] {strides = array<i32>} : memref<4x200x64xf32, #tpu.memory_space<vmem>>, vector<1x1x16xf32>,
        %get3A_483 = vector.shape_cast %get3A_482 : vector<1x1x16xf32> to vector<16xf32>
        %add3A_484 = arith.addf %add3A_458, %get3A_483 : vector<16xf32>
        %get3A_485 = arith.index_cast %rem3A_329 : i32 to index
        %get3A_486 = arith.index_cast %scan3A_466 : i32 to index
        %get3A_487 = arith.constant 48 : index
        %get3A_488 = tpu.vector_load %arg6[%get3A_485, %get3A_486, %get3A_487] {strides = array<i32>} : memref<4x200x64xf32, #tpu.memory_space<vmem>>, vector<1x1x16xf32>,
        %get3A_489 = vector.shape_cast %get3A_488 : vector<1x1x16xf32> to vector<16xf32>
        %add3A_490 = arith.addf %add3A_464, %get3A_489 : vector<16xf32>
        %scan3A_491 = arith.constant 4 : i32
        %scan3A_492 = arith.addi %scan3A_385, %scan3A_491 : i32
        %get3A_493 = arith.index_cast %rem3A_329 : i32 to index
        %get3A_494 = arith.index_cast %scan3A_492 : i32 to index
        %get3A_495 = arith.constant 0 : index
        %get3A_496 = tpu.vector_load %arg6[%get3A_493, %get3A_494, %get3A_495] {strides = array<i32>} : memref<4x200x64xf32, #tpu.memory_space<vmem>>, vector<1x1x16xf32>,
        %get3A_497 = vector.shape_cast %get3A_496 : vector<1x1x16xf32> to vector<16xf32>
        %add3A_498 = arith.addf %add3A_472, %get3A_497 : vector<16xf32>
        %get3A_499 = arith.index_cast %rem3A_329 : i32 to index
        %get3A_500 = arith.index_cast %scan3A_492 : i32 to index
        %get3A_501 = arith.constant 16 : index
        %get3A_502 = tpu.vector_load %arg6[%get3A_499, %get3A_500, %get3A_501] {strides = array<i32>} : memref<4x200x64xf32, #tpu.memory_space<vmem>>, vector<1x1x16xf32>,
        %get3A_503 = vector.shape_cast %get3A_502 : vector<1x1x16xf32> to vector<16xf32>
        %add3A_504 = arith.addf %add3A_478, %get3A_503 : vector<16xf32>
        %get3A_505 = arith.index_cast %rem3A_329 : i32 to index
        %get3A_506 = arith.index_cast %scan3A_492 : i32 to index
        %get3A_507 = arith.constant 32 : index
        %get3A_508 = tpu.vector_load %arg6[%get3A_505, %get3A_506, %get3A_507] {strides = array<i32>} : memref<4x200x64xf32, #tpu.memory_space<vmem>>, vector<1x1x16xf32>,
        %get3A_509 = vector.shape_cast %get3A_508 : vector<1x1x16xf32> to vector<16xf32>
        %add3A_510 = arith.addf %add3A_484, %get3A_509 : vector<16xf32>
        %get3A_511 = arith.index_cast %rem3A_329 : i32 to index
        %get3A_512 = arith.index_cast %scan3A_492 : i32 to index
        %get3A_513 = arith.constant 48 : index
        %get3A_514 = tpu.vector_load %arg6[%get3A_511, %get3A_512, %get3A_513] {strides = array<i32>} : memref<4x200x64xf32, #tpu.memory_space<vmem>>, vector<1x1x16xf32>,
        %get3A_515 = vector.shape_cast %get3A_514 : vector<1x1x16xf32> to vector<16xf32>
        %add3A_516 = arith.addf %add3A_490, %get3A_515 : vector<16xf32>
        %scan3A_517 = arith.constant 5 : i32
        %scan3A_518 = arith.addi %scan3A_385, %scan3A_517 : i32
        %get3A_519 = arith.index_cast %rem3A_329 : i32 to index
        %get3A_520 = arith.index_cast %scan3A_518 : i32 to index
        %get3A_521 = arith.constant 0 : index
        %get3A_522 = tpu.vector_load %arg6[%get3A_519, %get3A_520, %get3A_521] {strides = array<i32>} : memref<4x200x64xf32, #tpu.memory_space<vmem>>, vector<1x1x16xf32>,
        %get3A_523 = vector.shape_cast %get3A_522 : vector<1x1x16xf32> to vector<16xf32>
        %add3A_524 = arith.addf %add3A_498, %get3A_523 : vector<16xf32>
        %get3A_525 = arith.index_cast %rem3A_329 : i32 to index
        %get3A_526 = arith.index_cast %scan3A_518 : i32 to index
        %get3A_527 = arith.constant 16 : index
        %get3A_528 = tpu.vector_load %arg6[%get3A_525, %get3A_526, %get3A_527] {strides = array<i32>} : memref<4x200x64xf32, #tpu.memory_space<vmem>>, vector<1x1x16xf32>,
        %get3A_529 = vector.shape_cast %get3A_528 : vector<1x1x16xf32> to vector<16xf32>
        %add3A_530 = arith.addf %add3A_504, %get3A_529 : vector<16xf32>
        %get3A_531 = arith.index_cast %rem3A_329 : i32 to index
        %get3A_532 = arith.index_cast %scan3A_518 : i32 to index
        %get3A_533 = arith.constant 32 : index
        %get3A_534 = tpu.vector_load %arg6[%get3A_531, %get3A_532, %get3A_533] {strides = array<i32>} : memref<4x200x64xf32, #tpu.memory_space<vmem>>, vector<1x1x16xf32>,
        %get3A_535 = vector.shape_cast %get3A_534 : vector<1x1x16xf32> to vector<16xf32>
        %add3A_536 = arith.addf %add3A_510, %get3A_535 : vector<16xf32>
        %get3A_537 = arith.index_cast %rem3A_329 : i32 to index
        %get3A_538 = arith.index_cast %scan3A_518 : i32 to index
        %get3A_539 = arith.constant 48 : index
        %get3A_540 = tpu.vector_load %arg6[%get3A_537, %get3A_538, %get3A_539] {strides = array<i32>} : memref<4x200x64xf32, #tpu.memory_space<vmem>>, vector<1x1x16xf32>,
        %get3A_541 = vector.shape_cast %get3A_540 : vector<1x1x16xf32> to vector<16xf32>
        %add3A_542 = arith.addf %add3A_516, %get3A_541 : vector<16xf32>
        %scan3A_543 = arith.constant 6 : i32
        %scan3A_544 = arith.addi %scan3A_385, %scan3A_543 : i32
        %get3A_545 = arith.index_cast %rem3A_329 : i32 to index
        %get3A_546 = arith.index_cast %scan3A_544 : i32 to index
        %get3A_547 = arith.constant 0 : index
        %get3A_548 = tpu.vector_load %arg6[%get3A_545, %get3A_546, %get3A_547] {strides = array<i32>} : memref<4x200x64xf32, #tpu.memory_space<vmem>>, vector<1x1x16xf32>,
        %get3A_549 = vector.shape_cast %get3A_548 : vector<1x1x16xf32> to vector<16xf32>
        %add3A_550 = arith.addf %add3A_524, %get3A_549 : vector<16xf32>
        %get3A_551 = arith.index_cast %rem3A_329 : i32 to index
        %get3A_552 = arith.index_cast %scan3A_544 : i32 to index
        %get3A_553 = arith.constant 16 : index
        %get3A_554 = tpu.vector_load %arg6[%get3A_551, %get3A_552, %get3A_553] {strides = array<i32>} : memref<4x200x64xf32, #tpu.memory_space<vmem>>, vector<1x1x16xf32>,
        %get3A_555 = vector.shape_cast %get3A_554 : vector<1x1x16xf32> to vector<16xf32>
        %add3A_556 = arith.addf %add3A_530, %get3A_555 : vector<16xf32>
        %get3A_557 = arith.index_cast %rem3A_329 : i32 to index
        %get3A_558 = arith.index_cast %scan3A_544 : i32 to index
        %get3A_559 = arith.constant 32 : index
        %get3A_560 = tpu.vector_load %arg6[%get3A_557, %get3A_558, %get3A_559] {strides = array<i32>} : memref<4x200x64xf32, #tpu.memory_space<vmem>>, vector<1x1x16xf32>,
        %get3A_561 = vector.shape_cast %get3A_560 : vector<1x1x16xf32> to vector<16xf32>
        %add3A_562 = arith.addf %add3A_536, %get3A_561 : vector<16xf32>
        %get3A_563 = arith.index_cast %rem3A_329 : i32 to index
        %get3A_564 = arith.index_cast %scan3A_544 : i32 to index
        %get3A_565 = arith.constant 48 : index
        %get3A_566 = tpu.vector_load %arg6[%get3A_563, %get3A_564, %get3A_565] {strides = array<i32>} : memref<4x200x64xf32, #tpu.memory_space<vmem>>, vector<1x1x16xf32>,
        %get3A_567 = vector.shape_cast %get3A_566 : vector<1x1x16xf32> to vector<16xf32>
        %add3A_568 = arith.addf %add3A_542, %get3A_567 : vector<16xf32>
        %scan3A_569 = arith.constant 7 : i32
        %scan3A_570 = arith.addi %scan3A_385, %scan3A_569 : i32
        %get3A_571 = arith.index_cast %rem3A_329 : i32 to index
        %get3A_572 = arith.index_cast %scan3A_570 : i32 to index
        %get3A_573 = arith.constant 0 : index
        %get3A_574 = tpu.vector_load %arg6[%get3A_571, %get3A_572, %get3A_573] {strides = array<i32>} : memref<4x200x64xf32, #tpu.memory_space<vmem>>, vector<1x1x16xf32>,
        %get3A_575 = vector.shape_cast %get3A_574 : vector<1x1x16xf32> to vector<16xf32>
        %add3A_576 = arith.addf %add3A_550, %get3A_575 : vector<16xf32>
        %get3A_577 = arith.index_cast %rem3A_329 : i32 to index
        %get3A_578 = arith.index_cast %scan3A_570 : i32 to index
        %get3A_579 = arith.constant 16 : index
        %get3A_580 = tpu.vector_load %arg6[%get3A_577, %get3A_578, %get3A_579] {strides = array<i32>} : memref<4x200x64xf32, #tpu.memory_space<vmem>>, vector<1x1x16xf32>,
        %get3A_581 = vector.shape_cast %get3A_580 : vector<1x1x16xf32> to vector<16xf32>
        %add3A_582 = arith.addf %add3A_556, %get3A_581 : vector<16xf32>
        %get3A_583 = arith.index_cast %rem3A_329 : i32 to index
        %get3A_584 = arith.index_cast %scan3A_570 : i32 to index
        %get3A_585 = arith.constant 32 : index
        %get3A_586 = tpu.vector_load %arg6[%get3A_583, %get3A_584, %get3A_585] {strides = array<i32>} : memref<4x200x64xf32, #tpu.memory_space<vmem>>, vector<1x1x16xf32>,
        %get3A_587 = vector.shape_cast %get3A_586 : vector<1x1x16xf32> to vector<16xf32>
        %add3A_588 = arith.addf %add3A_562, %get3A_587 : vector<16xf32>
        %get3A_589 = arith.index_cast %rem3A_329 : i32 to index
        %get3A_590 = arith.index_cast %scan3A_570 : i32 to index
        %get3A_591 = arith.constant 48 : index
        %get3A_592 = tpu.vector_load %arg6[%get3A_589, %get3A_590, %get3A_591] {strides = array<i32>} : memref<4x200x64xf32, #tpu.memory_space<vmem>>, vector<1x1x16xf32>,
        %get3A_593 = vector.shape_cast %get3A_592 : vector<1x1x16xf32> to vector<16xf32>
        %add3A_594 = arith.addf %add3A_568, %get3A_593 : vector<16xf32>
        scf.yield %add3A_576, %add3A_582, %add3A_588, %add3A_594 : vector<16xf32>, vector<16xf32>, vector<16xf32>, vector<16xf32>
      }
      %scan3A_365 = arith.constant 96 : i32
      %swap3A = arith.index_cast %scan3A_328 : i32 to index
      %swap3A_366 = arith.constant 0 : index
      %swap3A_367 = tpu.vector_load %arg7[%swap3A, %swap3A_366] {strides = array<i32>} : memref<128x64xf32, #tpu.memory_space<vmem>>, vector<1x16xf32>,
      %swap3A_368 = vector.shape_cast %swap3A_367 : vector<1x16xf32> to vector<16xf32>
      %swap3A_369 = vector.shape_cast %scan3A_364#0 : vector<16xf32> to vector<1x16xf32>
      tpu.vector_store %arg7[%swap3A, %swap3A_366], %swap3A_369 {strides = array<i32>} : memref<128x64xf32, #tpu.memory_space<vmem>>, vector<1x16xf32>,
      %swap3A_370 = arith.index_cast %scan3A_328 : i32 to index
      %swap3A_371 = arith.constant 16 : index
      %swap3A_372 = tpu.vector_load %arg7[%swap3A_370, %swap3A_371] {strides = array<i32>} : memref<128x64xf32, #tpu.memory_space<vmem>>, vector<1x16xf32>,
      %swap3A_373 = vector.shape_cast %swap3A_372 : vector<1x16xf32> to vector<16xf32>
      %swap3A_374 = vector.shape_cast %scan3A_364#1 : vector<16xf32> to vector<1x16xf32>
      tpu.vector_store %arg7[%swap3A_370, %swap3A_371], %swap3A_374 {strides = array<i32>} : memref<128x64xf32, #tpu.memory_space<vmem>>, vector<1x16xf32>,
      %swap3A_375 = arith.index_cast %scan3A_328 : i32 to index
      %swap3A_376 = arith.constant 32 : index
      %swap3A_377 = tpu.vector_load %arg7[%swap3A_375, %swap3A_376] {strides = array<i32>} : memref<128x64xf32, #tpu.memory_space<vmem>>, vector<1x16xf32>,
      %swap3A_378 = vector.shape_cast %swap3A_377 : vector<1x16xf32> to vector<16xf32>
      %swap3A_379 = vector.shape_cast %scan3A_364#2 : vector<16xf32> to vector<1x16xf32>
      tpu.vector_store %arg7[%swap3A_375, %swap3A_376], %swap3A_379 {strides = array<i32>} : memref<128x64xf32, #tpu.memory_space<vmem>>, vector<1x16xf32>,
      %swap3A_380 = arith.index_cast %scan3A_328 : i32 to index
      %swap3A_381 = arith.constant 48 : index
      %swap3A_382 = tpu.vector_load %arg7[%swap3A_380, %swap3A_381] {strides = array<i32>} : memref<128x64xf32, #tpu.memory_space<vmem>>, vector<1x16xf32>,
      %swap3A_383 = vector.shape_cast %swap3A_382 : vector<1x16xf32> to vector<16xf32>
      %swap3A_384 = vector.shape_cast %scan3A_364#3 : vector<16xf32> to vector<1x16xf32>
      tpu.vector_store %arg7[%swap3A_380, %swap3A_381], %swap3A_384 {strides = array<i32>} : memref<128x64xf32, #tpu.memory_space<vmem>>, vector<1x16xf32>,
    }
    %scan3A_247 = arith.constant 128 : i32
    "tpu.region"() ({
      %run_scoped3A = tpu.sem_alloc : memref<!tpu.dma_semaphore, #tpu.memory_space<semaphore_mem>>
      %dma_start3A_328 = arith.constant 0 : i32
      %dma_start3A_329 = tpu.memref_slice %arg4[%add3A_169, %dma_start3A_328] : memref<16384x64xf32, #tpu.memory_space<hbm>> -> memref<128x64xf32, #tpu.memory_space<hbm>>
      %dma_start3A_330 = arith.constant 0 : i32
      %dma_start3A_331 = tpu.memref_slice %arg4[%add3A_169, %dma_start3A_330] : memref<16384x64xf32, #tpu.memory_space<hbm>> -> memref<128x64xf32, #tpu.memory_space<hbm>>
      tpu.enqueue_dma source(%arg7 : memref<128x64xf32, #tpu.memory_space<vmem>>) target(%dma_start3A_331 : memref<128x64xf32, #tpu.memory_space<hbm>>) target_semaphore(%run_scoped3A : memref<!tpu.dma_semaphore, #tpu.memory_space<semaphore_mem>>)
      %dma_wait3A = arith.constant 0 : i32
      %dma_wait3A_332 = tpu.memref_slice %arg4[%add3A_169, %dma_wait3A] : memref<16384x64xf32, #tpu.memory_space<hbm>> -> memref<128x64xf32, #tpu.memory_space<hbm>>
      %dma_wait3A_333 = arith.constant 0 : i32
      %dma_wait3A_334 = tpu.memref_slice %arg4[%add3A_169, %dma_wait3A_333] : memref<16384x64xf32, #tpu.memory_space<hbm>> -> memref<128x64xf32, #tpu.memory_space<hbm>>
      tpu.wait_dma2 semaphore(%run_scoped3A : memref<!tpu.dma_semaphore, #tpu.memory_space<semaphore_mem>>) src(%arg7 : memref<128x64xf32, #tpu.memory_space<vmem>>) dst(%dma_wait3A_334 : memref<128x64xf32, #tpu.memory_space<hbm>>)
      tpu.yield
    }) : () -> ()
    %add3A_248 = arith.constant 384 : i32
    %add3A_249 = arith.addi %mul3A_2, %add3A_248 : i32
    "tpu.region"() ({
      %run_scoped3A = tpu.sem_alloc : memref<!tpu.dma_semaphore, #tpu.memory_space<semaphore_mem>>
      %dma_start3A_328 = arith.constant 0 : i32
      %dma_start3A_329 = tpu.memref_slice %arg2[%add3A_249, %dma_start3A_328] : memref<16384x200xi32, #tpu.memory_space<hbm>> -> memref<128x200xi32, #tpu.memory_space<hbm>>
      %dma_start3A_330 = arith.constant 0 : i32
      %dma_start3A_331 = tpu.memref_slice %arg2[%add3A_249, %dma_start3A_330] : memref<16384x200xi32, #tpu.memory_space<hbm>> -> memref<128x200xi32, #tpu.memory_space<hbm>>
      tpu.enqueue_dma source(%dma_start3A_331 : memref<128x200xi32, #tpu.memory_space<hbm>>) target(%arg5 : memref<128x200xi32, #tpu.memory_space<vmem>>) target_semaphore(%run_scoped3A : memref<!tpu.dma_semaphore, #tpu.memory_space<semaphore_mem>>)
      %dma_wait3A = arith.constant 0 : i32
      %dma_wait3A_332 = tpu.memref_slice %arg2[%add3A_249, %dma_wait3A] : memref<16384x200xi32, #tpu.memory_space<hbm>> -> memref<128x200xi32, #tpu.memory_space<hbm>>
      %dma_wait3A_333 = arith.constant 0 : i32
      %dma_wait3A_334 = tpu.memref_slice %arg2[%add3A_249, %dma_wait3A_333] : memref<16384x200xi32, #tpu.memory_space<hbm>> -> memref<128x200xi32, #tpu.memory_space<hbm>>
      tpu.wait_dma2 semaphore(%run_scoped3A : memref<!tpu.dma_semaphore, #tpu.memory_space<semaphore_mem>>) src(%dma_wait3A_334 : memref<128x200xi32, #tpu.memory_space<hbm>>) dst(%arg5 : memref<128x200xi32, #tpu.memory_space<vmem>>)
      tpu.yield
    }) : () -> ()
    %dma_start3A_250 = arith.constant 0 : i32
    %dma_start3A_251 = arith.constant 0 : i32
    %dma_start3A_252 = arith.constant 0 : i32
    %dma_start3A_253 = arith.constant 0 : i32
    %dma_start3A_254 = tpu.memref_slice %arg6[%dma_start3A_251, %dma_start3A_252, %dma_start3A_253] : memref<4x200x64xf32, #tpu.memory_space<vmem>> -> memref<1x104x64xf32, #tpu.memory_space<vmem>>
    %dma_start3A_255 = tpu.memref_squeeze %dma_start3A_254 : memref<1x104x64xf32, #tpu.memory_space<vmem>> -> memref<104x64xf32, #tpu.memory_space<vmem>>
    %dma_start3A_256 = arith.constant 0 : i32
    %dma_start3A_257 = tpu.memref_slice %arg5[%dma_start3A_250, %dma_start3A_256] : memref<128x200xi32, #tpu.memory_space<vmem>> -> memref<1x104xi32, #tpu.memory_space<vmem>>
    %dma_start3A_258 = tpu.memref_squeeze %dma_start3A_257 : memref<1x104xi32, #tpu.memory_space<vmem>> -> memref<104xi32, #tpu.memory_space<vmem>>
    %dma_start3A_259 = arith.constant 0 : i32
    %dma_start3A_260 = arith.constant 0 : i32
    %dma_start3A_261 = tpu.memref_slice %arg3[%dma_start3A_259, %dma_start3A_260] : memref<1000001x64xf32, #tpu.memory_space<hbm>> -> memref<1000001x64xf32, #tpu.memory_space<hbm>>
    tpu.enqueue_indirect_dma source(%dma_start3A_261 : memref<1000001x64xf32, #tpu.memory_space<hbm>>) target(%dma_start3A_255 : memref<104x64xf32, #tpu.memory_space<vmem>>) offsets(%dma_start3A_258 : memref<104xi32, #tpu.memory_space<vmem>>) semaphore(%arg8 : memref<!tpu.dma_semaphore, #tpu.memory_space<semaphore_mem>>)
    %dma_start3A_262 = arith.constant 0 : i32
    %dma_start3A_263 = arith.constant 0 : i32
    %dma_start3A_264 = arith.constant 104 : i32
    %dma_start3A_265 = arith.constant 0 : i32
    %dma_start3A_266 = tpu.memref_slice %arg6[%dma_start3A_263, %dma_start3A_264, %dma_start3A_265] : memref<4x200x64xf32, #tpu.memory_space<vmem>> -> memref<1x96x64xf32, #tpu.memory_space<vmem>>
    %dma_start3A_267 = tpu.memref_squeeze %dma_start3A_266 : memref<1x96x64xf32, #tpu.memory_space<vmem>> -> memref<96x64xf32, #tpu.memory_space<vmem>>
    %dma_start3A_268 = arith.constant 104 : i32
    %dma_start3A_269 = tpu.memref_slice %arg5[%dma_start3A_262, %dma_start3A_268] : memref<128x200xi32, #tpu.memory_space<vmem>> -> memref<1x96xi32, #tpu.memory_space<vmem>>
    %dma_start3A_270 = tpu.memref_squeeze %dma_start3A_269 : memref<1x96xi32, #tpu.memory_space<vmem>> -> memref<96xi32, #tpu.memory_space<vmem>>
    %dma_start3A_271 = arith.constant 0 : i32
    %dma_start3A_272 = arith.constant 0 : i32
    %dma_start3A_273 = tpu.memref_slice %arg3[%dma_start3A_271, %dma_start3A_272] : memref<1000001x64xf32, #tpu.memory_space<hbm>> -> memref<1000001x64xf32, #tpu.memory_space<hbm>>
    tpu.enqueue_indirect_dma source(%dma_start3A_273 : memref<1000001x64xf32, #tpu.memory_space<hbm>>) target(%dma_start3A_267 : memref<96x64xf32, #tpu.memory_space<vmem>>) offsets(%dma_start3A_270 : memref<96xi32, #tpu.memory_space<vmem>>) semaphore(%arg9 : memref<!tpu.dma_semaphore, #tpu.memory_space<semaphore_mem>>)
    %dma_start3A_274 = arith.constant 1 : i32
    %dma_start3A_275 = arith.constant 1 : i32
    %dma_start3A_276 = arith.constant 0 : i32
    %dma_start3A_277 = arith.constant 0 : i32
    %dma_start3A_278 = tpu.memref_slice %arg6[%dma_start3A_275, %dma_start3A_276, %dma_start3A_277] : memref<4x200x64xf32, #tpu.memory_space<vmem>> -> memref<1x104x64xf32, #tpu.memory_space<vmem>>
    %dma_start3A_279 = tpu.memref_squeeze %dma_start3A_278 : memref<1x104x64xf32, #tpu.memory_space<vmem>> -> memref<104x64xf32, #tpu.memory_space<vmem>>
    %dma_start3A_280 = arith.constant 0 : i32
    %dma_start3A_281 = tpu.memref_slice %arg5[%dma_start3A_274, %dma_start3A_280] : memref<128x200xi32, #tpu.memory_space<vmem>> -> memref<1x104xi32, #tpu.memory_space<vmem>>
    %dma_start3A_282 = tpu.memref_squeeze %dma_start3A_281 : memref<1x104xi32, #tpu.memory_space<vmem>> -> memref<104xi32, #tpu.memory_space<vmem>>
    %dma_start3A_283 = arith.constant 0 : i32
    %dma_start3A_284 = arith.constant 0 : i32
    %dma_start3A_285 = tpu.memref_slice %arg3[%dma_start3A_283, %dma_start3A_284] : memref<1000001x64xf32, #tpu.memory_space<hbm>> -> memref<1000001x64xf32, #tpu.memory_space<hbm>>
    tpu.enqueue_indirect_dma source(%dma_start3A_285 : memref<1000001x64xf32, #tpu.memory_space<hbm>>) target(%dma_start3A_279 : memref<104x64xf32, #tpu.memory_space<vmem>>) offsets(%dma_start3A_282 : memref<104xi32, #tpu.memory_space<vmem>>) semaphore(%arg8 : memref<!tpu.dma_semaphore, #tpu.memory_space<semaphore_mem>>)
    %dma_start3A_286 = arith.constant 1 : i32
    %dma_start3A_287 = arith.constant 1 : i32
    %dma_start3A_288 = arith.constant 104 : i32
    %dma_start3A_289 = arith.constant 0 : i32
    %dma_start3A_290 = tpu.memref_slice %arg6[%dma_start3A_287, %dma_start3A_288, %dma_start3A_289] : memref<4x200x64xf32, #tpu.memory_space<vmem>> -> memref<1x96x64xf32, #tpu.memory_space<vmem>>
    %dma_start3A_291 = tpu.memref_squeeze %dma_start3A_290 : memref<1x96x64xf32, #tpu.memory_space<vmem>> -> memref<96x64xf32, #tpu.memory_space<vmem>>
    %dma_start3A_292 = arith.constant 104 : i32
    %dma_start3A_293 = tpu.memref_slice %arg5[%dma_start3A_286, %dma_start3A_292] : memref<128x200xi32, #tpu.memory_space<vmem>> -> memref<1x96xi32, #tpu.memory_space<vmem>>
    %dma_start3A_294 = tpu.memref_squeeze %dma_start3A_293 : memref<1x96xi32, #tpu.memory_space<vmem>> -> memref<96xi32, #tpu.memory_space<vmem>>
    %dma_start3A_295 = arith.constant 0 : i32
    %dma_start3A_296 = arith.constant 0 : i32
    %dma_start3A_297 = tpu.memref_slice %arg3[%dma_start3A_295, %dma_start3A_296] : memref<1000001x64xf32, #tpu.memory_space<hbm>> -> memref<1000001x64xf32, #tpu.memory_space<hbm>>
    tpu.enqueue_indirect_dma source(%dma_start3A_297 : memref<1000001x64xf32, #tpu.memory_space<hbm>>) target(%dma_start3A_291 : memref<96x64xf32, #tpu.memory_space<vmem>>) offsets(%dma_start3A_294 : memref<96xi32, #tpu.memory_space<vmem>>) semaphore(%arg9 : memref<!tpu.dma_semaphore, #tpu.memory_space<semaphore_mem>>)
    %dma_start3A_298 = arith.constant 2 : i32
    %dma_start3A_299 = arith.constant 2 : i32
    %dma_start3A_300 = arith.constant 0 : i32
    %dma_start3A_301 = arith.constant 0 : i32
    %dma_start3A_302 = tpu.memref_slice %arg6[%dma_start3A_299, %dma_start3A_300, %dma_start3A_301] : memref<4x200x64xf32, #tpu.memory_space<vmem>> -> memref<1x104x64xf32, #tpu.memory_space<vmem>>
    %dma_start3A_303 = tpu.memref_squeeze %dma_start3A_302 : memref<1x104x64xf32, #tpu.memory_space<vmem>> -> memref<104x64xf32, #tpu.memory_space<vmem>>
    %dma_start3A_304 = arith.constant 0 : i32
    %dma_start3A_305 = tpu.memref_slice %arg5[%dma_start3A_298, %dma_start3A_304] : memref<128x200xi32, #tpu.memory_space<vmem>> -> memref<1x104xi32, #tpu.memory_space<vmem>>
    %dma_start3A_306 = tpu.memref_squeeze %dma_start3A_305 : memref<1x104xi32, #tpu.memory_space<vmem>> -> memref<104xi32, #tpu.memory_space<vmem>>
    %dma_start3A_307 = arith.constant 0 : i32
    %dma_start3A_308 = arith.constant 0 : i32
    %dma_start3A_309 = tpu.memref_slice %arg3[%dma_start3A_307, %dma_start3A_308] : memref<1000001x64xf32, #tpu.memory_space<hbm>> -> memref<1000001x64xf32, #tpu.memory_space<hbm>>
    tpu.enqueue_indirect_dma source(%dma_start3A_309 : memref<1000001x64xf32, #tpu.memory_space<hbm>>) target(%dma_start3A_303 : memref<104x64xf32, #tpu.memory_space<vmem>>) offsets(%dma_start3A_306 : memref<104xi32, #tpu.memory_space<vmem>>) semaphore(%arg8 : memref<!tpu.dma_semaphore, #tpu.memory_space<semaphore_mem>>)
    %dma_start3A_310 = arith.constant 2 : i32
    %dma_start3A_311 = arith.constant 2 : i32
    %dma_start3A_312 = arith.constant 104 : i32
    %dma_start3A_313 = arith.constant 0 : i32
    %dma_start3A_314 = tpu.memref_slice %arg6[%dma_start3A_311, %dma_start3A_312, %dma_start3A_313] : memref<4x200x64xf32, #tpu.memory_space<vmem>> -> memref<1x96x64xf32, #tpu.memory_space<vmem>>
    %dma_start3A_315 = tpu.memref_squeeze %dma_start3A_314 : memref<1x96x64xf32, #tpu.memory_space<vmem>> -> memref<96x64xf32, #tpu.memory_space<vmem>>
    %dma_start3A_316 = arith.constant 104 : i32
    %dma_start3A_317 = tpu.memref_slice %arg5[%dma_start3A_310, %dma_start3A_316] : memref<128x200xi32, #tpu.memory_space<vmem>> -> memref<1x96xi32, #tpu.memory_space<vmem>>
    %dma_start3A_318 = tpu.memref_squeeze %dma_start3A_317 : memref<1x96xi32, #tpu.memory_space<vmem>> -> memref<96xi32, #tpu.memory_space<vmem>>
    %dma_start3A_319 = arith.constant 0 : i32
    %dma_start3A_320 = arith.constant 0 : i32
    %dma_start3A_321 = tpu.memref_slice %arg3[%dma_start3A_319, %dma_start3A_320] : memref<1000001x64xf32, #tpu.memory_space<hbm>> -> memref<1000001x64xf32, #tpu.memory_space<hbm>>
    tpu.enqueue_indirect_dma source(%dma_start3A_321 : memref<1000001x64xf32, #tpu.memory_space<hbm>>) target(%dma_start3A_315 : memref<96x64xf32, #tpu.memory_space<vmem>>) offsets(%dma_start3A_318 : memref<96xi32, #tpu.memory_space<vmem>>) semaphore(%arg9 : memref<!tpu.dma_semaphore, #tpu.memory_space<semaphore_mem>>)
    %scan3A_322 = arith.constant 0 : i32
    %scan3A_323 = arith.constant 0 : i32
    %scan3A_324 = arith.constant 128 : i32
    %scan3A_325 = arith.addi %scan3A_323, %scan3A_324 : i32
    %scan3A_326 = arith.constant 1 : i32
    scf.for %scan3A_328 = %scan3A_323 to %scan3A_325 step %scan3A_326  : i32 {
      %rem3A = arith.constant 4 : i32
      %rem3A_329 = arith.remsi %scan3A_328, %rem3A : i32
      %dma_wait3A = arith.constant 0 : i32
      %dma_wait3A_330 = arith.constant 0 : i32
      %dma_wait3A_331 = tpu.memref_slice %arg6[%rem3A_329, %dma_wait3A, %dma_wait3A_330] : memref<4x200x64xf32, #tpu.memory_space<vmem>> -> memref<1x104x64xf32, #tpu.memory_space<vmem>>
      %dma_wait3A_332 = tpu.memref_squeeze %dma_wait3A_331 : memref<1x104x64xf32, #tpu.memory_space<vmem>> -> memref<104x64xf32, #tpu.memory_space<vmem>>
      %dma_wait3A_333 = arith.constant 0 : i32
      %dma_wait3A_334 = tpu.memref_slice %arg5[%scan3A_328, %dma_wait3A_333] : memref<128x200xi32, #tpu.memory_space<vmem>> -> memref<1x104xi32, #tpu.memory_space<vmem>>
      %dma_wait3A_335 = tpu.memref_squeeze %dma_wait3A_334 : memref<1x104xi32, #tpu.memory_space<vmem>> -> memref<104xi32, #tpu.memory_space<vmem>>
      %dma_wait3A_336 = arith.constant 0 : i32
      %dma_wait3A_337 = arith.constant 0 : i32
      %dma_wait3A_338 = tpu.memref_slice %arg3[%dma_wait3A_336, %dma_wait3A_337] : memref<1000001x64xf32, #tpu.memory_space<hbm>> -> memref<1000001x64xf32, #tpu.memory_space<hbm>>
      tpu.wait_indirect_dma semaphore(%arg8 : memref<!tpu.dma_semaphore, #tpu.memory_space<semaphore_mem>>) src(%dma_wait3A_338 : memref<1000001x64xf32, #tpu.memory_space<hbm>>) dst(%dma_wait3A_332 : memref<104x64xf32, #tpu.memory_space<vmem>>)
      %add3A_339 = arith.constant 4 : i32
      %add3A_340 = arith.addi %scan3A_328, %add3A_339 : i32
      %sub3A = arith.constant 1 : i32
      %sub3A_341 = arith.subi %add3A_340, %sub3A : i32
      %lt3A = arith.constant 128 : i32
      %lt3A_342 = arith.cmpi slt, %sub3A_341, %lt3A : i32
      %convert_element_type3A = arith.extui %lt3A_342 : i1 to i32
      %cond3A = arith.constant 0 : i32
      %cond3A_343 = arith.cmpi ne, %convert_element_type3A, %cond3A : i32
      scf.if %cond3A_343 {
        %rem3A_385 = arith.constant 4 : i32
        %rem3A_386 = arith.remsi %sub3A_341, %rem3A_385 : i32
        %dma_start3A_387 = arith.constant 0 : i32
        %dma_start3A_388 = arith.constant 0 : i32
        %dma_start3A_389 = tpu.memref_slice %arg6[%rem3A_386, %dma_start3A_387, %dma_start3A_388] : memref<4x200x64xf32, #tpu.memory_space<vmem>> -> memref<1x104x64xf32, #tpu.memory_space<vmem>>
        %dma_start3A_390 = tpu.memref_squeeze %dma_start3A_389 : memref<1x104x64xf32, #tpu.memory_space<vmem>> -> memref<104x64xf32, #tpu.memory_space<vmem>>
        %dma_start3A_391 = arith.constant 0 : i32
        %dma_start3A_392 = tpu.memref_slice %arg5[%sub3A_341, %dma_start3A_391] : memref<128x200xi32, #tpu.memory_space<vmem>> -> memref<1x104xi32, #tpu.memory_space<vmem>>
        %dma_start3A_393 = tpu.memref_squeeze %dma_start3A_392 : memref<1x104xi32, #tpu.memory_space<vmem>> -> memref<104xi32, #tpu.memory_space<vmem>>
        %dma_start3A_394 = arith.constant 0 : i32
        %dma_start3A_395 = arith.constant 0 : i32
        %dma_start3A_396 = tpu.memref_slice %arg3[%dma_start3A_394, %dma_start3A_395] : memref<1000001x64xf32, #tpu.memory_space<hbm>> -> memref<1000001x64xf32, #tpu.memory_space<hbm>>
        tpu.enqueue_indirect_dma source(%dma_start3A_396 : memref<1000001x64xf32, #tpu.memory_space<hbm>>) target(%dma_start3A_390 : memref<104x64xf32, #tpu.memory_space<vmem>>) offsets(%dma_start3A_393 : memref<104xi32, #tpu.memory_space<vmem>>) semaphore(%arg8 : memref<!tpu.dma_semaphore, #tpu.memory_space<semaphore_mem>>)
        %dma_start3A_397 = arith.constant 104 : i32
        %dma_start3A_398 = arith.constant 0 : i32
        %dma_start3A_399 = tpu.memref_slice %arg6[%rem3A_386, %dma_start3A_397, %dma_start3A_398] : memref<4x200x64xf32, #tpu.memory_space<vmem>> -> memref<1x96x64xf32, #tpu.memory_space<vmem>>
        %dma_start3A_400 = tpu.memref_squeeze %dma_start3A_399 : memref<1x96x64xf32, #tpu.memory_space<vmem>> -> memref<96x64xf32, #tpu.memory_space<vmem>>
        %dma_start3A_401 = arith.constant 104 : i32
        %dma_start3A_402 = tpu.memref_slice %arg5[%sub3A_341, %dma_start3A_401] : memref<128x200xi32, #tpu.memory_space<vmem>> -> memref<1x96xi32, #tpu.memory_space<vmem>>
        %dma_start3A_403 = tpu.memref_squeeze %dma_start3A_402 : memref<1x96xi32, #tpu.memory_space<vmem>> -> memref<96xi32, #tpu.memory_space<vmem>>
        %dma_start3A_404 = arith.constant 0 : i32
        %dma_start3A_405 = arith.constant 0 : i32
        %dma_start3A_406 = tpu.memref_slice %arg3[%dma_start3A_404, %dma_start3A_405] : memref<1000001x64xf32, #tpu.memory_space<hbm>> -> memref<1000001x64xf32, #tpu.memory_space<hbm>>
        tpu.enqueue_indirect_dma source(%dma_start3A_406 : memref<1000001x64xf32, #tpu.memory_space<hbm>>) target(%dma_start3A_400 : memref<96x64xf32, #tpu.memory_space<vmem>>) offsets(%dma_start3A_403 : memref<96xi32, #tpu.memory_space<vmem>>) semaphore(%arg9 : memref<!tpu.dma_semaphore, #tpu.memory_space<semaphore_mem>>)
      } else {
      }
      %scan3A_344 = arith.constant 0 : i32
      %scan3A_345 = arith.constant 104 : i32
      %scan3A_346 = arith.addi %scan3A_344, %scan3A_345 : i32
      %scan3A_347 = arith.constant 8 : i32
      %scan3A_348:4 = scf.for %scan3A_385 = %scan3A_344 to %scan3A_346 step %scan3A_347 iter_args(%scan3A_386 = %broadcast_in_dim3A_3, %scan3A_387 = %broadcast_in_dim3A_5, %scan3A_388 = %broadcast_in_dim3A_7, %scan3A_389 = %broadcast_in_dim3A_9) -> (vector<16xf32>, vector<16xf32>, vector<16xf32>, vector<16xf32>)  : i32 {
        %get3A = arith.index_cast %rem3A_329 : i32 to index
        %get3A_390 = arith.index_cast %scan3A_385 : i32 to index
        %get3A_391 = arith.constant 0 : index
        %get3A_392 = tpu.vector_load %arg6[%get3A, %get3A_390, %get3A_391] {strides = array<i32>} : memref<4x200x64xf32, #tpu.memory_space<vmem>>, vector<1x1x16xf32>,
        %get3A_393 = vector.shape_cast %get3A_392 : vector<1x1x16xf32> to vector<16xf32>
        %add3A_394 = arith.addf %scan3A_386, %get3A_393 : vector<16xf32>
        %get3A_395 = arith.index_cast %rem3A_329 : i32 to index
        %get3A_396 = arith.index_cast %scan3A_385 : i32 to index
        %get3A_397 = arith.constant 16 : index
        %get3A_398 = tpu.vector_load %arg6[%get3A_395, %get3A_396, %get3A_397] {strides = array<i32>} : memref<4x200x64xf32, #tpu.memory_space<vmem>>, vector<1x1x16xf32>,
        %get3A_399 = vector.shape_cast %get3A_398 : vector<1x1x16xf32> to vector<16xf32>
        %add3A_400 = arith.addf %scan3A_387, %get3A_399 : vector<16xf32>
        %get3A_401 = arith.index_cast %rem3A_329 : i32 to index
        %get3A_402 = arith.index_cast %scan3A_385 : i32 to index
        %get3A_403 = arith.constant 32 : index
        %get3A_404 = tpu.vector_load %arg6[%get3A_401, %get3A_402, %get3A_403] {strides = array<i32>} : memref<4x200x64xf32, #tpu.memory_space<vmem>>, vector<1x1x16xf32>,
        %get3A_405 = vector.shape_cast %get3A_404 : vector<1x1x16xf32> to vector<16xf32>
        %add3A_406 = arith.addf %scan3A_388, %get3A_405 : vector<16xf32>
        %get3A_407 = arith.index_cast %rem3A_329 : i32 to index
        %get3A_408 = arith.index_cast %scan3A_385 : i32 to index
        %get3A_409 = arith.constant 48 : index
        %get3A_410 = tpu.vector_load %arg6[%get3A_407, %get3A_408, %get3A_409] {strides = array<i32>} : memref<4x200x64xf32, #tpu.memory_space<vmem>>, vector<1x1x16xf32>,
        %get3A_411 = vector.shape_cast %get3A_410 : vector<1x1x16xf32> to vector<16xf32>
        %add3A_412 = arith.addf %scan3A_389, %get3A_411 : vector<16xf32>
        %scan3A_413 = arith.constant 1 : i32
        %scan3A_414 = arith.addi %scan3A_385, %scan3A_413 : i32
        %get3A_415 = arith.index_cast %rem3A_329 : i32 to index
        %get3A_416 = arith.index_cast %scan3A_414 : i32 to index
        %get3A_417 = arith.constant 0 : index
        %get3A_418 = tpu.vector_load %arg6[%get3A_415, %get3A_416, %get3A_417] {strides = array<i32>} : memref<4x200x64xf32, #tpu.memory_space<vmem>>, vector<1x1x16xf32>,
        %get3A_419 = vector.shape_cast %get3A_418 : vector<1x1x16xf32> to vector<16xf32>
        %add3A_420 = arith.addf %add3A_394, %get3A_419 : vector<16xf32>
        %get3A_421 = arith.index_cast %rem3A_329 : i32 to index
        %get3A_422 = arith.index_cast %scan3A_414 : i32 to index
        %get3A_423 = arith.constant 16 : index
        %get3A_424 = tpu.vector_load %arg6[%get3A_421, %get3A_422, %get3A_423] {strides = array<i32>} : memref<4x200x64xf32, #tpu.memory_space<vmem>>, vector<1x1x16xf32>,
        %get3A_425 = vector.shape_cast %get3A_424 : vector<1x1x16xf32> to vector<16xf32>
        %add3A_426 = arith.addf %add3A_400, %get3A_425 : vector<16xf32>
        %get3A_427 = arith.index_cast %rem3A_329 : i32 to index
        %get3A_428 = arith.index_cast %scan3A_414 : i32 to index
        %get3A_429 = arith.constant 32 : index
        %get3A_430 = tpu.vector_load %arg6[%get3A_427, %get3A_428, %get3A_429] {strides = array<i32>} : memref<4x200x64xf32, #tpu.memory_space<vmem>>, vector<1x1x16xf32>,
        %get3A_431 = vector.shape_cast %get3A_430 : vector<1x1x16xf32> to vector<16xf32>
        %add3A_432 = arith.addf %add3A_406, %get3A_431 : vector<16xf32>
        %get3A_433 = arith.index_cast %rem3A_329 : i32 to index
        %get3A_434 = arith.index_cast %scan3A_414 : i32 to index
        %get3A_435 = arith.constant 48 : index
        %get3A_436 = tpu.vector_load %arg6[%get3A_433, %get3A_434, %get3A_435] {strides = array<i32>} : memref<4x200x64xf32, #tpu.memory_space<vmem>>, vector<1x1x16xf32>,
        %get3A_437 = vector.shape_cast %get3A_436 : vector<1x1x16xf32> to vector<16xf32>
        %add3A_438 = arith.addf %add3A_412, %get3A_437 : vector<16xf32>
        %scan3A_439 = arith.constant 2 : i32
        %scan3A_440 = arith.addi %scan3A_385, %scan3A_439 : i32
        %get3A_441 = arith.index_cast %rem3A_329 : i32 to index
        %get3A_442 = arith.index_cast %scan3A_440 : i32 to index
        %get3A_443 = arith.constant 0 : index
        %get3A_444 = tpu.vector_load %arg6[%get3A_441, %get3A_442, %get3A_443] {strides = array<i32>} : memref<4x200x64xf32, #tpu.memory_space<vmem>>, vector<1x1x16xf32>,
        %get3A_445 = vector.shape_cast %get3A_444 : vector<1x1x16xf32> to vector<16xf32>
        %add3A_446 = arith.addf %add3A_420, %get3A_445 : vector<16xf32>
        %get3A_447 = arith.index_cast %rem3A_329 : i32 to index
        %get3A_448 = arith.index_cast %scan3A_440 : i32 to index
        %get3A_449 = arith.constant 16 : index
        %get3A_450 = tpu.vector_load %arg6[%get3A_447, %get3A_448, %get3A_449] {strides = array<i32>} : memref<4x200x64xf32, #tpu.memory_space<vmem>>, vector<1x1x16xf32>,
        %get3A_451 = vector.shape_cast %get3A_450 : vector<1x1x16xf32> to vector<16xf32>
        %add3A_452 = arith.addf %add3A_426, %get3A_451 : vector<16xf32>
        %get3A_453 = arith.index_cast %rem3A_329 : i32 to index
        %get3A_454 = arith.index_cast %scan3A_440 : i32 to index
        %get3A_455 = arith.constant 32 : index
        %get3A_456 = tpu.vector_load %arg6[%get3A_453, %get3A_454, %get3A_455] {strides = array<i32>} : memref<4x200x64xf32, #tpu.memory_space<vmem>>, vector<1x1x16xf32>,
        %get3A_457 = vector.shape_cast %get3A_456 : vector<1x1x16xf32> to vector<16xf32>
        %add3A_458 = arith.addf %add3A_432, %get3A_457 : vector<16xf32>
        %get3A_459 = arith.index_cast %rem3A_329 : i32 to index
        %get3A_460 = arith.index_cast %scan3A_440 : i32 to index
        %get3A_461 = arith.constant 48 : index
        %get3A_462 = tpu.vector_load %arg6[%get3A_459, %get3A_460, %get3A_461] {strides = array<i32>} : memref<4x200x64xf32, #tpu.memory_space<vmem>>, vector<1x1x16xf32>,
        %get3A_463 = vector.shape_cast %get3A_462 : vector<1x1x16xf32> to vector<16xf32>
        %add3A_464 = arith.addf %add3A_438, %get3A_463 : vector<16xf32>
        %scan3A_465 = arith.constant 3 : i32
        %scan3A_466 = arith.addi %scan3A_385, %scan3A_465 : i32
        %get3A_467 = arith.index_cast %rem3A_329 : i32 to index
        %get3A_468 = arith.index_cast %scan3A_466 : i32 to index
        %get3A_469 = arith.constant 0 : index
        %get3A_470 = tpu.vector_load %arg6[%get3A_467, %get3A_468, %get3A_469] {strides = array<i32>} : memref<4x200x64xf32, #tpu.memory_space<vmem>>, vector<1x1x16xf32>,
        %get3A_471 = vector.shape_cast %get3A_470 : vector<1x1x16xf32> to vector<16xf32>
        %add3A_472 = arith.addf %add3A_446, %get3A_471 : vector<16xf32>
        %get3A_473 = arith.index_cast %rem3A_329 : i32 to index
        %get3A_474 = arith.index_cast %scan3A_466 : i32 to index
        %get3A_475 = arith.constant 16 : index
        %get3A_476 = tpu.vector_load %arg6[%get3A_473, %get3A_474, %get3A_475] {strides = array<i32>} : memref<4x200x64xf32, #tpu.memory_space<vmem>>, vector<1x1x16xf32>,
        %get3A_477 = vector.shape_cast %get3A_476 : vector<1x1x16xf32> to vector<16xf32>
        %add3A_478 = arith.addf %add3A_452, %get3A_477 : vector<16xf32>
        %get3A_479 = arith.index_cast %rem3A_329 : i32 to index
        %get3A_480 = arith.index_cast %scan3A_466 : i32 to index
        %get3A_481 = arith.constant 32 : index
        %get3A_482 = tpu.vector_load %arg6[%get3A_479, %get3A_480, %get3A_481] {strides = array<i32>} : memref<4x200x64xf32, #tpu.memory_space<vmem>>, vector<1x1x16xf32>,
        %get3A_483 = vector.shape_cast %get3A_482 : vector<1x1x16xf32> to vector<16xf32>
        %add3A_484 = arith.addf %add3A_458, %get3A_483 : vector<16xf32>
        %get3A_485 = arith.index_cast %rem3A_329 : i32 to index
        %get3A_486 = arith.index_cast %scan3A_466 : i32 to index
        %get3A_487 = arith.constant 48 : index
        %get3A_488 = tpu.vector_load %arg6[%get3A_485, %get3A_486, %get3A_487] {strides = array<i32>} : memref<4x200x64xf32, #tpu.memory_space<vmem>>, vector<1x1x16xf32>,
        %get3A_489 = vector.shape_cast %get3A_488 : vector<1x1x16xf32> to vector<16xf32>
        %add3A_490 = arith.addf %add3A_464, %get3A_489 : vector<16xf32>
        %scan3A_491 = arith.constant 4 : i32
        %scan3A_492 = arith.addi %scan3A_385, %scan3A_491 : i32
        %get3A_493 = arith.index_cast %rem3A_329 : i32 to index
        %get3A_494 = arith.index_cast %scan3A_492 : i32 to index
        %get3A_495 = arith.constant 0 : index
        %get3A_496 = tpu.vector_load %arg6[%get3A_493, %get3A_494, %get3A_495] {strides = array<i32>} : memref<4x200x64xf32, #tpu.memory_space<vmem>>, vector<1x1x16xf32>,
        %get3A_497 = vector.shape_cast %get3A_496 : vector<1x1x16xf32> to vector<16xf32>
        %add3A_498 = arith.addf %add3A_472, %get3A_497 : vector<16xf32>
        %get3A_499 = arith.index_cast %rem3A_329 : i32 to index
        %get3A_500 = arith.index_cast %scan3A_492 : i32 to index
        %get3A_501 = arith.constant 16 : index
        %get3A_502 = tpu.vector_load %arg6[%get3A_499, %get3A_500, %get3A_501] {strides = array<i32>} : memref<4x200x64xf32, #tpu.memory_space<vmem>>, vector<1x1x16xf32>,
        %get3A_503 = vector.shape_cast %get3A_502 : vector<1x1x16xf32> to vector<16xf32>
        %add3A_504 = arith.addf %add3A_478, %get3A_503 : vector<16xf32>
        %get3A_505 = arith.index_cast %rem3A_329 : i32 to index
        %get3A_506 = arith.index_cast %scan3A_492 : i32 to index
        %get3A_507 = arith.constant 32 : index
        %get3A_508 = tpu.vector_load %arg6[%get3A_505, %get3A_506, %get3A_507] {strides = array<i32>} : memref<4x200x64xf32, #tpu.memory_space<vmem>>, vector<1x1x16xf32>,
        %get3A_509 = vector.shape_cast %get3A_508 : vector<1x1x16xf32> to vector<16xf32>
        %add3A_510 = arith.addf %add3A_484, %get3A_509 : vector<16xf32>
        %get3A_511 = arith.index_cast %rem3A_329 : i32 to index
        %get3A_512 = arith.index_cast %scan3A_492 : i32 to index
        %get3A_513 = arith.constant 48 : index
        %get3A_514 = tpu.vector_load %arg6[%get3A_511, %get3A_512, %get3A_513] {strides = array<i32>} : memref<4x200x64xf32, #tpu.memory_space<vmem>>, vector<1x1x16xf32>,
        %get3A_515 = vector.shape_cast %get3A_514 : vector<1x1x16xf32> to vector<16xf32>
        %add3A_516 = arith.addf %add3A_490, %get3A_515 : vector<16xf32>
        %scan3A_517 = arith.constant 5 : i32
        %scan3A_518 = arith.addi %scan3A_385, %scan3A_517 : i32
        %get3A_519 = arith.index_cast %rem3A_329 : i32 to index
        %get3A_520 = arith.index_cast %scan3A_518 : i32 to index
        %get3A_521 = arith.constant 0 : index
        %get3A_522 = tpu.vector_load %arg6[%get3A_519, %get3A_520, %get3A_521] {strides = array<i32>} : memref<4x200x64xf32, #tpu.memory_space<vmem>>, vector<1x1x16xf32>,
        %get3A_523 = vector.shape_cast %get3A_522 : vector<1x1x16xf32> to vector<16xf32>
        %add3A_524 = arith.addf %add3A_498, %get3A_523 : vector<16xf32>
        %get3A_525 = arith.index_cast %rem3A_329 : i32 to index
        %get3A_526 = arith.index_cast %scan3A_518 : i32 to index
        %get3A_527 = arith.constant 16 : index
        %get3A_528 = tpu.vector_load %arg6[%get3A_525, %get3A_526, %get3A_527] {strides = array<i32>} : memref<4x200x64xf32, #tpu.memory_space<vmem>>, vector<1x1x16xf32>,
        %get3A_529 = vector.shape_cast %get3A_528 : vector<1x1x16xf32> to vector<16xf32>
        %add3A_530 = arith.addf %add3A_504, %get3A_529 : vector<16xf32>
        %get3A_531 = arith.index_cast %rem3A_329 : i32 to index
        %get3A_532 = arith.index_cast %scan3A_518 : i32 to index
        %get3A_533 = arith.constant 32 : index
        %get3A_534 = tpu.vector_load %arg6[%get3A_531, %get3A_532, %get3A_533] {strides = array<i32>} : memref<4x200x64xf32, #tpu.memory_space<vmem>>, vector<1x1x16xf32>,
        %get3A_535 = vector.shape_cast %get3A_534 : vector<1x1x16xf32> to vector<16xf32>
        %add3A_536 = arith.addf %add3A_510, %get3A_535 : vector<16xf32>
        %get3A_537 = arith.index_cast %rem3A_329 : i32 to index
        %get3A_538 = arith.index_cast %scan3A_518 : i32 to index
        %get3A_539 = arith.constant 48 : index
        %get3A_540 = tpu.vector_load %arg6[%get3A_537, %get3A_538, %get3A_539] {strides = array<i32>} : memref<4x200x64xf32, #tpu.memory_space<vmem>>, vector<1x1x16xf32>,
        %get3A_541 = vector.shape_cast %get3A_540 : vector<1x1x16xf32> to vector<16xf32>
        %add3A_542 = arith.addf %add3A_516, %get3A_541 : vector<16xf32>
        %scan3A_543 = arith.constant 6 : i32
        %scan3A_544 = arith.addi %scan3A_385, %scan3A_543 : i32
        %get3A_545 = arith.index_cast %rem3A_329 : i32 to index
        %get3A_546 = arith.index_cast %scan3A_544 : i32 to index
        %get3A_547 = arith.constant 0 : index
        %get3A_548 = tpu.vector_load %arg6[%get3A_545, %get3A_546, %get3A_547] {strides = array<i32>} : memref<4x200x64xf32, #tpu.memory_space<vmem>>, vector<1x1x16xf32>,
        %get3A_549 = vector.shape_cast %get3A_548 : vector<1x1x16xf32> to vector<16xf32>
        %add3A_550 = arith.addf %add3A_524, %get3A_549 : vector<16xf32>
        %get3A_551 = arith.index_cast %rem3A_329 : i32 to index
        %get3A_552 = arith.index_cast %scan3A_544 : i32 to index
        %get3A_553 = arith.constant 16 : index
        %get3A_554 = tpu.vector_load %arg6[%get3A_551, %get3A_552, %get3A_553] {strides = array<i32>} : memref<4x200x64xf32, #tpu.memory_space<vmem>>, vector<1x1x16xf32>,
        %get3A_555 = vector.shape_cast %get3A_554 : vector<1x1x16xf32> to vector<16xf32>
        %add3A_556 = arith.addf %add3A_530, %get3A_555 : vector<16xf32>
        %get3A_557 = arith.index_cast %rem3A_329 : i32 to index
        %get3A_558 = arith.index_cast %scan3A_544 : i32 to index
        %get3A_559 = arith.constant 32 : index
        %get3A_560 = tpu.vector_load %arg6[%get3A_557, %get3A_558, %get3A_559] {strides = array<i32>} : memref<4x200x64xf32, #tpu.memory_space<vmem>>, vector<1x1x16xf32>,
        %get3A_561 = vector.shape_cast %get3A_560 : vector<1x1x16xf32> to vector<16xf32>
        %add3A_562 = arith.addf %add3A_536, %get3A_561 : vector<16xf32>
        %get3A_563 = arith.index_cast %rem3A_329 : i32 to index
        %get3A_564 = arith.index_cast %scan3A_544 : i32 to index
        %get3A_565 = arith.constant 48 : index
        %get3A_566 = tpu.vector_load %arg6[%get3A_563, %get3A_564, %get3A_565] {strides = array<i32>} : memref<4x200x64xf32, #tpu.memory_space<vmem>>, vector<1x1x16xf32>,
        %get3A_567 = vector.shape_cast %get3A_566 : vector<1x1x16xf32> to vector<16xf32>
        %add3A_568 = arith.addf %add3A_542, %get3A_567 : vector<16xf32>
        %scan3A_569 = arith.constant 7 : i32
        %scan3A_570 = arith.addi %scan3A_385, %scan3A_569 : i32
        %get3A_571 = arith.index_cast %rem3A_329 : i32 to index
        %get3A_572 = arith.index_cast %scan3A_570 : i32 to index
        %get3A_573 = arith.constant 0 : index
        %get3A_574 = tpu.vector_load %arg6[%get3A_571, %get3A_572, %get3A_573] {strides = array<i32>} : memref<4x200x64xf32, #tpu.memory_space<vmem>>, vector<1x1x16xf32>,
        %get3A_575 = vector.shape_cast %get3A_574 : vector<1x1x16xf32> to vector<16xf32>
        %add3A_576 = arith.addf %add3A_550, %get3A_575 : vector<16xf32>
        %get3A_577 = arith.index_cast %rem3A_329 : i32 to index
        %get3A_578 = arith.index_cast %scan3A_570 : i32 to index
        %get3A_579 = arith.constant 16 : index
        %get3A_580 = tpu.vector_load %arg6[%get3A_577, %get3A_578, %get3A_579] {strides = array<i32>} : memref<4x200x64xf32, #tpu.memory_space<vmem>>, vector<1x1x16xf32>,
        %get3A_581 = vector.shape_cast %get3A_580 : vector<1x1x16xf32> to vector<16xf32>
        %add3A_582 = arith.addf %add3A_556, %get3A_581 : vector<16xf32>
        %get3A_583 = arith.index_cast %rem3A_329 : i32 to index
        %get3A_584 = arith.index_cast %scan3A_570 : i32 to index
        %get3A_585 = arith.constant 32 : index
        %get3A_586 = tpu.vector_load %arg6[%get3A_583, %get3A_584, %get3A_585] {strides = array<i32>} : memref<4x200x64xf32, #tpu.memory_space<vmem>>, vector<1x1x16xf32>,
        %get3A_587 = vector.shape_cast %get3A_586 : vector<1x1x16xf32> to vector<16xf32>
        %add3A_588 = arith.addf %add3A_562, %get3A_587 : vector<16xf32>
        %get3A_589 = arith.index_cast %rem3A_329 : i32 to index
        %get3A_590 = arith.index_cast %scan3A_570 : i32 to index
        %get3A_591 = arith.constant 48 : index
        %get3A_592 = tpu.vector_load %arg6[%get3A_589, %get3A_590, %get3A_591] {strides = array<i32>} : memref<4x200x64xf32, #tpu.memory_space<vmem>>, vector<1x1x16xf32>,
        %get3A_593 = vector.shape_cast %get3A_592 : vector<1x1x16xf32> to vector<16xf32>
        %add3A_594 = arith.addf %add3A_568, %get3A_593 : vector<16xf32>
        scf.yield %add3A_576, %add3A_582, %add3A_588, %add3A_594 : vector<16xf32>, vector<16xf32>, vector<16xf32>, vector<16xf32>
      }
      %scan3A_349 = arith.constant 104 : i32
      %dma_wait3A_350 = arith.constant 104 : i32
      %dma_wait3A_351 = arith.constant 0 : i32
      %dma_wait3A_352 = tpu.memref_slice %arg6[%rem3A_329, %dma_wait3A_350, %dma_wait3A_351] : memref<4x200x64xf32, #tpu.memory_space<vmem>> -> memref<1x96x64xf32, #tpu.memory_space<vmem>>
      %dma_wait3A_353 = tpu.memref_squeeze %dma_wait3A_352 : memref<1x96x64xf32, #tpu.memory_space<vmem>> -> memref<96x64xf32, #tpu.memory_space<vmem>>
      %dma_wait3A_354 = arith.constant 104 : i32
      %dma_wait3A_355 = tpu.memref_slice %arg5[%scan3A_328, %dma_wait3A_354] : memref<128x200xi32, #tpu.memory_space<vmem>> -> memref<1x96xi32, #tpu.memory_space<vmem>>
      %dma_wait3A_356 = tpu.memref_squeeze %dma_wait3A_355 : memref<1x96xi32, #tpu.memory_space<vmem>> -> memref<96xi32, #tpu.memory_space<vmem>>
      %dma_wait3A_357 = arith.constant 0 : i32
      %dma_wait3A_358 = arith.constant 0 : i32
      %dma_wait3A_359 = tpu.memref_slice %arg3[%dma_wait3A_357, %dma_wait3A_358] : memref<1000001x64xf32, #tpu.memory_space<hbm>> -> memref<1000001x64xf32, #tpu.memory_space<hbm>>
      tpu.wait_indirect_dma semaphore(%arg9 : memref<!tpu.dma_semaphore, #tpu.memory_space<semaphore_mem>>) src(%dma_wait3A_359 : memref<1000001x64xf32, #tpu.memory_space<hbm>>) dst(%dma_wait3A_353 : memref<96x64xf32, #tpu.memory_space<vmem>>)
      %scan3A_360 = arith.constant 104 : i32
      %scan3A_361 = arith.constant 96 : i32
      %scan3A_362 = arith.addi %scan3A_360, %scan3A_361 : i32
      %scan3A_363 = arith.constant 8 : i32
      %scan3A_364:4 = scf.for %scan3A_385 = %scan3A_360 to %scan3A_362 step %scan3A_363 iter_args(%scan3A_386 = %scan3A_348#0, %scan3A_387 = %scan3A_348#1, %scan3A_388 = %scan3A_348#2, %scan3A_389 = %scan3A_348#3) -> (vector<16xf32>, vector<16xf32>, vector<16xf32>, vector<16xf32>)  : i32 {
        %get3A = arith.index_cast %rem3A_329 : i32 to index
        %get3A_390 = arith.index_cast %scan3A_385 : i32 to index
        %get3A_391 = arith.constant 0 : index
        %get3A_392 = tpu.vector_load %arg6[%get3A, %get3A_390, %get3A_391] {strides = array<i32>} : memref<4x200x64xf32, #tpu.memory_space<vmem>>, vector<1x1x16xf32>,
        %get3A_393 = vector.shape_cast %get3A_392 : vector<1x1x16xf32> to vector<16xf32>
        %add3A_394 = arith.addf %scan3A_386, %get3A_393 : vector<16xf32>
        %get3A_395 = arith.index_cast %rem3A_329 : i32 to index
        %get3A_396 = arith.index_cast %scan3A_385 : i32 to index
        %get3A_397 = arith.constant 16 : index
        %get3A_398 = tpu.vector_load %arg6[%get3A_395, %get3A_396, %get3A_397] {strides = array<i32>} : memref<4x200x64xf32, #tpu.memory_space<vmem>>, vector<1x1x16xf32>,
        %get3A_399 = vector.shape_cast %get3A_398 : vector<1x1x16xf32> to vector<16xf32>
        %add3A_400 = arith.addf %scan3A_387, %get3A_399 : vector<16xf32>
        %get3A_401 = arith.index_cast %rem3A_329 : i32 to index
        %get3A_402 = arith.index_cast %scan3A_385 : i32 to index
        %get3A_403 = arith.constant 32 : index
        %get3A_404 = tpu.vector_load %arg6[%get3A_401, %get3A_402, %get3A_403] {strides = array<i32>} : memref<4x200x64xf32, #tpu.memory_space<vmem>>, vector<1x1x16xf32>,
        %get3A_405 = vector.shape_cast %get3A_404 : vector<1x1x16xf32> to vector<16xf32>
        %add3A_406 = arith.addf %scan3A_388, %get3A_405 : vector<16xf32>
        %get3A_407 = arith.index_cast %rem3A_329 : i32 to index
        %get3A_408 = arith.index_cast %scan3A_385 : i32 to index
        %get3A_409 = arith.constant 48 : index
        %get3A_410 = tpu.vector_load %arg6[%get3A_407, %get3A_408, %get3A_409] {strides = array<i32>} : memref<4x200x64xf32, #tpu.memory_space<vmem>>, vector<1x1x16xf32>,
        %get3A_411 = vector.shape_cast %get3A_410 : vector<1x1x16xf32> to vector<16xf32>
        %add3A_412 = arith.addf %scan3A_389, %get3A_411 : vector<16xf32>
        %scan3A_413 = arith.constant 1 : i32
        %scan3A_414 = arith.addi %scan3A_385, %scan3A_413 : i32
        %get3A_415 = arith.index_cast %rem3A_329 : i32 to index
        %get3A_416 = arith.index_cast %scan3A_414 : i32 to index
        %get3A_417 = arith.constant 0 : index
        %get3A_418 = tpu.vector_load %arg6[%get3A_415, %get3A_416, %get3A_417] {strides = array<i32>} : memref<4x200x64xf32, #tpu.memory_space<vmem>>, vector<1x1x16xf32>,
        %get3A_419 = vector.shape_cast %get3A_418 : vector<1x1x16xf32> to vector<16xf32>
        %add3A_420 = arith.addf %add3A_394, %get3A_419 : vector<16xf32>
        %get3A_421 = arith.index_cast %rem3A_329 : i32 to index
        %get3A_422 = arith.index_cast %scan3A_414 : i32 to index
        %get3A_423 = arith.constant 16 : index
        %get3A_424 = tpu.vector_load %arg6[%get3A_421, %get3A_422, %get3A_423] {strides = array<i32>} : memref<4x200x64xf32, #tpu.memory_space<vmem>>, vector<1x1x16xf32>,
        %get3A_425 = vector.shape_cast %get3A_424 : vector<1x1x16xf32> to vector<16xf32>
        %add3A_426 = arith.addf %add3A_400, %get3A_425 : vector<16xf32>
        %get3A_427 = arith.index_cast %rem3A_329 : i32 to index
        %get3A_428 = arith.index_cast %scan3A_414 : i32 to index
        %get3A_429 = arith.constant 32 : index
        %get3A_430 = tpu.vector_load %arg6[%get3A_427, %get3A_428, %get3A_429] {strides = array<i32>} : memref<4x200x64xf32, #tpu.memory_space<vmem>>, vector<1x1x16xf32>,
        %get3A_431 = vector.shape_cast %get3A_430 : vector<1x1x16xf32> to vector<16xf32>
        %add3A_432 = arith.addf %add3A_406, %get3A_431 : vector<16xf32>
        %get3A_433 = arith.index_cast %rem3A_329 : i32 to index
        %get3A_434 = arith.index_cast %scan3A_414 : i32 to index
        %get3A_435 = arith.constant 48 : index
        %get3A_436 = tpu.vector_load %arg6[%get3A_433, %get3A_434, %get3A_435] {strides = array<i32>} : memref<4x200x64xf32, #tpu.memory_space<vmem>>, vector<1x1x16xf32>,
        %get3A_437 = vector.shape_cast %get3A_436 : vector<1x1x16xf32> to vector<16xf32>
        %add3A_438 = arith.addf %add3A_412, %get3A_437 : vector<16xf32>
        %scan3A_439 = arith.constant 2 : i32
        %scan3A_440 = arith.addi %scan3A_385, %scan3A_439 : i32
        %get3A_441 = arith.index_cast %rem3A_329 : i32 to index
        %get3A_442 = arith.index_cast %scan3A_440 : i32 to index
        %get3A_443 = arith.constant 0 : index
        %get3A_444 = tpu.vector_load %arg6[%get3A_441, %get3A_442, %get3A_443] {strides = array<i32>} : memref<4x200x64xf32, #tpu.memory_space<vmem>>, vector<1x1x16xf32>,
        %get3A_445 = vector.shape_cast %get3A_444 : vector<1x1x16xf32> to vector<16xf32>
        %add3A_446 = arith.addf %add3A_420, %get3A_445 : vector<16xf32>
        %get3A_447 = arith.index_cast %rem3A_329 : i32 to index
        %get3A_448 = arith.index_cast %scan3A_440 : i32 to index
        %get3A_449 = arith.constant 16 : index
        %get3A_450 = tpu.vector_load %arg6[%get3A_447, %get3A_448, %get3A_449] {strides = array<i32>} : memref<4x200x64xf32, #tpu.memory_space<vmem>>, vector<1x1x16xf32>,
        %get3A_451 = vector.shape_cast %get3A_450 : vector<1x1x16xf32> to vector<16xf32>
        %add3A_452 = arith.addf %add3A_426, %get3A_451 : vector<16xf32>
        %get3A_453 = arith.index_cast %rem3A_329 : i32 to index
        %get3A_454 = arith.index_cast %scan3A_440 : i32 to index
        %get3A_455 = arith.constant 32 : index
        %get3A_456 = tpu.vector_load %arg6[%get3A_453, %get3A_454, %get3A_455] {strides = array<i32>} : memref<4x200x64xf32, #tpu.memory_space<vmem>>, vector<1x1x16xf32>,
        %get3A_457 = vector.shape_cast %get3A_456 : vector<1x1x16xf32> to vector<16xf32>
        %add3A_458 = arith.addf %add3A_432, %get3A_457 : vector<16xf32>
        %get3A_459 = arith.index_cast %rem3A_329 : i32 to index
        %get3A_460 = arith.index_cast %scan3A_440 : i32 to index
        %get3A_461 = arith.constant 48 : index
        %get3A_462 = tpu.vector_load %arg6[%get3A_459, %get3A_460, %get3A_461] {strides = array<i32>} : memref<4x200x64xf32, #tpu.memory_space<vmem>>, vector<1x1x16xf32>,
        %get3A_463 = vector.shape_cast %get3A_462 : vector<1x1x16xf32> to vector<16xf32>
        %add3A_464 = arith.addf %add3A_438, %get3A_463 : vector<16xf32>
        %scan3A_465 = arith.constant 3 : i32
        %scan3A_466 = arith.addi %scan3A_385, %scan3A_465 : i32
        %get3A_467 = arith.index_cast %rem3A_329 : i32 to index
        %get3A_468 = arith.index_cast %scan3A_466 : i32 to index
        %get3A_469 = arith.constant 0 : index
        %get3A_470 = tpu.vector_load %arg6[%get3A_467, %get3A_468, %get3A_469] {strides = array<i32>} : memref<4x200x64xf32, #tpu.memory_space<vmem>>, vector<1x1x16xf32>,
        %get3A_471 = vector.shape_cast %get3A_470 : vector<1x1x16xf32> to vector<16xf32>
        %add3A_472 = arith.addf %add3A_446, %get3A_471 : vector<16xf32>
        %get3A_473 = arith.index_cast %rem3A_329 : i32 to index
        %get3A_474 = arith.index_cast %scan3A_466 : i32 to index
        %get3A_475 = arith.constant 16 : index
        %get3A_476 = tpu.vector_load %arg6[%get3A_473, %get3A_474, %get3A_475] {strides = array<i32>} : memref<4x200x64xf32, #tpu.memory_space<vmem>>, vector<1x1x16xf32>,
        %get3A_477 = vector.shape_cast %get3A_476 : vector<1x1x16xf32> to vector<16xf32>
        %add3A_478 = arith.addf %add3A_452, %get3A_477 : vector<16xf32>
        %get3A_479 = arith.index_cast %rem3A_329 : i32 to index
        %get3A_480 = arith.index_cast %scan3A_466 : i32 to index
        %get3A_481 = arith.constant 32 : index
        %get3A_482 = tpu.vector_load %arg6[%get3A_479, %get3A_480, %get3A_481] {strides = array<i32>} : memref<4x200x64xf32, #tpu.memory_space<vmem>>, vector<1x1x16xf32>,
        %get3A_483 = vector.shape_cast %get3A_482 : vector<1x1x16xf32> to vector<16xf32>
        %add3A_484 = arith.addf %add3A_458, %get3A_483 : vector<16xf32>
        %get3A_485 = arith.index_cast %rem3A_329 : i32 to index
        %get3A_486 = arith.index_cast %scan3A_466 : i32 to index
        %get3A_487 = arith.constant 48 : index
        %get3A_488 = tpu.vector_load %arg6[%get3A_485, %get3A_486, %get3A_487] {strides = array<i32>} : memref<4x200x64xf32, #tpu.memory_space<vmem>>, vector<1x1x16xf32>,
        %get3A_489 = vector.shape_cast %get3A_488 : vector<1x1x16xf32> to vector<16xf32>
        %add3A_490 = arith.addf %add3A_464, %get3A_489 : vector<16xf32>
        %scan3A_491 = arith.constant 4 : i32
        %scan3A_492 = arith.addi %scan3A_385, %scan3A_491 : i32
        %get3A_493 = arith.index_cast %rem3A_329 : i32 to index
        %get3A_494 = arith.index_cast %scan3A_492 : i32 to index
        %get3A_495 = arith.constant 0 : index
        %get3A_496 = tpu.vector_load %arg6[%get3A_493, %get3A_494, %get3A_495] {strides = array<i32>} : memref<4x200x64xf32, #tpu.memory_space<vmem>>, vector<1x1x16xf32>,
        %get3A_497 = vector.shape_cast %get3A_496 : vector<1x1x16xf32> to vector<16xf32>
        %add3A_498 = arith.addf %add3A_472, %get3A_497 : vector<16xf32>
        %get3A_499 = arith.index_cast %rem3A_329 : i32 to index
        %get3A_500 = arith.index_cast %scan3A_492 : i32 to index
        %get3A_501 = arith.constant 16 : index
        %get3A_502 = tpu.vector_load %arg6[%get3A_499, %get3A_500, %get3A_501] {strides = array<i32>} : memref<4x200x64xf32, #tpu.memory_space<vmem>>, vector<1x1x16xf32>,
        %get3A_503 = vector.shape_cast %get3A_502 : vector<1x1x16xf32> to vector<16xf32>
        %add3A_504 = arith.addf %add3A_478, %get3A_503 : vector<16xf32>
        %get3A_505 = arith.index_cast %rem3A_329 : i32 to index
        %get3A_506 = arith.index_cast %scan3A_492 : i32 to index
        %get3A_507 = arith.constant 32 : index
        %get3A_508 = tpu.vector_load %arg6[%get3A_505, %get3A_506, %get3A_507] {strides = array<i32>} : memref<4x200x64xf32, #tpu.memory_space<vmem>>, vector<1x1x16xf32>,
        %get3A_509 = vector.shape_cast %get3A_508 : vector<1x1x16xf32> to vector<16xf32>
        %add3A_510 = arith.addf %add3A_484, %get3A_509 : vector<16xf32>
        %get3A_511 = arith.index_cast %rem3A_329 : i32 to index
        %get3A_512 = arith.index_cast %scan3A_492 : i32 to index
        %get3A_513 = arith.constant 48 : index
        %get3A_514 = tpu.vector_load %arg6[%get3A_511, %get3A_512, %get3A_513] {strides = array<i32>} : memref<4x200x64xf32, #tpu.memory_space<vmem>>, vector<1x1x16xf32>,
        %get3A_515 = vector.shape_cast %get3A_514 : vector<1x1x16xf32> to vector<16xf32>
        %add3A_516 = arith.addf %add3A_490, %get3A_515 : vector<16xf32>
        %scan3A_517 = arith.constant 5 : i32
        %scan3A_518 = arith.addi %scan3A_385, %scan3A_517 : i32
        %get3A_519 = arith.index_cast %rem3A_329 : i32 to index
        %get3A_520 = arith.index_cast %scan3A_518 : i32 to index
        %get3A_521 = arith.constant 0 : index
        %get3A_522 = tpu.vector_load %arg6[%get3A_519, %get3A_520, %get3A_521] {strides = array<i32>} : memref<4x200x64xf32, #tpu.memory_space<vmem>>, vector<1x1x16xf32>,
        %get3A_523 = vector.shape_cast %get3A_522 : vector<1x1x16xf32> to vector<16xf32>
        %add3A_524 = arith.addf %add3A_498, %get3A_523 : vector<16xf32>
        %get3A_525 = arith.index_cast %rem3A_329 : i32 to index
        %get3A_526 = arith.index_cast %scan3A_518 : i32 to index
        %get3A_527 = arith.constant 16 : index
        %get3A_528 = tpu.vector_load %arg6[%get3A_525, %get3A_526, %get3A_527] {strides = array<i32>} : memref<4x200x64xf32, #tpu.memory_space<vmem>>, vector<1x1x16xf32>,
        %get3A_529 = vector.shape_cast %get3A_528 : vector<1x1x16xf32> to vector<16xf32>
        %add3A_530 = arith.addf %add3A_504, %get3A_529 : vector<16xf32>
        %get3A_531 = arith.index_cast %rem3A_329 : i32 to index
        %get3A_532 = arith.index_cast %scan3A_518 : i32 to index
        %get3A_533 = arith.constant 32 : index
        %get3A_534 = tpu.vector_load %arg6[%get3A_531, %get3A_532, %get3A_533] {strides = array<i32>} : memref<4x200x64xf32, #tpu.memory_space<vmem>>, vector<1x1x16xf32>,
        %get3A_535 = vector.shape_cast %get3A_534 : vector<1x1x16xf32> to vector<16xf32>
        %add3A_536 = arith.addf %add3A_510, %get3A_535 : vector<16xf32>
        %get3A_537 = arith.index_cast %rem3A_329 : i32 to index
        %get3A_538 = arith.index_cast %scan3A_518 : i32 to index
        %get3A_539 = arith.constant 48 : index
        %get3A_540 = tpu.vector_load %arg6[%get3A_537, %get3A_538, %get3A_539] {strides = array<i32>} : memref<4x200x64xf32, #tpu.memory_space<vmem>>, vector<1x1x16xf32>,
        %get3A_541 = vector.shape_cast %get3A_540 : vector<1x1x16xf32> to vector<16xf32>
        %add3A_542 = arith.addf %add3A_516, %get3A_541 : vector<16xf32>
        %scan3A_543 = arith.constant 6 : i32
        %scan3A_544 = arith.addi %scan3A_385, %scan3A_543 : i32
        %get3A_545 = arith.index_cast %rem3A_329 : i32 to index
        %get3A_546 = arith.index_cast %scan3A_544 : i32 to index
        %get3A_547 = arith.constant 0 : index
        %get3A_548 = tpu.vector_load %arg6[%get3A_545, %get3A_546, %get3A_547] {strides = array<i32>} : memref<4x200x64xf32, #tpu.memory_space<vmem>>, vector<1x1x16xf32>,
        %get3A_549 = vector.shape_cast %get3A_548 : vector<1x1x16xf32> to vector<16xf32>
        %add3A_550 = arith.addf %add3A_524, %get3A_549 : vector<16xf32>
        %get3A_551 = arith.index_cast %rem3A_329 : i32 to index
        %get3A_552 = arith.index_cast %scan3A_544 : i32 to index
        %get3A_553 = arith.constant 16 : index
        %get3A_554 = tpu.vector_load %arg6[%get3A_551, %get3A_552, %get3A_553] {strides = array<i32>} : memref<4x200x64xf32, #tpu.memory_space<vmem>>, vector<1x1x16xf32>,
        %get3A_555 = vector.shape_cast %get3A_554 : vector<1x1x16xf32> to vector<16xf32>
        %add3A_556 = arith.addf %add3A_530, %get3A_555 : vector<16xf32>
        %get3A_557 = arith.index_cast %rem3A_329 : i32 to index
        %get3A_558 = arith.index_cast %scan3A_544 : i32 to index
        %get3A_559 = arith.constant 32 : index
        %get3A_560 = tpu.vector_load %arg6[%get3A_557, %get3A_558, %get3A_559] {strides = array<i32>} : memref<4x200x64xf32, #tpu.memory_space<vmem>>, vector<1x1x16xf32>,
        %get3A_561 = vector.shape_cast %get3A_560 : vector<1x1x16xf32> to vector<16xf32>
        %add3A_562 = arith.addf %add3A_536, %get3A_561 : vector<16xf32>
        %get3A_563 = arith.index_cast %rem3A_329 : i32 to index
        %get3A_564 = arith.index_cast %scan3A_544 : i32 to index
        %get3A_565 = arith.constant 48 : index
        %get3A_566 = tpu.vector_load %arg6[%get3A_563, %get3A_564, %get3A_565] {strides = array<i32>} : memref<4x200x64xf32, #tpu.memory_space<vmem>>, vector<1x1x16xf32>,
        %get3A_567 = vector.shape_cast %get3A_566 : vector<1x1x16xf32> to vector<16xf32>
        %add3A_568 = arith.addf %add3A_542, %get3A_567 : vector<16xf32>
        %scan3A_569 = arith.constant 7 : i32
        %scan3A_570 = arith.addi %scan3A_385, %scan3A_569 : i32
        %get3A_571 = arith.index_cast %rem3A_329 : i32 to index
        %get3A_572 = arith.index_cast %scan3A_570 : i32 to index
        %get3A_573 = arith.constant 0 : index
        %get3A_574 = tpu.vector_load %arg6[%get3A_571, %get3A_572, %get3A_573] {strides = array<i32>} : memref<4x200x64xf32, #tpu.memory_space<vmem>>, vector<1x1x16xf32>,
        %get3A_575 = vector.shape_cast %get3A_574 : vector<1x1x16xf32> to vector<16xf32>
        %add3A_576 = arith.addf %add3A_550, %get3A_575 : vector<16xf32>
        %get3A_577 = arith.index_cast %rem3A_329 : i32 to index
        %get3A_578 = arith.index_cast %scan3A_570 : i32 to index
        %get3A_579 = arith.constant 16 : index
        %get3A_580 = tpu.vector_load %arg6[%get3A_577, %get3A_578, %get3A_579] {strides = array<i32>} : memref<4x200x64xf32, #tpu.memory_space<vmem>>, vector<1x1x16xf32>,
        %get3A_581 = vector.shape_cast %get3A_580 : vector<1x1x16xf32> to vector<16xf32>
        %add3A_582 = arith.addf %add3A_556, %get3A_581 : vector<16xf32>
        %get3A_583 = arith.index_cast %rem3A_329 : i32 to index
        %get3A_584 = arith.index_cast %scan3A_570 : i32 to index
        %get3A_585 = arith.constant 32 : index
        %get3A_586 = tpu.vector_load %arg6[%get3A_583, %get3A_584, %get3A_585] {strides = array<i32>} : memref<4x200x64xf32, #tpu.memory_space<vmem>>, vector<1x1x16xf32>,
        %get3A_587 = vector.shape_cast %get3A_586 : vector<1x1x16xf32> to vector<16xf32>
        %add3A_588 = arith.addf %add3A_562, %get3A_587 : vector<16xf32>
        %get3A_589 = arith.index_cast %rem3A_329 : i32 to index
        %get3A_590 = arith.index_cast %scan3A_570 : i32 to index
        %get3A_591 = arith.constant 48 : index
        %get3A_592 = tpu.vector_load %arg6[%get3A_589, %get3A_590, %get3A_591] {strides = array<i32>} : memref<4x200x64xf32, #tpu.memory_space<vmem>>, vector<1x1x16xf32>,
        %get3A_593 = vector.shape_cast %get3A_592 : vector<1x1x16xf32> to vector<16xf32>
        %add3A_594 = arith.addf %add3A_568, %get3A_593 : vector<16xf32>
        scf.yield %add3A_576, %add3A_582, %add3A_588, %add3A_594 : vector<16xf32>, vector<16xf32>, vector<16xf32>, vector<16xf32>
      }
      %scan3A_365 = arith.constant 96 : i32
      %swap3A = arith.index_cast %scan3A_328 : i32 to index
      %swap3A_366 = arith.constant 0 : index
      %swap3A_367 = tpu.vector_load %arg7[%swap3A, %swap3A_366] {strides = array<i32>} : memref<128x64xf32, #tpu.memory_space<vmem>>, vector<1x16xf32>,
      %swap3A_368 = vector.shape_cast %swap3A_367 : vector<1x16xf32> to vector<16xf32>
      %swap3A_369 = vector.shape_cast %scan3A_364#0 : vector<16xf32> to vector<1x16xf32>
      tpu.vector_store %arg7[%swap3A, %swap3A_366], %swap3A_369 {strides = array<i32>} : memref<128x64xf32, #tpu.memory_space<vmem>>, vector<1x16xf32>,
      %swap3A_370 = arith.index_cast %scan3A_328 : i32 to index
      %swap3A_371 = arith.constant 16 : index
      %swap3A_372 = tpu.vector_load %arg7[%swap3A_370, %swap3A_371] {strides = array<i32>} : memref<128x64xf32, #tpu.memory_space<vmem>>, vector<1x16xf32>,
      %swap3A_373 = vector.shape_cast %swap3A_372 : vector<1x16xf32> to vector<16xf32>
      %swap3A_374 = vector.shape_cast %scan3A_364#1 : vector<16xf32> to vector<1x16xf32>
      tpu.vector_store %arg7[%swap3A_370, %swap3A_371], %swap3A_374 {strides = array<i32>} : memref<128x64xf32, #tpu.memory_space<vmem>>, vector<1x16xf32>,
      %swap3A_375 = arith.index_cast %scan3A_328 : i32 to index
      %swap3A_376 = arith.constant 32 : index
      %swap3A_377 = tpu.vector_load %arg7[%swap3A_375, %swap3A_376] {strides = array<i32>} : memref<128x64xf32, #tpu.memory_space<vmem>>, vector<1x16xf32>,
      %swap3A_378 = vector.shape_cast %swap3A_377 : vector<1x16xf32> to vector<16xf32>
      %swap3A_379 = vector.shape_cast %scan3A_364#2 : vector<16xf32> to vector<1x16xf32>
      tpu.vector_store %arg7[%swap3A_375, %swap3A_376], %swap3A_379 {strides = array<i32>} : memref<128x64xf32, #tpu.memory_space<vmem>>, vector<1x16xf32>,
      %swap3A_380 = arith.index_cast %scan3A_328 : i32 to index
      %swap3A_381 = arith.constant 48 : index
      %swap3A_382 = tpu.vector_load %arg7[%swap3A_380, %swap3A_381] {strides = array<i32>} : memref<128x64xf32, #tpu.memory_space<vmem>>, vector<1x16xf32>,
      %swap3A_383 = vector.shape_cast %swap3A_382 : vector<1x16xf32> to vector<16xf32>
      %swap3A_384 = vector.shape_cast %scan3A_364#3 : vector<16xf32> to vector<1x16xf32>
      tpu.vector_store %arg7[%swap3A_380, %swap3A_381], %swap3A_384 {strides = array<i32>} : memref<128x64xf32, #tpu.memory_space<vmem>>, vector<1x16xf32>,
    }
    %scan3A_327 = arith.constant 128 : i32
    "tpu.region"() ({
      %run_scoped3A = tpu.sem_alloc : memref<!tpu.dma_semaphore, #tpu.memory_space<semaphore_mem>>
      %dma_start3A_328 = arith.constant 0 : i32
      %dma_start3A_329 = tpu.memref_slice %arg4[%add3A_249, %dma_start3A_328] : memref<16384x64xf32, #tpu.memory_space<hbm>> -> memref<128x64xf32, #tpu.memory_space<hbm>>
      %dma_start3A_330 = arith.constant 0 : i32
      %dma_start3A_331 = tpu.memref_slice %arg4[%add3A_249, %dma_start3A_330] : memref<16384x64xf32, #tpu.memory_space<hbm>> -> memref<128x64xf32, #tpu.memory_space<hbm>>
      tpu.enqueue_dma source(%arg7 : memref<128x64xf32, #tpu.memory_space<vmem>>) target(%dma_start3A_331 : memref<128x64xf32, #tpu.memory_space<hbm>>) target_semaphore(%run_scoped3A : memref<!tpu.dma_semaphore, #tpu.memory_space<semaphore_mem>>)
      %dma_wait3A = arith.constant 0 : i32
      %dma_wait3A_332 = tpu.memref_slice %arg4[%add3A_249, %dma_wait3A] : memref<16384x64xf32, #tpu.memory_space<hbm>> -> memref<128x64xf32, #tpu.memory_space<hbm>>
      %dma_wait3A_333 = arith.constant 0 : i32
      %dma_wait3A_334 = tpu.memref_slice %arg4[%add3A_249, %dma_wait3A_333] : memref<16384x64xf32, #tpu.memory_space<hbm>> -> memref<128x64xf32, #tpu.memory_space<hbm>>
      tpu.wait_dma2 semaphore(%run_scoped3A : memref<!tpu.dma_semaphore, #tpu.memory_space<semaphore_mem>>) src(%arg7 : memref<128x64xf32, #tpu.memory_space<vmem>>) dst(%dma_wait3A_334 : memref<128x64xf32, #tpu.memory_space<hbm>>)
      tpu.yield
    }) : () -> ()
    return
  }
}

module attributes {stable_mosaic.version = 14 : i64} {
  func.func @_mlp_kernel(%arg0: i32, %arg1: memref<1024x64xf32, #tpu.memory_space<vmem>>, %arg2: memref<1024x64xf32, #tpu.memory_space<vmem>>, %arg3: memref<1024x200xi32, #tpu.memory_space<vmem>>, %arg4: memref<1024x1xi32, #tpu.memory_space<vmem>>, %arg5: memref<1x64xf32, #tpu.memory_space<vmem>>, %arg6: memref<64x128xf32, #tpu.memory_space<vmem>>, %arg7: memref<64x128xf32, #tpu.memory_space<vmem>>, %arg8: memref<1x128xf32, #tpu.memory_space<vmem>>, %arg9: memref<1x128xf32, #tpu.memory_space<vmem>>, %arg10: memref<128x64xf32, #tpu.memory_space<vmem>>, %arg11: memref<64x1xf32, #tpu.memory_space<vmem>>, %arg12: memref<64x1024xf32, #tpu.memory_space<vmem>>) attributes {dimension_semantics = [#tpu.dimension_semantics<arbitrary>], iteration_bounds = array<i64: 16>, scalar_prefetch = 0 : i64, scratch_operands = 0 : i64, tpu.core_type = #tpu.core_type<tc>, window_params = [{transform_indices = @transform_0, window_bounds = array<i64: 1024, 64>}, {transform_indices = @transform_1, window_bounds = array<i64: 1024, 64>}, {transform_indices = @transform_2, window_bounds = array<i64: 1024, 200>}, {transform_indices = @transform_3, window_bounds = array<i64: 1024, 1>}, {pipeline_mode = #tpu.pipeline_mode<synchronous>, transform_indices = @transform_4, window_bounds = array<i64: 1, 64>}, {pipeline_mode = #tpu.pipeline_mode<synchronous>, transform_indices = @transform_5, window_bounds = array<i64: 64, 128>}, {pipeline_mode = #tpu.pipeline_mode<synchronous>, transform_indices = @transform_6, window_bounds = array<i64: 64, 128>}, {pipeline_mode = #tpu.pipeline_mode<synchronous>, transform_indices = @transform_7, window_bounds = array<i64: 1, 128>}, {pipeline_mode = #tpu.pipeline_mode<synchronous>, transform_indices = @transform_8, window_bounds = array<i64: 1, 128>}, {pipeline_mode = #tpu.pipeline_mode<synchronous>, transform_indices = @transform_9, window_bounds = array<i64: 128, 64>}, {pipeline_mode = #tpu.pipeline_mode<synchronous>, transform_indices = @transform_10, window_bounds = array<i64: 64, 1>}, {transform_indices = @transform_11, window_bounds = array<i64: 64, 1024>}]} {
    %get3A = arith.constant 0 : index
    %get3A_0 = arith.constant 0 : index
    %get3A_1 = vector.load %arg3[%get3A, %get3A_0] : memref<1024x200xi32, #tpu.memory_space<vmem>>, vector<1024x200xi32>
    %eq3A = arith.constant 0 : i32
    %eq3A_2 = vector.broadcast %eq3A : i32 to vector<1024x200xi32>
    %eq3A_3 = arith.cmpi eq, %get3A_1, %eq3A_2 : vector<1024x200xi32>
    %convert_element_type3A = arith.extui %eq3A_3 : vector<1024x200xi1> to vector<1024x200xi32>
    %convert_element_type3A_4 = arith.sitofp %convert_element_type3A : vector<1024x200xi32> to vector<1024x200xf32>
    %reduce_sum3A = arith.constant dense<0.000000e+00> : vector<1024xf32>
    %reduce_sum3A_5 = vector.multi_reduction <add>, %convert_element_type3A_4, %reduce_sum3A [1] : vector<1024x200xf32> to vector<1024xf32>
    %broadcast_in_dim3A = vector.shape_cast %reduce_sum3A_5 : vector<1024xf32> to vector<1024x1xf32>
    %sub3A = arith.constant 2.000000e+02 : f32
    %sub3A_6 = vector.broadcast %sub3A : f32 to vector<1024x1xf32>
    %sub3A_7 = arith.subf %sub3A_6, %broadcast_in_dim3A : vector<1024x1xf32>
    %get3A_8 = arith.constant 0 : index
    %get3A_9 = arith.constant 0 : index
    %get3A_10 = vector.load %arg2[%get3A_8, %get3A_9] : memref<1024x64xf32, #tpu.memory_space<vmem>>, vector<1024x64xf32>
    %get3A_11 = arith.constant 0 : index
    %get3A_12 = arith.constant 0 : index
    %get3A_13 = vector.load %arg5[%get3A_11, %get3A_12] : memref<1x64xf32, #tpu.memory_space<vmem>>, vector<1x64xf32>
    %mul3A = vector.broadcast %broadcast_in_dim3A : vector<1024x1xf32> to vector<1024x64xf32>
    %mul3A_14 = vector.broadcast %get3A_13 : vector<1x64xf32> to vector<1024x64xf32>
    %mul3A_15 = arith.mulf %mul3A, %mul3A_14 : vector<1024x64xf32>
    %sub3A_16 = arith.subf %get3A_10, %mul3A_15 : vector<1024x64xf32>
    %gt3A = arith.constant 0.000000e+00 : f32
    %gt3A_17 = vector.broadcast %gt3A : f32 to vector<1024x1xf32>
    %gt3A_18 = arith.cmpf ogt, %sub3A_7, %gt3A_17 : vector<1024x1xf32>
    %add3A = arith.constant 9.99999971E-10 : f32
    %add3A_19 = vector.broadcast %add3A : f32 to vector<1024x1xf32>
    %add3A_20 = arith.addf %sub3A_7, %add3A_19 : vector<1024x1xf32>
    %div3A = vector.broadcast %add3A_20 : vector<1024x1xf32> to vector<1024x64xf32>
    %div3A_21 = arith.divf %sub3A_16, %div3A : vector<1024x64xf32>
    %jit3A = arith.constant 0.000000e+00 : f32
    %broadcast_in_dim3A_22 = vector.shape_cast %gt3A_18 : vector<1024x1xi1> to vector<1024x1xi1>
    %broadcast_in_dim3A_23 = vector.broadcast %broadcast_in_dim3A_22 : vector<1024x1xi1> to vector<1024x64xi1>
    %broadcast_in_dim3A_24 = vector.broadcast %jit3A : f32 to vector<1024x64xf32>
    %select_n3A = arith.select %broadcast_in_dim3A_23, %div3A_21, %broadcast_in_dim3A_24 : vector<1024x64xi1>, vector<1024x64xf32>
    %get3A_25 = arith.constant 0 : index
    %get3A_26 = arith.constant 0 : index
    %get3A_27 = vector.load %arg4[%get3A_25, %get3A_26] : memref<1024x1xi32, #tpu.memory_space<vmem>>, vector<1024x1xi32>
    %convert_element_type3A_28 = arith.sitofp %get3A_27 : vector<1024x1xi32> to vector<1024x1xf32>
    %get3A_29 = arith.constant 0 : index
    %get3A_30 = arith.constant 0 : index
    %get3A_31 = vector.load %arg1[%get3A_29, %get3A_30] : memref<1024x64xf32, #tpu.memory_space<vmem>>, vector<1024x64xf32>
    %get3A_32 = arith.constant 0 : index
    %get3A_33 = arith.constant 0 : index
    %get3A_34 = vector.load %arg6[%get3A_32, %get3A_33] : memref<64x128xf32, #tpu.memory_space<vmem>>, vector<64x128xf32>
    %dot_general3A = arith.constant dense<0.000000e+00> : vector<1024x128xf32>
    %dot_general3A_35 = tpu.matmul %get3A_31, %get3A_34, %dot_general3A {dimension_numbers = #tpu.dot_dimension_numbers<[1], [0], [0], [1], [0, 0, 1, 1], [], []>, precision = #tpu.contract_precision<fp32>, transpose_lhs_hint = false} : vector<1024x64xf32>, vector<64x128xf32>, vector<1024x128xf32> -> vector<1024x128xf32>
    %get3A_36 = arith.constant 0 : index
    %get3A_37 = arith.constant 0 : index
    %get3A_38 = vector.load %arg7[%get3A_36, %get3A_37] : memref<64x128xf32, #tpu.memory_space<vmem>>, vector<64x128xf32>
    %dot_general3A_39 = arith.constant dense<0.000000e+00> : vector<1024x128xf32>
    %dot_general3A_40 = tpu.matmul %select_n3A, %get3A_38, %dot_general3A_39 {dimension_numbers = #tpu.dot_dimension_numbers<[1], [0], [0], [1], [0, 0, 1, 1], [], []>, precision = #tpu.contract_precision<fp32>, transpose_lhs_hint = false} : vector<1024x64xf32>, vector<64x128xf32>, vector<1024x128xf32> -> vector<1024x128xf32>
    %add3A_41 = arith.addf %dot_general3A_35, %dot_general3A_40 : vector<1024x128xf32>
    %get3A_42 = arith.constant 0 : index
    %get3A_43 = arith.constant 0 : index
    %get3A_44 = vector.load %arg8[%get3A_42, %get3A_43] : memref<1x128xf32, #tpu.memory_space<vmem>>, vector<1x128xf32>
    %mul3A_45 = vector.broadcast %convert_element_type3A_28 : vector<1024x1xf32> to vector<1024x128xf32>
    %mul3A_46 = vector.broadcast %get3A_44 : vector<1x128xf32> to vector<1024x128xf32>
    %mul3A_47 = arith.mulf %mul3A_45, %mul3A_46 : vector<1024x128xf32>
    %add3A_48 = arith.addf %add3A_41, %mul3A_47 : vector<1024x128xf32>
    %get3A_49 = arith.constant 0 : index
    %get3A_50 = arith.constant 0 : index
    %get3A_51 = vector.load %arg9[%get3A_49, %get3A_50] : memref<1x128xf32, #tpu.memory_space<vmem>>, vector<1x128xf32>
    %add3A_52 = vector.broadcast %get3A_51 : vector<1x128xf32> to vector<1024x128xf32>
    %add3A_53 = arith.addf %add3A_48, %add3A_52 : vector<1024x128xf32>
    %max3A = arith.constant 0.000000e+00 : f32
    %max3A_54 = vector.broadcast %max3A : f32 to vector<1024x128xf32>
    %max3A_55 = arith.maximumf %add3A_53, %max3A_54 : vector<1024x128xf32>
    %get3A_56 = arith.constant 0 : index
    %get3A_57 = arith.constant 0 : index
    %get3A_58 = vector.load %arg10[%get3A_56, %get3A_57] : memref<128x64xf32, #tpu.memory_space<vmem>>, vector<128x64xf32>
    %dot_general3A_59 = arith.constant dense<0.000000e+00> : vector<64x1024xf32>
    %dot_general3A_60 = tpu.matmul %get3A_58, %max3A_55, %dot_general3A_59 {dimension_numbers = #tpu.dot_dimension_numbers<[0], [1], [1], [0], [0, 1, 1, 0], [], []>, precision = #tpu.contract_precision<fp32>, transpose_lhs_hint = false} : vector<128x64xf32>, vector<1024x128xf32>, vector<64x1024xf32> -> vector<64x1024xf32>
    %get3A_61 = arith.constant 0 : index
    %get3A_62 = arith.constant 0 : index
    %get3A_63 = vector.load %arg11[%get3A_61, %get3A_62] : memref<64x1xf32, #tpu.memory_space<vmem>>, vector<64x1xf32>
    %add3A_64 = vector.broadcast %get3A_63 : vector<64x1xf32> to vector<64x1024xf32>
    %add3A_65 = arith.addf %dot_general3A_60, %add3A_64 : vector<64x1024xf32>
    %swap3A = arith.constant 0 : index
    %swap3A_66 = arith.constant 0 : index
    %swap3A_67 = vector.load %arg12[%swap3A, %swap3A_66] : memref<64x1024xf32, #tpu.memory_space<vmem>>, vector<64x1024xf32>
    tpu.vector_store %arg12[%swap3A, %swap3A_66], %add3A_65 {strides = array<i32>} : memref<64x1024xf32, #tpu.memory_space<vmem>>, vector<64x1024xf32>,
    return
  }
  func.func @transform_0(%arg0: i32) -> (i32, i32) {
    %c0_i32 = arith.constant 0 : i32
    %c0_i32_0 = arith.constant 0 : i32
    return %arg0, %c0_i32 : i32, i32
  }
  func.func @transform_1(%arg0: i32) -> (i32, i32) {
    %c0_i32 = arith.constant 0 : i32
    %c0_i32_0 = arith.constant 0 : i32
    return %arg0, %c0_i32 : i32, i32
  }
  func.func @transform_2(%arg0: i32) -> (i32, i32) {
    %c0_i32 = arith.constant 0 : i32
    %c0_i32_0 = arith.constant 0 : i32
    return %arg0, %c0_i32 : i32, i32
  }
  func.func @transform_3(%arg0: i32) -> (i32, i32) {
    %c0_i32 = arith.constant 0 : i32
    %c0_i32_0 = arith.constant 0 : i32
    return %arg0, %c0_i32 : i32, i32
  }
  func.func @transform_4(%arg0: i32) -> (i32, i32) {
    %c0_i32 = arith.constant 0 : i32
    %c0_i32_0 = arith.constant 0 : i32
    %c0_i32_1 = arith.constant 0 : i32
    return %c0_i32, %c0_i32_0 : i32, i32
  }
  func.func @transform_5(%arg0: i32) -> (i32, i32) {
    %c0_i32 = arith.constant 0 : i32
    %c0_i32_0 = arith.constant 0 : i32
    %c0_i32_1 = arith.constant 0 : i32
    return %c0_i32, %c0_i32_0 : i32, i32
  }
  func.func @transform_6(%arg0: i32) -> (i32, i32) {
    %c0_i32 = arith.constant 0 : i32
    %c0_i32_0 = arith.constant 0 : i32
    %c0_i32_1 = arith.constant 0 : i32
    return %c0_i32, %c0_i32_0 : i32, i32
  }
  func.func @transform_7(%arg0: i32) -> (i32, i32) {
    %c0_i32 = arith.constant 0 : i32
    %c0_i32_0 = arith.constant 0 : i32
    %c0_i32_1 = arith.constant 0 : i32
    return %c0_i32, %c0_i32_0 : i32, i32
  }
  func.func @transform_8(%arg0: i32) -> (i32, i32) {
    %c0_i32 = arith.constant 0 : i32
    %c0_i32_0 = arith.constant 0 : i32
    %c0_i32_1 = arith.constant 0 : i32
    return %c0_i32, %c0_i32_0 : i32, i32
  }
  func.func @transform_9(%arg0: i32) -> (i32, i32) {
    %c0_i32 = arith.constant 0 : i32
    %c0_i32_0 = arith.constant 0 : i32
    %c0_i32_1 = arith.constant 0 : i32
    return %c0_i32, %c0_i32_0 : i32, i32
  }
  func.func @transform_10(%arg0: i32) -> (i32, i32) {
    %c0_i32 = arith.constant 0 : i32
    %c0_i32_0 = arith.constant 0 : i32
    %c0_i32_1 = arith.constant 0 : i32
    return %c0_i32, %c0_i32_0 : i32, i32
  }
  func.func @transform_11(%arg0: i32) -> (i32, i32) {
    %c0_i32 = arith.constant 0 : i32
    %c0_i32_0 = arith.constant 0 : i32
    return %c0_i32, %arg0 : i32, i32
  }
}

</mosaic_0001>

<sc_bundles>
// kernel: kernel.5.cloned.1.call-start
scs
__scs_entry_jumppad:
0x0: {  	(pc) =	sbr.rel $0x88, $3  }
0x1: {  	(tag) =	ssettag $0x0;
	lr =	simm.s32 $0x1  }
0x2: {  	[smem:$0x3F98] =	sst lr;
	_ =	strace $0xD0000000  }
0x3: {  	_ = 	snop  }
0x4: {  	_ = 	snop  }
0x5: {  	_ = 	snop  }
0x6: {  	_ = 	snop  }
0x7: {  	_ = 	snop  }
__scs_overlays_trampoline_lowered:
0x8: {  	[smem:$0x3FA7] =	sst s0  }
0x9: {  	[smem:$0x3FA8] =	sst s1  }
0xa: {  	[smem:$0x3FA9] =	sst s2  }
0xb: {  	[smem:$0x3FAA] =	sst s3  }
0xc: {  	[smem:$0x3FAB] =	sst s4  }
0xd: {  	[smem:$0x3FAC] =	sst s5  }
0xe: {  	[smem:$0x3FAD] =	sst s6  }
0xf: {  	[smem:$0x3FAE] =	sst s7  }
0x10: {  	[smem:$0x3FAF] =	sst s8  }
0x11: {  	[smem:$0x3FB0] =	sst s9;
	s0 =	simm.s32 @!p0 $0x0  }
0x12: {  	s1 =	sld [smem:$0x3F96];
	s0 =	simm.s32 @p0 $0x1  }
0x13: {  	[smem:$0x3FB1] =	sst s0;
	s0 =	simm.s32 @!p1 $0x0  }
0x14: {  	s2 =	sld [smem:$0x3F95];
	s0 =	simm.s32 @p1 $0x1  }
0x15: {  	[smem:$0x3FB2] =	sst s0;
	s0 =	simm.s32 @!p2 $0x0  }
0x16: {  	s3 =	sld [smem:$0x3FDB];
	s0 =	simm.s32 @p2 $0x1  }
0x17: {  	s4 =	simm.s32 $0x1BF5;
	[smem:$0x3FB4] =	sst s0  }
0x18: {  	s0 =	sld [smem:$0x3F97];
	_ =	swait.ge [sflag:s4], $0x0  }
0x19: {  	s7 =	sld [smem:$0x3F98]  }
0x1a: {  	s8 =	sadd.s32 $0xFFFFE003, lr  }
0x1b: {  	s9 =	sadd.s32 $0xFFFFFEF7, lr;
	s5 =	simm.s32 $0xFFFFFFFF;
	p2 =	slt.u32 s8, $0xFFFFF086  }
0x1c: {  	p1 =	slt.u32 s9, $0xF7A;
	s5 =	simm.s32 @!p2 $0x0  }
0x1d: {  	s5 =	simm.s32 @p1 $0x1;
	p0 =	seq.s32 s7, s2  }
0x1e: {  	s7 =	smul.u32 @!p0 $0xF7A, s2;
	p2 =	seq.s32 @!p0 s5, $0x0  }
0x1f: {  	s9 =	smul.u32 $0xF7A, s1;
	s8 =	simm.s32 @!p0 $0x1BF5;
	p2 =	por !p2, p0  }
0x20: {  	[sflag:s8] =	ssyncset.s32 @!p0 $0xFFFFF086;
	s6 =	sadd.s32 @!p0 s3, s7;
	s7 =	simm.s32 @!p0 $0x108  }
0x21: {  	s3 =	sadd.s32 s3, s9;
	s6 =	sadd.s32 @!p0 $0x88, s6;
	s7 =	simm.s32 @p2 $0x1082  }
0x22: {  	[simem:s7], [sflag:s8] =	dma.local @!p0 [hbm:s6], $0xF7A  }
0x23: {  	s9 =	sor.u32 $0xD0000000, s2;
	s6 =	simm.s32 $0x108;
	_ =	swait.ge @!p0 [sflag:s8], $0x0  }
0x24: {  	s3 =	sadd.s32 $0x88, s3;
	s6 =	simm.s32 @!p1 $0x1082;
	[sflag:s4] =	ssyncset.s32 $0xFFFFF086  }
0x25: {  	[simem:s6], [sflag:s4] =	dma.local [hbm:s3], $0xF7A  }
0x26: {  	[smem:$0x3F98] =	sst s1;
	(tag) =	ssettag s2;
	_ =	strace s9  }
0x27: {  	s1 =	sld [smem:$0x3FA8]  }
0x28: {  	s2 =	sld [smem:$0x3FA9]  }
0x29: {  	s4 =	sld [smem:$0x3FAB]  }
0x2a: {  	p0 =	seq.s32 s5, $0x0;
	s5 =	sld [smem:$0x3FAC]  }
0x2b: {  	s6 =	sld [smem:$0x3FAD]  }
0x2c: {  	s7 =	sld [smem:$0x3FAE]  }
0x2d: {  	s3 =	simm.s32 $0x108;
	s8 =	sld [smem:$0x3FAF]  }
0x2e: {  	s3 =	simm.s32 @!p0 $0x1082;
	s9 =	sld [smem:$0x3FB0]  }
0x2f: {  	lr =	sadd.s32 s0, s3;
	s0 =	sld [smem:$0x3FA7]  }
0x30: {  	s3 =	sld [smem:$0x3FAA]  }
0x31: {  	[smem:$0x3FB3] =	sst s10  }
0x32: {  	s10 =	sld [smem:$0x3FB1];
	_ =	sdelay $0x3  }
0x33: {  	p0 =	seq.s32 s10, $0x1;
	s10 =	sld [smem:$0x3FB3];
	_ =	sdelay $0x3  }
0x34: {  	[smem:$0x3FB3] =	sst s10  }
0x35: {  	s10 =	sld [smem:$0x3FB2];
	_ =	sdelay $0x3  }
0x36: {  	p1 =	seq.s32 s10, $0x1;
	s10 =	sld [smem:$0x3FB3];
	_ =	sdelay $0x3  }
0x37: {  	[smem:$0x3FB3] =	sst s10  }
0x38: {  	s10 =	sld [smem:$0x3FB4]  }
0x39: {  	_ = 	snop;
	(pc) =	sbr.ind lr, $3  }
0x3a: {  	_ = 	snop  }
0x3b: {  	_ = 	snop  }
0x3c: {  	p2 =	seq.s32 s10, $0x1;
	s10 =	sld [smem:$0x3FB3]  }
0x3d: {  	_ =	shalt  }
0x3e: {  	_ =	shalt  }
0x3f: {  	_ =	shalt  }
0x40: {  	_ =	shalt  }
0x41: {  	_ =	shalt  }
0x42: {  	_ =	shalt  }
0x43: {  	_ =	shalt  }
0x44: {  	_ =	shalt  }
0x45: {  	_ =	shalt  }
0x46: {  	_ =	shalt  }
0x47: {  	_ =	shalt  }
0x48: {  	_ =	shalt  }
0x49: {  	_ =	shalt  }
0x4a: {  	_ =	shalt  }
0x4b: {  	_ =	shalt  }
0x4c: {  	_ =	shalt  }
0x4d: {  	_ =	shalt  }
0x4e: {  	_ =	shalt  }
0x4f: {  	_ =	shalt  }
0x50: {  	_ =	shalt  }
0x51: {  	_ =	shalt  }
0x52: {  	_ =	shalt  }
0x53: {  	_ =	shalt  }
0x54: {  	_ =	shalt  }
0x55: {  	_ =	shalt  }
0x56: {  	_ =	shalt  }
0x57: {  	_ =	shalt  }
0x58: {  	_ =	shalt  }
0x59: {  	_ =	shalt  }
0x5a: {  	_ =	shalt  }
0x5b: {  	_ =	shalt  }
0x5c: {  	_ =	shalt  }
0x5d: {  	_ =	shalt  }
0x5e: {  	_ =	shalt  }
0x5f: {  	_ =	shalt  }
0x60: {  	_ =	shalt  }
0x61: {  	_ =	shalt  }
0x62: {  	_ =	shalt  }
0x63: {  	_ =	shalt  }
0x64: {  	_ =	shalt  }
0x65: {  	_ =	shalt  }
0x66: {  	_ =	shalt  }
0x67: {  	_ =	shalt  }
0x68: {  	_ =	shalt  }
0x69: {  	_ =	shalt  }
0x6a: {  	_ =	shalt  }
0x6b: {  	_ =	shalt  }
0x6c: {  	_ =	shalt  }
0x6d: {  	_ =	shalt  }
0x6e: {  	_ =	shalt  }
0x6f: {  	_ =	shalt  }
0x70: {  	_ =	shalt  }
0x71: {  	_ =	shalt  }
0x72: {  	_ =	shalt  }
0x73: {  	_ =	shalt  }
0x74: {  	_ =	shalt  }
0x75: {  	_ =	shalt  }
0x76: {  	_ =	shalt  }
0x77: {  	_ =	shalt  }
0x78: {  	_ =	shalt  }
0x79: {  	_ =	shalt  }
0x7a: {  	_ =	shalt  }
0x7b: {  	_ =	shalt  }
0x7c: {  	_ =	shalt  }
0x7d: {  	_ =	shalt  }
0x7e: {  	_ =	shalt  }
0x7f: {  	_ =	shalt  }
0x80: {  	_ =	shalt  }
0x81: {  	_ =	shalt  }
0x82: {  	_ =	shalt  }
0x83: {  	_ =	shalt  }
0x84: {  	_ =	shalt  }
0x85: {  	_ =	shalt  }
0x86: {  	_ =	shalt  }
0x87: {  	_ =	shalt  }
.Lfunc_end0:
.L_simem_size_0:
called_computation_lowered:
.L_overlay_start_0:
0x88: {  	s2 =	sld [smem:$0x3FD9]  }
0x89: {  	s3 =	sld [smem:$0x3FFE];
	_ =	sdelay $0x1  }
0x8a: {  	s1 =	srdreg.scid  }
0x8b: {  	s0 =	sand.u32 $0x1, s1  }
0x8c: {  	s17 =	sshll.u32 s0, $0xA;
	s2 =	sadd.s32 s3, s2  }
0x8d: {  	s2 =	sadd.s32 s2, s17  }
0x8e: {  	[smem:$0x3FBF] =	sst s2  }
0x8f: {  	_ = 	snop  }
0x90: {  	s2 =	sld [smem:$0x3FD0];
	(tm) =	ssettm $0x1  }
0x91: {  	s18 =	sld [smem:$0x3FFB];
	_ =	sdelay $0x3  }
0x92: {  	_ =	strace s18  }
0x93: {  	s3 =	sld [smem:$0x3FFC];
	_ =	sdelay $0x3  }
0x94: {  	_ =	strace s3  }
0x95: {  	s3 =	sld [smem:$0x3FFD];
	_ =	sdelay $0x3  }
0x96: {  	_ =	strace s3  }
0x97: {  	_ =	strace $0x8FFFFFFF  }
0x98: {  	s19 =	sld [smem:$0x3FDB];
	_ =	sdelay $0x1  }
0x99: {  	s4 =	simm.s32 $_scs_section_size  }
0x9a: {  	s5 =	simm.s32 $_size__tile_overlayer_lowered;
	s6 =	simm.s32 $_tile_overlayer_lowered  }
0x9b: {  	s22 =	simm.s32 $0x1BFF;
	s21 =	sshll.u32 s6, $0x1;
	s3 =	sadd.s32 s4, s19  }
0x9c: {  	s7 =	simm.s32 $0x0;
	s20 =	sshll.u32 s5, $0x1;
	s5 =	sadd.s32 s21, s3  }
0x9d: {  	[timem:s7], [sflag:s22] =	dma.local [hbm:s5], s20  }
0x9e: {  	_ =	swait.ge [sflag:s22], s20  }
0x9f: {  	s4 =	ssub.s32 $0x0, s20;
	[sflag:s22] =	ssyncset.done $0x0  }
0xa0: {  	[sflag:s22] =	ssyncadd.s32 s4;
	_ =	sdelay $0x1  }
0xa1: {  	s23 =	simm.s32 $0x1B8B  }
0xa2: {  	_ =	swait.ge [sflag:s23], $0x1  }
0xa3: {  	[sflag:s23] =	ssyncset.done $0x0  }
0xa4: {  	s25 =	simm.s32 $0x1B8E;
	s24 =	sld [smem:$0x3FFE];
	[sflag:s23] =	ssyncadd.s32 $0xFFFFFFFF  }
0xa5: {  	s26 =	simm.s32 $execute0_lowered;
	[smem:$0x3FD2] =	sst s25  }
0xa6: {  	s5 =	sshll.u32 s26, $0x1;
	_ =	strace $0x80000046;
	[dreg:$0x1] =	wrdreg $0xFFFFFFFF  }
0xa7: {  	s28 =	simm.s32 $_size_execute0_lowered;
	s3 =	sadd.s32 s3, s5;
	[dreg:$0x0] =	wrdreg $0x0  }
0xa8: {  	s5 =	sshll.u32 s28, $0x1;
	[dreg:$0x2] =	wrdreg s3  }
0xa9: {  	[dreg:$0x3] =	wrdreg s5  }
0xaa: {  	[dreg:$0x4] =	wrdreg $0xC0  }
0xab: {  	_ =	task [dreg:s7], $0x5FFFF  }
0xac: {  	[dreg:$0x1] =	wrdreg $0xFFFFFFFF  }
0xad: {  	[dreg:$0x0] =	wrdreg $0x60  }
0xae: {  	[dreg:$0x2] =	wrdreg s24  }
0xaf: {  	[dreg:$0x3] =	wrdreg s2  }
0xb0: {  	[dreg:$0x4] =	wrdreg $0x9  }
0xb1: {  	_ =	task.clear_ibuf [dreg:s7], $0x5FFFF;
	_ =	strace $0x90000046  }
0xb2: {  	s29 =	simm.s32 $0x9;
	_ =	strace $0x80000048  }
0xb3: {  	_ =	swait.ge [sflag:s29], $0x1  }
0xb4: {  	[sflag:s29] =	ssyncadd.s32 $0xFFFFFFFF  }
0xb5: {  	_ =	strace $0x90000048  }
0xb6: {  	_ =	sfence  }
0xb7: {  	s30 =	sld [smem:$0x0];
	_ =	sdelay $0x2  }
0xb8: {  	s31 =	sshll.u32 s1, $0xD;
	s1 =	sshrl.u32 s1, $0x2  }
0xb9: {  	s3 =	sand.u32 $0x4000, s31;
	s1 =	sadd.s32 s1, s30  }
0xba: {  	s0 =	sor.u32 s3, s0;
	s1 =	sshll.u32 s1, $0x11  }
0xbb: {  	s0 =	sor.u32 s1, s0  }
0xbc: {  	s0 =	sadd.s32 $0x8F2B, s0  }
0xbd: {  	[sflag:s0] =	ssyncadd.remote.s32 $0x1  }
0xbe: {  	_ =	sfence.sel $0xFFFF  }
0xbf: {  	[dreg:$0x0] =	wrdreg $0xFFFFFFFF;
	(pc) =	sbr.abs _section_cstart, $3  }
0xc0: {  	[dreg:$0x1] =	wrdreg $0xFFFFFFFF  }
0xc1: {  	_ =	task.clear_ibuf [dreg:s7], $0x2FFFF;
	_ =	strace $0x9FFFFFFF  }
0xc2: {  	(tm) =	ssettm $0x7FFFFFFF  }
0xc3: {  	_ =	shalt  }
tec
execute0_lowered:
.L_overlay_start_1:
0x0: {  	(tag) =	ssettag $0x1  }
0x1: {  	s0 =	rddreg [dreg:$0x0]  }
0x2: {  	s1 =	rddreg [dreg:$0x1]  }
0x3: {  	s2 =	srdreg.scid;
	s4 =	stileid.u32  }
0x4: {  	s13 =	simm.s32 $0x3;
	s14 =	simm.s32 $0x68;
	s15 =	simm.s32 $0x6400  }
0x5: {  	s16 =	simm.s32 $0x60;
	s17 =	simm.s32 $0x7E00;
	s28 =	simm.s32 $0x2  }
0x6: {  	s29 =	simm.s32 $0x12C00;
	s30 =	simm.s32 $0x0;
	s3 =	sand.u32 $0x1, s2  }
0x7: {  	s2 =	simm.s32 $0x0;
	s4 =	sshll.u32 s4, $0xA;
	s10 =	sadd.s32 $0x82000, s0  }
0x8: {  	s5 =	sshll.u32 s3, $0x9;
	[smem:$0x7FF] =	sst s2;
	s6 =	ssub.s32 $0x2, s3  }
0x9: {  	s3 =	sadd.s32 $0x1028600, s0;
	s4 =	sor.u32 s5, s4;
	s18 =	sshrl.u32 s6, $0x1  }
0xa: {  	_ =	strace $0x80000047;
	s7 =	smul.u32 $0x19, s4;
	s19 =	ssub.s32 s6, s18  }
0xb: {  	s21 =	sshll.u32 s4, $0x3;
	s22 =	sor.u32 $0x80, s4;
	s9 =	sor.u32 $0x100, s4  }
0xc: {  	s4 =	sor.u32 $0x180, s4;
	s18 =	simm.s32 $0xC8;
	s23 =	smul.u32 $0x19, s22  }
0xd: {  	s5 =	sadd.s32 s1, s21;
	s24 =	sshll.u32 s22, $0x3;
	s8 =	smul.u32 $0x19, s9  }
0xe: {  	s26 =	smul.u32 $0x19, s4;
	s9 =	sshll.u32 s9, $0x3;
	s4 =	sshll.u32 s4, $0x3  }
0xf: {  	s12 =	smax.u32 s19, $0x1;
	s19 =	simm.s32 $0x9600;
	s21 =	simm.s32 $0xB000  }
0x10: {  	s22 =	simm.s32 $0x190;
	s20 =	sadd.s32 s10, s7;
	[dreg:$0x4] =	wrdreg s5  }
0x11: {  	s25 =	sadd.s32 s1, s24;
	s9 =	sadd.s32 s1, s9;
	s11 =	sadd.s32 s1, s4  }
0x12: {  	s24 =	simm.s32 $0x1F8;
	[dreg:$0x3] =	wrdreg s20;
	s5 =	sadd.s32 s10, s23  }
0x13: {  	[dreg:$0x6] =	wrdreg s25;
	s31 =	sadd.s32 s10, s8;
	s10 =	sadd.s32 s10, s26  }
0x14: {  	s20 =	simm.s32 $0x130;
	s23 =	simm.s32 $0xC800;
	[dreg:$0x5] =	wrdreg s5  }
0x15: {  	s25 =	simm.s32 $0xE200;
	s26 =	simm.s32 $0x1;
	[dreg:$0x7] =	wrdreg s31  }
.LBB2_1:
0x16: {  	s0 =	rddreg [dreg:$0x3]  }
0x17: {  	[tilespmem:s2], [sflag:$0x3] =	stream.linear.gather [hbm4b:s0+s2], $0x6400, $0x38;
	[tilespmem:$0x14C00] =	vst v63  }
0x18: {  	_ =	swait.ge [sflag:s13], $0x6400  }
0x19: {  	[sflag:s13] =	ssyncset.done $0x0  }
0x1a: {  	[sflag:s13] =	ssyncadd.s32 $0xFFFF9C00  }
0x1b: {  	[tilespmem:s15], [sflag:$0x1] =	stream.indirect.gather [hbm4b:s3+s14], $0x40, s2, s14, $0xb8;
	[tilespmem:$0x14C00] =	vst v63  }
0x1c: {  	_ = 	snop  }
0x1d: {  	[tilespmem:s17], [sflag:$0x2] =	stream.indirect.gather [hbm4b:s3+s16], $0x40, s14, s16, $0xb8;
	[tilespmem:$0x14C00] =	vst v63  }
0x1e: {  	_ = 	snop  }
0x1f: {  	[tilespmem:s19], [sflag:$0x1] =	stream.indirect.gather [hbm4b:s3+s14], $0x40, s18, s14, $0xb8;
	[tilespmem:$0x14C00] =	vst v63  }
0x20: {  	_ = 	snop  }
0x21: {  	[tilespmem:s21], [sflag:$0x2] =	stream.indirect.gather [hbm4b:s3+s16], $0x40, s20, s16, $0xb8;
	[tilespmem:$0x14C00] =	vst v63  }
0x22: {  	_ = 	snop  }
0x23: {  	[tilespmem:s23], [sflag:$0x1] =	stream.indirect.gather [hbm4b:s3+s14], $0x40, s22, s14, $0xb8;
	[tilespmem:$0x14C00] =	vst v63  }
0x24: {  	s31 =	simm.s32 $0x0;
	s0 =	simm.s32 $0x0  }
0x25: {  	[tilespmem:s25], [sflag:$0x2] =	stream.indirect.gather [hbm4b:s3+s16], $0x40, s24, s16, $0xb8;
	[tilespmem:$0x14C00] =	vst v63  }
.LBB2_2:
0x26: {  	p0 =	sgt.u32 s0, $0x7C  }
0x27: {  	s1 =	sand.u32 $0x3, s31;
	s4 =	sadd.s32 @!p0 $0x3, s0  }
0x28: {  	s1 =	smul.u32 $0xC800, s1;
	s5 =	sand.u32 @!p0 $0x3, s4  }
0x29: {  	_ =	swait.ge [sflag:s26], $0x1A00;
	s6 =	smul.u32 @!p0 $0xC800, s5  }
0x2a: {  	[sflag:s26] =	ssyncset.done $0x0;
	s8 =	simm.s32 @!p0 $0x68;
	s4 =	smul.u32 @!p0 $0x320, s4  }
0x2b: {  	[sflag:s26] =	ssyncadd.s32 $0xFFFFE600;
	s1 =	sshrl.u32 s1, $0x2;
	s6 =	sshrl.u32 @!p0 s6, $0x2  }
0x2c: {  	s5 =	sadd.s32 $0x6500, s1;
	s4 =	sshra.s32 @!p0 s4, $0x2;
	s7 =	sadd.s32 @!p0 $0x6400, s6  }
0x2d: {  	[tilespmem:s7], [sflag:$0x1] =	stream.indirect.gather @!p0 [hbm4b:s3+s8], $0x40, s4, s8, $0xb8;
	[tilespmem:$0x14C00] =	vst v63  }
0x2e: {  	s6 =	sadd.s32 @!p0 $0x7E00, s6;
	s4 =	sadd.s32 @!p0 $0x68, s4;
	s7 =	simm.s32 @!p0 $0x60  }
0x2f: {  	[tilespmem:s6], [sflag:$0x2] =	stream.indirect.gather @!p0 [hbm4b:s3+s7], $0x40, s4, s7, $0xb8;
	[tilespmem:$0x14C00] =	vst v63  }
0x30: {  	v0 =	vld [tilespmem:s5+$0xC0]  }
0x31: {  	v1 =	vld [tilespmem:s5+$0xD0]  }
0x32: {  	v2 =	vld [tilespmem:s5+$0x80]  }
0x33: {  	v3 =	vld [tilespmem:s5+$0x90]  }
0x34: {  	v4 =	vld [tilespmem:s5+$0x40]  }
0x35: {  	v5 =	vld [tilespmem:s5+$0x50]  }
0x36: {  	v6 =	vld [tilespmem:s5+$0x0]  }
0x37: {  	v7 =	vld [tilespmem:s5+$0x10]  }
0x38: {  	v9 =	vld [tilespmem:s5+$0xFFFFFFC0]  }
0x39: {  	v10 =	vld [tilespmem:s5+$0xFFFFFFD0]  }
0x3a: {  	v8 =	vld [tilespmem:s5+$0xFFFFFF80]  }
0x3b: {  	v11 =	vld [tilespmem:s5+$0xFFFFFF90]  }
0x3c: {  	v12 =	vld [tilespmem:s5+$0xFFFFFF40]  }
0x3d: {  	v13 =	vld [tilespmem:s5+$0xFFFFFF50]  }
0x3e: {  	v14 =	vld [tilespmem:s5+$0xFFFFFF00]  }
0x3f: {  	v15 =	vld [tilespmem:s5+$0xFFFFFF10]  }
0x40: {  	v16 =	vld [tilespmem:s5+$0xFFFFFF20]  }
0x41: {  	v17 =	vld [tilespmem:s5+$0xFFFFFF30]  }
0x42: {  	v18 =	vld [tilespmem:s5+$0xFFFFFF60]  }
0x43: {  	v19 =	vld [tilespmem:s5+$0xFFFFFF70]  }
0x44: {  	v20 =	vimm.f32 $0.0e+00;
	v21 =	vld [tilespmem:s5+$0xFFFFFFA0]  }
0x45: {  	v22 =	vld [tilespmem:s5+$0xFFFFFFB0];
	v14 =	vadd.f32 v14, v20;
	v15 =	vadd.f32 v15, v20  }
0x46: {  	v63 =	vld [tilespmem:s5+$0xFFFFFFE0];
	v16 =	vadd.f32 v16, v20;
	v17 =	vadd.f32 v17, v20  }
0x47: {  	v12 =	vadd.f32 v12, v14;
	v13 =	vadd.f32 v13, v15;
	v14 =	vld [tilespmem:s5+$0xFFFFFFF0]  }
0x48: {  	v15 =	vadd.f32 v18, v16;
	v16 =	vadd.f32 v19, v17;
	v17 =	vld [tilespmem:s5+$0x20]  }
0x49: {  	v12 =	vadd.f32 v8, v12;
	v11 =	vadd.f32 v11, v13;
	v13 =	vld [tilespmem:s5+$0x30]  }
0x4a: {  	v15 =	vadd.f32 v21, v15;
	v16 =	vadd.f32 v22, v16;
	v8 =	vld [tilespmem:s5+$0x60]  }
0x4b: {  	v12 =	vadd.f32 v9, v12;
	v10 =	vadd.f32 v10, v11;
	v11 =	vld [tilespmem:s5+$0x70]  }
0x4c: {  	v15 =	vadd.f32 v63, v15;
	v9 =	vld [tilespmem:s5+$0xA0];
	v16 =	vadd.f32 v14, v16  }
0x4d: {  	v6 =	vadd.f32 v6, v12;
	v7 =	vadd.f32 v7, v10;
	v12 =	vld [tilespmem:s5+$0xB0]  }
0x4e: {  	v14 =	vadd.f32 v17, v15;
	v10 =	vld [tilespmem:s5+$0xE0];
	v15 =	vadd.f32 v13, v16  }
0x4f: {  	s1 =	sadd.s32 $0x7FF0, s1;
	s4 =	simm.s32 $0x0;
	v13 =	vld [tilespmem:s5+$0xF0];
	s5 =	sadd.s32 $0x200, s5;
	v16 =	vadd.f32 v4, v6;
	v17 =	vadd.f32 v5, v7  }
.LBB2_3:
0x50: {  	v4 =	vld [tilespmem:s5+$0xC0];
	v5 =	vadd.f32 v8, v14;
	v6 =	vadd.f32 v11, v15  }
0x51: {  	v7 =	vld [tilespmem:s5+$0xD0];
	v8 =	vadd.f32 v2, v16;
	v11 =	vadd.f32 v3, v17  }
0x52: {  	v2 =	vld [tilespmem:s5+$0x80];
	v5 =	vadd.f32 v9, v5;
	v6 =	vadd.f32 v12, v6  }
0x53: {  	v3 =	vld [tilespmem:s5+$0x90];
	v8 =	vadd.f32 v0, v8;
	v9 =	vadd.f32 v1, v11  }
0x54: {  	v16 =	vld [tilespmem:s5+$0x40];
	v5 =	vadd.f32 v10, v5;
	v6 =	vadd.f32 v13, v6  }
0x55: {  	v13 =	vld [tilespmem:s5+$0x50];
	v0 =	vmov v4  }
0x56: {  	v4 =	vld [tilespmem:s5+$0x0];
	v1 =	vmov v7  }
0x57: {  	v7 =	vld [tilespmem:s5+$0x10]  }
0x58: {  	v10 =	vld [tilespmem:s5+$0xFFFFFFC0]  }
0x59: {  	v11 =	vld [tilespmem:s5+$0xFFFFFFD0]  }
0x5a: {  	v12 =	vld [tilespmem:s5+$0xFFFFFF80]  }
0x5b: {  	v14 =	vld [tilespmem:s5+$0xFFFFFF90]  }
0x5c: {  	v15 =	vld [tilespmem:s5+$0xFFFFFF40]  }
0x5d: {  	v17 =	vld [tilespmem:s5+$0xFFFFFF50]  }
0x5e: {  	v18 =	vld [tilespmem:s5+$0xFFFFFF00]  }
0x5f: {  	v19 =	vld [tilespmem:s5+$0xFFFFFF10]  }
0x60: {  	v20 =	vld [tilespmem:s5+$0xFFFFFF20]  }
0x61: {  	s4 =	sadd.s32 $0x8, s4;
	v21 =	vld [tilespmem:s5+$0xFFFFFF30]  }
0x62: {  	p0 =	slt.u32 s4, $0x60;
	v22 =	vld [tilespmem:s5+$0xFFFFFF60]  }
0x63: {  	v23 =	vld [tilespmem:s5+$0xFFFFFF70]  }
0x64: {  	v24 =	vld [tilespmem:s5+$0xFFFFFFA0]  }
0x65: {  	v8 =	vadd.f32 v18, v8;
	v9 =	vadd.f32 v19, v9;
	v18 =	vld [tilespmem:s5+$0xFFFFFFB0]  }
0x66: {  	v5 =	vadd.f32 v20, v5;
	v6 =	vadd.f32 v21, v6;
	v19 =	vld [tilespmem:s5+$0xFFFFFFE0]  }
0x67: {  	v8 =	vadd.f32 v15, v8;
	v9 =	vadd.f32 v17, v9;
	v15 =	vld [tilespmem:s5+$0xFFFFFFF0]  }
0x68: {  	v5 =	vadd.f32 v22, v5;
	v6 =	vadd.f32 v23, v6;
	v17 =	vld [tilespmem:s5+$0x20]  }
0x69: {  	v12 =	vadd.f32 v12, v8;
	v9 =	vadd.f32 v14, v9;
	v20 =	vld [tilespmem:s5+$0x30]  }
0x6a: {  	v5 =	vadd.f32 v24, v5;
	v6 =	vadd.f32 v18, v6;
	v8 =	vld [tilespmem:s5+$0x60]  }
.Ltmp0:
0x6b: {  	v10 =	vadd.f32 v10, v12;
	v12 =	vadd.f32 v11, v9;
	v11 =	vld [tilespmem:s5+$0x70];
	(pc) =	sbr.rel @p0 .LBB2_3-.Ltmp0, $4  }
0x6c: {  	v5 =	vadd.f32 v19, v5;
	v6 =	vadd.f32 v15, v6;
	v9 =	vld [tilespmem:s5+$0xA0]  }
0x6d: {  	v4 =	vadd.f32 v4, v10;
	v7 =	vadd.f32 v7, v12;
	v12 =	vld [tilespmem:s5+$0xB0]  }
0x6e: {  	v14 =	vadd.f32 v17, v5;
	v15 =	vadd.f32 v20, v6;
	v10 =	vld [tilespmem:s5+$0xE0]  }
0x6f: {  	v16 =	vadd.f32 v16, v4;
	v17 =	vadd.f32 v13, v7;
	v13 =	vld [tilespmem:s5+$0xF0];
	s5 =	sadd.s32 $0x200, s5  }
0x70: {  	_ =	swait.ge [sflag:s28], $0x1800  }
0x71: {  	[sflag:s28] =	ssyncset.done $0x0  }
0x72: {  	[sflag:s28] =	ssyncadd.s32 $0xFFFFE800  }
0x73: {  	v4 =	vld [tilespmem:s1+$0xFFFFFFD0]  }
0x74: {  	v5 =	vld [tilespmem:s1+$0xFFFFFFE0]  }
0x75: {  	v6 =	vld [tilespmem:s1+$0xFFFFFF90]  }
0x76: {  	v7 =	vld [tilespmem:s1+$0xFFFFFFA0]  }
0x77: {  	v18 =	vld [tilespmem:s1+$0xFFFFFF50]  }
0x78: {  	v19 =	vld [tilespmem:s1+$0xFFFFFF60]  }
0x79: {  	v20 =	vld [tilespmem:s1+$0xFFFFFF10]  }
0x7a: {  	v21 =	vld [tilespmem:s1+$0xFFFFFF20]  }
0x7b: {  	v22 =	vld [tilespmem:s1+$0xFFFFFED0]  }
0x7c: {  	v23 =	vld [tilespmem:s1+$0xFFFFFEE0]  }
0x7d: {  	v24 =	vld [tilespmem:s1+$0xFFFFFE90]  }
0x7e: {  	v25 =	vld [tilespmem:s1+$0xFFFFFEA0]  }
0x7f: {  	v26 =	vld [tilespmem:s1+$0xFFFFFE50]  }
0x80: {  	v27 =	vld [tilespmem:s1+$0xFFFFFE60]  }
0x81: {  	v28 =	vld [tilespmem:s1+$0xFFFFFE10]  }
0x82: {  	v29 =	vld [tilespmem:s1+$0xFFFFFE20]  }
0x83: {  	v8 =	vadd.f32 v8, v14;
	v11 =	vadd.f32 v11, v15;
	v14 =	vld [tilespmem:s1+$0xFFFFFE30]  }
0x84: {  	v2 =	vadd.f32 v2, v16;
	v3 =	vadd.f32 v3, v17;
	v15 =	vld [tilespmem:s1+$0xFFFFFE40]  }
0x85: {  	v8 =	vadd.f32 v9, v8;
	v9 =	vadd.f32 v12, v11;
	v11 =	vld [tilespmem:s1+$0xFFFFFE70]  }
0x86: {  	v0 =	vadd.f32 v0, v2;
	v1 =	vadd.f32 v1, v3;
	v2 =	vld [tilespmem:s1+$0xFFFFFE80]  }
0x87: {  	v3 =	vadd.f32 v10, v8;
	v8 =	vadd.f32 v13, v9;
	v9 =	vld [tilespmem:s1+$0xFFFFFEB0]  }
0x88: {  	v10 =	vld [tilespmem:s1+$0xFFFFFEC0];
	v0 =	vadd.f32 v28, v0;
	v1 =	vadd.f32 v29, v1  }
0x89: {  	v12 =	vld [tilespmem:s1+$0xFFFFFEF0];
	v3 =	vadd.f32 v14, v3;
	v8 =	vadd.f32 v15, v8  }
0x8a: {  	v13 =	vld [tilespmem:s1+$0xFFFFFF00];
	v0 =	vadd.f32 v26, v0;
	v1 =	vadd.f32 v27, v1  }
0x8b: {  	v14 =	vld [tilespmem:s1+$0xFFFFFF40];
	v3 =	vadd.f32 v11, v3;
	v2 =	vadd.f32 v2, v8  }
0x8c: {  	v11 =	vld [tilespmem:s1+$0xFFFFFF30];
	v8 =	vadd.f32 v24, v0;
	v1 =	vadd.f32 v25, v1  }
0x8d: {  	v9 =	vadd.f32 v9, v3;
	v2 =	vadd.f32 v10, v2;
	v0 =	vld [tilespmem:s1+$0xFFFFFF70]  }
0x8e: {  	v3 =	vld [tilespmem:s1+$0xFFFFFF80];
	v8 =	vadd.f32 v22, v8;
	v10 =	vadd.f32 v23, v1  }
0x8f: {  	v9 =	vadd.f32 v12, v9;
	v2 =	vadd.f32 v13, v2;
	v1 =	vld [tilespmem:s1+$0xFFFFFFB0]  }
0x90: {  	v12 =	vadd.f32 v20, v8;
	v15 =	vadd.f32 v21, v10;
	v8 =	vld [tilespmem:s1+$0xFFFFFFC0]  }
0x91: {  	v11 =	vadd.f32 v11, v9;
	v10 =	vadd.f32 v14, v2;
	v2 =	vld [tilespmem:s1+$0xFFFFFFF0]  }
0x92: {  	s4 =	simm.s32 $0x68;
	v9 =	vld [tilespmem:s1+$0x0];
	s1 =	sadd.s32 $0x200, s1;
	v13 =	vadd.f32 v18, v12;
	v12 =	vadd.f32 v19, v15  }
.LBB2_5:
0x93: {  	v14 =	vld [tilespmem:s1+$0xFFFFFFD0];
	v0 =	vadd.f32 v0, v11;
	v3 =	vadd.f32 v3, v10  }
0x94: {  	v10 =	vld [tilespmem:s1+$0xFFFFFFE0];
	v11 =	vadd.f32 v6, v13;
	v12 =	vadd.f32 v7, v12  }
0x95: {  	v6 =	vld [tilespmem:s1+$0xFFFFFF90];
	v0 =	vadd.f32 v1, v0;
	v1 =	vadd.f32 v8, v3  }
0x96: {  	v7 =	vld [tilespmem:s1+$0xFFFFFFA0];
	v3 =	vadd.f32 v4, v11;
	v8 =	vadd.f32 v5, v12  }
0x97: {  	v12 =	vld [tilespmem:s1+$0xFFFFFF50];
	v0 =	vadd.f32 v2, v0;
	v1 =	vadd.f32 v9, v1  }
0x98: {  	v9 =	vld [tilespmem:s1+$0xFFFFFF60];
	v4 =	vmov v14  }
0x99: {  	v2 =	vld [tilespmem:s1+$0xFFFFFF10];
	v5 =	vmov v10  }
0x9a: {  	v10 =	vld [tilespmem:s1+$0xFFFFFF20]  }
0x9b: {  	v11 =	vld [tilespmem:s1+$0xFFFFFED0]  }
0x9c: {  	v13 =	vld [tilespmem:s1+$0xFFFFFEE0]  }
0x9d: {  	v14 =	vld [tilespmem:s1+$0xFFFFFE90]  }
0x9e: {  	v15 =	vld [tilespmem:s1+$0xFFFFFEA0]  }
0x9f: {  	v16 =	vld [tilespmem:s1+$0xFFFFFE50]  }
0xa0: {  	v17 =	vld [tilespmem:s1+$0xFFFFFE60]  }
0xa1: {  	v18 =	vld [tilespmem:s1+$0xFFFFFE10]  }
0xa2: {  	v19 =	vld [tilespmem:s1+$0xFFFFFE20]  }
0xa3: {  	v20 =	vld [tilespmem:s1+$0xFFFFFE30]  }
0xa4: {  	s4 =	sadd.s32 $0x8, s4;
	v21 =	vld [tilespmem:s1+$0xFFFFFE40]  }
0xa5: {  	p0 =	slt.u32 s4, $0xC0;
	v22 =	vld [tilespmem:s1+$0xFFFFFE70]  }
0xa6: {  	v23 =	vld [tilespmem:s1+$0xFFFFFE80]  }
0xa7: {  	v24 =	vld [tilespmem:s1+$0xFFFFFEB0]  }
0xa8: {  	v3 =	vadd.f32 v18, v3;
	v8 =	vadd.f32 v19, v8;
	v18 =	vld [tilespmem:s1+$0xFFFFFEC0]  }
0xa9: {  	v0 =	vadd.f32 v20, v0;
	v1 =	vadd.f32 v21, v1;
	v19 =	vld [tilespmem:s1+$0xFFFFFEF0]  }
0xaa: {  	v3 =	vadd.f32 v16, v3;
	v8 =	vadd.f32 v17, v8;
	v16 =	vld [tilespmem:s1+$0xFFFFFF00]  }
0xab: {  	v0 =	vadd.f32 v22, v0;
	v1 =	vadd.f32 v23, v1;
	v17 =	vld [tilespmem:s1+$0xFFFFFF30]  }
0xac: {  	v3 =	vadd.f32 v14, v3;
	v8 =	vadd.f32 v15, v8;
	v14 =	vld [tilespmem:s1+$0xFFFFFF40]  }
0xad: {  	v15 =	vadd.f32 v24, v0;
	v1 =	vadd.f32 v18, v1;
	v0 =	vld [tilespmem:s1+$0xFFFFFF70]  }
.Ltmp1:
0xae: {  	v11 =	vadd.f32 v11, v3;
	v8 =	vadd.f32 v13, v8;
	v3 =	vld [tilespmem:s1+$0xFFFFFF80];
	(pc) =	sbr.rel @p0 .LBB2_5-.Ltmp1, $4  }
0xaf: {  	v13 =	vadd.f32 v19, v15;
	v15 =	vadd.f32 v16, v1;
	v1 =	vld [tilespmem:s1+$0xFFFFFFB0]  }
0xb0: {  	v16 =	vadd.f32 v2, v11;
	v18 =	vadd.f32 v10, v8;
	v8 =	vld [tilespmem:s1+$0xFFFFFFC0]  }
0xb1: {  	v11 =	vadd.f32 v17, v13;
	v10 =	vadd.f32 v14, v15;
	v2 =	vld [tilespmem:s1+$0xFFFFFFF0]  }
0xb2: {  	v13 =	vadd.f32 v12, v16;
	v12 =	vadd.f32 v9, v18;
	v9 =	vld [tilespmem:s1+$0x0];
	s1 =	sadd.s32 $0x200, s1  }
0xb3: {  	_ = 	snop  }
0xb4: {  	v0 =	vadd.f32 v0, v11;
	v6 =	vadd.f32 v6, v13  }
0xb5: {  	v3 =	vadd.f32 v3, v10;
	s1 =	sshll.u32 s0, $0x6;
	s0 =	sadd.s32 $0x1, s0;
	v7 =	vadd.f32 v7, v12  }
0xb6: {  	p0 =	sne.s32 s0, $0x80;
	v0 =	vadd.f32 v1, v0;
	v61 =	vadd.f32 v4, v6  }
.Ltmp2:
0xb7: {  	s1 =	sand.u32 $0x3FFFFFC0, s1;
	v3 =	vadd.f32 v8, v3;
	v62 =	vadd.f32 v5, v7;
	(pc) =	sbr.rel @p0 .LBB2_2-.Ltmp2, $4  }
0xb8: {  	v0 =	vadd.f32 v2, v0;
	[tilespmem:s1+$0x12C00] =	vst v61  }
0xb9: {  	v63 =	vadd.f32 v9, v3;
	[tilespmem:s1+$0x12C10] =	vst v62  }
0xba: {  	[tilespmem:s1+$0x12C20] =	vst v0  }
0xbb: {  	s31 =	sadd.s32 $0x1, s31;
	[tilespmem:s1+$0x12C30] =	vst v63  }
0xbc: {  	s31 =	simm.s32 $0x0;
	s0 =	rddreg [dreg:$0x4]  }
0xbd: {  	[hbm4b:s0+s31] =	stream.linear.scatter [tilespmem:s29], [sflag:$0x3], $0x2000, $0x38;
	[tilespmem:$0x14C00] =	vst v63  }
0xbe: {  	_ =	swait.ge [sflag:s13], $0x2000  }
0xbf: {  	[sflag:s13] =	ssyncset.done $0x0  }
0xc0: {  	s8 =	rddreg [dreg:$0x5];
	[sflag:s13] =	ssyncadd.s32 $0xFFFFE000  }
0xc1: {  	[tilespmem:s31], [sflag:$0x3] =	stream.linear.gather [hbm4b:s8+s31], $0x6400, $0x38;
	[tilespmem:$0x14C00] =	vst v63  }
0xc2: {  	_ =	swait.ge [sflag:s13], $0x6400  }
0xc3: {  	[sflag:s13] =	ssyncset.done $0x0  }
0xc4: {  	[sflag:s13] =	ssyncadd.s32 $0xFFFF9C00  }
0xc5: {  	[tilespmem:s15], [sflag:$0x1] =	stream.indirect.gather [hbm4b:s3+s14], $0x40, s31, s14, $0xb8;
	[tilespmem:$0x14C00] =	vst v63  }
0xc6: {  	_ = 	snop  }
0xc7: {  	[tilespmem:s17], [sflag:$0x2] =	stream.indirect.gather [hbm4b:s3+s16], $0x40, s14, s16, $0xb8;
	[tilespmem:$0x14C00] =	vst v63  }
0xc8: {  	_ = 	snop  }
0xc9: {  	[tilespmem:s19], [sflag:$0x1] =	stream.indirect.gather [hbm4b:s3+s14], $0x40, s18, s14, $0xb8;
	[tilespmem:$0x14C00] =	vst v63  }
0xca: {  	_ = 	snop  }
0xcb: {  	[tilespmem:s21], [sflag:$0x2] =	stream.indirect.gather [hbm4b:s3+s16], $0x40, s20, s16, $0xb8;
	[tilespmem:$0x14C00] =	vst v63  }
0xcc: {  	_ = 	snop  }
0xcd: {  	[tilespmem:s23], [sflag:$0x1] =	stream.indirect.gather [hbm4b:s3+s14], $0x40, s22, s14, $0xb8;
	[tilespmem:$0x14C00] =	vst v63  }
0xce: {  	s0 =	simm.s32 $0x0  }
0xcf: {  	[tilespmem:s25], [sflag:$0x2] =	stream.indirect.gather [hbm4b:s3+s16], $0x40, s24, s16, $0xb8;
	[tilespmem:$0x14C00] =	vst v63  }
.LBB2_8:
0xd0: {  	p0 =	sgt.u32 s0, $0x7C  }
0xd1: {  	s1 =	sand.u32 $0x3, s31;
	s4 =	sadd.s32 @!p0 $0x3, s0  }
0xd2: {  	s1 =	smul.u32 $0xC800, s1;
	s5 =	sand.u32 @!p0 $0x3, s4  }
0xd3: {  	_ =	swait.ge [sflag:s26], $0x1A00;
	s6 =	smul.u32 @!p0 $0xC800, s5  }
0xd4: {  	[sflag:s26] =	ssyncset.done $0x0;
	s8 =	simm.s32 @!p0 $0x68;
	s4 =	smul.u32 @!p0 $0x320, s4  }
0xd5: {  	[sflag:s26] =	ssyncadd.s32 $0xFFFFE600;
	s1 =	sshrl.u32 s1, $0x2;
	s6 =	sshrl.u32 @!p0 s6, $0x2  }
0xd6: {  	s5 =	sadd.s32 $0x6500, s1;
	s4 =	sshra.s32 @!p0 s4, $0x2;
	s7 =	sadd.s32 @!p0 $0x6400, s6  }
0xd7: {  	[tilespmem:s7], [sflag:$0x1] =	stream.indirect.gather @!p0 [hbm4b:s3+s8], $0x40, s4, s8, $0xb8;
	[tilespmem:$0x14C00] =	vst v63  }
0xd8: {  	s6 =	sadd.s32 @!p0 $0x7E00, s6;
	s4 =	sadd.s32 @!p0 $0x68, s4;
	s7 =	simm.s32 @!p0 $0x60  }
0xd9: {  	[tilespmem:s6], [sflag:$0x2] =	stream.indirect.gather @!p0 [hbm4b:s3+s7], $0x40, s4, s7, $0xb8;
	[tilespmem:$0x14C00] =	vst v63  }
0xda: {  	v0 =	vld [tilespmem:s5+$0xC0]  }
0xdb: {  	v1 =	vld [tilespmem:s5+$0xD0]  }
0xdc: {  	v2 =	vld [tilespmem:s5+$0x80]  }
0xdd: {  	v3 =	vld [tilespmem:s5+$0x90]  }
0xde: {  	v4 =	vld [tilespmem:s5+$0x40]  }
0xdf: {  	v5 =	vld [tilespmem:s5+$0x50]  }
0xe0: {  	v6 =	vld [tilespmem:s5+$0x0]  }
0xe1: {  	v7 =	vld [tilespmem:s5+$0x10]  }
0xe2: {  	v9 =	vld [tilespmem:s5+$0xFFFFFFC0]  }
0xe3: {  	v10 =	vld [tilespmem:s5+$0xFFFFFFD0]  }
0xe4: {  	v8 =	vld [tilespmem:s5+$0xFFFFFF80]  }
0xe5: {  	v11 =	vld [tilespmem:s5+$0xFFFFFF90]  }
0xe6: {  	v12 =	vld [tilespmem:s5+$0xFFFFFF40]  }
0xe7: {  	v13 =	vld [tilespmem:s5+$0xFFFFFF50]  }
0xe8: {  	v14 =	vld [tilespmem:s5+$0xFFFFFF00]  }
0xe9: {  	v15 =	vld [tilespmem:s5+$0xFFFFFF10]  }
0xea: {  	v16 =	vld [tilespmem:s5+$0xFFFFFF20]  }
0xeb: {  	v17 =	vld [tilespmem:s5+$0xFFFFFF30]  }
0xec: {  	v18 =	vld [tilespmem:s5+$0xFFFFFF60]  }
0xed: {  	v19 =	vld [tilespmem:s5+$0xFFFFFF70]  }
0xee: {  	v20 =	vimm.f32 $0.0e+00;
	v21 =	vld [tilespmem:s5+$0xFFFFFFA0]  }
0xef: {  	v22 =	vld [tilespmem:s5+$0xFFFFFFB0];
	v14 =	vadd.f32 v14, v20;
	v15 =	vadd.f32 v15, v20  }
0xf0: {  	v63 =	vld [tilespmem:s5+$0xFFFFFFE0];
	v16 =	vadd.f32 v16, v20;
	v17 =	vadd.f32 v17, v20  }
0xf1: {  	v12 =	vadd.f32 v12, v14;
	v13 =	vadd.f32 v13, v15;
	v14 =	vld [tilespmem:s5+$0xFFFFFFF0]  }
0xf2: {  	v15 =	vadd.f32 v18, v16;
	v16 =	vadd.f32 v19, v17;
	v17 =	vld [tilespmem:s5+$0x20]  }
0xf3: {  	v12 =	vadd.f32 v8, v12;
	v11 =	vadd.f32 v11, v13;
	v13 =	vld [tilespmem:s5+$0x30]  }
0xf4: {  	v15 =	vadd.f32 v21, v15;
	v16 =	vadd.f32 v22, v16;
	v8 =	vld [tilespmem:s5+$0x60]  }
0xf5: {  	v12 =	vadd.f32 v9, v12;
	v10 =	vadd.f32 v10, v11;
	v11 =	vld [tilespmem:s5+$0x70]  }
0xf6: {  	v15 =	vadd.f32 v63, v15;
	v9 =	vld [tilespmem:s5+$0xA0];
	v16 =	vadd.f32 v14, v16  }
0xf7: {  	v6 =	vadd.f32 v6, v12;
	v7 =	vadd.f32 v7, v10;
	v12 =	vld [tilespmem:s5+$0xB0]  }
0xf8: {  	v14 =	vadd.f32 v17, v15;
	v10 =	vld [tilespmem:s5+$0xE0];
	v15 =	vadd.f32 v13, v16  }
0xf9: {  	s1 =	sadd.s32 $0x7FF0, s1;
	s4 =	simm.s32 $0x0;
	v13 =	vld [tilespmem:s5+$0xF0];
	s5 =	sadd.s32 $0x200, s5;
	v16 =	vadd.f32 v4, v6;
	v17 =	vadd.f32 v5, v7  }
.LBB2_9:
0xfa: {  	v4 =	vld [tilespmem:s5+$0xC0];
	v5 =	vadd.f32 v8, v14;
	v6 =	vadd.f32 v11, v15  }
0xfb: {  	v7 =	vld [tilespmem:s5+$0xD0];
	v8 =	vadd.f32 v2, v16;
	v11 =	vadd.f32 v3, v17  }
0xfc: {  	v2 =	vld [tilespmem:s5+$0x80];
	v5 =	vadd.f32 v9, v5;
	v6 =	vadd.f32 v12, v6  }
0xfd: {  	v3 =	vld [tilespmem:s5+$0x90];
	v8 =	vadd.f32 v0, v8;
	v9 =	vadd.f32 v1, v11  }
0xfe: {  	v16 =	vld [tilespmem:s5+$0x40];
	v5 =	vadd.f32 v10, v5;
	v6 =	vadd.f32 v13, v6  }
0xff: {  	v13 =	vld [tilespmem:s5+$0x50];
	v0 =	vmov v4  }
0x100: {  	v4 =	vld [tilespmem:s5+$0x0];
	v1 =	vmov v7  }
0x101: {  	v7 =	vld [tilespmem:s5+$0x10]  }
0x102: {  	v10 =	vld [tilespmem:s5+$0xFFFFFFC0]  }
0x103: {  	v11 =	vld [tilespmem:s5+$0xFFFFFFD0]  }
0x104: {  	v12 =	vld [tilespmem:s5+$0xFFFFFF80]  }
0x105: {  	v14 =	vld [tilespmem:s5+$0xFFFFFF90]  }
0x106: {  	v15 =	vld [tilespmem:s5+$0xFFFFFF40]  }
0x107: {  	v17 =	vld [tilespmem:s5+$0xFFFFFF50]  }
0x108: {  	v18 =	vld [tilespmem:s5+$0xFFFFFF00]  }
0x109: {  	v19 =	vld [tilespmem:s5+$0xFFFFFF10]  }
0x10a: {  	v20 =	vld [tilespmem:s5+$0xFFFFFF20]  }
0x10b: {  	s4 =	sadd.s32 $0x8, s4;
	v21 =	vld [tilespmem:s5+$0xFFFFFF30]  }
0x10c: {  	p0 =	slt.u32 s4, $0x60;
	v22 =	vld [tilespmem:s5+$0xFFFFFF60]  }
0x10d: {  	v23 =	vld [tilespmem:s5+$0xFFFFFF70]  }
0x10e: {  	v24 =	vld [tilespmem:s5+$0xFFFFFFA0]  }
0x10f: {  	v8 =	vadd.f32 v18, v8;
	v9 =	vadd.f32 v19, v9;
	v18 =	vld [tilespmem:s5+$0xFFFFFFB0]  }
0x110: {  	v5 =	vadd.f32 v20, v5;
	v6 =	vadd.f32 v21, v6;
	v19 =	vld [tilespmem:s5+$0xFFFFFFE0]  }
0x111: {  	v8 =	vadd.f32 v15, v8;
	v9 =	vadd.f32 v17, v9;
	v15 =	vld [tilespmem:s5+$0xFFFFFFF0]  }
0x112: {  	v5 =	vadd.f32 v22, v5;
	v6 =	vadd.f32 v23, v6;
	v17 =	vld [tilespmem:s5+$0x20]  }
0x113: {  	v12 =	vadd.f32 v12, v8;
	v9 =	vadd.f32 v14, v9;
	v20 =	vld [tilespmem:s5+$0x30]  }
0x114: {  	v5 =	vadd.f32 v24, v5;
	v6 =	vadd.f32 v18, v6;
	v8 =	vld [tilespmem:s5+$0x60]  }
.Ltmp3:
0x115: {  	v10 =	vadd.f32 v10, v12;
	v12 =	vadd.f32 v11, v9;
	v11 =	vld [tilespmem:s5+$0x70];
	(pc) =	sbr.rel @p0 .LBB2_9-.Ltmp3, $4  }
0x116: {  	v5 =	vadd.f32 v19, v5;
	v6 =	vadd.f32 v15, v6;
	v9 =	vld [tilespmem:s5+$0xA0]  }
0x117: {  	v4 =	vadd.f32 v4, v10;
	v7 =	vadd.f32 v7, v12;
	v12 =	vld [tilespmem:s5+$0xB0]  }
0x118: {  	v14 =	vadd.f32 v17, v5;
	v15 =	vadd.f32 v20, v6;
	v10 =	vld [tilespmem:s5+$0xE0]  }
0x119: {  	v16 =	vadd.f32 v16, v4;
	v17 =	vadd.f32 v13, v7;
	v13 =	vld [tilespmem:s5+$0xF0];
	s5 =	sadd.s32 $0x200, s5  }
0x11a: {  	_ =	swait.ge [sflag:s28], $0x1800  }
0x11b: {  	[sflag:s28] =	ssyncset.done $0x0  }
0x11c: {  	[sflag:s28] =	ssyncadd.s32 $0xFFFFE800  }
0x11d: {  	v4 =	vld [tilespmem:s1+$0xFFFFFFD0]  }
0x11e: {  	v5 =	vld [tilespmem:s1+$0xFFFFFFE0]  }
0x11f: {  	v6 =	vld [tilespmem:s1+$0xFFFFFF90]  }
0x120: {  	v7 =	vld [tilespmem:s1+$0xFFFFFFA0]  }
0x121: {  	v18 =	vld [tilespmem:s1+$0xFFFFFF50]  }
0x122: {  	v19 =	vld [tilespmem:s1+$0xFFFFFF60]  }
0x123: {  	v20 =	vld [tilespmem:s1+$0xFFFFFF10]  }
0x124: {  	v21 =	vld [tilespmem:s1+$0xFFFFFF20]  }
0x125: {  	v22 =	vld [tilespmem:s1+$0xFFFFFED0]  }
0x126: {  	v23 =	vld [tilespmem:s1+$0xFFFFFEE0]  }
0x127: {  	v24 =	vld [tilespmem:s1+$0xFFFFFE90]  }
0x128: {  	v25 =	vld [tilespmem:s1+$0xFFFFFEA0]  }
0x129: {  	v26 =	vld [tilespmem:s1+$0xFFFFFE50]  }
0x12a: {  	v27 =	vld [tilespmem:s1+$0xFFFFFE60]  }
0x12b: {  	v28 =	vld [tilespmem:s1+$0xFFFFFE10]  }
0x12c: {  	v29 =	vld [tilespmem:s1+$0xFFFFFE20]  }
0x12d: {  	v8 =	vadd.f32 v8, v14;
	v11 =	vadd.f32 v11, v15;
	v14 =	vld [tilespmem:s1+$0xFFFFFE30]  }
0x12e: {  	v2 =	vadd.f32 v2, v16;
	v3 =	vadd.f32 v3, v17;
	v15 =	vld [tilespmem:s1+$0xFFFFFE40]  }
0x12f: {  	v8 =	vadd.f32 v9, v8;
	v9 =	vadd.f32 v12, v11;
	v11 =	vld [tilespmem:s1+$0xFFFFFE70]  }
0x130: {  	v0 =	vadd.f32 v0, v2;
	v1 =	vadd.f32 v1, v3;
	v2 =	vld [tilespmem:s1+$0xFFFFFE80]  }
0x131: {  	v3 =	vadd.f32 v10, v8;
	v8 =	vadd.f32 v13, v9;
	v9 =	vld [tilespmem:s1+$0xFFFFFEB0]  }
0x132: {  	v10 =	vld [tilespmem:s1+$0xFFFFFEC0];
	v0 =	vadd.f32 v28, v0;
	v1 =	vadd.f32 v29, v1  }
0x133: {  	v12 =	vld [tilespmem:s1+$0xFFFFFEF0];
	v3 =	vadd.f32 v14, v3;
	v8 =	vadd.f32 v15, v8  }
0x134: {  	v13 =	vld [tilespmem:s1+$0xFFFFFF00];
	v0 =	vadd.f32 v26, v0;
	v1 =	vadd.f32 v27, v1  }
0x135: {  	v14 =	vld [tilespmem:s1+$0xFFFFFF40];
	v3 =	vadd.f32 v11, v3;
	v2 =	vadd.f32 v2, v8  }
0x136: {  	v11 =	vld [tilespmem:s1+$0xFFFFFF30];
	v8 =	vadd.f32 v24, v0;
	v1 =	vadd.f32 v25, v1  }
0x137: {  	v9 =	vadd.f32 v9, v3;
	v2 =	vadd.f32 v10, v2;
	v0 =	vld [tilespmem:s1+$0xFFFFFF70]  }
0x138: {  	v3 =	vld [tilespmem:s1+$0xFFFFFF80];
	v8 =	vadd.f32 v22, v8;
	v10 =	vadd.f32 v23, v1  }
0x139: {  	v9 =	vadd.f32 v12, v9;
	v2 =	vadd.f32 v13, v2;
	v1 =	vld [tilespmem:s1+$0xFFFFFFB0]  }
0x13a: {  	v12 =	vadd.f32 v20, v8;
	v15 =	vadd.f32 v21, v10;
	v8 =	vld [tilespmem:s1+$0xFFFFFFC0]  }
0x13b: {  	v11 =	vadd.f32 v11, v9;
	v10 =	vadd.f32 v14, v2;
	v2 =	vld [tilespmem:s1+$0xFFFFFFF0]  }
0x13c: {  	s4 =	simm.s32 $0x68;
	v9 =	vld [tilespmem:s1+$0x0];
	s1 =	sadd.s32 $0x200, s1;
	v13 =	vadd.f32 v18, v12;
	v12 =	vadd.f32 v19, v15  }
.LBB2_11:
0x13d: {  	v14 =	vld [tilespmem:s1+$0xFFFFFFD0];
	v0 =	vadd.f32 v0, v11;
	v3 =	vadd.f32 v3, v10  }
0x13e: {  	v10 =	vld [tilespmem:s1+$0xFFFFFFE0];
	v11 =	vadd.f32 v6, v13;
	v12 =	vadd.f32 v7, v12  }
0x13f: {  	v6 =	vld [tilespmem:s1+$0xFFFFFF90];
	v0 =	vadd.f32 v1, v0;
	v1 =	vadd.f32 v8, v3  }
0x140: {  	v7 =	vld [tilespmem:s1+$0xFFFFFFA0];
	v3 =	vadd.f32 v4, v11;
	v8 =	vadd.f32 v5, v12  }
0x141: {  	v12 =	vld [tilespmem:s1+$0xFFFFFF50];
	v0 =	vadd.f32 v2, v0;
	v1 =	vadd.f32 v9, v1  }
0x142: {  	v9 =	vld [tilespmem:s1+$0xFFFFFF60];
	v4 =	vmov v14  }
0x143: {  	v2 =	vld [tilespmem:s1+$0xFFFFFF10];
	v5 =	vmov v10  }
0x144: {  	v10 =	vld [tilespmem:s1+$0xFFFFFF20]  }
0x145: {  	v11 =	vld [tilespmem:s1+$0xFFFFFED0]  }
0x146: {  	v13 =	vld [tilespmem:s1+$0xFFFFFEE0]  }
0x147: {  	v14 =	vld [tilespmem:s1+$0xFFFFFE90]  }
0x148: {  	v15 =	vld [tilespmem:s1+$0xFFFFFEA0]  }
0x149: {  	v16 =	vld [tilespmem:s1+$0xFFFFFE50]  }
0x14a: {  	v17 =	vld [tilespmem:s1+$0xFFFFFE60]  }
0x14b: {  	v18 =	vld [tilespmem:s1+$0xFFFFFE10]  }
0x14c: {  	v19 =	vld [tilespmem:s1+$0xFFFFFE20]  }
0x14d: {  	v20 =	vld [tilespmem:s1+$0xFFFFFE30]  }
0x14e: {  	s4 =	sadd.s32 $0x8, s4;
	v21 =	vld [tilespmem:s1+$0xFFFFFE40]  }
0x14f: {  	p0 =	slt.u32 s4, $0xC0;
	v22 =	vld [tilespmem:s1+$0xFFFFFE70]  }
0x150: {  	v23 =	vld [tilespmem:s1+$0xFFFFFE80]  }
0x151: {  	v24 =	vld [tilespmem:s1+$0xFFFFFEB0]  }
0x152: {  	v3 =	vadd.f32 v18, v3;
	v8 =	vadd.f32 v19, v8;
	v18 =	vld [tilespmem:s1+$0xFFFFFEC0]  }
0x153: {  	v0 =	vadd.f32 v20, v0;
	v1 =	vadd.f32 v21, v1;
	v19 =	vld [tilespmem:s1+$0xFFFFFEF0]  }
0x154: {  	v3 =	vadd.f32 v16, v3;
	v8 =	vadd.f32 v17, v8;
	v16 =	vld [tilespmem:s1+$0xFFFFFF00]  }
0x155: {  	v0 =	vadd.f32 v22, v0;
	v1 =	vadd.f32 v23, v1;
	v17 =	vld [tilespmem:s1+$0xFFFFFF30]  }
0x156: {  	v3 =	vadd.f32 v14, v3;
	v8 =	vadd.f32 v15, v8;
	v14 =	vld [tilespmem:s1+$0xFFFFFF40]  }
0x157: {  	v15 =	vadd.f32 v24, v0;
	v1 =	vadd.f32 v18, v1;
	v0 =	vld [tilespmem:s1+$0xFFFFFF70]  }
.Ltmp4:
0x158: {  	v11 =	vadd.f32 v11, v3;
	v8 =	vadd.f32 v13, v8;
	v3 =	vld [tilespmem:s1+$0xFFFFFF80];
	(pc) =	sbr.rel @p0 .LBB2_11-.Ltmp4, $4  }
0x159: {  	v13 =	vadd.f32 v19, v15;
	v15 =	vadd.f32 v16, v1;
	v1 =	vld [tilespmem:s1+$0xFFFFFFB0]  }
0x15a: {  	v16 =	vadd.f32 v2, v11;
	v18 =	vadd.f32 v10, v8;
	v8 =	vld [tilespmem:s1+$0xFFFFFFC0]  }
0x15b: {  	v11 =	vadd.f32 v17, v13;
	v10 =	vadd.f32 v14, v15;
	v2 =	vld [tilespmem:s1+$0xFFFFFFF0]  }
0x15c: {  	v13 =	vadd.f32 v12, v16;
	v12 =	vadd.f32 v9, v18;
	v9 =	vld [tilespmem:s1+$0x0];
	s1 =	sadd.s32 $0x200, s1  }
0x15d: {  	_ = 	snop  }
0x15e: {  	v0 =	vadd.f32 v0, v11;
	v6 =	vadd.f32 v6, v13  }
0x15f: {  	v3 =	vadd.f32 v3, v10;
	s1 =	sshll.u32 s0, $0x6;
	s0 =	sadd.s32 $0x1, s0;
	v7 =	vadd.f32 v7, v12  }
0x160: {  	p0 =	sne.s32 s0, $0x80;
	v0 =	vadd.f32 v1, v0;
	v61 =	vadd.f32 v4, v6  }
.Ltmp5:
0x161: {  	s1 =	sand.u32 $0x3FFFFFC0, s1;
	v3 =	vadd.f32 v8, v3;
	v62 =	vadd.f32 v5, v7;
	(pc) =	sbr.rel @p0 .LBB2_8-.Ltmp5, $4  }
0x162: {  	v0 =	vadd.f32 v2, v0;
	[tilespmem:s1+$0x12C00] =	vst v61  }
0x163: {  	v63 =	vadd.f32 v9, v3;
	[tilespmem:s1+$0x12C10] =	vst v62  }
0x164: {  	[tilespmem:s1+$0x12C20] =	vst v0  }
0x165: {  	s31 =	sadd.s32 $0x1, s31;
	[tilespmem:s1+$0x12C30] =	vst v63  }
0x166: {  	s31 =	simm.s32 $0x0;
	s0 =	rddreg [dreg:$0x6]  }
0x167: {  	[hbm4b:s0+s31] =	stream.linear.scatter [tilespmem:s29], [sflag:$0x3], $0x2000, $0x38;
	[tilespmem:$0x14C00] =	vst v63  }
0x168: {  	_ =	swait.ge [sflag:s13], $0x2000  }
0x169: {  	[sflag:s13] =	ssyncset.done $0x0  }
0x16a: {  	s8 =	rddreg [dreg:$0x7];
	[sflag:s13] =	ssyncadd.s32 $0xFFFFE000  }
0x16b: {  	[tilespmem:s31], [sflag:$0x3] =	stream.linear.gather [hbm4b:s8+s31], $0x6400, $0x38;
	[tilespmem:$0x14C00] =	vst v63  }
0x16c: {  	_ =	swait.ge [sflag:s13], $0x6400  }
0x16d: {  	[sflag:s13] =	ssyncset.done $0x0  }
0x16e: {  	[sflag:s13] =	ssyncadd.s32 $0xFFFF9C00  }
0x16f: {  	[tilespmem:s15], [sflag:$0x1] =	stream.indirect.gather [hbm4b:s3+s14], $0x40, s31, s14, $0xb8;
	[tilespmem:$0x14C00] =	vst v63  }
0x170: {  	_ = 	snop  }
0x171: {  	[tilespmem:s17], [sflag:$0x2] =	stream.indirect.gather [hbm4b:s3+s16], $0x40, s14, s16, $0xb8;
	[tilespmem:$0x14C00] =	vst v63  }
0x172: {  	_ = 	snop  }
0x173: {  	[tilespmem:s19], [sflag:$0x1] =	stream.indirect.gather [hbm4b:s3+s14], $0x40, s18, s14, $0xb8;
	[tilespmem:$0x14C00] =	vst v63  }
0x174: {  	_ = 	snop  }
0x175: {  	[tilespmem:s21], [sflag:$0x2] =	stream.indirect.gather [hbm4b:s3+s16], $0x40, s20, s16, $0xb8;
	[tilespmem:$0x14C00] =	vst v63  }
0x176: {  	_ = 	snop  }
0x177: {  	[tilespmem:s23], [sflag:$0x1] =	stream.indirect.gather [hbm4b:s3+s14], $0x40, s22, s14, $0xb8;
	[tilespmem:$0x14C00] =	vst v63  }
0x178: {  	s0 =	simm.s32 $0x0  }
0x179: {  	[tilespmem:s25], [sflag:$0x2] =	stream.indirect.gather [hbm4b:s3+s16], $0x40, s24, s16, $0xb8;
	[tilespmem:$0x14C00] =	vst v63  }
.LBB2_14:
0x17a: {  	p0 =	sgt.u32 s0, $0x7C  }
0x17b: {  	s1 =	sand.u32 $0x3, s31;
	s4 =	sadd.s32 @!p0 $0x3, s0  }
0x17c: {  	s1 =	smul.u32 $0xC800, s1;
	s5 =	sand.u32 @!p0 $0x3, s4  }
0x17d: {  	_ =	swait.ge [sflag:s26], $0x1A00;
	s6 =	smul.u32 @!p0 $0xC800, s5  }
0x17e: {  	[sflag:s26] =	ssyncset.done $0x0;
	s8 =	simm.s32 @!p0 $0x68;
	s4 =	smul.u32 @!p0 $0x320, s4  }
0x17f: {  	[sflag:s26] =	ssyncadd.s32 $0xFFFFE600;
	s1 =	sshrl.u32 s1, $0x2;
	s6 =	sshrl.u32 @!p0 s6, $0x2  }
0x180: {  	s5 =	sadd.s32 $0x6500, s1;
	s4 =	sshra.s32 @!p0 s4, $0x2;
	s7 =	sadd.s32 @!p0 $0x6400, s6  }
0x181: {  	[tilespmem:s7], [sflag:$0x1] =	stream.indirect.gather @!p0 [hbm4b:s3+s8], $0x40, s4, s8, $0xb8;
	[tilespmem:$0x14C00] =	vst v63  }
0x182: {  	s6 =	sadd.s32 @!p0 $0x7E00, s6;
	s4 =	sadd.s32 @!p0 $0x68, s4;
	s7 =	simm.s32 @!p0 $0x60  }
0x183: {  	[tilespmem:s6], [sflag:$0x2] =	stream.indirect.gather @!p0 [hbm4b:s3+s7], $0x40, s4, s7, $0xb8;
	[tilespmem:$0x14C00] =	vst v63  }
0x184: {  	v0 =	vld [tilespmem:s5+$0xC0]  }
0x185: {  	v1 =	vld [tilespmem:s5+$0xD0]  }
0x186: {  	v2 =	vld [tilespmem:s5+$0x80]  }
0x187: {  	v3 =	vld [tilespmem:s5+$0x90]  }
0x188: {  	v4 =	vld [tilespmem:s5+$0x40]  }
0x189: {  	v5 =	vld [tilespmem:s5+$0x50]  }
0x18a: {  	v6 =	vld [tilespmem:s5+$0x0]  }
0x18b: {  	v7 =	vld [tilespmem:s5+$0x10]  }
0x18c: {  	v9 =	vld [tilespmem:s5+$0xFFFFFFC0]  }
0x18d: {  	v10 =	vld [tilespmem:s5+$0xFFFFFFD0]  }
0x18e: {  	v8 =	vld [tilespmem:s5+$0xFFFFFF80]  }
0x18f: {  	v11 =	vld [tilespmem:s5+$0xFFFFFF90]  }
0x190: {  	v12 =	vld [tilespmem:s5+$0xFFFFFF40]  }
0x191: {  	v13 =	vld [tilespmem:s5+$0xFFFFFF50]  }
0x192: {  	v14 =	vld [tilespmem:s5+$0xFFFFFF00]  }
0x193: {  	v15 =	vld [tilespmem:s5+$0xFFFFFF10]  }
0x194: {  	v16 =	vld [tilespmem:s5+$0xFFFFFF20]  }
0x195: {  	v17 =	vld [tilespmem:s5+$0xFFFFFF30]  }
0x196: {  	v18 =	vld [tilespmem:s5+$0xFFFFFF60]  }
0x197: {  	v19 =	vld [tilespmem:s5+$0xFFFFFF70]  }
0x198: {  	v20 =	vimm.f32 $0.0e+00;
	v21 =	vld [tilespmem:s5+$0xFFFFFFA0]  }
0x199: {  	v22 =	vld [tilespmem:s5+$0xFFFFFFB0];
	v14 =	vadd.f32 v14, v20;
	v15 =	vadd.f32 v15, v20  }
0x19a: {  	v63 =	vld [tilespmem:s5+$0xFFFFFFE0];
	v16 =	vadd.f32 v16, v20;
	v17 =	vadd.f32 v17, v20  }
0x19b: {  	v12 =	vadd.f32 v12, v14;
	v13 =	vadd.f32 v13, v15;
	v14 =	vld [tilespmem:s5+$0xFFFFFFF0]  }
0x19c: {  	v15 =	vadd.f32 v18, v16;
	v16 =	vadd.f32 v19, v17;
	v17 =	vld [tilespmem:s5+$0x20]  }
0x19d: {  	v12 =	vadd.f32 v8, v12;
	v11 =	vadd.f32 v11, v13;
	v13 =	vld [tilespmem:s5+$0x30]  }
0x19e: {  	v15 =	vadd.f32 v21, v15;
	v16 =	vadd.f32 v22, v16;
	v8 =	vld [tilespmem:s5+$0x60]  }
0x19f: {  	v12 =	vadd.f32 v9, v12;
	v10 =	vadd.f32 v10, v11;
	v11 =	vld [tilespmem:s5+$0x70]  }
0x1a0: {  	v15 =	vadd.f32 v63, v15;
	v9 =	vld [tilespmem:s5+$0xA0];
	v16 =	vadd.f32 v14, v16  }
0x1a1: {  	v6 =	vadd.f32 v6, v12;
	v7 =	vadd.f32 v7, v10;
	v12 =	vld [tilespmem:s5+$0xB0]  }
0x1a2: {  	v14 =	vadd.f32 v17, v15;
	v10 =	vld [tilespmem:s5+$0xE0];
	v15 =	vadd.f32 v13, v16  }
0x1a3: {  	s1 =	sadd.s32 $0x7FF0, s1;
	s4 =	simm.s32 $0x0;
	v13 =	vld [tilespmem:s5+$0xF0];
	s5 =	sadd.s32 $0x200, s5;
	v16 =	vadd.f32 v4, v6;
	v17 =	vadd.f32 v5, v7  }
.LBB2_15:
0x1a4: {  	v4 =	vld [tilespmem:s5+$0xC0];
	v5 =	vadd.f32 v8, v14;
	v6 =	vadd.f32 v11, v15  }
0x1a5: {  	v7 =	vld [tilespmem:s5+$0xD0];
	v8 =	vadd.f32 v2, v16;
	v11 =	vadd.f32 v3, v17  }
0x1a6: {  	v2 =	vld [tilespmem:s5+$0x80];
	v5 =	vadd.f32 v9, v5;
	v6 =	vadd.f32 v12, v6  }
0x1a7: {  	v3 =	vld [tilespmem:s5+$0x90];
	v8 =	vadd.f32 v0, v8;
	v9 =	vadd.f32 v1, v11  }
0x1a8: {  	v16 =	vld [tilespmem:s5+$0x40];
	v5 =	vadd.f32 v10, v5;
	v6 =	vadd.f32 v13, v6  }
0x1a9: {  	v13 =	vld [tilespmem:s5+$0x50];
	v0 =	vmov v4  }
0x1aa: {  	v4 =	vld [tilespmem:s5+$0x0];
	v1 =	vmov v7  }
0x1ab: {  	v7 =	vld [tilespmem:s5+$0x10]  }
0x1ac: {  	v10 =	vld [tilespmem:s5+$0xFFFFFFC0]  }
0x1ad: {  	v11 =	vld [tilespmem:s5+$0xFFFFFFD0]  }
0x1ae: {  	v12 =	vld [tilespmem:s5+$0xFFFFFF80]  }
0x1af: {  	v14 =	vld [tilespmem:s5+$0xFFFFFF90]  }
0x1b0: {  	v15 =	vld [tilespmem:s5+$0xFFFFFF40]  }
0x1b1: {  	v17 =	vld [tilespmem:s5+$0xFFFFFF50]  }
0x1b2: {  	v18 =	vld [tilespmem:s5+$0xFFFFFF00]  }
0x1b3: {  	v19 =	vld [tilespmem:s5+$0xFFFFFF10]  }
0x1b4: {  	v20 =	vld [tilespmem:s5+$0xFFFFFF20]  }
0x1b5: {  	s4 =	sadd.s32 $0x8, s4;
	v21 =	vld [tilespmem:s5+$0xFFFFFF30]  }
0x1b6: {  	p0 =	slt.u32 s4, $0x60;
	v22 =	vld [tilespmem:s5+$0xFFFFFF60]  }
0x1b7: {  	v23 =	vld [tilespmem:s5+$0xFFFFFF70]  }
0x1b8: {  	v24 =	vld [tilespmem:s5+$0xFFFFFFA0]  }
0x1b9: {  	v8 =	vadd.f32 v18, v8;
	v9 =	vadd.f32 v19, v9;
	v18 =	vld [tilespmem:s5+$0xFFFFFFB0]  }
0x1ba: {  	v5 =	vadd.f32 v20, v5;
	v6 =	vadd.f32 v21, v6;
	v19 =	vld [tilespmem:s5+$0xFFFFFFE0]  }
0x1bb: {  	v8 =	vadd.f32 v15, v8;
	v9 =	vadd.f32 v17, v9;
	v15 =	vld [tilespmem:s5+$0xFFFFFFF0]  }
0x1bc: {  	v5 =	vadd.f32 v22, v5;
	v6 =	vadd.f32 v23, v6;
	v17 =	vld [tilespmem:s5+$0x20]  }
0x1bd: {  	v12 =	vadd.f32 v12, v8;
	v9 =	vadd.f32 v14, v9;
	v20 =	vld [tilespmem:s5+$0x30]  }
0x1be: {  	v5 =	vadd.f32 v24, v5;
	v6 =	vadd.f32 v18, v6;
	v8 =	vld [tilespmem:s5+$0x60]  }
.Ltmp6:
0x1bf: {  	v10 =	vadd.f32 v10, v12;
	v12 =	vadd.f32 v11, v9;
	v11 =	vld [tilespmem:s5+$0x70];
	(pc) =	sbr.rel @p0 .LBB2_15-.Ltmp6, $4  }
0x1c0: {  	v5 =	vadd.f32 v19, v5;
	v6 =	vadd.f32 v15, v6;
	v9 =	vld [tilespmem:s5+$0xA0]  }
0x1c1: {  	v4 =	vadd.f32 v4, v10;
	v7 =	vadd.f32 v7, v12;
	v12 =	vld [tilespmem:s5+$0xB0]  }
0x1c2: {  	v14 =	vadd.f32 v17, v5;
	v15 =	vadd.f32 v20, v6;
	v10 =	vld [tilespmem:s5+$0xE0]  }
0x1c3: {  	v16 =	vadd.f32 v16, v4;
	v17 =	vadd.f32 v13, v7;
	v13 =	vld [tilespmem:s5+$0xF0];
	s5 =	sadd.s32 $0x200, s5  }
0x1c4: {  	_ =	swait.ge [sflag:s28], $0x1800  }
0x1c5: {  	[sflag:s28] =	ssyncset.done $0x0  }
0x1c6: {  	[sflag:s28] =	ssyncadd.s32 $0xFFFFE800  }
0x1c7: {  	v4 =	vld [tilespmem:s1+$0xFFFFFFD0]  }
0x1c8: {  	v5 =	vld [tilespmem:s1+$0xFFFFFFE0]  }
0x1c9: {  	v6 =	vld [tilespmem:s1+$0xFFFFFF90]  }
0x1ca: {  	v7 =	vld [tilespmem:s1+$0xFFFFFFA0]  }
0x1cb: {  	v18 =	vld [tilespmem:s1+$0xFFFFFF50]  }
0x1cc: {  	v19 =	vld [tilespmem:s1+$0xFFFFFF60]  }
0x1cd: {  	v20 =	vld [tilespmem:s1+$0xFFFFFF10]  }
0x1ce: {  	v21 =	vld [tilespmem:s1+$0xFFFFFF20]  }
0x1cf: {  	v22 =	vld [tilespmem:s1+$0xFFFFFED0]  }
0x1d0: {  	v23 =	vld [tilespmem:s1+$0xFFFFFEE0]  }
0x1d1: {  	v24 =	vld [tilespmem:s1+$0xFFFFFE90]  }
0x1d2: {  	v25 =	vld [tilespmem:s1+$0xFFFFFEA0]  }
0x1d3: {  	v26 =	vld [tilespmem:s1+$0xFFFFFE50]  }
0x1d4: {  	v27 =	vld [tilespmem:s1+$0xFFFFFE60]  }
0x1d5: {  	v28 =	vld [tilespmem:s1+$0xFFFFFE10]  }
0x1d6: {  	v29 =	vld [tilespmem:s1+$0xFFFFFE20]  }
0x1d7: {  	v8 =	vadd.f32 v8, v14;
	v11 =	vadd.f32 v11, v15;
	v14 =	vld [tilespmem:s1+$0xFFFFFE30]  }
0x1d8: {  	v2 =	vadd.f32 v2, v16;
	v3 =	vadd.f32 v3, v17;
	v15 =	vld [tilespmem:s1+$0xFFFFFE40]  }
0x1d9: {  	v8 =	vadd.f32 v9, v8;
	v9 =	vadd.f32 v12, v11;
	v11 =	vld [tilespmem:s1+$0xFFFFFE70]  }
0x1da: {  	v0 =	vadd.f32 v0, v2;
	v1 =	vadd.f32 v1, v3;
	v2 =	vld [tilespmem:s1+$0xFFFFFE80]  }
0x1db: {  	v3 =	vadd.f32 v10, v8;
	v8 =	vadd.f32 v13, v9;
	v9 =	vld [tilespmem:s1+$0xFFFFFEB0]  }
0x1dc: {  	v10 =	vld [tilespmem:s1+$0xFFFFFEC0];
	v0 =	vadd.f32 v28, v0;
	v1 =	vadd.f32 v29, v1  }
0x1dd: {  	v12 =	vld [tilespmem:s1+$0xFFFFFEF0];
	v3 =	vadd.f32 v14, v3;
	v8 =	vadd.f32 v15, v8  }
0x1de: {  	v13 =	vld [tilespmem:s1+$0xFFFFFF00];
	v0 =	vadd.f32 v26, v0;
	v1 =	vadd.f32 v27, v1  }
0x1df: {  	v14 =	vld [tilespmem:s1+$0xFFFFFF40];
	v3 =	vadd.f32 v11, v3;
	v2 =	vadd.f32 v2, v8  }
0x1e0: {  	v11 =	vld [tilespmem:s1+$0xFFFFFF30];
	v8 =	vadd.f32 v24, v0;
	v1 =	vadd.f32 v25, v1  }
0x1e1: {  	v9 =	vadd.f32 v9, v3;
	v2 =	vadd.f32 v10, v2;
	v0 =	vld [tilespmem:s1+$0xFFFFFF70]  }
0x1e2: {  	v3 =	vld [tilespmem:s1+$0xFFFFFF80];
	v8 =	vadd.f32 v22, v8;
	v10 =	vadd.f32 v23, v1  }
0x1e3: {  	v9 =	vadd.f32 v12, v9;
	v2 =	vadd.f32 v13, v2;
	v1 =	vld [tilespmem:s1+$0xFFFFFFB0]  }
0x1e4: {  	v12 =	vadd.f32 v20, v8;
	v15 =	vadd.f32 v21, v10;
	v8 =	vld [tilespmem:s1+$0xFFFFFFC0]  }
0x1e5: {  	v11 =	vadd.f32 v11, v9;
	v10 =	vadd.f32 v14, v2;
	v2 =	vld [tilespmem:s1+$0xFFFFFFF0]  }
0x1e6: {  	s4 =	simm.s32 $0x68;
	v9 =	vld [tilespmem:s1+$0x0];
	s1 =	sadd.s32 $0x200, s1;
	v13 =	vadd.f32 v18, v12;
	v12 =	vadd.f32 v19, v15  }
.LBB2_17:
0x1e7: {  	v14 =	vld [tilespmem:s1+$0xFFFFFFD0];
	v0 =	vadd.f32 v0, v11;
	v3 =	vadd.f32 v3, v10  }
0x1e8: {  	v10 =	vld [tilespmem:s1+$0xFFFFFFE0];
	v11 =	vadd.f32 v6, v13;
	v12 =	vadd.f32 v7, v12  }
0x1e9: {  	v6 =	vld [tilespmem:s1+$0xFFFFFF90];
	v0 =	vadd.f32 v1, v0;
	v1 =	vadd.f32 v8, v3  }
0x1ea: {  	v7 =	vld [tilespmem:s1+$0xFFFFFFA0];
	v3 =	vadd.f32 v4, v11;
	v8 =	vadd.f32 v5, v12  }
0x1eb: {  	v12 =	vld [tilespmem:s1+$0xFFFFFF50];
	v0 =	vadd.f32 v2, v0;
	v1 =	vadd.f32 v9, v1  }
0x1ec: {  	v9 =	vld [tilespmem:s1+$0xFFFFFF60];
	v4 =	vmov v14  }
0x1ed: {  	v2 =	vld [tilespmem:s1+$0xFFFFFF10];
	v5 =	vmov v10  }
0x1ee: {  	v10 =	vld [tilespmem:s1+$0xFFFFFF20]  }
0x1ef: {  	v11 =	vld [tilespmem:s1+$0xFFFFFED0]  }
0x1f0: {  	v13 =	vld [tilespmem:s1+$0xFFFFFEE0]  }
0x1f1: {  	v14 =	vld [tilespmem:s1+$0xFFFFFE90]  }
0x1f2: {  	v15 =	vld [tilespmem:s1+$0xFFFFFEA0]  }
0x1f3: {  	v16 =	vld [tilespmem:s1+$0xFFFFFE50]  }
0x1f4: {  	v17 =	vld [tilespmem:s1+$0xFFFFFE60]  }
0x1f5: {  	v18 =	vld [tilespmem:s1+$0xFFFFFE10]  }
0x1f6: {  	v19 =	vld [tilespmem:s1+$0xFFFFFE20]  }
0x1f7: {  	v20 =	vld [tilespmem:s1+$0xFFFFFE30]  }
0x1f8: {  	s4 =	sadd.s32 $0x8, s4;
	v21 =	vld [tilespmem:s1+$0xFFFFFE40]  }
0x1f9: {  	p0 =	slt.u32 s4, $0xC0;
	v22 =	vld [tilespmem:s1+$0xFFFFFE70]  }
0x1fa: {  	v23 =	vld [tilespmem:s1+$0xFFFFFE80]  }
0x1fb: {  	v24 =	vld [tilespmem:s1+$0xFFFFFEB0]  }
0x1fc: {  	v3 =	vadd.f32 v18, v3;
	v8 =	vadd.f32 v19, v8;
	v18 =	vld [tilespmem:s1+$0xFFFFFEC0]  }
0x1fd: {  	v0 =	vadd.f32 v20, v0;
	v1 =	vadd.f32 v21, v1;
	v19 =	vld [tilespmem:s1+$0xFFFFFEF0]  }
0x1fe: {  	v3 =	vadd.f32 v16, v3;
	v8 =	vadd.f32 v17, v8;
	v16 =	vld [tilespmem:s1+$0xFFFFFF00]  }
0x1ff: {  	v0 =	vadd.f32 v22, v0;
	v1 =	vadd.f32 v23, v1;
	v17 =	vld [tilespmem:s1+$0xFFFFFF30]  }
0x200: {  	v3 =	vadd.f32 v14, v3;
	v8 =	vadd.f32 v15, v8;
	v14 =	vld [tilespmem:s1+$0xFFFFFF40]  }
0x201: {  	v15 =	vadd.f32 v24, v0;
	v1 =	vadd.f32 v18, v1;
	v0 =	vld [tilespmem:s1+$0xFFFFFF70]  }
.Ltmp7:
0x202: {  	v11 =	vadd.f32 v11, v3;
	v8 =	vadd.f32 v13, v8;
	v3 =	vld [tilespmem:s1+$0xFFFFFF80];
	(pc) =	sbr.rel @p0 .LBB2_17-.Ltmp7, $4  }
0x203: {  	v13 =	vadd.f32 v19, v15;
	v15 =	vadd.f32 v16, v1;
	v1 =	vld [tilespmem:s1+$0xFFFFFFB0]  }
0x204: {  	v16 =	vadd.f32 v2, v11;
	v18 =	vadd.f32 v10, v8;
	v8 =	vld [tilespmem:s1+$0xFFFFFFC0]  }
0x205: {  	v11 =	vadd.f32 v17, v13;
	v10 =	vadd.f32 v14, v15;
	v2 =	vld [tilespmem:s1+$0xFFFFFFF0]  }
0x206: {  	v13 =	vadd.f32 v12, v16;
	v12 =	vadd.f32 v9, v18;
	v9 =	vld [tilespmem:s1+$0x0];
	s1 =	sadd.s32 $0x200, s1  }
0x207: {  	_ = 	snop  }
0x208: {  	v0 =	vadd.f32 v0, v11;
	v6 =	vadd.f32 v6, v13  }
0x209: {  	v3 =	vadd.f32 v3, v10;
	s1 =	sshll.u32 s0, $0x6;
	s0 =	sadd.s32 $0x1, s0;
	v7 =	vadd.f32 v7, v12  }
0x20a: {  	p0 =	sne.s32 s0, $0x80;
	v0 =	vadd.f32 v1, v0;
	v61 =	vadd.f32 v4, v6  }
.Ltmp8:
0x20b: {  	s1 =	sand.u32 $0x3FFFFFC0, s1;
	v3 =	vadd.f32 v8, v3;
	v62 =	vadd.f32 v5, v7;
	(pc) =	sbr.rel @p0 .LBB2_14-.Ltmp8, $4  }
0x20c: {  	v0 =	vadd.f32 v2, v0;
	[tilespmem:s1+$0x12C00] =	vst v61  }
0x20d: {  	v63 =	vadd.f32 v9, v3;
	[tilespmem:s1+$0x12C10] =	vst v62  }
0x20e: {  	[tilespmem:s1+$0x12C20] =	vst v0  }
0x20f: {  	s31 =	sadd.s32 $0x1, s31;
	[tilespmem:s1+$0x12C30] =	vst v63  }
0x210: {  	s31 =	simm.s32 $0x0  }
0x211: {  	[hbm4b:s9+s31] =	stream.linear.scatter [tilespmem:s29], [sflag:$0x3], $0x2000, $0x38;
	[tilespmem:$0x14C00] =	vst v63  }
0x212: {  	_ =	swait.ge [sflag:s13], $0x2000  }
0x213: {  	[sflag:s13] =	ssyncset.done $0x0  }
0x214: {  	[sflag:s13] =	ssyncadd.s32 $0xFFFFE000  }
0x215: {  	[tilespmem:s31], [sflag:$0x3] =	stream.linear.gather [hbm4b:s10+s31], $0x6400, $0x38;
	[tilespmem:$0x14C00] =	vst v63  }
0x216: {  	_ =	swait.ge [sflag:s13], $0x6400  }
0x217: {  	[sflag:s13] =	ssyncset.done $0x0  }
0x218: {  	[sflag:s13] =	ssyncadd.s32 $0xFFFF9C00  }
0x219: {  	[tilespmem:s15], [sflag:$0x1] =	stream.indirect.gather [hbm4b:s3+s14], $0x40, s31, s14, $0xb8;
	[tilespmem:$0x14C00] =	vst v63  }
0x21a: {  	_ = 	snop  }
0x21b: {  	[tilespmem:s17], [sflag:$0x2] =	stream.indirect.gather [hbm4b:s3+s16], $0x40, s14, s16, $0xb8;
	[tilespmem:$0x14C00] =	vst v63  }
0x21c: {  	_ = 	snop  }
0x21d: {  	[tilespmem:s19], [sflag:$0x1] =	stream.indirect.gather [hbm4b:s3+s14], $0x40, s18, s14, $0xb8;
	[tilespmem:$0x14C00] =	vst v63  }
0x21e: {  	_ = 	snop  }
0x21f: {  	[tilespmem:s21], [sflag:$0x2] =	stream.indirect.gather [hbm4b:s3+s16], $0x40, s20, s16, $0xb8;
	[tilespmem:$0x14C00] =	vst v63  }
0x220: {  	_ = 	snop  }
0x221: {  	[tilespmem:s23], [sflag:$0x1] =	stream.indirect.gather [hbm4b:s3+s14], $0x40, s22, s14, $0xb8;
	[tilespmem:$0x14C00] =	vst v63  }
0x222: {  	s0 =	simm.s32 $0x0  }
0x223: {  	[tilespmem:s25], [sflag:$0x2] =	stream.indirect.gather [hbm4b:s3+s16], $0x40, s24, s16, $0xb8;
	[tilespmem:$0x14C00] =	vst v63  }
.LBB2_20:
0x224: {  	p0 =	sgt.u32 s0, $0x7C  }
0x225: {  	s1 =	sand.u32 $0x3, s31;
	s4 =	sadd.s32 @!p0 $0x3, s0  }
0x226: {  	s1 =	smul.u32 $0xC800, s1;
	s5 =	sand.u32 @!p0 $0x3, s4  }
0x227: {  	_ =	swait.ge [sflag:s26], $0x1A00;
	s6 =	smul.u32 @!p0 $0xC800, s5  }
0x228: {  	[sflag:s26] =	ssyncset.done $0x0;
	s8 =	simm.s32 @!p0 $0x68;
	s4 =	smul.u32 @!p0 $0x320, s4  }
0x229: {  	[sflag:s26] =	ssyncadd.s32 $0xFFFFE600;
	s1 =	sshrl.u32 s1, $0x2;
	s6 =	sshrl.u32 @!p0 s6, $0x2  }
0x22a: {  	s5 =	sadd.s32 $0x6500, s1;
	s4 =	sshra.s32 @!p0 s4, $0x2;
	s7 =	sadd.s32 @!p0 $0x6400, s6  }
0x22b: {  	[tilespmem:s7], [sflag:$0x1] =	stream.indirect.gather @!p0 [hbm4b:s3+s8], $0x40, s4, s8, $0xb8;
	[tilespmem:$0x14C00] =	vst v63  }
0x22c: {  	s6 =	sadd.s32 @!p0 $0x7E00, s6;
	s4 =	sadd.s32 @!p0 $0x68, s4;
	s7 =	simm.s32 @!p0 $0x60  }
0x22d: {  	[tilespmem:s6], [sflag:$0x2] =	stream.indirect.gather @!p0 [hbm4b:s3+s7], $0x40, s4, s7, $0xb8;
	[tilespmem:$0x14C00] =	vst v63  }
0x22e: {  	v0 =	vld [tilespmem:s5+$0xC0]  }
0x22f: {  	v1 =	vld [tilespmem:s5+$0xD0]  }
0x230: {  	v2 =	vld [tilespmem:s5+$0x80]  }
0x231: {  	v3 =	vld [tilespmem:s5+$0x90]  }
0x232: {  	v4 =	vld [tilespmem:s5+$0x40]  }
0x233: {  	v5 =	vld [tilespmem:s5+$0x50]  }
0x234: {  	v6 =	vld [tilespmem:s5+$0x0]  }
0x235: {  	v7 =	vld [tilespmem:s5+$0x10]  }
0x236: {  	v9 =	vld [tilespmem:s5+$0xFFFFFFC0]  }
0x237: {  	v10 =	vld [tilespmem:s5+$0xFFFFFFD0]  }
0x238: {  	v8 =	vld [tilespmem:s5+$0xFFFFFF80]  }
0x239: {  	v11 =	vld [tilespmem:s5+$0xFFFFFF90]  }
0x23a: {  	v12 =	vld [tilespmem:s5+$0xFFFFFF40]  }
0x23b: {  	v13 =	vld [tilespmem:s5+$0xFFFFFF50]  }
0x23c: {  	v14 =	vld [tilespmem:s5+$0xFFFFFF00]  }
0x23d: {  	v15 =	vld [tilespmem:s5+$0xFFFFFF10]  }
0x23e: {  	v16 =	vld [tilespmem:s5+$0xFFFFFF20]  }
0x23f: {  	v17 =	vld [tilespmem:s5+$0xFFFFFF30]  }
0x240: {  	v18 =	vld [tilespmem:s5+$0xFFFFFF60]  }
0x241: {  	v19 =	vld [tilespmem:s5+$0xFFFFFF70]  }
0x242: {  	v20 =	vimm.f32 $0.0e+00;
	v21 =	vld [tilespmem:s5+$0xFFFFFFA0]  }
0x243: {  	v22 =	vld [tilespmem:s5+$0xFFFFFFB0];
	v14 =	vadd.f32 v14, v20;
	v15 =	vadd.f32 v15, v20  }
0x244: {  	v63 =	vld [tilespmem:s5+$0xFFFFFFE0];
	v16 =	vadd.f32 v16, v20;
	v17 =	vadd.f32 v17, v20  }
0x245: {  	v12 =	vadd.f32 v12, v14;
	v13 =	vadd.f32 v13, v15;
	v14 =	vld [tilespmem:s5+$0xFFFFFFF0]  }
0x246: {  	v15 =	vadd.f32 v18, v16;
	v16 =	vadd.f32 v19, v17;
	v17 =	vld [tilespmem:s5+$0x20]  }
0x247: {  	v12 =	vadd.f32 v8, v12;
	v11 =	vadd.f32 v11, v13;
	v13 =	vld [tilespmem:s5+$0x30]  }
0x248: {  	v15 =	vadd.f32 v21, v15;
	v16 =	vadd.f32 v22, v16;
	v8 =	vld [tilespmem:s5+$0x60]  }
0x249: {  	v12 =	vadd.f32 v9, v12;
	v10 =	vadd.f32 v10, v11;
	v11 =	vld [tilespmem:s5+$0x70]  }
0x24a: {  	v15 =	vadd.f32 v63, v15;
	v9 =	vld [tilespmem:s5+$0xA0];
	v16 =	vadd.f32 v14, v16  }
0x24b: {  	v6 =	vadd.f32 v6, v12;
	v7 =	vadd.f32 v7, v10;
	v12 =	vld [tilespmem:s5+$0xB0]  }
0x24c: {  	v14 =	vadd.f32 v17, v15;
	v10 =	vld [tilespmem:s5+$0xE0];
	v15 =	vadd.f32 v13, v16  }
0x24d: {  	s1 =	sadd.s32 $0x7FF0, s1;
	s4 =	simm.s32 $0x0;
	v13 =	vld [tilespmem:s5+$0xF0];
	s5 =	sadd.s32 $0x200, s5;
	v16 =	vadd.f32 v4, v6;
	v17 =	vadd.f32 v5, v7  }
.LBB2_21:
0x24e: {  	v4 =	vld [tilespmem:s5+$0xC0];
	v5 =	vadd.f32 v8, v14;
	v6 =	vadd.f32 v11, v15  }
0x24f: {  	v7 =	vld [tilespmem:s5+$0xD0];
	v8 =	vadd.f32 v2, v16;
	v11 =	vadd.f32 v3, v17  }
0x250: {  	v2 =	vld [tilespmem:s5+$0x80];
	v5 =	vadd.f32 v9, v5;
	v6 =	vadd.f32 v12, v6  }
0x251: {  	v3 =	vld [tilespmem:s5+$0x90];
	v8 =	vadd.f32 v0, v8;
	v9 =	vadd.f32 v1, v11  }
0x252: {  	v16 =	vld [tilespmem:s5+$0x40];
	v5 =	vadd.f32 v10, v5;
	v6 =	vadd.f32 v13, v6  }
0x253: {  	v13 =	vld [tilespmem:s5+$0x50];
	v0 =	vmov v4  }
0x254: {  	v4 =	vld [tilespmem:s5+$0x0];
	v1 =	vmov v7  }
0x255: {  	v7 =	vld [tilespmem:s5+$0x10]  }
0x256: {  	v10 =	vld [tilespmem:s5+$0xFFFFFFC0]  }
0x257: {  	v11 =	vld [tilespmem:s5+$0xFFFFFFD0]  }
0x258: {  	v12 =	vld [tilespmem:s5+$0xFFFFFF80]  }
0x259: {  	v14 =	vld [tilespmem:s5+$0xFFFFFF90]  }
0x25a: {  	v15 =	vld [tilespmem:s5+$0xFFFFFF40]  }
0x25b: {  	v17 =	vld [tilespmem:s5+$0xFFFFFF50]  }
0x25c: {  	v18 =	vld [tilespmem:s5+$0xFFFFFF00]  }
0x25d: {  	v19 =	vld [tilespmem:s5+$0xFFFFFF10]  }
0x25e: {  	v20 =	vld [tilespmem:s5+$0xFFFFFF20]  }
0x25f: {  	s4 =	sadd.s32 $0x8, s4;
	v21 =	vld [tilespmem:s5+$0xFFFFFF30]  }
0x260: {  	p0 =	slt.u32 s4, $0x60;
	v22 =	vld [tilespmem:s5+$0xFFFFFF60]  }
0x261: {  	v23 =	vld [tilespmem:s5+$0xFFFFFF70]  }
0x262: {  	v24 =	vld [tilespmem:s5+$0xFFFFFFA0]  }
0x263: {  	v8 =	vadd.f32 v18, v8;
	v9 =	vadd.f32 v19, v9;
	v18 =	vld [tilespmem:s5+$0xFFFFFFB0]  }
0x264: {  	v5 =	vadd.f32 v20, v5;
	v6 =	vadd.f32 v21, v6;
	v19 =	vld [tilespmem:s5+$0xFFFFFFE0]  }
0x265: {  	v8 =	vadd.f32 v15, v8;
	v9 =	vadd.f32 v17, v9;
	v15 =	vld [tilespmem:s5+$0xFFFFFFF0]  }
0x266: {  	v5 =	vadd.f32 v22, v5;
	v6 =	vadd.f32 v23, v6;
	v17 =	vld [tilespmem:s5+$0x20]  }
0x267: {  	v12 =	vadd.f32 v12, v8;
	v9 =	vadd.f32 v14, v9;
	v20 =	vld [tilespmem:s5+$0x30]  }
0x268: {  	v5 =	vadd.f32 v24, v5;
	v6 =	vadd.f32 v18, v6;
	v8 =	vld [tilespmem:s5+$0x60]  }
.Ltmp9:
0x269: {  	v10 =	vadd.f32 v10, v12;
	v12 =	vadd.f32 v11, v9;
	v11 =	vld [tilespmem:s5+$0x70];
	(pc) =	sbr.rel @p0 .LBB2_21-.Ltmp9, $4  }
0x26a: {  	v5 =	vadd.f32 v19, v5;
	v6 =	vadd.f32 v15, v6;
	v9 =	vld [tilespmem:s5+$0xA0]  }
0x26b: {  	v4 =	vadd.f32 v4, v10;
	v7 =	vadd.f32 v7, v12;
	v12 =	vld [tilespmem:s5+$0xB0]  }
0x26c: {  	v14 =	vadd.f32 v17, v5;
	v15 =	vadd.f32 v20, v6;
	v10 =	vld [tilespmem:s5+$0xE0]  }
0x26d: {  	v16 =	vadd.f32 v16, v4;
	v17 =	vadd.f32 v13, v7;
	v13 =	vld [tilespmem:s5+$0xF0];
	s5 =	sadd.s32 $0x200, s5  }
0x26e: {  	_ =	swait.ge [sflag:s28], $0x1800  }
0x26f: {  	[sflag:s28] =	ssyncset.done $0x0  }
0x270: {  	[sflag:s28] =	ssyncadd.s32 $0xFFFFE800  }
0x271: {  	v4 =	vld [tilespmem:s1+$0xFFFFFFD0]  }
0x272: {  	v5 =	vld [tilespmem:s1+$0xFFFFFFE0]  }
0x273: {  	v6 =	vld [tilespmem:s1+$0xFFFFFF90]  }
0x274: {  	v7 =	vld [tilespmem:s1+$0xFFFFFFA0]  }
0x275: {  	v18 =	vld [tilespmem:s1+$0xFFFFFF50]  }
0x276: {  	v19 =	vld [tilespmem:s1+$0xFFFFFF60]  }
0x277: {  	v20 =	vld [tilespmem:s1+$0xFFFFFF10]  }
0x278: {  	v21 =	vld [tilespmem:s1+$0xFFFFFF20]  }
0x279: {  	v22 =	vld [tilespmem:s1+$0xFFFFFED0]  }
0x27a: {  	v23 =	vld [tilespmem:s1+$0xFFFFFEE0]  }
0x27b: {  	v24 =	vld [tilespmem:s1+$0xFFFFFE90]  }
0x27c: {  	v25 =	vld [tilespmem:s1+$0xFFFFFEA0]  }
0x27d: {  	v26 =	vld [tilespmem:s1+$0xFFFFFE50]  }
0x27e: {  	v27 =	vld [tilespmem:s1+$0xFFFFFE60]  }
0x27f: {  	v28 =	vld [tilespmem:s1+$0xFFFFFE10]  }
0x280: {  	v29 =	vld [tilespmem:s1+$0xFFFFFE20]  }
0x281: {  	v8 =	vadd.f32 v8, v14;
	v11 =	vadd.f32 v11, v15;
	v14 =	vld [tilespmem:s1+$0xFFFFFE30]  }
0x282: {  	v2 =	vadd.f32 v2, v16;
	v3 =	vadd.f32 v3, v17;
	v15 =	vld [tilespmem:s1+$0xFFFFFE40]  }
0x283: {  	v8 =	vadd.f32 v9, v8;
	v9 =	vadd.f32 v12, v11;
	v11 =	vld [tilespmem:s1+$0xFFFFFE70]  }
0x284: {  	v0 =	vadd.f32 v0, v2;
	v1 =	vadd.f32 v1, v3;
	v2 =	vld [tilespmem:s1+$0xFFFFFE80]  }
0x285: {  	v3 =	vadd.f32 v10, v8;
	v8 =	vadd.f32 v13, v9;
	v9 =	vld [tilespmem:s1+$0xFFFFFEB0]  }
0x286: {  	v10 =	vld [tilespmem:s1+$0xFFFFFEC0];
	v0 =	vadd.f32 v28, v0;
	v1 =	vadd.f32 v29, v1  }
0x287: {  	v12 =	vld [tilespmem:s1+$0xFFFFFEF0];
	v3 =	vadd.f32 v14, v3;
	v8 =	vadd.f32 v15, v8  }
0x288: {  	v13 =	vld [tilespmem:s1+$0xFFFFFF00];
	v0 =	vadd.f32 v26, v0;
	v1 =	vadd.f32 v27, v1  }
0x289: {  	v14 =	vld [tilespmem:s1+$0xFFFFFF40];
	v3 =	vadd.f32 v11, v3;
	v2 =	vadd.f32 v2, v8  }
0x28a: {  	v11 =	vld [tilespmem:s1+$0xFFFFFF30];
	v8 =	vadd.f32 v24, v0;
	v1 =	vadd.f32 v25, v1  }
0x28b: {  	v9 =	vadd.f32 v9, v3;
	v2 =	vadd.f32 v10, v2;
	v0 =	vld [tilespmem:s1+$0xFFFFFF70]  }
0x28c: {  	v3 =	vld [tilespmem:s1+$0xFFFFFF80];
	v8 =	vadd.f32 v22, v8;
	v10 =	vadd.f32 v23, v1  }
0x28d: {  	v9 =	vadd.f32 v12, v9;
	v2 =	vadd.f32 v13, v2;
	v1 =	vld [tilespmem:s1+$0xFFFFFFB0]  }
0x28e: {  	v12 =	vadd.f32 v20, v8;
	v15 =	vadd.f32 v21, v10;
	v8 =	vld [tilespmem:s1+$0xFFFFFFC0]  }
0x28f: {  	v11 =	vadd.f32 v11, v9;
	v10 =	vadd.f32 v14, v2;
	v2 =	vld [tilespmem:s1+$0xFFFFFFF0]  }
0x290: {  	s4 =	simm.s32 $0x68;
	v9 =	vld [tilespmem:s1+$0x0];
	s1 =	sadd.s32 $0x200, s1;
	v13 =	vadd.f32 v18, v12;
	v12 =	vadd.f32 v19, v15  }
.LBB2_23:
0x291: {  	v14 =	vld [tilespmem:s1+$0xFFFFFFD0];
	v0 =	vadd.f32 v0, v11;
	v3 =	vadd.f32 v3, v10  }
0x292: {  	v10 =	vld [tilespmem:s1+$0xFFFFFFE0];
	v11 =	vadd.f32 v6, v13;
	v12 =	vadd.f32 v7, v12  }
0x293: {  	v6 =	vld [tilespmem:s1+$0xFFFFFF90];
	v0 =	vadd.f32 v1, v0;
	v1 =	vadd.f32 v8, v3  }
0x294: {  	v7 =	vld [tilespmem:s1+$0xFFFFFFA0];
	v3 =	vadd.f32 v4, v11;
	v8 =	vadd.f32 v5, v12  }
0x295: {  	v12 =	vld [tilespmem:s1+$0xFFFFFF50];
	v0 =	vadd.f32 v2, v0;
	v1 =	vadd.f32 v9, v1  }
0x296: {  	v9 =	vld [tilespmem:s1+$0xFFFFFF60];
	v4 =	vmov v14  }
0x297: {  	v2 =	vld [tilespmem:s1+$0xFFFFFF10];
	v5 =	vmov v10  }
0x298: {  	v10 =	vld [tilespmem:s1+$0xFFFFFF20]  }
0x299: {  	v11 =	vld [tilespmem:s1+$0xFFFFFED0]  }
0x29a: {  	v13 =	vld [tilespmem:s1+$0xFFFFFEE0]  }
0x29b: {  	v14 =	vld [tilespmem:s1+$0xFFFFFE90]  }
0x29c: {  	v15 =	vld [tilespmem:s1+$0xFFFFFEA0]  }
0x29d: {  	v16 =	vld [tilespmem:s1+$0xFFFFFE50]  }
0x29e: {  	v17 =	vld [tilespmem:s1+$0xFFFFFE60]  }
0x29f: {  	v18 =	vld [tilespmem:s1+$0xFFFFFE10]  }
0x2a0: {  	v19 =	vld [tilespmem:s1+$0xFFFFFE20]  }
0x2a1: {  	v20 =	vld [tilespmem:s1+$0xFFFFFE30]  }
0x2a2: {  	s4 =	sadd.s32 $0x8, s4;
	v21 =	vld [tilespmem:s1+$0xFFFFFE40]  }
0x2a3: {  	p0 =	slt.u32 s4, $0xC0;
	v22 =	vld [tilespmem:s1+$0xFFFFFE70]  }
0x2a4: {  	v23 =	vld [tilespmem:s1+$0xFFFFFE80]  }
0x2a5: {  	v24 =	vld [tilespmem:s1+$0xFFFFFEB0]  }
0x2a6: {  	v3 =	vadd.f32 v18, v3;
	v8 =	vadd.f32 v19, v8;
	v18 =	vld [tilespmem:s1+$0xFFFFFEC0]  }
0x2a7: {  	v0 =	vadd.f32 v20, v0;
	v1 =	vadd.f32 v21, v1;
	v19 =	vld [tilespmem:s1+$0xFFFFFEF0]  }
0x2a8: {  	v3 =	vadd.f32 v16, v3;
	v8 =	vadd.f32 v17, v8;
	v16 =	vld [tilespmem:s1+$0xFFFFFF00]  }
0x2a9: {  	v0 =	vadd.f32 v22, v0;
	v1 =	vadd.f32 v23, v1;
	v17 =	vld [tilespmem:s1+$0xFFFFFF30]  }
0x2aa: {  	v3 =	vadd.f32 v14, v3;
	v8 =	vadd.f32 v15, v8;
	v14 =	vld [tilespmem:s1+$0xFFFFFF40]  }
0x2ab: {  	v15 =	vadd.f32 v24, v0;
	v1 =	vadd.f32 v18, v1;
	v0 =	vld [tilespmem:s1+$0xFFFFFF70]  }
.Ltmp10:
0x2ac: {  	v11 =	vadd.f32 v11, v3;
	v8 =	vadd.f32 v13, v8;
	v3 =	vld [tilespmem:s1+$0xFFFFFF80];
	(pc) =	sbr.rel @p0 .LBB2_23-.Ltmp10, $4  }
0x2ad: {  	v13 =	vadd.f32 v19, v15;
	v15 =	vadd.f32 v16, v1;
	v1 =	vld [tilespmem:s1+$0xFFFFFFB0]  }
0x2ae: {  	v16 =	vadd.f32 v2, v11;
	v18 =	vadd.f32 v10, v8;
	v8 =	vld [tilespmem:s1+$0xFFFFFFC0]  }
0x2af: {  	v11 =	vadd.f32 v17, v13;
	v10 =	vadd.f32 v14, v15;
	v2 =	vld [tilespmem:s1+$0xFFFFFFF0]  }
0x2b0: {  	v13 =	vadd.f32 v12, v16;
	v12 =	vadd.f32 v9, v18;
	v9 =	vld [tilespmem:s1+$0x0];
	s1 =	sadd.s32 $0x200, s1  }
0x2b1: {  	_ = 	snop  }
0x2b2: {  	v0 =	vadd.f32 v0, v11;
	v6 =	vadd.f32 v6, v13  }
0x2b3: {  	v3 =	vadd.f32 v3, v10;
	s1 =	sshll.u32 s0, $0x6;
	s0 =	sadd.s32 $0x1, s0;
	v7 =	vadd.f32 v7, v12  }
0x2b4: {  	p0 =	sne.s32 s0, $0x80;
	v0 =	vadd.f32 v1, v0;
	v61 =	vadd.f32 v4, v6  }
.Ltmp11:
0x2b5: {  	s1 =	sand.u32 $0x3FFFFFC0, s1;
	v3 =	vadd.f32 v8, v3;
	v62 =	vadd.f32 v5, v7;
	(pc) =	sbr.rel @p0 .LBB2_20-.Ltmp11, $4  }
0x2b6: {  	v0 =	vadd.f32 v2, v0;
	[tilespmem:s1+$0x12C00] =	vst v61  }
0x2b7: {  	v63 =	vadd.f32 v9, v3;
	[tilespmem:s1+$0x12C10] =	vst v62  }
0x2b8: {  	[tilespmem:s1+$0x12C20] =	vst v0  }
0x2b9: {  	s31 =	sadd.s32 $0x1, s31;
	[tilespmem:s1+$0x12C30] =	vst v63  }
0x2ba: {  	s30 =	sadd.s32 $0x1, s30  }
0x2bb: {  	p0 =	sne.s32 s30, s12  }
.Ltmp12:
0x2bc: {  	_ = 	snop;
	(pc) =	sbr.rel @p0 .LBB2_1-.Ltmp12, $4  }
0x2bd: {  	[hbm4b:s11+s2] =	stream.linear.scatter [tilespmem:s29], [sflag:$0x3], $0x2000, $0x38;
	[tilespmem:$0x14C00] =	vst v63  }
0x2be: {  	_ =	swait.ge [sflag:s13], $0x2000  }
0x2bf: {  	[sflag:s13] =	ssyncset.done $0x0  }
0x2c0: {  	[sflag:s13] =	ssyncadd.s32 $0xFFFFE000  }
0x2c1: {  	_ =	sfence.sel $0x180000  }
0x2c2: {  	[bflag:$0x0] =	sbarrier.arrive $0xFFFF  }
0x2c3: {  	_ =	strace $0x90000047  }
0x2c4: {  	s0 =	stileid.u32;
	[bflag:$0x2] =	sbarrier.arrive $0xFFFF  }
0x2c5: {  	p0 =	sne.s32 s0, $0x0;
	s0 =	rddreg [dreg:$0x2]  }
0x2c6: {  	s0 =	sadd.s32 @!p0 $0x100000, s0  }
0x2c7: {  	[sflag:s0] =	ssyncadd.tile.s32 @!p0 $0x1;
	_ =	shalt  }
.Lfunc_end2:
_tile_overlayer_lowered:
.L_overlay_start_2:
0x2c8: {  	(tag) =	ssettag $0x2  }
0x2c9: {  	s0 =	rddreg [dreg:$0x0];
	s2 =	stileid.u32  }
0x2ca: {  	s1 =	rddreg [dreg:$0x1];
	p0 =	sne.s32 s2, $0x0  }
0x2cb: {  	s3 =	rddreg [dreg:$0x2];
	[bflag:$0x3] =	sbarrier.arrive $0xFFFF;
	s2 =	simm.s32 @!p0 $0x1C03  }
0x2cc: {  	[timem:s3], [sflag:s2] =	dma.local @!p0 [hbm:s0], s1  }
0x2cd: {  	s0 =	simm.s32 @!p0 $0x3  }
0x2ce: {  	_ =	swait.ge @!p0 [sflag:s0], s1  }
0x2cf: {  	s1 =	ssub.s32 @!p0 $0x0, s1;
	[sflag:s0] =	ssyncset.done @!p0 $0x0  }
0x2d0: {  	[sflag:s0] =	ssyncadd.s32 @!p0 s1  }
0x2d1: {  	[bflag:$0x3] =	sbarrier.arrive $0xFFFF  }
0x2d2: {  	_ =	shalt  }

// kernel: kernel.8.cloned.1.call-start
scs
__scs_entry_jumppad:
0x0: {  	(pc) =	sbr.rel $0x88, $3  }
0x1: {  	(tag) =	ssettag $0x0;
	lr =	simm.s32 $0x1  }
0x2: {  	[smem:$0x3F98] =	sst lr;
	_ =	strace $0xD0000000  }
0x3: {  	_ = 	snop  }
0x4: {  	_ = 	snop  }
0x5: {  	_ = 	snop  }
0x6: {  	_ = 	snop  }
0x7: {  	_ = 	snop  }
__scs_overlays_trampoline_lowered:
0x8: {  	[smem:$0x3FA7] =	sst s0  }
0x9: {  	[smem:$0x3FA8] =	sst s1  }
0xa: {  	[smem:$0x3FA9] =	sst s2  }
0xb: {  	[smem:$0x3FAA] =	sst s3  }
0xc: {  	[smem:$0x3FAB] =	sst s4  }
0xd: {  	[smem:$0x3FAC] =	sst s5  }
0xe: {  	[smem:$0x3FAD] =	sst s6  }
0xf: {  	[smem:$0x3FAE] =	sst s7  }
0x10: {  	[smem:$0x3FAF] =	sst s8  }
0x11: {  	[smem:$0x3FB0] =	sst s9;
	s0 =	simm.s32 @!p0 $0x0  }
0x12: {  	s1 =	sld [smem:$0x3F96];
	s0 =	simm.s32 @p0 $0x1  }
0x13: {  	[smem:$0x3FB1] =	sst s0;
	s0 =	simm.s32 @!p1 $0x0  }
0x14: {  	s2 =	sld [smem:$0x3F95];
	s0 =	simm.s32 @p1 $0x1  }
0x15: {  	[smem:$0x3FB2] =	sst s0;
	s0 =	simm.s32 @!p2 $0x0  }
0x16: {  	s3 =	sld [smem:$0x3FDB];
	s0 =	simm.s32 @p2 $0x1  }
0x17: {  	s4 =	simm.s32 $0x1BF5;
	[smem:$0x3FB4] =	sst s0  }
0x18: {  	s0 =	sld [smem:$0x3F97];
	_ =	swait.ge [sflag:s4], $0x0  }
0x19: {  	s7 =	sld [smem:$0x3F98]  }
0x1a: {  	s8 =	sadd.s32 $0xFFFFE003, lr  }
0x1b: {  	s9 =	sadd.s32 $0xFFFFFEF7, lr;
	s5 =	simm.s32 $0xFFFFFFFF;
	p2 =	slt.u32 s8, $0xFFFFF086  }
0x1c: {  	p1 =	slt.u32 s9, $0xF7A;
	s5 =	simm.s32 @!p2 $0x0  }
0x1d: {  	s5 =	simm.s32 @p1 $0x1;
	p0 =	seq.s32 s7, s2  }
0x1e: {  	s7 =	smul.u32 @!p0 $0xF7A, s2;
	p2 =	seq.s32 @!p0 s5, $0x0  }
0x1f: {  	s9 =	smul.u32 $0xF7A, s1;
	s8 =	simm.s32 @!p0 $0x1BF5;
	p2 =	por !p2, p0  }
0x20: {  	[sflag:s8] =	ssyncset.s32 @!p0 $0xFFFFF086;
	s6 =	sadd.s32 @!p0 s3, s7;
	s7 =	simm.s32 @!p0 $0x108  }
0x21: {  	s3 =	sadd.s32 s3, s9;
	s6 =	sadd.s32 @!p0 $0x88, s6;
	s7 =	simm.s32 @p2 $0x1082  }
0x22: {  	[simem:s7], [sflag:s8] =	dma.local @!p0 [hbm:s6], $0xF7A  }
0x23: {  	s9 =	sor.u32 $0xD0000000, s2;
	s6 =	simm.s32 $0x108;
	_ =	swait.ge @!p0 [sflag:s8], $0x0  }
0x24: {  	s3 =	sadd.s32 $0x88, s3;
	s6 =	simm.s32 @!p1 $0x1082;
	[sflag:s4] =	ssyncset.s32 $0xFFFFF086  }
0x25: {  	[simem:s6], [sflag:s4] =	dma.local [hbm:s3], $0xF7A  }
0x26: {  	[smem:$0x3F98] =	sst s1;
	(tag) =	ssettag s2;
	_ =	strace s9  }
0x27: {  	s1 =	sld [smem:$0x3FA8]  }
0x28: {  	s2 =	sld [smem:$0x3FA9]  }
0x29: {  	s4 =	sld [smem:$0x3FAB]  }
0x2a: {  	p0 =	seq.s32 s5, $0x0;
	s5 =	sld [smem:$0x3FAC]  }
0x2b: {  	s6 =	sld [smem:$0x3FAD]  }
0x2c: {  	s7 =	sld [smem:$0x3FAE]  }
0x2d: {  	s3 =	simm.s32 $0x108;
	s8 =	sld [smem:$0x3FAF]  }
0x2e: {  	s3 =	simm.s32 @!p0 $0x1082;
	s9 =	sld [smem:$0x3FB0]  }
0x2f: {  	lr =	sadd.s32 s0, s3;
	s0 =	sld [smem:$0x3FA7]  }
0x30: {  	s3 =	sld [smem:$0x3FAA]  }
0x31: {  	[smem:$0x3FB3] =	sst s10  }
0x32: {  	s10 =	sld [smem:$0x3FB1];
	_ =	sdelay $0x3  }
0x33: {  	p0 =	seq.s32 s10, $0x1;
	s10 =	sld [smem:$0x3FB3];
	_ =	sdelay $0x3  }
0x34: {  	[smem:$0x3FB3] =	sst s10  }
0x35: {  	s10 =	sld [smem:$0x3FB2];
	_ =	sdelay $0x3  }
0x36: {  	p1 =	seq.s32 s10, $0x1;
	s10 =	sld [smem:$0x3FB3];
	_ =	sdelay $0x3  }
0x37: {  	[smem:$0x3FB3] =	sst s10  }
0x38: {  	s10 =	sld [smem:$0x3FB4]  }
0x39: {  	_ = 	snop;
	(pc) =	sbr.ind lr, $3  }
0x3a: {  	_ = 	snop  }
0x3b: {  	_ = 	snop  }
0x3c: {  	p2 =	seq.s32 s10, $0x1;
	s10 =	sld [smem:$0x3FB3]  }
0x3d: {  	_ =	shalt  }
0x3e: {  	_ =	shalt  }
0x3f: {  	_ =	shalt  }
0x40: {  	_ =	shalt  }
0x41: {  	_ =	shalt  }
0x42: {  	_ =	shalt  }
0x43: {  	_ =	shalt  }
0x44: {  	_ =	shalt  }
0x45: {  	_ =	shalt  }
0x46: {  	_ =	shalt  }
0x47: {  	_ =	shalt  }
0x48: {  	_ =	shalt  }
0x49: {  	_ =	shalt  }
0x4a: {  	_ =	shalt  }
0x4b: {  	_ =	shalt  }
0x4c: {  	_ =	shalt  }
0x4d: {  	_ =	shalt  }
0x4e: {  	_ =	shalt  }
0x4f: {  	_ =	shalt  }
0x50: {  	_ =	shalt  }
0x51: {  	_ =	shalt  }
0x52: {  	_ =	shalt  }
0x53: {  	_ =	shalt  }
0x54: {  	_ =	shalt  }
0x55: {  	_ =	shalt  }
0x56: {  	_ =	shalt  }
0x57: {  	_ =	shalt  }
0x58: {  	_ =	shalt  }
0x59: {  	_ =	shalt  }
0x5a: {  	_ =	shalt  }
0x5b: {  	_ =	shalt  }
0x5c: {  	_ =	shalt  }
0x5d: {  	_ =	shalt  }
0x5e: {  	_ =	shalt  }
0x5f: {  	_ =	shalt  }
0x60: {  	_ =	shalt  }
0x61: {  	_ =	shalt  }
0x62: {  	_ =	shalt  }
0x63: {  	_ =	shalt  }
0x64: {  	_ =	shalt  }
0x65: {  	_ =	shalt  }
0x66: {  	_ =	shalt  }
0x67: {  	_ =	shalt  }
0x68: {  	_ =	shalt  }
0x69: {  	_ =	shalt  }
0x6a: {  	_ =	shalt  }
0x6b: {  	_ =	shalt  }
0x6c: {  	_ =	shalt  }
0x6d: {  	_ =	shalt  }
0x6e: {  	_ =	shalt  }
0x6f: {  	_ =	shalt  }
0x70: {  	_ =	shalt  }
0x71: {  	_ =	shalt  }
0x72: {  	_ =	shalt  }
0x73: {  	_ =	shalt  }
0x74: {  	_ =	shalt  }
0x75: {  	_ =	shalt  }
0x76: {  	_ =	shalt  }
0x77: {  	_ =	shalt  }
0x78: {  	_ =	shalt  }
0x79: {  	_ =	shalt  }
0x7a: {  	_ =	shalt  }
0x7b: {  	_ =	shalt  }
0x7c: {  	_ =	shalt  }
0x7d: {  	_ =	shalt  }
0x7e: {  	_ =	shalt  }
0x7f: {  	_ =	shalt  }
0x80: {  	_ =	shalt  }
0x81: {  	_ =	shalt  }
0x82: {  	_ =	shalt  }
0x83: {  	_ =	shalt  }
0x84: {  	_ =	shalt  }
0x85: {  	_ =	shalt  }
0x86: {  	_ =	shalt  }
0x87: {  	_ =	shalt  }
.Lfunc_end0:
.L_simem_size_0:
called_computation.1_lowered:
.L_overlay_start_0:
0x88: {  	s2 =	sld [smem:$0x3FD9]  }
0x89: {  	s3 =	sld [smem:$0x3FFE];
	_ =	sdelay $0x1  }
0x8a: {  	s1 =	srdreg.scid  }
0x8b: {  	s0 =	sand.u32 $0x1, s1  }
0x8c: {  	s17 =	sshll.u32 s0, $0xA;
	s2 =	sadd.s32 s3, s2  }
0x8d: {  	s2 =	sadd.s32 s2, s17  }
0x8e: {  	[smem:$0x3FBF] =	sst s2  }
0x8f: {  	_ = 	snop  }
0x90: {  	s2 =	sld [smem:$0x3FC9]  }
0x91: {  	s18 =	sld [smem:$0x3FD0];
	(tm) =	ssettm $0x1  }
0x92: {  	s4 =	sld [smem:$0x3FFB];
	_ =	sdelay $0x3  }
0x93: {  	_ =	strace s4  }
0x94: {  	s4 =	sld [smem:$0x3FFC];
	_ =	sdelay $0x3  }
0x95: {  	_ =	strace s4  }
0x96: {  	s4 =	sld [smem:$0x3FFD];
	_ =	sdelay $0x3  }
0x97: {  	_ =	strace s4  }
0x98: {  	_ =	strace $0x8FFFFFFF  }
0x99: {  	s19 =	sld [smem:$0x3FDB];
	_ =	sdelay $0x1  }
0x9a: {  	s5 =	simm.s32 $_scs_section_size  }
0x9b: {  	s6 =	simm.s32 $_size__tile_overlayer_lowered;
	s7 =	simm.s32 $_tile_overlayer_lowered  }
0x9c: {  	s22 =	simm.s32 $0x1BFF;
	s21 =	sshll.u32 s7, $0x1;
	s4 =	sadd.s32 s5, s19  }
0x9d: {  	s8 =	simm.s32 $0x0;
	s20 =	sshll.u32 s6, $0x1;
	s6 =	sadd.s32 s21, s4  }
0x9e: {  	[timem:s8], [sflag:s22] =	dma.local [hbm:s6], s20  }
0x9f: {  	_ =	swait.ge [sflag:s22], s20  }
0xa0: {  	s5 =	ssub.s32 $0x0, s20;
	[sflag:s22] =	ssyncset.done $0x0  }
0xa1: {  	[sflag:s22] =	ssyncadd.s32 s5;
	_ =	sdelay $0x1  }
0xa2: {  	s23 =	simm.s32 $0x1B8B  }
0xa3: {  	_ =	swait.ge [sflag:s23], $0x1  }
0xa4: {  	[sflag:s23] =	ssyncset.done $0x0  }
0xa5: {  	s25 =	simm.s32 $0x1B8E;
	s24 =	sld [smem:$0x3FFE];
	[sflag:s23] =	ssyncadd.s32 $0xFFFFFFFF  }
0xa6: {  	s26 =	simm.s32 $execute0_lowered;
	[smem:$0x3FD2] =	sst s25  }
0xa7: {  	s6 =	sshll.u32 s26, $0x1;
	_ =	strace $0x80000049;
	[dreg:$0x1] =	wrdreg $0xFFFFFFFF  }
0xa8: {  	s28 =	simm.s32 $_size_execute0_lowered;
	s4 =	sadd.s32 s4, s6;
	[dreg:$0x0] =	wrdreg $0x0  }
0xa9: {  	s6 =	sshll.u32 s28, $0x1;
	[dreg:$0x2] =	wrdreg s4  }
0xaa: {  	[dreg:$0x3] =	wrdreg s6  }
0xab: {  	[dreg:$0x4] =	wrdreg $0xC0  }
0xac: {  	_ =	task [dreg:s8], $0x5FFFF  }
0xad: {  	[dreg:$0x1] =	wrdreg $0xFFFFFFFF  }
0xae: {  	[dreg:$0x0] =	wrdreg $0x60  }
0xaf: {  	[dreg:$0x2] =	wrdreg s2  }
0xb0: {  	[dreg:$0x3] =	wrdreg s24  }
0xb1: {  	[dreg:$0x4] =	wrdreg s18  }
0xb2: {  	[dreg:$0x5] =	wrdreg $0x9  }
0xb3: {  	_ =	task.clear_ibuf [dreg:s8], $0x6FFFF;
	_ =	strace $0x90000049  }
0xb4: {  	s29 =	simm.s32 $0x9;
	_ =	strace $0x8000004B  }
0xb5: {  	_ =	swait.ge [sflag:s29], $0x1  }
0xb6: {  	[sflag:s29] =	ssyncadd.s32 $0xFFFFFFFF  }
0xb7: {  	_ =	strace $0x9000004B  }
0xb8: {  	_ =	sfence  }
0xb9: {  	s30 =	sld [smem:$0x0];
	_ =	sdelay $0x2  }
0xba: {  	s31 =	sshll.u32 s1, $0xD;
	s1 =	sshrl.u32 s1, $0x2  }
0xbb: {  	s3 =	sand.u32 $0x4000, s31;
	s1 =	sadd.s32 s1, s30  }
0xbc: {  	s0 =	sor.u32 s3, s0;
	s1 =	sshll.u32 s1, $0x11  }
0xbd: {  	s0 =	sor.u32 s1, s0  }
0xbe: {  	s0 =	sadd.s32 $0x8F2B, s0  }
0xbf: {  	[sflag:s0] =	ssyncadd.remote.s32 $0x1  }
0xc0: {  	_ =	sfence.sel $0xFFFF  }
0xc1: {  	[dreg:$0x0] =	wrdreg $0xFFFFFFFF;
	(pc) =	sbr.abs _section_cstart, $3  }
0xc2: {  	[dreg:$0x1] =	wrdreg $0xFFFFFFFF  }
0xc3: {  	_ =	task.clear_ibuf [dreg:s8], $0x2FFFF;
	_ =	strace $0x9FFFFFFF  }
0xc4: {  	(tm) =	ssettm $0x7FFFFFFF  }
0xc5: {  	_ =	shalt  }
tec
execute0_lowered:
.L_overlay_start_1:
0x0: {  	(tag) =	ssettag $0x1  }
0x1: {  	s3 =	rddreg [dreg:$0x0];
	s1 =	srdreg.scid  }
0x2: {  	s5 =	rddreg [dreg:$0x1];
	s0 =	stileid.u32;
	s14 =	sand.u32 $0x1, s1  }
0x3: {  	s15 =	rddreg [dreg:$0x2];
	s4 =	sshll.u32 s0, $0xA;
	s6 =	sshll.u32 s14, $0x9  }
0x4: {  	s2 =	simm.s32 $0x0;
	s1 =	rddreg [dreg:$0x3];
	s16 =	sor.u32 s6, s4  }
0x5: {  	[smem:$0x7FF] =	sst s2;
	s4 =	sshrl.u32 s16, $0x3  }
0x6: {  	_ =	strace $0x8000004A;
	s4 =	sadd.s32 s3, s4;
	s3 =	simm.s32 $0x2  }
0x7: {  	[tilespmem:s2], [sflag:$0x2] =	stream.linear.gather [hbm4b:s4+s2], $0x200, $0x38;
	[tilespmem:$0x8200] =	vst v63  }
0x8: {  	_ =	swait.ge [sflag:s3], $0x200  }
0x9: {  	s7 =	simm.s32 $0x200;
	[sflag:s3] =	ssyncset.done $0x0  }
0xa: {  	s5 =	sadd.s32 $0x270C000, s5;
	s6 =	simm.s32 $0x80;
	[sflag:s3] =	ssyncadd.s32 $0xFFFFFE00  }
0xb: {  	[tilespmem:s7], [sflag:$0x1] =	stream.indirect.gather [hbm4b:s5+s6], $0x40, s2, s6, $0xb8;
	[tilespmem:$0x8200] =	vst v63  }
0xc: {  	s8 =	simm.s32 $0x2200  }
0xd: {  	[tilespmem:s8], [sflag:$0x1] =	stream.indirect.gather [hbm4b:s5+s6], $0x40, s6, s6, $0xb8;
	[tilespmem:$0x8200] =	vst v63  }
0xe: {  	s9 =	simm.s32 $0x100;
	s10 =	simm.s32 $0x4200  }
0xf: {  	[tilespmem:s10], [sflag:$0x1] =	stream.indirect.gather [hbm4b:s5+s6], $0x40, s9, s6, $0xb8;
	[tilespmem:$0x8200] =	vst v63  }
0x10: {  	s11 =	simm.s32 $0x180;
	s12 =	simm.s32 $0x6200;
	s13 =	simm.s32 $0x1  }
0x11: {  	[tilespmem:s12], [sflag:$0x1] =	stream.indirect.gather [hbm4b:s5+s6], $0x40, s11, s6, $0xb8;
	[tilespmem:$0x8200] =	vst v63  }
0x12: {  	_ =	swait.ge [sflag:s13], $0x2000  }
0x13: {  	[sflag:s13] =	ssyncset.done $0x0  }
0x14: {  	[sflag:s13] =	ssyncadd.s32 $0xFFFFE000  }
0x15: {  	_ =	swait.ge [sflag:s13], $0x2000  }
0x16: {  	[sflag:s13] =	ssyncset.done $0x0  }
0x17: {  	s14 =	ssub.s32 $0x2, s14;
	[sflag:s13] =	ssyncadd.s32 $0xFFFFE000  }
0x18: {  	s17 =	sshrl.u32 s14, $0x1;
	_ =	swait.ge [sflag:s13], $0x2000  }
0x19: {  	s17 =	ssub.s32 s14, s17;
	[sflag:s13] =	ssyncset.done $0x0  }
0x1a: {  	s31 =	smax.u32 s17, $0x1;
	[sflag:s13] =	ssyncadd.s32 $0xFFFFE000  }
0x1b: {  	p0 =	sne.s32 s31, $0x1;
	_ =	swait.ge [sflag:s13], $0x2000  }
.Ltmp0:
0x1c: {  	s30 =	sshll.u32 s16, $0x3;
	[sflag:s13] =	ssyncset.done $0x0;
	(pc) =	sbr.rel @!p0 .LBB2_2-.Ltmp0, $4  }
0x1d: {  	s14 =	sadd.s32 s15, s30;
	[sflag:s13] =	ssyncadd.s32 $0xFFFFE000  }
0x1e: {  	[hbm4b:s14+s2] =	stream.linear.scatter [tilespmem:s7], [sflag:$0x2], $0x8000, $0x38;
	[tilespmem:$0x8200] =	vst v63  }
0x1f: {  	_ =	swait.ge [sflag:s3], $0x8000  }
0x20: {  	s15 =	sadd.s32 $0xFFFFFFFF, s31;
	[sflag:s3] =	ssyncset.done $0x0  }
.LBB2_1:
0x21: {  	p0 =	sne.s32 s15, $0x1;
	s15 =	sadd.s32 $0xFFFFFFFF, s15;
	[sflag:s3] =	ssyncadd.s32 $0xFFFF8000  }
0x22: {  	[tilespmem:s2], [sflag:$0x2] =	stream.linear.gather [hbm4b:s4+s2], $0x200, $0x38;
	[tilespmem:$0x8200] =	vst v63  }
0x23: {  	_ =	swait.ge [sflag:s3], $0x200  }
0x24: {  	[sflag:s3] =	ssyncset.done $0x0  }
0x25: {  	[sflag:s3] =	ssyncadd.s32 $0xFFFFFE00  }
0x26: {  	[tilespmem:s7], [sflag:$0x1] =	stream.indirect.gather [hbm4b:s5+s6], $0x40, s2, s6, $0xb8;
	[tilespmem:$0x8200] =	vst v63  }
0x27: {  	_ = 	snop  }
0x28: {  	[tilespmem:s8], [sflag:$0x1] =	stream.indirect.gather [hbm4b:s5+s6], $0x40, s6, s6, $0xb8;
	[tilespmem:$0x8200] =	vst v63  }
0x29: {  	_ = 	snop  }
0x2a: {  	[tilespmem:s10], [sflag:$0x1] =	stream.indirect.gather [hbm4b:s5+s6], $0x40, s9, s6, $0xb8;
	[tilespmem:$0x8200] =	vst v63  }
0x2b: {  	_ = 	snop  }
0x2c: {  	[tilespmem:s12], [sflag:$0x1] =	stream.indirect.gather [hbm4b:s5+s6], $0x40, s11, s6, $0xb8;
	[tilespmem:$0x8200] =	vst v63  }
0x2d: {  	_ =	swait.ge [sflag:s13], $0x2000  }
0x2e: {  	[sflag:s13] =	ssyncset.done $0x0  }
0x2f: {  	[sflag:s13] =	ssyncadd.s32 $0xFFFFE000  }
0x30: {  	_ =	swait.ge [sflag:s13], $0x2000  }
0x31: {  	[sflag:s13] =	ssyncset.done $0x0  }
0x32: {  	[sflag:s13] =	ssyncadd.s32 $0xFFFFE000  }
0x33: {  	_ =	swait.ge [sflag:s13], $0x2000  }
0x34: {  	[sflag:s13] =	ssyncset.done $0x0  }
0x35: {  	[sflag:s13] =	ssyncadd.s32 $0xFFFFE000  }
0x36: {  	_ =	swait.ge [sflag:s13], $0x2000  }
.Ltmp1:
0x37: {  	[sflag:s13] =	ssyncset.done $0x0;
	(pc) =	sbr.rel @p0 .LBB2_1-.Ltmp1, $4  }
0x38: {  	[sflag:s13] =	ssyncadd.s32 $0xFFFFE000  }
0x39: {  	[hbm4b:s14+s2] =	stream.linear.scatter [tilespmem:s7], [sflag:$0x2], $0x8000, $0x38;
	[tilespmem:$0x8200] =	vst v63  }
0x3a: {  	_ =	swait.ge [sflag:s3], $0x8000  }
0x3b: {  	[sflag:s3] =	ssyncset.done $0x0  }
.LBB2_2:
0x3c: {  	[sflag:s3] =	ssyncadd.s32 $0xFFFF8000  }
0x3d: {  	_ =	sfence.sel $0x180000  }
0x3e: {  	[bflag:$0x0] =	sbarrier.arrive $0xFFFF  }
0x3f: {  	p0 =	sne.s32 s0, $0x0;
	_ =	strace $0x9000004A  }
0x40: {  	s0 =	sadd.s32 @!p0 $0x100000, s1;
	[bflag:$0x2] =	sbarrier.arrive $0xFFFF  }
0x41: {  	[sflag:s0] =	ssyncadd.tile.s32 @!p0 $0x1;
	_ =	shalt  }
.Lfunc_end2:
_tile_overlayer_lowered:
.L_overlay_start_2:
0x42: {  	(tag) =	ssettag $0x2  }
0x43: {  	s0 =	rddreg [dreg:$0x0];
	s2 =	stileid.u32  }
0x44: {  	s1 =	rddreg [dreg:$0x1];
	p0 =	sne.s32 s2, $0x0  }
0x45: {  	s3 =	rddreg [dreg:$0x2];
	[bflag:$0x3] =	sbarrier.arrive $0xFFFF;
	s2 =	simm.s32 @!p0 $0x1C02  }
0x46: {  	[timem:s3], [sflag:s2] =	dma.local @!p0 [hbm:s0], s1  }
0x47: {  	s0 =	simm.s32 @!p0 $0x2  }
0x48: {  	_ =	swait.ge @!p0 [sflag:s0], s1  }
0x49: {  	s1 =	ssub.s32 @!p0 $0x0, s1;
	[sflag:s0] =	ssyncset.done @!p0 $0x0  }
0x4a: {  	[sflag:s0] =	ssyncadd.s32 @!p0 s1  }
0x4b: {  	[bflag:$0x3] =	sbarrier.arrive $0xFFFF  }
0x4c: {  	_ =	shalt  }

</sc_bundles>
